<compile_context>
chip_gen: v7x
topology: tpu7x:2x2x1
jax: 0.10.2.dev20260603
libtpu: 0.0.44.dev20260713+nightly
codegen_flags: <defaults>
</compile_context>

<pallas_src>
import functools

import jax
import jax.numpy as jnp
from jax import lax
from jax.experimental import pallas as pl
from jax.experimental.pallas import tpu as pltpu
from jax.experimental.pallas import tpu_sc as plsc

N = 65536
D = 128
C = 512
MARGIN = 0.5

NC = 2
NS = 16
NW = NC * NS

S = 16384
RPW = S // NW
CH = 128
NCH = RPW // CH

BLK = 4096
TG = (N - S) // BLK

_GDN = lax.GatherDimensionNumbers(
    offset_dims=(), collapsed_slice_dims=(0,), start_index_map=(0,))


def _bcast_lane(vec, idx16):
    return lax.gather(vec, idx16[:, None], _GDN, slice_sizes=(1,),
                      mode=lax.GatherScatterMode.PROMISE_IN_BOUNDS)


def _rsqrt16(x):
    xh = x * 0.5
    i = plsc.bitcast(x, jnp.int32)
    i = jnp.int32(0x5F3759DF) - lax.shift_right_logical(i, 1)
    y = plsc.bitcast(i, jnp.float32)
    y = y * (1.5 - xh * y * y)
    y = y * (1.5 - xh * y * y)
    return y


def _sc_body(f1, f2, f3, lbl, out, cnt_out, lblv, buf0, buf1, acc, cntv,
             sem0, sem1):
    wid = lax.axis_index("s") * NC + lax.axis_index("c")
    base = wid * RPW

    iota = lax.iota(jnp.int32, 16)
    cols = [iota + (16 * k) for k in range(8)]
    bfly = [lax.bitwise_xor(iota, jnp.int32(m)) for m in (1, 2, 4, 8)]
    zeros16 = jnp.zeros((16,), jnp.float32)
    ones16 = jnp.ones((16,), jnp.float32)
    lane0 = iota == 0

    pltpu.sync_copy(lbl.at[pl.ds(base, RPW)], lblv)

    @plsc.parallel_loop(0, C // 16, unroll=4)
    def _zero_cnt(r):
        cntv[pl.ds(r * 16, 16)] = zeros16

    for f, feat in enumerate((f1, f2, f3)):
        @plsc.parallel_loop(0, C, unroll=4)
        def _zero(r):
            for k in range(8):
                acc[r, pl.ds(16 * k, 16)] = zeros16

        pltpu.async_copy(feat.at[pl.ds(base, CH), :], buf0, sem0)
        pltpu.async_copy(feat.at[pl.ds(base + CH, CH), :], buf1, sem1)

        @pl.loop(0, NCH, step=2)
        def _chunks(ch):
            for b, (buf, sem) in enumerate(((buf0, sem0), (buf1, sem1))):
                cur = ch + b
                pltpu.make_async_copy(
                    feat.at[pl.ds(base, CH), :], buf, sem).wait()

                @plsc.parallel_loop(0, CH, unroll=16)
                def _rows(ri):
                    lbl16 = lblv[pl.ds(cur * CH + (ri // 16) * 16, 16)]
                    lane = jnp.full((16,), ri % 16, jnp.int32)
                    v = [buf[ri, pl.ds(16 * k, 16)] for k in range(8)]
                    ss = v[0] * v[0]
                    for k in range(1, 8):
                        ss = v[k] * v[k] + ss
                    for perm in bfly:
                        ss = ss + _bcast_lane(ss, perm)
                    inv = _rsqrt16(ss)
                    row = _bcast_lane(lbl16, lane)
                    for k in range(8):
                        plsc.addupdate_scatter(acc, [row, cols[k]],
                                               v[k] * inv)
                    if f == 0:
                        plsc.addupdate_scatter(cntv, [row], ones16,
                                               mask=lane0)

                nxt = cur + 2

                @pl.when(nxt < NCH)
                def _prefetch():
                    pltpu.async_copy(
                        feat.at[pl.ds(base + nxt * CH, CH), :], buf, sem)

        pltpu.sync_copy(acc, out.at[f, wid])
        if f == 0:
            pltpu.sync_copy(cntv, cnt_out.at[wid, 0])


_sc_call = functools.partial(
    pl.kernel,
    mesh=plsc.VectorSubcoreMesh(core_axis_name="c", subcore_axis_name="s"),
    compiler_params=pltpu.CompilerParams(needs_layout_passes=False),
    out_type=(
        jax.ShapeDtypeStruct((3, NW, C, D), jnp.float32),
        jax.ShapeDtypeStruct((NW, 1, C), jnp.float32),
    ),
    scratch_types=[
        pltpu.VMEM((RPW,), jnp.int32),
        pltpu.VMEM((CH, D), jnp.float32),
        pltpu.VMEM((CH, D), jnp.float32),
        pltpu.VMEM((C, D), jnp.float32),
        pltpu.VMEM((C,), jnp.float32),
        pltpu.SemaphoreType.DMA,
        pltpu.SemaphoreType.DMA,
    ],
)(_sc_body)


def _tc_main_body(lbl_ref, f1_ref, f2_ref, f3_ref, sums_ref, cnt_ref,
                  acc_s, cnt_s):
    i = pl.program_id(0)

    lbl = lbl_ref[0, 0, :]

    raw = jnp.concatenate(
        [f1_ref[...], f2_ref[...], f3_ref[...]], axis=1)

    jrow = jax.lax.broadcasted_iota(jnp.int32, (3 * D, 8), 0) // D
    jcol = jax.lax.broadcasted_iota(jnp.int32, (3 * D, 8), 1)
    bdiag = (jrow == jcol).astype(jnp.float32)
    pad = (jax.lax.broadcasted_iota(jnp.int32, (BLK, 8), 1) >= 3
           ).astype(jnp.float32)
    ssq = jax.lax.dot_general(
        raw * raw, bdiag, (((1,), (0,)), ((), ())),
        preferred_element_type=jnp.float32) + pad
    inv = jax.lax.rsqrt(ssq)
    inv_full = jax.lax.dot_general(
        inv, bdiag, (((1,), (1,)), ((), ())),
        preferred_element_type=jnp.float32)
    fstack = raw * inv_full

    classes = jax.lax.broadcasted_iota(jnp.int32, (BLK, C), 1)
    onehot = (lbl[:, None] == classes).astype(jnp.float32)

    part = jax.lax.dot_general(
        onehot, fstack, (((0,), (0,)), ((), ())),
        preferred_element_type=jnp.float32)
    ones8 = jnp.ones((8, BLK), jnp.float32)
    cnt = jax.lax.dot_general(
        ones8, onehot, (((1,), (0,)), ((), ())),
        preferred_element_type=jnp.float32)[0:1, :]

    @pl.when(i == 0)
    def _init():
        acc_s[...] = part
        cnt_s[...] = cnt

    @pl.when(i > 0)
    def _acc():
        acc_s[...] += part
        cnt_s[...] += cnt

    @pl.when(i == TG - 1)
    def _emit():
        sums_ref[...] = acc_s[...]
        cnt_ref[...] = cnt_s[...]


FB = 8
FG = NW // FB


def _tc_finish_body(csc_ref, p_ref, tsum_ref, tcnt_ref, out_ref,
                    acc_ref, cnt_ref):
    i = pl.program_id(0)
    part = jnp.sum(p_ref[...], axis=1)
    cnt = jnp.sum(csc_ref[:, 0, :], axis=0)[None, :]

    @pl.when(i == 0)
    def _init():
        t = tsum_ref[...]
        acc_ref[0] = part[0] + t[:, 0:D]
        acc_ref[1] = part[1] + t[:, D:2 * D]
        acc_ref[2] = part[2] + t[:, 2 * D:3 * D]
        cnt_ref[...] = cnt + tcnt_ref[...]

    @pl.when(i > 0)
    def _acc():
        acc_ref[...] += part
        cnt_ref[...] += cnt

    @pl.when(i == FG - 1)
    def _finish():
        counts = cnt_ref[0, :]
        denom = jnp.maximum(counts, 1.0)[:, None]
        c1 = acc_ref[0] / denom
        c2 = acc_ref[1] / denom
        c3 = acc_ref[2] / denom
        d = (jnp.sum((c1 - c2) ** 2, axis=1)
             + jnp.sum((c1 - c3) ** 2, axis=1)
             + jnp.sum((c2 - c3) ** 2, axis=1))
        per_class = jnp.where(counts > 0.0, jnp.maximum(d - MARGIN, 0.0), 0.0)
        out_ref[...] = jnp.sum(per_class)[None, None]


@jax.jit
def kernel(feat1, feat2, feat3, label1):
    lbl = label1.astype(jnp.int32)

    s_blk = S // BLK
    lbl3 = lbl.reshape(N // BLK, 1, BLK)
    tc_sums, tc_cnt = pl.pallas_call(
        _tc_main_body,
        grid=(TG,),
        in_specs=[
            pl.BlockSpec((1, 1, BLK), lambda i: (i + s_blk, 0, 0)),
            pl.BlockSpec((BLK, D), lambda i: (i + s_blk, 0)),
            pl.BlockSpec((BLK, D), lambda i: (i + s_blk, 0)),
            pl.BlockSpec((BLK, D), lambda i: (i + s_blk, 0)),
        ],
        out_specs=[
            pl.BlockSpec((C, 3 * D), lambda i: (0, 0)),
            pl.BlockSpec((1, C), lambda i: (0, 0)),
        ],
        out_shape=[
            jax.ShapeDtypeStruct((C, 3 * D), jnp.float32),
            jax.ShapeDtypeStruct((1, C), jnp.float32),
        ],
        scratch_shapes=[
            pltpu.VMEM((C, 3 * D), jnp.float32),
            pltpu.VMEM((1, C), jnp.float32),
        ],
    )(lbl3, feat1, feat2, feat3)

    partials, cnts = _sc_call(feat1, feat2, feat3, lbl)

    out = pl.pallas_call(
        _tc_finish_body,
        grid=(FG,),
        in_specs=[
            pl.BlockSpec((FB, 1, C), lambda i: (i, 0, 0)),
            pl.BlockSpec((3, FB, C, D), lambda i: (0, i, 0, 0)),
            pl.BlockSpec((C, 3 * D), lambda i: (0, 0)),
            pl.BlockSpec((1, C), lambda i: (0, 0)),
        ],
        out_specs=pl.BlockSpec((1, 1), lambda i: (0, 0)),
        out_shape=jax.ShapeDtypeStruct((1, 1), jnp.float32),
        scratch_shapes=[
            pltpu.VMEM((3, C, D), jnp.float32),
            pltpu.VMEM((1, C), jnp.float32),
        ],
    )(cnts, partials, tc_sums, tc_cnt)
    return out[0, 0]

# --- scband reference (transcript-rebuilt; emitter-appended) ---
"""Pipeline reference for scband-cluster-loss-91276644974682 (READ-ONLY COPY).

The authoritative reference and input builder live on the scoring server;
editing this copy changes nothing except your own understanding.
"""

import jax, jax.numpy as jnp
import numpy as np

NUM_CLASSES = 512
MARGIN = 0.5  # cfg.alpha


def _normalize(x, power=2):
    norm = jnp.power(jnp.sum(jnp.power(x, power), axis=1, keepdims=True), 1.0 / power)
    return x / norm


def setup_inputs(seed: int = 0):
    key = jax.random.key(seed)
    k1, k2, k3, k4 = jax.random.split(key, 4)
    feat1 = jax.random.normal(k1, (65536, 128), dtype=jnp.float32)
    feat2 = jax.random.normal(k2, (65536, 128), dtype=jnp.float32)
    feat3 = jax.random.normal(k3, (65536, 128), dtype=jnp.float32)
    label1 = jax.random.randint(k4, (65536,), 0, NUM_CLASSES, dtype=jnp.int64)
    return {"feat1": feat1, "feat2": feat2, "feat3": feat3, "label1": label1}


def reference(feat1, feat2, feat3, label1):
    f1 = _normalize(feat1)
    f2 = _normalize(feat2)
    f3 = _normalize(feat3)
    ones = jnp.ones((label1.shape[0],), dtype=jnp.float32)
    counts = jax.ops.segment_sum(ones, label1, num_segments=NUM_CLASSES)
    denom = jnp.maximum(counts, 1.0)[:, None]
    c1 = jax.ops.segment_sum(f1, label1, num_segments=NUM_CLASSES) / denom
    c2 = jax.ops.segment_sum(f2, label1, num_segments=NUM_CLASSES) / denom
    c3 = jax.ops.segment_sum(f3, label1, num_segments=NUM_CLASSES) / denom
    # nn.MSELoss(reduction='sum') between centers: sum of squared differences
    d = (jnp.sum((c1 - c2) ** 2, axis=1)
         + jnp.sum((c1 - c3) ** 2, axis=1)
         + jnp.sum((c2 - c3) ** 2, axis=1))
    present = counts > 0  # torch iterates only over labels present in label1.unique()
    per_class = jnp.where(present, jnp.maximum(d - MARGIN, 0.0), 0.0)
    loss = jnp.sum(per_class)
    return loss

if __name__ == "__main__":
    import jax
    _d = setup_inputs()
    print(jax.jit(kernel)(*tuple(_d.values())))

</pallas_src>

<mosaic_0001>
#map = affine_map<(d0, d1) -> (0, 0)>
#map1 = affine_map<(d0, d1) -> (0)>
#map2 = affine_map<(d0, d1) -> (0, 0, 0, 0)>
#map3 = affine_map<(d0, d1) -> (0, 0, 0)>
module attributes {stable_mosaic.version = 14 : i64} {
  func.func @_sc_body(%arg0: i32, %arg1: i32, %arg2: memref<65536x128xf32, #tpu.memory_space<hbm>>, %arg3: memref<65536x128xf32, #tpu.memory_space<hbm>>, %arg4: memref<65536x128xf32, #tpu.memory_space<hbm>>, %arg5: memref<65536xi32, #tpu.memory_space<hbm>>, %arg6: memref<3x32x512x128xf32, #tpu.memory_space<hbm>>, %arg7: memref<32x1x512xf32, #tpu.memory_space<hbm>>, %arg8: memref<512xi32, #tpu.memory_space<vmem>>, %arg9: memref<128x128xf32, #tpu.memory_space<vmem>>, %arg10: memref<128x128xf32, #tpu.memory_space<vmem>>, %arg11: memref<512x128xf32, #tpu.memory_space<vmem>>, %arg12: memref<512xf32, #tpu.memory_space<vmem>>, %arg13: memref<!tpu.dma_semaphore, #tpu.memory_space<semaphore_mem>>, %arg14: memref<!tpu.dma_semaphore, #tpu.memory_space<semaphore_mem>>) attributes {dimension_semantics = [#tpu.dimension_semantics<core_parallel>, #tpu.dimension_semantics<subcore_parallel>], iteration_bounds = array<i64: 2, 16>, scalar_prefetch = 0 : i64, scratch_operands = 7 : i64, tpu.core_type = #tpu.core_type<sc_vector_subcore>, window_params = [{transform_indices = #map}, {transform_indices = #map}, {transform_indices = #map}, {transform_indices = #map1}, {transform_indices = #map2}, {transform_indices = #map3}]} {
    %mul3A = arith.constant 2 : i32
    %mul3A_0 = arith.muli %arg1, %mul3A : i32
    %add3A = arith.addi %mul3A_0, %arg0 : i32
    %mul3A_1 = arith.constant 512 : i32
    %mul3A_2 = arith.muli %add3A, %mul3A_1 : i32
    %iota3A = tpu.iota {dimensions = array<i32: 0>} : vector<16xi32>
    %add3A_3 = arith.constant 0 : i32
    %add3A_4 = vector.broadcast %add3A_3 : i32 to vector<16xi32>
    %add3A_5 = arith.addi %iota3A, %add3A_4 : vector<16xi32>
    %add3A_6 = arith.constant 16 : i32
    %add3A_7 = vector.broadcast %add3A_6 : i32 to vector<16xi32>
    %add3A_8 = arith.addi %iota3A, %add3A_7 : vector<16xi32>
    %add3A_9 = arith.constant 32 : i32
    %add3A_10 = vector.broadcast %add3A_9 : i32 to vector<16xi32>
    %add3A_11 = arith.addi %iota3A, %add3A_10 : vector<16xi32>
    %add3A_12 = arith.constant 48 : i32
    %add3A_13 = vector.broadcast %add3A_12 : i32 to vector<16xi32>
    %add3A_14 = arith.addi %iota3A, %add3A_13 : vector<16xi32>
    %add3A_15 = arith.constant 64 : i32
    %add3A_16 = vector.broadcast %add3A_15 : i32 to vector<16xi32>
    %add3A_17 = arith.addi %iota3A, %add3A_16 : vector<16xi32>
    %add3A_18 = arith.constant 80 : i32
    %add3A_19 = vector.broadcast %add3A_18 : i32 to vector<16xi32>
    %add3A_20 = arith.addi %iota3A, %add3A_19 : vector<16xi32>
    %add3A_21 = arith.constant 96 : i32
    %add3A_22 = vector.broadcast %add3A_21 : i32 to vector<16xi32>
    %add3A_23 = arith.addi %iota3A, %add3A_22 : vector<16xi32>
    %add3A_24 = arith.constant 112 : i32
    %add3A_25 = vector.broadcast %add3A_24 : i32 to vector<16xi32>
    %add3A_26 = arith.addi %iota3A, %add3A_25 : vector<16xi32>
    %xor3A = arith.constant 1 : i32
    %xor3A_27 = vector.broadcast %xor3A : i32 to vector<16xi32>
    %xor3A_28 = arith.xori %iota3A, %xor3A_27 : vector<16xi32>
    %xor3A_29 = arith.constant 2 : i32
    %xor3A_30 = vector.broadcast %xor3A_29 : i32 to vector<16xi32>
    %xor3A_31 = arith.xori %iota3A, %xor3A_30 : vector<16xi32>
    %xor3A_32 = arith.constant 4 : i32
    %xor3A_33 = vector.broadcast %xor3A_32 : i32 to vector<16xi32>
    %xor3A_34 = arith.xori %iota3A, %xor3A_33 : vector<16xi32>
    %xor3A_35 = arith.constant 8 : i32
    %xor3A_36 = vector.broadcast %xor3A_35 : i32 to vector<16xi32>
    %xor3A_37 = arith.xori %iota3A, %xor3A_36 : vector<16xi32>
    %broadcast_in_dim3A = arith.constant 0.000000e+00 : f32
    %broadcast_in_dim3A_38 = vector.broadcast %broadcast_in_dim3A : f32 to vector<16xf32>
    %broadcast_in_dim3A_39 = arith.constant 1.000000e+00 : f32
    %broadcast_in_dim3A_40 = vector.broadcast %broadcast_in_dim3A_39 : f32 to vector<16xf32>
    %eq3A = arith.constant 0 : i32
    %eq3A_41 = vector.broadcast %eq3A : i32 to vector<16xi32>
    %eq3A_42 = arith.cmpi eq, %iota3A, %eq3A_41 : vector<16xi32>
    "tpu.region"() ({
      %run_scoped3A_100 = tpu.sem_alloc : memref<!tpu.dma_semaphore, #tpu.memory_space<semaphore_mem>>
      %dma_start3A_101 = tpu.memref_slice %arg5[%mul3A_2] : memref<65536xi32, #tpu.memory_space<hbm>> -> memref<512xi32, #tpu.memory_space<hbm>>
      %dma_start3A_102 = tpu.memref_slice %arg5[%mul3A_2] : memref<65536xi32, #tpu.memory_space<hbm>> -> memref<512xi32, #tpu.memory_space<hbm>>
      tpu.enqueue_dma source(%dma_start3A_102 : memref<512xi32, #tpu.memory_space<hbm>>) target(%arg8 : memref<512xi32, #tpu.memory_space<vmem>>) target_semaphore(%run_scoped3A_100 : memref<!tpu.dma_semaphore, #tpu.memory_space<semaphore_mem>>)
      %dma_wait3A = tpu.memref_slice %arg5[%mul3A_2] : memref<65536xi32, #tpu.memory_space<hbm>> -> memref<512xi32, #tpu.memory_space<hbm>>
      %dma_wait3A_103 = tpu.memref_slice %arg5[%mul3A_2] : memref<65536xi32, #tpu.memory_space<hbm>> -> memref<512xi32, #tpu.memory_space<hbm>>
      tpu.wait_dma2 semaphore(%run_scoped3A_100 : memref<!tpu.dma_semaphore, #tpu.memory_space<semaphore_mem>>) src(%dma_wait3A_103 : memref<512xi32, #tpu.memory_space<hbm>>) dst(%arg8 : memref<512xi32, #tpu.memory_space<vmem>>)
      tpu.yield
    }) : () -> ()
    %parallel_loop3A = arith.constant 0 : i32
    %parallel_loop3A_43 = arith.constant 32 : i32
    %parallel_loop3A_44 = arith.constant 1 : i32
    scf.for %parallel_loop3A_100 = %parallel_loop3A to %parallel_loop3A_43 step %parallel_loop3A_44  : i32 {
      %parallel_loop3A_101 = arith.constant 16 : i32
      %parallel_loop3A_102 = arith.muli %parallel_loop3A_100, %parallel_loop3A_101 : i32
      %parallel_loop3A_103 = arith.index_cast %parallel_loop3A_102 : i32 to index
      %parallel_loop3A_104 = tpu.vector_load %arg12[%parallel_loop3A_103] {strides = array<i32>} : memref<512xf32, #tpu.memory_space<vmem>>, vector<16xf32>,
      tpu.vector_store %arg12[%parallel_loop3A_103], %broadcast_in_dim3A_38 {strides = array<i32>} : memref<512xf32, #tpu.memory_space<vmem>>, vector<16xf32>,
    } {sc.loop_unroll_factor = 4 : i64, sc.parallel_access}
    %parallel_loop3A_45 = arith.constant 0 : i32
    %parallel_loop3A_46 = arith.constant 512 : i32
    %parallel_loop3A_47 = arith.constant 1 : i32
    scf.for %parallel_loop3A_100 = %parallel_loop3A_45 to %parallel_loop3A_46 step %parallel_loop3A_47  : i32 {
      %parallel_loop3A_101 = arith.index_cast %parallel_loop3A_100 : i32 to index
      %parallel_loop3A_102 = arith.constant 0 : index
      %parallel_loop3A_103 = tpu.vector_load %arg11[%parallel_loop3A_101, %parallel_loop3A_102] {strides = array<i32>} : memref<512x128xf32, #tpu.memory_space<vmem>>, vector<16xf32>,
      tpu.vector_store %arg11[%parallel_loop3A_101, %parallel_loop3A_102], %broadcast_in_dim3A_38 {strides = array<i32>} : memref<512x128xf32, #tpu.memory_space<vmem>>, vector<16xf32>,
      %parallel_loop3A_104 = arith.index_cast %parallel_loop3A_100 : i32 to index
      %parallel_loop3A_105 = arith.constant 16 : index
      %parallel_loop3A_106 = tpu.vector_load %arg11[%parallel_loop3A_104, %parallel_loop3A_105] {strides = array<i32>} : memref<512x128xf32, #tpu.memory_space<vmem>>, vector<16xf32>,
      tpu.vector_store %arg11[%parallel_loop3A_104, %parallel_loop3A_105], %broadcast_in_dim3A_38 {strides = array<i32>} : memref<512x128xf32, #tpu.memory_space<vmem>>, vector<16xf32>,
      %parallel_loop3A_107 = arith.index_cast %parallel_loop3A_100 : i32 to index
      %parallel_loop3A_108 = arith.constant 32 : index
      %parallel_loop3A_109 = tpu.vector_load %arg11[%parallel_loop3A_107, %parallel_loop3A_108] {strides = array<i32>} : memref<512x128xf32, #tpu.memory_space<vmem>>, vector<16xf32>,
      tpu.vector_store %arg11[%parallel_loop3A_107, %parallel_loop3A_108], %broadcast_in_dim3A_38 {strides = array<i32>} : memref<512x128xf32, #tpu.memory_space<vmem>>, vector<16xf32>,
      %parallel_loop3A_110 = arith.index_cast %parallel_loop3A_100 : i32 to index
      %parallel_loop3A_111 = arith.constant 48 : index
      %parallel_loop3A_112 = tpu.vector_load %arg11[%parallel_loop3A_110, %parallel_loop3A_111] {strides = array<i32>} : memref<512x128xf32, #tpu.memory_space<vmem>>, vector<16xf32>,
      tpu.vector_store %arg11[%parallel_loop3A_110, %parallel_loop3A_111], %broadcast_in_dim3A_38 {strides = array<i32>} : memref<512x128xf32, #tpu.memory_space<vmem>>, vector<16xf32>,
      %parallel_loop3A_113 = arith.index_cast %parallel_loop3A_100 : i32 to index
      %parallel_loop3A_114 = arith.constant 64 : index
      %parallel_loop3A_115 = tpu.vector_load %arg11[%parallel_loop3A_113, %parallel_loop3A_114] {strides = array<i32>} : memref<512x128xf32, #tpu.memory_space<vmem>>, vector<16xf32>,
      tpu.vector_store %arg11[%parallel_loop3A_113, %parallel_loop3A_114], %broadcast_in_dim3A_38 {strides = array<i32>} : memref<512x128xf32, #tpu.memory_space<vmem>>, vector<16xf32>,
      %parallel_loop3A_116 = arith.index_cast %parallel_loop3A_100 : i32 to index
      %parallel_loop3A_117 = arith.constant 80 : index
      %parallel_loop3A_118 = tpu.vector_load %arg11[%parallel_loop3A_116, %parallel_loop3A_117] {strides = array<i32>} : memref<512x128xf32, #tpu.memory_space<vmem>>, vector<16xf32>,
      tpu.vector_store %arg11[%parallel_loop3A_116, %parallel_loop3A_117], %broadcast_in_dim3A_38 {strides = array<i32>} : memref<512x128xf32, #tpu.memory_space<vmem>>, vector<16xf32>,
      %parallel_loop3A_119 = arith.index_cast %parallel_loop3A_100 : i32 to index
      %parallel_loop3A_120 = arith.constant 96 : index
      %parallel_loop3A_121 = tpu.vector_load %arg11[%parallel_loop3A_119, %parallel_loop3A_120] {strides = array<i32>} : memref<512x128xf32, #tpu.memory_space<vmem>>, vector<16xf32>,
      tpu.vector_store %arg11[%parallel_loop3A_119, %parallel_loop3A_120], %broadcast_in_dim3A_38 {strides = array<i32>} : memref<512x128xf32, #tpu.memory_space<vmem>>, vector<16xf32>,
      %parallel_loop3A_122 = arith.index_cast %parallel_loop3A_100 : i32 to index
      %parallel_loop3A_123 = arith.constant 112 : index
      %parallel_loop3A_124 = tpu.vector_load %arg11[%parallel_loop3A_122, %parallel_loop3A_123] {strides = array<i32>} : memref<512x128xf32, #tpu.memory_space<vmem>>, vector<16xf32>,
      tpu.vector_store %arg11[%parallel_loop3A_122, %parallel_loop3A_123], %broadcast_in_dim3A_38 {strides = array<i32>} : memref<512x128xf32, #tpu.memory_space<vmem>>, vector<16xf32>,
    } {sc.loop_unroll_factor = 4 : i64, sc.parallel_access}
    %dma_start3A = arith.constant 0 : i32
    %dma_start3A_48 = tpu.memref_slice %arg2[%mul3A_2, %dma_start3A] : memref<65536x128xf32, #tpu.memory_space<hbm>> -> memref<128x128xf32, #tpu.memory_space<hbm>>
    %dma_start3A_49 = arith.constant 0 : i32
    %dma_start3A_50 = tpu.memref_slice %arg2[%mul3A_2, %dma_start3A_49] : memref<65536x128xf32, #tpu.memory_space<hbm>> -> memref<128x128xf32, #tpu.memory_space<hbm>>
    tpu.enqueue_dma source(%dma_start3A_50 : memref<128x128xf32, #tpu.memory_space<hbm>>) target(%arg9 : memref<128x128xf32, #tpu.memory_space<vmem>>) target_semaphore(%arg13 : memref<!tpu.dma_semaphore, #tpu.memory_space<semaphore_mem>>)
    %add3A_51 = arith.constant 128 : i32
    %add3A_52 = arith.addi %mul3A_2, %add3A_51 : i32
    %dma_start3A_53 = arith.constant 0 : i32
    %dma_start3A_54 = tpu.memref_slice %arg2[%add3A_52, %dma_start3A_53] : memref<65536x128xf32, #tpu.memory_space<hbm>> -> memref<128x128xf32, #tpu.memory_space<hbm>>
    %dma_start3A_55 = arith.constant 0 : i32
    %dma_start3A_56 = tpu.memref_slice %arg2[%add3A_52, %dma_start3A_55] : memref<65536x128xf32, #tpu.memory_space<hbm>> -> memref<128x128xf32, #tpu.memory_space<hbm>>
    tpu.enqueue_dma source(%dma_start3A_56 : memref<128x128xf32, #tpu.memory_space<hbm>>) target(%arg10 : memref<128x128xf32, #tpu.memory_space<vmem>>) target_semaphore(%arg14 : memref<!tpu.dma_semaphore, #tpu.memory_space<semaphore_mem>>)
    %scan3A = arith.constant 0 : i32
    %scan3A_57 = arith.constant 2 : i32
    %scan3A_58 = arith.addi %scan3A, %scan3A_57 : i32
    %scan3A_59 = arith.constant 1 : i32
    scf.for %scan3A_100 = %scan3A to %scan3A_58 step %scan3A_59  : i32 {
      %mul3A_101 = arith.constant 2 : i32
      %mul3A_102 = arith.muli %scan3A_100, %mul3A_101 : i32
      %add3A_103 = arith.constant 0 : i32
      %add3A_104 = arith.addi %add3A_103, %mul3A_102 : i32
      %add3A_105 = arith.constant 0 : i32
      %add3A_106 = arith.addi %add3A_104, %add3A_105 : i32
      %dma_wait3A = arith.constant 0 : i32
      %dma_wait3A_107 = tpu.memref_slice %arg2[%mul3A_2, %dma_wait3A] : memref<65536x128xf32, #tpu.memory_space<hbm>> -> memref<128x128xf32, #tpu.memory_space<hbm>>
      %dma_wait3A_108 = arith.constant 0 : i32
      %dma_wait3A_109 = tpu.memref_slice %arg2[%mul3A_2, %dma_wait3A_108] : memref<65536x128xf32, #tpu.memory_space<hbm>> -> memref<128x128xf32, #tpu.memory_space<hbm>>
      tpu.wait_dma2 semaphore(%arg13 : memref<!tpu.dma_semaphore, #tpu.memory_space<semaphore_mem>>) src(%dma_wait3A_109 : memref<128x128xf32, #tpu.memory_space<hbm>>) dst(%arg9 : memref<128x128xf32, #tpu.memory_space<vmem>>)
      %parallel_loop3A_110 = arith.constant 0 : i32
      %parallel_loop3A_111 = arith.constant 128 : i32
      %parallel_loop3A_112 = arith.constant 1 : i32
      scf.for %parallel_loop3A_133 = %parallel_loop3A_110 to %parallel_loop3A_111 step %parallel_loop3A_112  : i32 {
        %parallel_loop3A_134 = arith.constant 128 : i32
        %parallel_loop3A_135 = arith.muli %add3A_106, %parallel_loop3A_134 : i32
        %parallel_loop3A_136 = arith.constant 16 : i32
        %parallel_loop3A_137 = arith.divsi %parallel_loop3A_133, %parallel_loop3A_136 : i32
        %parallel_loop3A_138 = arith.constant 0 : i32
        %parallel_loop3A_139 = arith.cmpi sgt, %parallel_loop3A_133, %parallel_loop3A_138 : i32
        %parallel_loop3A_140 = arith.extui %parallel_loop3A_139 : i1 to i32
        %parallel_loop3A_141 = arith.constant 0 : i32
        %parallel_loop3A_142 = arith.cmpi slt, %parallel_loop3A_133, %parallel_loop3A_141 : i32
        %parallel_loop3A_143 = arith.extui %parallel_loop3A_142 : i1 to i32
        %parallel_loop3A_144 = arith.subi %parallel_loop3A_140, %parallel_loop3A_143 : i32
        %parallel_loop3A_145 = arith.constant 0 : i32
        %parallel_loop3A_146 = arith.cmpi sgt, %parallel_loop3A_136, %parallel_loop3A_145 : i32
        %parallel_loop3A_147 = arith.extui %parallel_loop3A_146 : i1 to i32
        %parallel_loop3A_148 = arith.constant 0 : i32
        %parallel_loop3A_149 = arith.cmpi slt, %parallel_loop3A_136, %parallel_loop3A_148 : i32
        %parallel_loop3A_150 = arith.extui %parallel_loop3A_149 : i1 to i32
        %parallel_loop3A_151 = arith.subi %parallel_loop3A_147, %parallel_loop3A_150 : i32
        %parallel_loop3A_152 = arith.cmpi ne, %parallel_loop3A_144, %parallel_loop3A_151 : i32
        %parallel_loop3A_153 = arith.remsi %parallel_loop3A_133, %parallel_loop3A_136 : i32
        %parallel_loop3A_154 = arith.constant 0 : i32
        %parallel_loop3A_155 = arith.cmpi ne, %parallel_loop3A_153, %parallel_loop3A_154 : i32
        %parallel_loop3A_156 = arith.andi %parallel_loop3A_152, %parallel_loop3A_155 : i1
        %parallel_loop3A_157 = arith.constant 1 : i32
        %parallel_loop3A_158 = arith.subi %parallel_loop3A_137, %parallel_loop3A_157 : i32
        %parallel_loop3A_159 = arith.select %parallel_loop3A_156, %parallel_loop3A_158, %parallel_loop3A_137 : i32
        %parallel_loop3A_160 = arith.constant 16 : i32
        %parallel_loop3A_161 = arith.muli %parallel_loop3A_159, %parallel_loop3A_160 : i32
        %parallel_loop3A_162 = arith.addi %parallel_loop3A_135, %parallel_loop3A_161 : i32
        %parallel_loop3A_163 = arith.index_cast %parallel_loop3A_162 : i32 to index
        %parallel_loop3A_164 = tpu.vector_load %arg8[%parallel_loop3A_163] {strides = array<i32>} : memref<512xi32, #tpu.memory_space<vmem>>, vector<16xi32>,
        %parallel_loop3A_165 = arith.constant 16 : i32
        %parallel_loop3A_166 = arith.constant 0 : i32
        %parallel_loop3A_167 = arith.cmpi eq, %parallel_loop3A_165, %parallel_loop3A_166 : i32
        %parallel_loop3A_168 = arith.constant 1 : i32
        %parallel_loop3A_169 = arith.select %parallel_loop3A_167, %parallel_loop3A_168, %parallel_loop3A_165 : i32
        %parallel_loop3A_170 = arith.remsi %parallel_loop3A_133, %parallel_loop3A_169 : i32
        %parallel_loop3A_171 = arith.constant 0 : i32
        %parallel_loop3A_172 = arith.cmpi ne, %parallel_loop3A_170, %parallel_loop3A_171 : i32
        %parallel_loop3A_173 = arith.constant 0 : i32
        %parallel_loop3A_174 = arith.cmpi slt, %parallel_loop3A_170, %parallel_loop3A_173 : i32
        %parallel_loop3A_175 = arith.constant 0 : i32
        %parallel_loop3A_176 = arith.cmpi slt, %parallel_loop3A_169, %parallel_loop3A_175 : i32
        %parallel_loop3A_177 = arith.xori %parallel_loop3A_174, %parallel_loop3A_176 : i1
        %parallel_loop3A_178 = arith.andi %parallel_loop3A_177, %parallel_loop3A_172 : i1
        %parallel_loop3A_179 = arith.addi %parallel_loop3A_170, %parallel_loop3A_169 : i32
        %parallel_loop3A_180 = arith.select %parallel_loop3A_178, %parallel_loop3A_179, %parallel_loop3A_170 : i32
        %parallel_loop3A_181 = vector.broadcast %parallel_loop3A_180 : i32 to vector<16xi32>
        %parallel_loop3A_182 = arith.index_cast %parallel_loop3A_133 : i32 to index
        %parallel_loop3A_183 = arith.constant 0 : index
        %parallel_loop3A_184 = tpu.vector_load %arg9[%parallel_loop3A_182, %parallel_loop3A_183] {strides = array<i32>} : memref<128x128xf32, #tpu.memory_space<vmem>>, vector<16xf32>,
        %parallel_loop3A_185 = arith.index_cast %parallel_loop3A_133 : i32 to index
        %parallel_loop3A_186 = arith.constant 16 : index
        %parallel_loop3A_187 = tpu.vector_load %arg9[%parallel_loop3A_185, %parallel_loop3A_186] {strides = array<i32>} : memref<128x128xf32, #tpu.memory_space<vmem>>, vector<16xf32>,
        %parallel_loop3A_188 = arith.index_cast %parallel_loop3A_133 : i32 to index
        %parallel_loop3A_189 = arith.constant 32 : index
        %parallel_loop3A_190 = tpu.vector_load %arg9[%parallel_loop3A_188, %parallel_loop3A_189] {strides = array<i32>} : memref<128x128xf32, #tpu.memory_space<vmem>>, vector<16xf32>,
        %parallel_loop3A_191 = arith.index_cast %parallel_loop3A_133 : i32 to index
        %parallel_loop3A_192 = arith.constant 48 : index
        %parallel_loop3A_193 = tpu.vector_load %arg9[%parallel_loop3A_191, %parallel_loop3A_192] {strides = array<i32>} : memref<128x128xf32, #tpu.memory_space<vmem>>, vector<16xf32>,
        %parallel_loop3A_194 = arith.index_cast %parallel_loop3A_133 : i32 to index
        %parallel_loop3A_195 = arith.constant 64 : index
        %parallel_loop3A_196 = tpu.vector_load %arg9[%parallel_loop3A_194, %parallel_loop3A_195] {strides = array<i32>} : memref<128x128xf32, #tpu.memory_space<vmem>>, vector<16xf32>,
        %parallel_loop3A_197 = arith.index_cast %parallel_loop3A_133 : i32 to index
        %parallel_loop3A_198 = arith.constant 80 : index
        %parallel_loop3A_199 = tpu.vector_load %arg9[%parallel_loop3A_197, %parallel_loop3A_198] {strides = array<i32>} : memref<128x128xf32, #tpu.memory_space<vmem>>, vector<16xf32>,
        %parallel_loop3A_200 = arith.index_cast %parallel_loop3A_133 : i32 to index
        %parallel_loop3A_201 = arith.constant 96 : index
        %parallel_loop3A_202 = tpu.vector_load %arg9[%parallel_loop3A_200, %parallel_loop3A_201] {strides = array<i32>} : memref<128x128xf32, #tpu.memory_space<vmem>>, vector<16xf32>,
        %parallel_loop3A_203 = arith.index_cast %parallel_loop3A_133 : i32 to index
        %parallel_loop3A_204 = arith.constant 112 : index
        %parallel_loop3A_205 = tpu.vector_load %arg9[%parallel_loop3A_203, %parallel_loop3A_204] {strides = array<i32>} : memref<128x128xf32, #tpu.memory_space<vmem>>, vector<16xf32>,
        %parallel_loop3A_206 = arith.mulf %parallel_loop3A_184, %parallel_loop3A_184 : vector<16xf32>
        %parallel_loop3A_207 = arith.mulf %parallel_loop3A_187, %parallel_loop3A_187 : vector<16xf32>
        %parallel_loop3A_208 = arith.addf %parallel_loop3A_207, %parallel_loop3A_206 : vector<16xf32>
        %parallel_loop3A_209 = arith.mulf %parallel_loop3A_190, %parallel_loop3A_190 : vector<16xf32>
        %parallel_loop3A_210 = arith.addf %parallel_loop3A_209, %parallel_loop3A_208 : vector<16xf32>
        %parallel_loop3A_211 = arith.mulf %parallel_loop3A_193, %parallel_loop3A_193 : vector<16xf32>
        %parallel_loop3A_212 = arith.addf %parallel_loop3A_211, %parallel_loop3A_210 : vector<16xf32>
        %parallel_loop3A_213 = arith.mulf %parallel_loop3A_196, %parallel_loop3A_196 : vector<16xf32>
        %parallel_loop3A_214 = arith.addf %parallel_loop3A_213, %parallel_loop3A_212 : vector<16xf32>
        %parallel_loop3A_215 = arith.mulf %parallel_loop3A_199, %parallel_loop3A_199 : vector<16xf32>
        %parallel_loop3A_216 = arith.addf %parallel_loop3A_215, %parallel_loop3A_214 : vector<16xf32>
        %parallel_loop3A_217 = arith.mulf %parallel_loop3A_202, %parallel_loop3A_202 : vector<16xf32>
        %parallel_loop3A_218 = arith.addf %parallel_loop3A_217, %parallel_loop3A_216 : vector<16xf32>
        %parallel_loop3A_219 = arith.mulf %parallel_loop3A_205, %parallel_loop3A_205 : vector<16xf32>
        %parallel_loop3A_220 = arith.addf %parallel_loop3A_219, %parallel_loop3A_218 : vector<16xf32>
        %parallel_loop3A_221 = vector.shape_cast %xor3A_28 : vector<16xi32> to vector<16x1xi32>
        %parallel_loop3A_222 = vector.shape_cast %parallel_loop3A_221 : vector<16x1xi32> to vector<16xi32>
        %parallel_loop3A_223 = tpu.dynamic_gather %parallel_loop3A_220[%parallel_loop3A_222] in [0] : vector<16xf32>, vector<16xi32> -> vector<16xf32>
        %parallel_loop3A_224 = arith.addf %parallel_loop3A_220, %parallel_loop3A_223 : vector<16xf32>
        %parallel_loop3A_225 = vector.shape_cast %xor3A_31 : vector<16xi32> to vector<16x1xi32>
        %parallel_loop3A_226 = vector.shape_cast %parallel_loop3A_225 : vector<16x1xi32> to vector<16xi32>
        %parallel_loop3A_227 = tpu.dynamic_gather %parallel_loop3A_224[%parallel_loop3A_226] in [0] : vector<16xf32>, vector<16xi32> -> vector<16xf32>
        %parallel_loop3A_228 = arith.addf %parallel_loop3A_224, %parallel_loop3A_227 : vector<16xf32>
        %parallel_loop3A_229 = vector.shape_cast %xor3A_34 : vector<16xi32> to vector<16x1xi32>
        %parallel_loop3A_230 = vector.shape_cast %parallel_loop3A_229 : vector<16x1xi32> to vector<16xi32>
        %parallel_loop3A_231 = tpu.dynamic_gather %parallel_loop3A_228[%parallel_loop3A_230] in [0] : vector<16xf32>, vector<16xi32> -> vector<16xf32>
        %parallel_loop3A_232 = arith.addf %parallel_loop3A_228, %parallel_loop3A_231 : vector<16xf32>
        %parallel_loop3A_233 = vector.shape_cast %xor3A_37 : vector<16xi32> to vector<16x1xi32>
        %parallel_loop3A_234 = vector.shape_cast %parallel_loop3A_233 : vector<16x1xi32> to vector<16xi32>
        %parallel_loop3A_235 = tpu.dynamic_gather %parallel_loop3A_232[%parallel_loop3A_234] in [0] : vector<16xf32>, vector<16xi32> -> vector<16xf32>
        %parallel_loop3A_236 = arith.addf %parallel_loop3A_232, %parallel_loop3A_235 : vector<16xf32>
        %parallel_loop3A_237 = arith.constant 5.000000e-01 : f32
        %parallel_loop3A_238 = vector.broadcast %parallel_loop3A_237 : f32 to vector<16xf32>
        %parallel_loop3A_239 = arith.mulf %parallel_loop3A_236, %parallel_loop3A_238 : vector<16xf32>
        %parallel_loop3A_240 = vector.bitcast %parallel_loop3A_236 : vector<16xf32> to vector<16xi32>
        %parallel_loop3A_241 = arith.constant 1 : i32
        %parallel_loop3A_242 = vector.broadcast %parallel_loop3A_241 : i32 to vector<16xi32>
        %parallel_loop3A_243 = arith.shrui %parallel_loop3A_240, %parallel_loop3A_242 : vector<16xi32>
        %parallel_loop3A_244 = arith.constant 1597463007 : i32
        %parallel_loop3A_245 = vector.broadcast %parallel_loop3A_244 : i32 to vector<16xi32>
        %parallel_loop3A_246 = arith.subi %parallel_loop3A_245, %parallel_loop3A_243 : vector<16xi32>
        %parallel_loop3A_247 = vector.bitcast %parallel_loop3A_246 : vector<16xi32> to vector<16xf32>
        %parallel_loop3A_248 = arith.mulf %parallel_loop3A_239, %parallel_loop3A_247 : vector<16xf32>
        %parallel_loop3A_249 = arith.mulf %parallel_loop3A_248, %parallel_loop3A_247 : vector<16xf32>
        %parallel_loop3A_250 = arith.constant 1.500000e+00 : f32
        %parallel_loop3A_251 = vector.broadcast %parallel_loop3A_250 : f32 to vector<16xf32>
        %parallel_loop3A_252 = arith.subf %parallel_loop3A_251, %parallel_loop3A_249 : vector<16xf32>
        %parallel_loop3A_253 = arith.mulf %parallel_loop3A_247, %parallel_loop3A_252 : vector<16xf32>
        %parallel_loop3A_254 = arith.mulf %parallel_loop3A_239, %parallel_loop3A_253 : vector<16xf32>
        %parallel_loop3A_255 = arith.mulf %parallel_loop3A_254, %parallel_loop3A_253 : vector<16xf32>
        %parallel_loop3A_256 = arith.constant 1.500000e+00 : f32
        %parallel_loop3A_257 = vector.broadcast %parallel_loop3A_256 : f32 to vector<16xf32>
        %parallel_loop3A_258 = arith.subf %parallel_loop3A_257, %parallel_loop3A_255 : vector<16xf32>
        %parallel_loop3A_259 = arith.mulf %parallel_loop3A_253, %parallel_loop3A_258 : vector<16xf32>
        %parallel_loop3A_260 = vector.shape_cast %parallel_loop3A_181 : vector<16xi32> to vector<16x1xi32>
        %parallel_loop3A_261 = vector.shape_cast %parallel_loop3A_260 : vector<16x1xi32> to vector<16xi32>
        %parallel_loop3A_262 = tpu.dynamic_gather %parallel_loop3A_164[%parallel_loop3A_261] in [0] : vector<16xi32>, vector<16xi32> -> vector<16xi32>
        %parallel_loop3A_263 = arith.mulf %parallel_loop3A_184, %parallel_loop3A_259 : vector<16xf32>
        tpu.vector_store_idx %arg11[%parallel_loop3A_262, %add3A_5], %parallel_loop3A_263 {add = true} : memref<512x128xf32, #tpu.memory_space<vmem>>[vector<16xi32>, vector<16xi32>], vector<16xf32>,
        %parallel_loop3A_264 = arith.mulf %parallel_loop3A_187, %parallel_loop3A_259 : vector<16xf32>
        tpu.vector_store_idx %arg11[%parallel_loop3A_262, %add3A_8], %parallel_loop3A_264 {add = true} : memref<512x128xf32, #tpu.memory_space<vmem>>[vector<16xi32>, vector<16xi32>], vector<16xf32>,
        %parallel_loop3A_265 = arith.mulf %parallel_loop3A_190, %parallel_loop3A_259 : vector<16xf32>
        tpu.vector_store_idx %arg11[%parallel_loop3A_262, %add3A_11], %parallel_loop3A_265 {add = true} : memref<512x128xf32, #tpu.memory_space<vmem>>[vector<16xi32>, vector<16xi32>], vector<16xf32>,
        %parallel_loop3A_266 = arith.mulf %parallel_loop3A_193, %parallel_loop3A_259 : vector<16xf32>
        tpu.vector_store_idx %arg11[%parallel_loop3A_262, %add3A_14], %parallel_loop3A_266 {add = true} : memref<512x128xf32, #tpu.memory_space<vmem>>[vector<16xi32>, vector<16xi32>], vector<16xf32>,
        %parallel_loop3A_267 = arith.mulf %parallel_loop3A_196, %parallel_loop3A_259 : vector<16xf32>
        tpu.vector_store_idx %arg11[%parallel_loop3A_262, %add3A_17], %parallel_loop3A_267 {add = true} : memref<512x128xf32, #tpu.memory_space<vmem>>[vector<16xi32>, vector<16xi32>], vector<16xf32>,
        %parallel_loop3A_268 = arith.mulf %parallel_loop3A_199, %parallel_loop3A_259 : vector<16xf32>
        tpu.vector_store_idx %arg11[%parallel_loop3A_262, %add3A_20], %parallel_loop3A_268 {add = true} : memref<512x128xf32, #tpu.memory_space<vmem>>[vector<16xi32>, vector<16xi32>], vector<16xf32>,
        %parallel_loop3A_269 = arith.mulf %parallel_loop3A_202, %parallel_loop3A_259 : vector<16xf32>
        tpu.vector_store_idx %arg11[%parallel_loop3A_262, %add3A_23], %parallel_loop3A_269 {add = true} : memref<512x128xf32, #tpu.memory_space<vmem>>[vector<16xi32>, vector<16xi32>], vector<16xf32>,
        %parallel_loop3A_270 = arith.mulf %parallel_loop3A_205, %parallel_loop3A_259 : vector<16xf32>
        tpu.vector_store_idx %arg11[%parallel_loop3A_262, %add3A_26], %parallel_loop3A_270 {add = true} : memref<512x128xf32, #tpu.memory_space<vmem>>[vector<16xi32>, vector<16xi32>], vector<16xf32>,
        tpu.vector_store_idx %arg12[%parallel_loop3A_262], %broadcast_in_dim3A_40 masked %eq3A_42 {add = true} : memref<512xf32, #tpu.memory_space<vmem>>[vector<16xi32>], vector<16xf32>, vector<16xi1>
      } {sc.loop_unroll_factor = 16 : i64, sc.parallel_access}
      %add3A_113 = arith.constant 2 : i32
      %add3A_114 = arith.addi %add3A_106, %add3A_113 : i32
      %lt3A = arith.constant 4 : i32
      %lt3A_115 = arith.cmpi slt, %add3A_114, %lt3A : i32
      %convert_element_type3A = arith.extui %lt3A_115 : i1 to i32
      %cond3A = arith.constant 0 : i32
      %cond3A_116 = arith.cmpi ne, %convert_element_type3A, %cond3A : i32
      scf.if %cond3A_116 {
        %mul3A_133 = arith.constant 128 : i32
        %mul3A_134 = arith.muli %add3A_114, %mul3A_133 : i32
        %add3A_135 = arith.addi %mul3A_2, %mul3A_134 : i32
        %dma_start3A_136 = arith.constant 0 : i32
        %dma_start3A_137 = tpu.memref_slice %arg2[%add3A_135, %dma_start3A_136] : memref<65536x128xf32, #tpu.memory_space<hbm>> -> memref<128x128xf32, #tpu.memory_space<hbm>>
        %dma_start3A_138 = arith.constant 0 : i32
        %dma_start3A_139 = tpu.memref_slice %arg2[%add3A_135, %dma_start3A_138] : memref<65536x128xf32, #tpu.memory_space<hbm>> -> memref<128x128xf32, #tpu.memory_space<hbm>>
        tpu.enqueue_dma source(%dma_start3A_139 : memref<128x128xf32, #tpu.memory_space<hbm>>) target(%arg9 : memref<128x128xf32, #tpu.memory_space<vmem>>) target_semaphore(%arg13 : memref<!tpu.dma_semaphore, #tpu.memory_space<semaphore_mem>>)
      } else {
      }
      %add3A_117 = arith.constant 1 : i32
      %add3A_118 = arith.addi %add3A_104, %add3A_117 : i32
      %dma_wait3A_119 = arith.constant 0 : i32
      %dma_wait3A_120 = tpu.memref_slice %arg2[%mul3A_2, %dma_wait3A_119] : memref<65536x128xf32, #tpu.memory_space<hbm>> -> memref<128x128xf32, #tpu.memory_space<hbm>>
      %dma_wait3A_121 = arith.constant 0 : i32
      %dma_wait3A_122 = tpu.memref_slice %arg2[%mul3A_2, %dma_wait3A_121] : memref<65536x128xf32, #tpu.memory_space<hbm>> -> memref<128x128xf32, #tpu.memory_space<hbm>>
      tpu.wait_dma2 semaphore(%arg14 : memref<!tpu.dma_semaphore, #tpu.memory_space<semaphore_mem>>) src(%dma_wait3A_122 : memref<128x128xf32, #tpu.memory_space<hbm>>) dst(%arg10 : memref<128x128xf32, #tpu.memory_space<vmem>>)
      %parallel_loop3A_123 = arith.constant 0 : i32
      %parallel_loop3A_124 = arith.constant 128 : i32
      %parallel_loop3A_125 = arith.constant 1 : i32
      scf.for %parallel_loop3A_133 = %parallel_loop3A_123 to %parallel_loop3A_124 step %parallel_loop3A_125  : i32 {
        %parallel_loop3A_134 = arith.constant 128 : i32
        %parallel_loop3A_135 = arith.muli %add3A_118, %parallel_loop3A_134 : i32
        %parallel_loop3A_136 = arith.constant 16 : i32
        %parallel_loop3A_137 = arith.divsi %parallel_loop3A_133, %parallel_loop3A_136 : i32
        %parallel_loop3A_138 = arith.constant 0 : i32
        %parallel_loop3A_139 = arith.cmpi sgt, %parallel_loop3A_133, %parallel_loop3A_138 : i32
        %parallel_loop3A_140 = arith.extui %parallel_loop3A_139 : i1 to i32
        %parallel_loop3A_141 = arith.constant 0 : i32
        %parallel_loop3A_142 = arith.cmpi slt, %parallel_loop3A_133, %parallel_loop3A_141 : i32
        %parallel_loop3A_143 = arith.extui %parallel_loop3A_142 : i1 to i32
        %parallel_loop3A_144 = arith.subi %parallel_loop3A_140, %parallel_loop3A_143 : i32
        %parallel_loop3A_145 = arith.constant 0 : i32
        %parallel_loop3A_146 = arith.cmpi sgt, %parallel_loop3A_136, %parallel_loop3A_145 : i32
        %parallel_loop3A_147 = arith.extui %parallel_loop3A_146 : i1 to i32
        %parallel_loop3A_148 = arith.constant 0 : i32
        %parallel_loop3A_149 = arith.cmpi slt, %parallel_loop3A_136, %parallel_loop3A_148 : i32
        %parallel_loop3A_150 = arith.extui %parallel_loop3A_149 : i1 to i32
        %parallel_loop3A_151 = arith.subi %parallel_loop3A_147, %parallel_loop3A_150 : i32
        %parallel_loop3A_152 = arith.cmpi ne, %parallel_loop3A_144, %parallel_loop3A_151 : i32
        %parallel_loop3A_153 = arith.remsi %parallel_loop3A_133, %parallel_loop3A_136 : i32
        %parallel_loop3A_154 = arith.constant 0 : i32
        %parallel_loop3A_155 = arith.cmpi ne, %parallel_loop3A_153, %parallel_loop3A_154 : i32
        %parallel_loop3A_156 = arith.andi %parallel_loop3A_152, %parallel_loop3A_155 : i1
        %parallel_loop3A_157 = arith.constant 1 : i32
        %parallel_loop3A_158 = arith.subi %parallel_loop3A_137, %parallel_loop3A_157 : i32
        %parallel_loop3A_159 = arith.select %parallel_loop3A_156, %parallel_loop3A_158, %parallel_loop3A_137 : i32
        %parallel_loop3A_160 = arith.constant 16 : i32
        %parallel_loop3A_161 = arith.muli %parallel_loop3A_159, %parallel_loop3A_160 : i32
        %parallel_loop3A_162 = arith.addi %parallel_loop3A_135, %parallel_loop3A_161 : i32
        %parallel_loop3A_163 = arith.index_cast %parallel_loop3A_162 : i32 to index
        %parallel_loop3A_164 = tpu.vector_load %arg8[%parallel_loop3A_163] {strides = array<i32>} : memref<512xi32, #tpu.memory_space<vmem>>, vector<16xi32>,
        %parallel_loop3A_165 = arith.constant 16 : i32
        %parallel_loop3A_166 = arith.constant 0 : i32
        %parallel_loop3A_167 = arith.cmpi eq, %parallel_loop3A_165, %parallel_loop3A_166 : i32
        %parallel_loop3A_168 = arith.constant 1 : i32
        %parallel_loop3A_169 = arith.select %parallel_loop3A_167, %parallel_loop3A_168, %parallel_loop3A_165 : i32
        %parallel_loop3A_170 = arith.remsi %parallel_loop3A_133, %parallel_loop3A_169 : i32
        %parallel_loop3A_171 = arith.constant 0 : i32
        %parallel_loop3A_172 = arith.cmpi ne, %parallel_loop3A_170, %parallel_loop3A_171 : i32
        %parallel_loop3A_173 = arith.constant 0 : i32
        %parallel_loop3A_174 = arith.cmpi slt, %parallel_loop3A_170, %parallel_loop3A_173 : i32
        %parallel_loop3A_175 = arith.constant 0 : i32
        %parallel_loop3A_176 = arith.cmpi slt, %parallel_loop3A_169, %parallel_loop3A_175 : i32
        %parallel_loop3A_177 = arith.xori %parallel_loop3A_174, %parallel_loop3A_176 : i1
        %parallel_loop3A_178 = arith.andi %parallel_loop3A_177, %parallel_loop3A_172 : i1
        %parallel_loop3A_179 = arith.addi %parallel_loop3A_170, %parallel_loop3A_169 : i32
        %parallel_loop3A_180 = arith.select %parallel_loop3A_178, %parallel_loop3A_179, %parallel_loop3A_170 : i32
        %parallel_loop3A_181 = vector.broadcast %parallel_loop3A_180 : i32 to vector<16xi32>
        %parallel_loop3A_182 = arith.index_cast %parallel_loop3A_133 : i32 to index
        %parallel_loop3A_183 = arith.constant 0 : index
        %parallel_loop3A_184 = tpu.vector_load %arg10[%parallel_loop3A_182, %parallel_loop3A_183] {strides = array<i32>} : memref<128x128xf32, #tpu.memory_space<vmem>>, vector<16xf32>,
        %parallel_loop3A_185 = arith.index_cast %parallel_loop3A_133 : i32 to index
        %parallel_loop3A_186 = arith.constant 16 : index
        %parallel_loop3A_187 = tpu.vector_load %arg10[%parallel_loop3A_185, %parallel_loop3A_186] {strides = array<i32>} : memref<128x128xf32, #tpu.memory_space<vmem>>, vector<16xf32>,
        %parallel_loop3A_188 = arith.index_cast %parallel_loop3A_133 : i32 to index
        %parallel_loop3A_189 = arith.constant 32 : index
        %parallel_loop3A_190 = tpu.vector_load %arg10[%parallel_loop3A_188, %parallel_loop3A_189] {strides = array<i32>} : memref<128x128xf32, #tpu.memory_space<vmem>>, vector<16xf32>,
        %parallel_loop3A_191 = arith.index_cast %parallel_loop3A_133 : i32 to index
        %parallel_loop3A_192 = arith.constant 48 : index
        %parallel_loop3A_193 = tpu.vector_load %arg10[%parallel_loop3A_191, %parallel_loop3A_192] {strides = array<i32>} : memref<128x128xf32, #tpu.memory_space<vmem>>, vector<16xf32>,
        %parallel_loop3A_194 = arith.index_cast %parallel_loop3A_133 : i32 to index
        %parallel_loop3A_195 = arith.constant 64 : index
        %parallel_loop3A_196 = tpu.vector_load %arg10[%parallel_loop3A_194, %parallel_loop3A_195] {strides = array<i32>} : memref<128x128xf32, #tpu.memory_space<vmem>>, vector<16xf32>,
        %parallel_loop3A_197 = arith.index_cast %parallel_loop3A_133 : i32 to index
        %parallel_loop3A_198 = arith.constant 80 : index
        %parallel_loop3A_199 = tpu.vector_load %arg10[%parallel_loop3A_197, %parallel_loop3A_198] {strides = array<i32>} : memref<128x128xf32, #tpu.memory_space<vmem>>, vector<16xf32>,
        %parallel_loop3A_200 = arith.index_cast %parallel_loop3A_133 : i32 to index
        %parallel_loop3A_201 = arith.constant 96 : index
        %parallel_loop3A_202 = tpu.vector_load %arg10[%parallel_loop3A_200, %parallel_loop3A_201] {strides = array<i32>} : memref<128x128xf32, #tpu.memory_space<vmem>>, vector<16xf32>,
        %parallel_loop3A_203 = arith.index_cast %parallel_loop3A_133 : i32 to index
        %parallel_loop3A_204 = arith.constant 112 : index
        %parallel_loop3A_205 = tpu.vector_load %arg10[%parallel_loop3A_203, %parallel_loop3A_204] {strides = array<i32>} : memref<128x128xf32, #tpu.memory_space<vmem>>, vector<16xf32>,
        %parallel_loop3A_206 = arith.mulf %parallel_loop3A_184, %parallel_loop3A_184 : vector<16xf32>
        %parallel_loop3A_207 = arith.mulf %parallel_loop3A_187, %parallel_loop3A_187 : vector<16xf32>
        %parallel_loop3A_208 = arith.addf %parallel_loop3A_207, %parallel_loop3A_206 : vector<16xf32>
        %parallel_loop3A_209 = arith.mulf %parallel_loop3A_190, %parallel_loop3A_190 : vector<16xf32>
        %parallel_loop3A_210 = arith.addf %parallel_loop3A_209, %parallel_loop3A_208 : vector<16xf32>
        %parallel_loop3A_211 = arith.mulf %parallel_loop3A_193, %parallel_loop3A_193 : vector<16xf32>
        %parallel_loop3A_212 = arith.addf %parallel_loop3A_211, %parallel_loop3A_210 : vector<16xf32>
        %parallel_loop3A_213 = arith.mulf %parallel_loop3A_196, %parallel_loop3A_196 : vector<16xf32>
        %parallel_loop3A_214 = arith.addf %parallel_loop3A_213, %parallel_loop3A_212 : vector<16xf32>
        %parallel_loop3A_215 = arith.mulf %parallel_loop3A_199, %parallel_loop3A_199 : vector<16xf32>
        %parallel_loop3A_216 = arith.addf %parallel_loop3A_215, %parallel_loop3A_214 : vector<16xf32>
        %parallel_loop3A_217 = arith.mulf %parallel_loop3A_202, %parallel_loop3A_202 : vector<16xf32>
        %parallel_loop3A_218 = arith.addf %parallel_loop3A_217, %parallel_loop3A_216 : vector<16xf32>
        %parallel_loop3A_219 = arith.mulf %parallel_loop3A_205, %parallel_loop3A_205 : vector<16xf32>
        %parallel_loop3A_220 = arith.addf %parallel_loop3A_219, %parallel_loop3A_218 : vector<16xf32>
        %parallel_loop3A_221 = vector.shape_cast %xor3A_28 : vector<16xi32> to vector<16x1xi32>
        %parallel_loop3A_222 = vector.shape_cast %parallel_loop3A_221 : vector<16x1xi32> to vector<16xi32>
        %parallel_loop3A_223 = tpu.dynamic_gather %parallel_loop3A_220[%parallel_loop3A_222] in [0] : vector<16xf32>, vector<16xi32> -> vector<16xf32>
        %parallel_loop3A_224 = arith.addf %parallel_loop3A_220, %parallel_loop3A_223 : vector<16xf32>
        %parallel_loop3A_225 = vector.shape_cast %xor3A_31 : vector<16xi32> to vector<16x1xi32>
        %parallel_loop3A_226 = vector.shape_cast %parallel_loop3A_225 : vector<16x1xi32> to vector<16xi32>
        %parallel_loop3A_227 = tpu.dynamic_gather %parallel_loop3A_224[%parallel_loop3A_226] in [0] : vector<16xf32>, vector<16xi32> -> vector<16xf32>
        %parallel_loop3A_228 = arith.addf %parallel_loop3A_224, %parallel_loop3A_227 : vector<16xf32>
        %parallel_loop3A_229 = vector.shape_cast %xor3A_34 : vector<16xi32> to vector<16x1xi32>
        %parallel_loop3A_230 = vector.shape_cast %parallel_loop3A_229 : vector<16x1xi32> to vector<16xi32>
        %parallel_loop3A_231 = tpu.dynamic_gather %parallel_loop3A_228[%parallel_loop3A_230] in [0] : vector<16xf32>, vector<16xi32> -> vector<16xf32>
        %parallel_loop3A_232 = arith.addf %parallel_loop3A_228, %parallel_loop3A_231 : vector<16xf32>
        %parallel_loop3A_233 = vector.shape_cast %xor3A_37 : vector<16xi32> to vector<16x1xi32>
        %parallel_loop3A_234 = vector.shape_cast %parallel_loop3A_233 : vector<16x1xi32> to vector<16xi32>
        %parallel_loop3A_235 = tpu.dynamic_gather %parallel_loop3A_232[%parallel_loop3A_234] in [0] : vector<16xf32>, vector<16xi32> -> vector<16xf32>
        %parallel_loop3A_236 = arith.addf %parallel_loop3A_232, %parallel_loop3A_235 : vector<16xf32>
        %parallel_loop3A_237 = arith.constant 5.000000e-01 : f32
        %parallel_loop3A_238 = vector.broadcast %parallel_loop3A_237 : f32 to vector<16xf32>
        %parallel_loop3A_239 = arith.mulf %parallel_loop3A_236, %parallel_loop3A_238 : vector<16xf32>
        %parallel_loop3A_240 = vector.bitcast %parallel_loop3A_236 : vector<16xf32> to vector<16xi32>
        %parallel_loop3A_241 = arith.constant 1 : i32
        %parallel_loop3A_242 = vector.broadcast %parallel_loop3A_241 : i32 to vector<16xi32>
        %parallel_loop3A_243 = arith.shrui %parallel_loop3A_240, %parallel_loop3A_242 : vector<16xi32>
        %parallel_loop3A_244 = arith.constant 1597463007 : i32
        %parallel_loop3A_245 = vector.broadcast %parallel_loop3A_244 : i32 to vector<16xi32>
        %parallel_loop3A_246 = arith.subi %parallel_loop3A_245, %parallel_loop3A_243 : vector<16xi32>
        %parallel_loop3A_247 = vector.bitcast %parallel_loop3A_246 : vector<16xi32> to vector<16xf32>
        %parallel_loop3A_248 = arith.mulf %parallel_loop3A_239, %parallel_loop3A_247 : vector<16xf32>
        %parallel_loop3A_249 = arith.mulf %parallel_loop3A_248, %parallel_loop3A_247 : vector<16xf32>
        %parallel_loop3A_250 = arith.constant 1.500000e+00 : f32
        %parallel_loop3A_251 = vector.broadcast %parallel_loop3A_250 : f32 to vector<16xf32>
        %parallel_loop3A_252 = arith.subf %parallel_loop3A_251, %parallel_loop3A_249 : vector<16xf32>
        %parallel_loop3A_253 = arith.mulf %parallel_loop3A_247, %parallel_loop3A_252 : vector<16xf32>
        %parallel_loop3A_254 = arith.mulf %parallel_loop3A_239, %parallel_loop3A_253 : vector<16xf32>
        %parallel_loop3A_255 = arith.mulf %parallel_loop3A_254, %parallel_loop3A_253 : vector<16xf32>
        %parallel_loop3A_256 = arith.constant 1.500000e+00 : f32
        %parallel_loop3A_257 = vector.broadcast %parallel_loop3A_256 : f32 to vector<16xf32>
        %parallel_loop3A_258 = arith.subf %parallel_loop3A_257, %parallel_loop3A_255 : vector<16xf32>
        %parallel_loop3A_259 = arith.mulf %parallel_loop3A_253, %parallel_loop3A_258 : vector<16xf32>
        %parallel_loop3A_260 = vector.shape_cast %parallel_loop3A_181 : vector<16xi32> to vector<16x1xi32>
        %parallel_loop3A_261 = vector.shape_cast %parallel_loop3A_260 : vector<16x1xi32> to vector<16xi32>
        %parallel_loop3A_262 = tpu.dynamic_gather %parallel_loop3A_164[%parallel_loop3A_261] in [0] : vector<16xi32>, vector<16xi32> -> vector<16xi32>
        %parallel_loop3A_263 = arith.mulf %parallel_loop3A_184, %parallel_loop3A_259 : vector<16xf32>
        tpu.vector_store_idx %arg11[%parallel_loop3A_262, %add3A_5], %parallel_loop3A_263 {add = true} : memref<512x128xf32, #tpu.memory_space<vmem>>[vector<16xi32>, vector<16xi32>], vector<16xf32>,
        %parallel_loop3A_264 = arith.mulf %parallel_loop3A_187, %parallel_loop3A_259 : vector<16xf32>
        tpu.vector_store_idx %arg11[%parallel_loop3A_262, %add3A_8], %parallel_loop3A_264 {add = true} : memref<512x128xf32, #tpu.memory_space<vmem>>[vector<16xi32>, vector<16xi32>], vector<16xf32>,
        %parallel_loop3A_265 = arith.mulf %parallel_loop3A_190, %parallel_loop3A_259 : vector<16xf32>
        tpu.vector_store_idx %arg11[%parallel_loop3A_262, %add3A_11], %parallel_loop3A_265 {add = true} : memref<512x128xf32, #tpu.memory_space<vmem>>[vector<16xi32>, vector<16xi32>], vector<16xf32>,
        %parallel_loop3A_266 = arith.mulf %parallel_loop3A_193, %parallel_loop3A_259 : vector<16xf32>
        tpu.vector_store_idx %arg11[%parallel_loop3A_262, %add3A_14], %parallel_loop3A_266 {add = true} : memref<512x128xf32, #tpu.memory_space<vmem>>[vector<16xi32>, vector<16xi32>], vector<16xf32>,
        %parallel_loop3A_267 = arith.mulf %parallel_loop3A_196, %parallel_loop3A_259 : vector<16xf32>
        tpu.vector_store_idx %arg11[%parallel_loop3A_262, %add3A_17], %parallel_loop3A_267 {add = true} : memref<512x128xf32, #tpu.memory_space<vmem>>[vector<16xi32>, vector<16xi32>], vector<16xf32>,
        %parallel_loop3A_268 = arith.mulf %parallel_loop3A_199, %parallel_loop3A_259 : vector<16xf32>
        tpu.vector_store_idx %arg11[%parallel_loop3A_262, %add3A_20], %parallel_loop3A_268 {add = true} : memref<512x128xf32, #tpu.memory_space<vmem>>[vector<16xi32>, vector<16xi32>], vector<16xf32>,
        %parallel_loop3A_269 = arith.mulf %parallel_loop3A_202, %parallel_loop3A_259 : vector<16xf32>
        tpu.vector_store_idx %arg11[%parallel_loop3A_262, %add3A_23], %parallel_loop3A_269 {add = true} : memref<512x128xf32, #tpu.memory_space<vmem>>[vector<16xi32>, vector<16xi32>], vector<16xf32>,
        %parallel_loop3A_270 = arith.mulf %parallel_loop3A_205, %parallel_loop3A_259 : vector<16xf32>
        tpu.vector_store_idx %arg11[%parallel_loop3A_262, %add3A_26], %parallel_loop3A_270 {add = true} : memref<512x128xf32, #tpu.memory_space<vmem>>[vector<16xi32>, vector<16xi32>], vector<16xf32>,
        tpu.vector_store_idx %arg12[%parallel_loop3A_262], %broadcast_in_dim3A_40 masked %eq3A_42 {add = true} : memref<512xf32, #tpu.memory_space<vmem>>[vector<16xi32>], vector<16xf32>, vector<16xi1>
      } {sc.loop_unroll_factor = 16 : i64, sc.parallel_access}
      %add3A_126 = arith.constant 2 : i32
      %add3A_127 = arith.addi %add3A_118, %add3A_126 : i32
      %lt3A_128 = arith.constant 4 : i32
      %lt3A_129 = arith.cmpi slt, %add3A_127, %lt3A_128 : i32
      %convert_element_type3A_130 = arith.extui %lt3A_129 : i1 to i32
      %cond3A_131 = arith.constant 0 : i32
      %cond3A_132 = arith.cmpi ne, %convert_element_type3A_130, %cond3A_131 : i32
      scf.if %cond3A_132 {
        %mul3A_133 = arith.constant 128 : i32
        %mul3A_134 = arith.muli %add3A_127, %mul3A_133 : i32
        %add3A_135 = arith.addi %mul3A_2, %mul3A_134 : i32
        %dma_start3A_136 = arith.constant 0 : i32
        %dma_start3A_137 = tpu.memref_slice %arg2[%add3A_135, %dma_start3A_136] : memref<65536x128xf32, #tpu.memory_space<hbm>> -> memref<128x128xf32, #tpu.memory_space<hbm>>
        %dma_start3A_138 = arith.constant 0 : i32
        %dma_start3A_139 = tpu.memref_slice %arg2[%add3A_135, %dma_start3A_138] : memref<65536x128xf32, #tpu.memory_space<hbm>> -> memref<128x128xf32, #tpu.memory_space<hbm>>
        tpu.enqueue_dma source(%dma_start3A_139 : memref<128x128xf32, #tpu.memory_space<hbm>>) target(%arg10 : memref<128x128xf32, #tpu.memory_space<vmem>>) target_semaphore(%arg14 : memref<!tpu.dma_semaphore, #tpu.memory_space<semaphore_mem>>)
      } else {
      }
    }
    %scan3A_60 = arith.constant 2 : i32
    %run_scoped3A = arith.constant 0 : i32
    "tpu.region"() ({
      %run_scoped3A_100 = tpu.sem_alloc : memref<!tpu.dma_semaphore, #tpu.memory_space<semaphore_mem>>
      %dma_start3A_101 = arith.constant 0 : i32
      %dma_start3A_102 = arith.constant 0 : i32
      %dma_start3A_103 = tpu.memref_slice %arg6[%run_scoped3A, %add3A, %dma_start3A_101, %dma_start3A_102] : memref<3x32x512x128xf32, #tpu.memory_space<hbm>> -> memref<1x1x512x128xf32, #tpu.memory_space<hbm>>
      %dma_start3A_104 = tpu.memref_squeeze %dma_start3A_103 : memref<1x1x512x128xf32, #tpu.memory_space<hbm>> -> memref<512x128xf32, #tpu.memory_space<hbm>>
      %dma_start3A_105 = arith.constant 0 : i32
      %dma_start3A_106 = arith.constant 0 : i32
      %dma_start3A_107 = tpu.memref_slice %arg6[%run_scoped3A, %add3A, %dma_start3A_105, %dma_start3A_106] : memref<3x32x512x128xf32, #tpu.memory_space<hbm>> -> memref<1x1x512x128xf32, #tpu.memory_space<hbm>>
      %dma_start3A_108 = tpu.memref_squeeze %dma_start3A_107 : memref<1x1x512x128xf32, #tpu.memory_space<hbm>> -> memref<512x128xf32, #tpu.memory_space<hbm>>
      tpu.enqueue_dma source(%arg11 : memref<512x128xf32, #tpu.memory_space<vmem>>) target(%dma_start3A_108 : memref<512x128xf32, #tpu.memory_space<hbm>>) target_semaphore(%run_scoped3A_100 : memref<!tpu.dma_semaphore, #tpu.memory_space<semaphore_mem>>)
      %dma_wait3A = arith.constant 0 : i32
      %dma_wait3A_109 = arith.constant 0 : i32
      %dma_wait3A_110 = tpu.memref_slice %arg6[%run_scoped3A, %add3A, %dma_wait3A, %dma_wait3A_109] : memref<3x32x512x128xf32, #tpu.memory_space<hbm>> -> memref<1x1x512x128xf32, #tpu.memory_space<hbm>>
      %dma_wait3A_111 = tpu.memref_squeeze %dma_wait3A_110 : memref<1x1x512x128xf32, #tpu.memory_space<hbm>> -> memref<512x128xf32, #tpu.memory_space<hbm>>
      %dma_wait3A_112 = arith.constant 0 : i32
      %dma_wait3A_113 = arith.constant 0 : i32
      %dma_wait3A_114 = tpu.memref_slice %arg6[%run_scoped3A, %add3A, %dma_wait3A_112, %dma_wait3A_113] : memref<3x32x512x128xf32, #tpu.memory_space<hbm>> -> memref<1x1x512x128xf32, #tpu.memory_space<hbm>>
      %dma_wait3A_115 = tpu.memref_squeeze %dma_wait3A_114 : memref<1x1x512x128xf32, #tpu.memory_space<hbm>> -> memref<512x128xf32, #tpu.memory_space<hbm>>
      tpu.wait_dma2 semaphore(%run_scoped3A_100 : memref<!tpu.dma_semaphore, #tpu.memory_space<semaphore_mem>>) src(%arg11 : memref<512x128xf32, #tpu.memory_space<vmem>>) dst(%dma_wait3A_115 : memref<512x128xf32, #tpu.memory_space<hbm>>)
      tpu.yield
    }) : () -> ()
    %run_scoped3A_61 = arith.constant 0 : i32
    "tpu.region"() ({
      %run_scoped3A_100 = tpu.sem_alloc : memref<!tpu.dma_semaphore, #tpu.memory_space<semaphore_mem>>
      %dma_start3A_101 = arith.constant 0 : i32
      %dma_start3A_102 = tpu.memref_slice %arg7[%add3A, %run_scoped3A_61, %dma_start3A_101] : memref<32x1x512xf32, #tpu.memory_space<hbm>> -> memref<1x1x512xf32, #tpu.memory_space<hbm>>
      %dma_start3A_103 = tpu.memref_squeeze %dma_start3A_102 : memref<1x1x512xf32, #tpu.memory_space<hbm>> -> memref<512xf32, #tpu.memory_space<hbm>>
      %dma_start3A_104 = arith.constant 0 : i32
      %dma_start3A_105 = tpu.memref_slice %arg7[%add3A, %run_scoped3A_61, %dma_start3A_104] : memref<32x1x512xf32, #tpu.memory_space<hbm>> -> memref<1x1x512xf32, #tpu.memory_space<hbm>>
      %dma_start3A_106 = tpu.memref_squeeze %dma_start3A_105 : memref<1x1x512xf32, #tpu.memory_space<hbm>> -> memref<512xf32, #tpu.memory_space<hbm>>
      tpu.enqueue_dma source(%arg12 : memref<512xf32, #tpu.memory_space<vmem>>) target(%dma_start3A_106 : memref<512xf32, #tpu.memory_space<hbm>>) target_semaphore(%run_scoped3A_100 : memref<!tpu.dma_semaphore, #tpu.memory_space<semaphore_mem>>)
      %dma_wait3A = arith.constant 0 : i32
      %dma_wait3A_107 = tpu.memref_slice %arg7[%add3A, %run_scoped3A_61, %dma_wait3A] : memref<32x1x512xf32, #tpu.memory_space<hbm>> -> memref<1x1x512xf32, #tpu.memory_space<hbm>>
      %dma_wait3A_108 = tpu.memref_squeeze %dma_wait3A_107 : memref<1x1x512xf32, #tpu.memory_space<hbm>> -> memref<512xf32, #tpu.memory_space<hbm>>
      %dma_wait3A_109 = arith.constant 0 : i32
      %dma_wait3A_110 = tpu.memref_slice %arg7[%add3A, %run_scoped3A_61, %dma_wait3A_109] : memref<32x1x512xf32, #tpu.memory_space<hbm>> -> memref<1x1x512xf32, #tpu.memory_space<hbm>>
      %dma_wait3A_111 = tpu.memref_squeeze %dma_wait3A_110 : memref<1x1x512xf32, #tpu.memory_space<hbm>> -> memref<512xf32, #tpu.memory_space<hbm>>
      tpu.wait_dma2 semaphore(%run_scoped3A_100 : memref<!tpu.dma_semaphore, #tpu.memory_space<semaphore_mem>>) src(%arg12 : memref<512xf32, #tpu.memory_space<vmem>>) dst(%dma_wait3A_111 : memref<512xf32, #tpu.memory_space<hbm>>)
      tpu.yield
    }) : () -> ()
    %parallel_loop3A_62 = arith.constant 0 : i32
    %parallel_loop3A_63 = arith.constant 512 : i32
    %parallel_loop3A_64 = arith.constant 1 : i32
    scf.for %parallel_loop3A_100 = %parallel_loop3A_62 to %parallel_loop3A_63 step %parallel_loop3A_64  : i32 {
      %parallel_loop3A_101 = arith.index_cast %parallel_loop3A_100 : i32 to index
      %parallel_loop3A_102 = arith.constant 0 : index
      %parallel_loop3A_103 = tpu.vector_load %arg11[%parallel_loop3A_101, %parallel_loop3A_102] {strides = array<i32>} : memref<512x128xf32, #tpu.memory_space<vmem>>, vector<16xf32>,
      tpu.vector_store %arg11[%parallel_loop3A_101, %parallel_loop3A_102], %broadcast_in_dim3A_38 {strides = array<i32>} : memref<512x128xf32, #tpu.memory_space<vmem>>, vector<16xf32>,
      %parallel_loop3A_104 = arith.index_cast %parallel_loop3A_100 : i32 to index
      %parallel_loop3A_105 = arith.constant 16 : index
      %parallel_loop3A_106 = tpu.vector_load %arg11[%parallel_loop3A_104, %parallel_loop3A_105] {strides = array<i32>} : memref<512x128xf32, #tpu.memory_space<vmem>>, vector<16xf32>,
      tpu.vector_store %arg11[%parallel_loop3A_104, %parallel_loop3A_105], %broadcast_in_dim3A_38 {strides = array<i32>} : memref<512x128xf32, #tpu.memory_space<vmem>>, vector<16xf32>,
      %parallel_loop3A_107 = arith.index_cast %parallel_loop3A_100 : i32 to index
      %parallel_loop3A_108 = arith.constant 32 : index
      %parallel_loop3A_109 = tpu.vector_load %arg11[%parallel_loop3A_107, %parallel_loop3A_108] {strides = array<i32>} : memref<512x128xf32, #tpu.memory_space<vmem>>, vector<16xf32>,
      tpu.vector_store %arg11[%parallel_loop3A_107, %parallel_loop3A_108], %broadcast_in_dim3A_38 {strides = array<i32>} : memref<512x128xf32, #tpu.memory_space<vmem>>, vector<16xf32>,
      %parallel_loop3A_110 = arith.index_cast %parallel_loop3A_100 : i32 to index
      %parallel_loop3A_111 = arith.constant 48 : index
      %parallel_loop3A_112 = tpu.vector_load %arg11[%parallel_loop3A_110, %parallel_loop3A_111] {strides = array<i32>} : memref<512x128xf32, #tpu.memory_space<vmem>>, vector<16xf32>,
      tpu.vector_store %arg11[%parallel_loop3A_110, %parallel_loop3A_111], %broadcast_in_dim3A_38 {strides = array<i32>} : memref<512x128xf32, #tpu.memory_space<vmem>>, vector<16xf32>,
      %parallel_loop3A_113 = arith.index_cast %parallel_loop3A_100 : i32 to index
      %parallel_loop3A_114 = arith.constant 64 : index
      %parallel_loop3A_115 = tpu.vector_load %arg11[%parallel_loop3A_113, %parallel_loop3A_114] {strides = array<i32>} : memref<512x128xf32, #tpu.memory_space<vmem>>, vector<16xf32>,
      tpu.vector_store %arg11[%parallel_loop3A_113, %parallel_loop3A_114], %broadcast_in_dim3A_38 {strides = array<i32>} : memref<512x128xf32, #tpu.memory_space<vmem>>, vector<16xf32>,
      %parallel_loop3A_116 = arith.index_cast %parallel_loop3A_100 : i32 to index
      %parallel_loop3A_117 = arith.constant 80 : index
      %parallel_loop3A_118 = tpu.vector_load %arg11[%parallel_loop3A_116, %parallel_loop3A_117] {strides = array<i32>} : memref<512x128xf32, #tpu.memory_space<vmem>>, vector<16xf32>,
      tpu.vector_store %arg11[%parallel_loop3A_116, %parallel_loop3A_117], %broadcast_in_dim3A_38 {strides = array<i32>} : memref<512x128xf32, #tpu.memory_space<vmem>>, vector<16xf32>,
      %parallel_loop3A_119 = arith.index_cast %parallel_loop3A_100 : i32 to index
      %parallel_loop3A_120 = arith.constant 96 : index
      %parallel_loop3A_121 = tpu.vector_load %arg11[%parallel_loop3A_119, %parallel_loop3A_120] {strides = array<i32>} : memref<512x128xf32, #tpu.memory_space<vmem>>, vector<16xf32>,
      tpu.vector_store %arg11[%parallel_loop3A_119, %parallel_loop3A_120], %broadcast_in_dim3A_38 {strides = array<i32>} : memref<512x128xf32, #tpu.memory_space<vmem>>, vector<16xf32>,
      %parallel_loop3A_122 = arith.index_cast %parallel_loop3A_100 : i32 to index
      %parallel_loop3A_123 = arith.constant 112 : index
      %parallel_loop3A_124 = tpu.vector_load %arg11[%parallel_loop3A_122, %parallel_loop3A_123] {strides = array<i32>} : memref<512x128xf32, #tpu.memory_space<vmem>>, vector<16xf32>,
      tpu.vector_store %arg11[%parallel_loop3A_122, %parallel_loop3A_123], %broadcast_in_dim3A_38 {strides = array<i32>} : memref<512x128xf32, #tpu.memory_space<vmem>>, vector<16xf32>,
    } {sc.loop_unroll_factor = 4 : i64, sc.parallel_access}
    %dma_start3A_65 = arith.constant 0 : i32
    %dma_start3A_66 = tpu.memref_slice %arg3[%mul3A_2, %dma_start3A_65] : memref<65536x128xf32, #tpu.memory_space<hbm>> -> memref<128x128xf32, #tpu.memory_space<hbm>>
    %dma_start3A_67 = arith.constant 0 : i32
    %dma_start3A_68 = tpu.memref_slice %arg3[%mul3A_2, %dma_start3A_67] : memref<65536x128xf32, #tpu.memory_space<hbm>> -> memref<128x128xf32, #tpu.memory_space<hbm>>
    tpu.enqueue_dma source(%dma_start3A_68 : memref<128x128xf32, #tpu.memory_space<hbm>>) target(%arg9 : memref<128x128xf32, #tpu.memory_space<vmem>>) target_semaphore(%arg13 : memref<!tpu.dma_semaphore, #tpu.memory_space<semaphore_mem>>)
    %add3A_69 = arith.constant 128 : i32
    %add3A_70 = arith.addi %mul3A_2, %add3A_69 : i32
    %dma_start3A_71 = arith.constant 0 : i32
    %dma_start3A_72 = tpu.memref_slice %arg3[%add3A_70, %dma_start3A_71] : memref<65536x128xf32, #tpu.memory_space<hbm>> -> memref<128x128xf32, #tpu.memory_space<hbm>>
    %dma_start3A_73 = arith.constant 0 : i32
    %dma_start3A_74 = tpu.memref_slice %arg3[%add3A_70, %dma_start3A_73] : memref<65536x128xf32, #tpu.memory_space<hbm>> -> memref<128x128xf32, #tpu.memory_space<hbm>>
    tpu.enqueue_dma source(%dma_start3A_74 : memref<128x128xf32, #tpu.memory_space<hbm>>) target(%arg10 : memref<128x128xf32, #tpu.memory_space<vmem>>) target_semaphore(%arg14 : memref<!tpu.dma_semaphore, #tpu.memory_space<semaphore_mem>>)
    %scan3A_75 = arith.constant 0 : i32
    %scan3A_76 = arith.constant 2 : i32
    %scan3A_77 = arith.addi %scan3A_75, %scan3A_76 : i32
    %scan3A_78 = arith.constant 1 : i32
    scf.for %scan3A_100 = %scan3A_75 to %scan3A_77 step %scan3A_78  : i32 {
      %mul3A_101 = arith.constant 2 : i32
      %mul3A_102 = arith.muli %scan3A_100, %mul3A_101 : i32
      %add3A_103 = arith.constant 0 : i32
      %add3A_104 = arith.addi %add3A_103, %mul3A_102 : i32
      %add3A_105 = arith.constant 0 : i32
      %add3A_106 = arith.addi %add3A_104, %add3A_105 : i32
      %dma_wait3A = arith.constant 0 : i32
      %dma_wait3A_107 = tpu.memref_slice %arg3[%mul3A_2, %dma_wait3A] : memref<65536x128xf32, #tpu.memory_space<hbm>> -> memref<128x128xf32, #tpu.memory_space<hbm>>
      %dma_wait3A_108 = arith.constant 0 : i32
      %dma_wait3A_109 = tpu.memref_slice %arg3[%mul3A_2, %dma_wait3A_108] : memref<65536x128xf32, #tpu.memory_space<hbm>> -> memref<128x128xf32, #tpu.memory_space<hbm>>
      tpu.wait_dma2 semaphore(%arg13 : memref<!tpu.dma_semaphore, #tpu.memory_space<semaphore_mem>>) src(%dma_wait3A_109 : memref<128x128xf32, #tpu.memory_space<hbm>>) dst(%arg9 : memref<128x128xf32, #tpu.memory_space<vmem>>)
      %parallel_loop3A_110 = arith.constant 0 : i32
      %parallel_loop3A_111 = arith.constant 128 : i32
      %parallel_loop3A_112 = arith.constant 1 : i32
      scf.for %parallel_loop3A_133 = %parallel_loop3A_110 to %parallel_loop3A_111 step %parallel_loop3A_112  : i32 {
        %parallel_loop3A_134 = arith.constant 128 : i32
        %parallel_loop3A_135 = arith.muli %add3A_106, %parallel_loop3A_134 : i32
        %parallel_loop3A_136 = arith.constant 16 : i32
        %parallel_loop3A_137 = arith.divsi %parallel_loop3A_133, %parallel_loop3A_136 : i32
        %parallel_loop3A_138 = arith.constant 0 : i32
        %parallel_loop3A_139 = arith.cmpi sgt, %parallel_loop3A_133, %parallel_loop3A_138 : i32
        %parallel_loop3A_140 = arith.extui %parallel_loop3A_139 : i1 to i32
        %parallel_loop3A_141 = arith.constant 0 : i32
        %parallel_loop3A_142 = arith.cmpi slt, %parallel_loop3A_133, %parallel_loop3A_141 : i32
        %parallel_loop3A_143 = arith.extui %parallel_loop3A_142 : i1 to i32
        %parallel_loop3A_144 = arith.subi %parallel_loop3A_140, %parallel_loop3A_143 : i32
        %parallel_loop3A_145 = arith.constant 0 : i32
        %parallel_loop3A_146 = arith.cmpi sgt, %parallel_loop3A_136, %parallel_loop3A_145 : i32
        %parallel_loop3A_147 = arith.extui %parallel_loop3A_146 : i1 to i32
        %parallel_loop3A_148 = arith.constant 0 : i32
        %parallel_loop3A_149 = arith.cmpi slt, %parallel_loop3A_136, %parallel_loop3A_148 : i32
        %parallel_loop3A_150 = arith.extui %parallel_loop3A_149 : i1 to i32
        %parallel_loop3A_151 = arith.subi %parallel_loop3A_147, %parallel_loop3A_150 : i32
        %parallel_loop3A_152 = arith.cmpi ne, %parallel_loop3A_144, %parallel_loop3A_151 : i32
        %parallel_loop3A_153 = arith.remsi %parallel_loop3A_133, %parallel_loop3A_136 : i32
        %parallel_loop3A_154 = arith.constant 0 : i32
        %parallel_loop3A_155 = arith.cmpi ne, %parallel_loop3A_153, %parallel_loop3A_154 : i32
        %parallel_loop3A_156 = arith.andi %parallel_loop3A_152, %parallel_loop3A_155 : i1
        %parallel_loop3A_157 = arith.constant 1 : i32
        %parallel_loop3A_158 = arith.subi %parallel_loop3A_137, %parallel_loop3A_157 : i32
        %parallel_loop3A_159 = arith.select %parallel_loop3A_156, %parallel_loop3A_158, %parallel_loop3A_137 : i32
        %parallel_loop3A_160 = arith.constant 16 : i32
        %parallel_loop3A_161 = arith.muli %parallel_loop3A_159, %parallel_loop3A_160 : i32
        %parallel_loop3A_162 = arith.addi %parallel_loop3A_135, %parallel_loop3A_161 : i32
        %parallel_loop3A_163 = arith.index_cast %parallel_loop3A_162 : i32 to index
        %parallel_loop3A_164 = tpu.vector_load %arg8[%parallel_loop3A_163] {strides = array<i32>} : memref<512xi32, #tpu.memory_space<vmem>>, vector<16xi32>,
        %parallel_loop3A_165 = arith.constant 16 : i32
        %parallel_loop3A_166 = arith.constant 0 : i32
        %parallel_loop3A_167 = arith.cmpi eq, %parallel_loop3A_165, %parallel_loop3A_166 : i32
        %parallel_loop3A_168 = arith.constant 1 : i32
        %parallel_loop3A_169 = arith.select %parallel_loop3A_167, %parallel_loop3A_168, %parallel_loop3A_165 : i32
        %parallel_loop3A_170 = arith.remsi %parallel_loop3A_133, %parallel_loop3A_169 : i32
        %parallel_loop3A_171 = arith.constant 0 : i32
        %parallel_loop3A_172 = arith.cmpi ne, %parallel_loop3A_170, %parallel_loop3A_171 : i32
        %parallel_loop3A_173 = arith.constant 0 : i32
        %parallel_loop3A_174 = arith.cmpi slt, %parallel_loop3A_170, %parallel_loop3A_173 : i32
        %parallel_loop3A_175 = arith.constant 0 : i32
        %parallel_loop3A_176 = arith.cmpi slt, %parallel_loop3A_169, %parallel_loop3A_175 : i32
        %parallel_loop3A_177 = arith.xori %parallel_loop3A_174, %parallel_loop3A_176 : i1
        %parallel_loop3A_178 = arith.andi %parallel_loop3A_177, %parallel_loop3A_172 : i1
        %parallel_loop3A_179 = arith.addi %parallel_loop3A_170, %parallel_loop3A_169 : i32
        %parallel_loop3A_180 = arith.select %parallel_loop3A_178, %parallel_loop3A_179, %parallel_loop3A_170 : i32
        %parallel_loop3A_181 = vector.broadcast %parallel_loop3A_180 : i32 to vector<16xi32>
        %parallel_loop3A_182 = arith.index_cast %parallel_loop3A_133 : i32 to index
        %parallel_loop3A_183 = arith.constant 0 : index
        %parallel_loop3A_184 = tpu.vector_load %arg9[%parallel_loop3A_182, %parallel_loop3A_183] {strides = array<i32>} : memref<128x128xf32, #tpu.memory_space<vmem>>, vector<16xf32>,
        %parallel_loop3A_185 = arith.index_cast %parallel_loop3A_133 : i32 to index
        %parallel_loop3A_186 = arith.constant 16 : index
        %parallel_loop3A_187 = tpu.vector_load %arg9[%parallel_loop3A_185, %parallel_loop3A_186] {strides = array<i32>} : memref<128x128xf32, #tpu.memory_space<vmem>>, vector<16xf32>,
        %parallel_loop3A_188 = arith.index_cast %parallel_loop3A_133 : i32 to index
        %parallel_loop3A_189 = arith.constant 32 : index
        %parallel_loop3A_190 = tpu.vector_load %arg9[%parallel_loop3A_188, %parallel_loop3A_189] {strides = array<i32>} : memref<128x128xf32, #tpu.memory_space<vmem>>, vector<16xf32>,
        %parallel_loop3A_191 = arith.index_cast %parallel_loop3A_133 : i32 to index
        %parallel_loop3A_192 = arith.constant 48 : index
        %parallel_loop3A_193 = tpu.vector_load %arg9[%parallel_loop3A_191, %parallel_loop3A_192] {strides = array<i32>} : memref<128x128xf32, #tpu.memory_space<vmem>>, vector<16xf32>,
        %parallel_loop3A_194 = arith.index_cast %parallel_loop3A_133 : i32 to index
        %parallel_loop3A_195 = arith.constant 64 : index
        %parallel_loop3A_196 = tpu.vector_load %arg9[%parallel_loop3A_194, %parallel_loop3A_195] {strides = array<i32>} : memref<128x128xf32, #tpu.memory_space<vmem>>, vector<16xf32>,
        %parallel_loop3A_197 = arith.index_cast %parallel_loop3A_133 : i32 to index
        %parallel_loop3A_198 = arith.constant 80 : index
        %parallel_loop3A_199 = tpu.vector_load %arg9[%parallel_loop3A_197, %parallel_loop3A_198] {strides = array<i32>} : memref<128x128xf32, #tpu.memory_space<vmem>>, vector<16xf32>,
        %parallel_loop3A_200 = arith.index_cast %parallel_loop3A_133 : i32 to index
        %parallel_loop3A_201 = arith.constant 96 : index
        %parallel_loop3A_202 = tpu.vector_load %arg9[%parallel_loop3A_200, %parallel_loop3A_201] {strides = array<i32>} : memref<128x128xf32, #tpu.memory_space<vmem>>, vector<16xf32>,
        %parallel_loop3A_203 = arith.index_cast %parallel_loop3A_133 : i32 to index
        %parallel_loop3A_204 = arith.constant 112 : index
        %parallel_loop3A_205 = tpu.vector_load %arg9[%parallel_loop3A_203, %parallel_loop3A_204] {strides = array<i32>} : memref<128x128xf32, #tpu.memory_space<vmem>>, vector<16xf32>,
        %parallel_loop3A_206 = arith.mulf %parallel_loop3A_184, %parallel_loop3A_184 : vector<16xf32>
        %parallel_loop3A_207 = arith.mulf %parallel_loop3A_187, %parallel_loop3A_187 : vector<16xf32>
        %parallel_loop3A_208 = arith.addf %parallel_loop3A_207, %parallel_loop3A_206 : vector<16xf32>
        %parallel_loop3A_209 = arith.mulf %parallel_loop3A_190, %parallel_loop3A_190 : vector<16xf32>
        %parallel_loop3A_210 = arith.addf %parallel_loop3A_209, %parallel_loop3A_208 : vector<16xf32>
        %parallel_loop3A_211 = arith.mulf %parallel_loop3A_193, %parallel_loop3A_193 : vector<16xf32>
        %parallel_loop3A_212 = arith.addf %parallel_loop3A_211, %parallel_loop3A_210 : vector<16xf32>
        %parallel_loop3A_213 = arith.mulf %parallel_loop3A_196, %parallel_loop3A_196 : vector<16xf32>
        %parallel_loop3A_214 = arith.addf %parallel_loop3A_213, %parallel_loop3A_212 : vector<16xf32>
        %parallel_loop3A_215 = arith.mulf %parallel_loop3A_199, %parallel_loop3A_199 : vector<16xf32>
        %parallel_loop3A_216 = arith.addf %parallel_loop3A_215, %parallel_loop3A_214 : vector<16xf32>
        %parallel_loop3A_217 = arith.mulf %parallel_loop3A_202, %parallel_loop3A_202 : vector<16xf32>
        %parallel_loop3A_218 = arith.addf %parallel_loop3A_217, %parallel_loop3A_216 : vector<16xf32>
        %parallel_loop3A_219 = arith.mulf %parallel_loop3A_205, %parallel_loop3A_205 : vector<16xf32>
        %parallel_loop3A_220 = arith.addf %parallel_loop3A_219, %parallel_loop3A_218 : vector<16xf32>
        %parallel_loop3A_221 = vector.shape_cast %xor3A_28 : vector<16xi32> to vector<16x1xi32>
        %parallel_loop3A_222 = vector.shape_cast %parallel_loop3A_221 : vector<16x1xi32> to vector<16xi32>
        %parallel_loop3A_223 = tpu.dynamic_gather %parallel_loop3A_220[%parallel_loop3A_222] in [0] : vector<16xf32>, vector<16xi32> -> vector<16xf32>
        %parallel_loop3A_224 = arith.addf %parallel_loop3A_220, %parallel_loop3A_223 : vector<16xf32>
        %parallel_loop3A_225 = vector.shape_cast %xor3A_31 : vector<16xi32> to vector<16x1xi32>
        %parallel_loop3A_226 = vector.shape_cast %parallel_loop3A_225 : vector<16x1xi32> to vector<16xi32>
        %parallel_loop3A_227 = tpu.dynamic_gather %parallel_loop3A_224[%parallel_loop3A_226] in [0] : vector<16xf32>, vector<16xi32> -> vector<16xf32>
        %parallel_loop3A_228 = arith.addf %parallel_loop3A_224, %parallel_loop3A_227 : vector<16xf32>
        %parallel_loop3A_229 = vector.shape_cast %xor3A_34 : vector<16xi32> to vector<16x1xi32>
        %parallel_loop3A_230 = vector.shape_cast %parallel_loop3A_229 : vector<16x1xi32> to vector<16xi32>
        %parallel_loop3A_231 = tpu.dynamic_gather %parallel_loop3A_228[%parallel_loop3A_230] in [0] : vector<16xf32>, vector<16xi32> -> vector<16xf32>
        %parallel_loop3A_232 = arith.addf %parallel_loop3A_228, %parallel_loop3A_231 : vector<16xf32>
        %parallel_loop3A_233 = vector.shape_cast %xor3A_37 : vector<16xi32> to vector<16x1xi32>
        %parallel_loop3A_234 = vector.shape_cast %parallel_loop3A_233 : vector<16x1xi32> to vector<16xi32>
        %parallel_loop3A_235 = tpu.dynamic_gather %parallel_loop3A_232[%parallel_loop3A_234] in [0] : vector<16xf32>, vector<16xi32> -> vector<16xf32>
        %parallel_loop3A_236 = arith.addf %parallel_loop3A_232, %parallel_loop3A_235 : vector<16xf32>
        %parallel_loop3A_237 = arith.constant 5.000000e-01 : f32
        %parallel_loop3A_238 = vector.broadcast %parallel_loop3A_237 : f32 to vector<16xf32>
        %parallel_loop3A_239 = arith.mulf %parallel_loop3A_236, %parallel_loop3A_238 : vector<16xf32>
        %parallel_loop3A_240 = vector.bitcast %parallel_loop3A_236 : vector<16xf32> to vector<16xi32>
        %parallel_loop3A_241 = arith.constant 1 : i32
        %parallel_loop3A_242 = vector.broadcast %parallel_loop3A_241 : i32 to vector<16xi32>
        %parallel_loop3A_243 = arith.shrui %parallel_loop3A_240, %parallel_loop3A_242 : vector<16xi32>
        %parallel_loop3A_244 = arith.constant 1597463007 : i32
        %parallel_loop3A_245 = vector.broadcast %parallel_loop3A_244 : i32 to vector<16xi32>
        %parallel_loop3A_246 = arith.subi %parallel_loop3A_245, %parallel_loop3A_243 : vector<16xi32>
        %parallel_loop3A_247 = vector.bitcast %parallel_loop3A_246 : vector<16xi32> to vector<16xf32>
        %parallel_loop3A_248 = arith.mulf %parallel_loop3A_239, %parallel_loop3A_247 : vector<16xf32>
        %parallel_loop3A_249 = arith.mulf %parallel_loop3A_248, %parallel_loop3A_247 : vector<16xf32>
        %parallel_loop3A_250 = arith.constant 1.500000e+00 : f32
        %parallel_loop3A_251 = vector.broadcast %parallel_loop3A_250 : f32 to vector<16xf32>
        %parallel_loop3A_252 = arith.subf %parallel_loop3A_251, %parallel_loop3A_249 : vector<16xf32>
        %parallel_loop3A_253 = arith.mulf %parallel_loop3A_247, %parallel_loop3A_252 : vector<16xf32>
        %parallel_loop3A_254 = arith.mulf %parallel_loop3A_239, %parallel_loop3A_253 : vector<16xf32>
        %parallel_loop3A_255 = arith.mulf %parallel_loop3A_254, %parallel_loop3A_253 : vector<16xf32>
        %parallel_loop3A_256 = arith.constant 1.500000e+00 : f32
        %parallel_loop3A_257 = vector.broadcast %parallel_loop3A_256 : f32 to vector<16xf32>
        %parallel_loop3A_258 = arith.subf %parallel_loop3A_257, %parallel_loop3A_255 : vector<16xf32>
        %parallel_loop3A_259 = arith.mulf %parallel_loop3A_253, %parallel_loop3A_258 : vector<16xf32>
        %parallel_loop3A_260 = vector.shape_cast %parallel_loop3A_181 : vector<16xi32> to vector<16x1xi32>
        %parallel_loop3A_261 = vector.shape_cast %parallel_loop3A_260 : vector<16x1xi32> to vector<16xi32>
        %parallel_loop3A_262 = tpu.dynamic_gather %parallel_loop3A_164[%parallel_loop3A_261] in [0] : vector<16xi32>, vector<16xi32> -> vector<16xi32>
        %parallel_loop3A_263 = arith.mulf %parallel_loop3A_184, %parallel_loop3A_259 : vector<16xf32>
        tpu.vector_store_idx %arg11[%parallel_loop3A_262, %add3A_5], %parallel_loop3A_263 {add = true} : memref<512x128xf32, #tpu.memory_space<vmem>>[vector<16xi32>, vector<16xi32>], vector<16xf32>,
        %parallel_loop3A_264 = arith.mulf %parallel_loop3A_187, %parallel_loop3A_259 : vector<16xf32>
        tpu.vector_store_idx %arg11[%parallel_loop3A_262, %add3A_8], %parallel_loop3A_264 {add = true} : memref<512x128xf32, #tpu.memory_space<vmem>>[vector<16xi32>, vector<16xi32>], vector<16xf32>,
        %parallel_loop3A_265 = arith.mulf %parallel_loop3A_190, %parallel_loop3A_259 : vector<16xf32>
        tpu.vector_store_idx %arg11[%parallel_loop3A_262, %add3A_11], %parallel_loop3A_265 {add = true} : memref<512x128xf32, #tpu.memory_space<vmem>>[vector<16xi32>, vector<16xi32>], vector<16xf32>,
        %parallel_loop3A_266 = arith.mulf %parallel_loop3A_193, %parallel_loop3A_259 : vector<16xf32>
        tpu.vector_store_idx %arg11[%parallel_loop3A_262, %add3A_14], %parallel_loop3A_266 {add = true} : memref<512x128xf32, #tpu.memory_space<vmem>>[vector<16xi32>, vector<16xi32>], vector<16xf32>,
        %parallel_loop3A_267 = arith.mulf %parallel_loop3A_196, %parallel_loop3A_259 : vector<16xf32>
        tpu.vector_store_idx %arg11[%parallel_loop3A_262, %add3A_17], %parallel_loop3A_267 {add = true} : memref<512x128xf32, #tpu.memory_space<vmem>>[vector<16xi32>, vector<16xi32>], vector<16xf32>,
        %parallel_loop3A_268 = arith.mulf %parallel_loop3A_199, %parallel_loop3A_259 : vector<16xf32>
        tpu.vector_store_idx %arg11[%parallel_loop3A_262, %add3A_20], %parallel_loop3A_268 {add = true} : memref<512x128xf32, #tpu.memory_space<vmem>>[vector<16xi32>, vector<16xi32>], vector<16xf32>,
        %parallel_loop3A_269 = arith.mulf %parallel_loop3A_202, %parallel_loop3A_259 : vector<16xf32>
        tpu.vector_store_idx %arg11[%parallel_loop3A_262, %add3A_23], %parallel_loop3A_269 {add = true} : memref<512x128xf32, #tpu.memory_space<vmem>>[vector<16xi32>, vector<16xi32>], vector<16xf32>,
        %parallel_loop3A_270 = arith.mulf %parallel_loop3A_205, %parallel_loop3A_259 : vector<16xf32>
        tpu.vector_store_idx %arg11[%parallel_loop3A_262, %add3A_26], %parallel_loop3A_270 {add = true} : memref<512x128xf32, #tpu.memory_space<vmem>>[vector<16xi32>, vector<16xi32>], vector<16xf32>,
      } {sc.loop_unroll_factor = 16 : i64, sc.parallel_access}
      %add3A_113 = arith.constant 2 : i32
      %add3A_114 = arith.addi %add3A_106, %add3A_113 : i32
      %lt3A = arith.constant 4 : i32
      %lt3A_115 = arith.cmpi slt, %add3A_114, %lt3A : i32
      %convert_element_type3A = arith.extui %lt3A_115 : i1 to i32
      %cond3A = arith.constant 0 : i32
      %cond3A_116 = arith.cmpi ne, %convert_element_type3A, %cond3A : i32
      scf.if %cond3A_116 {
        %mul3A_133 = arith.constant 128 : i32
        %mul3A_134 = arith.muli %add3A_114, %mul3A_133 : i32
        %add3A_135 = arith.addi %mul3A_2, %mul3A_134 : i32
        %dma_start3A_136 = arith.constant 0 : i32
        %dma_start3A_137 = tpu.memref_slice %arg3[%add3A_135, %dma_start3A_136] : memref<65536x128xf32, #tpu.memory_space<hbm>> -> memref<128x128xf32, #tpu.memory_space<hbm>>
        %dma_start3A_138 = arith.constant 0 : i32
        %dma_start3A_139 = tpu.memref_slice %arg3[%add3A_135, %dma_start3A_138] : memref<65536x128xf32, #tpu.memory_space<hbm>> -> memref<128x128xf32, #tpu.memory_space<hbm>>
        tpu.enqueue_dma source(%dma_start3A_139 : memref<128x128xf32, #tpu.memory_space<hbm>>) target(%arg9 : memref<128x128xf32, #tpu.memory_space<vmem>>) target_semaphore(%arg13 : memref<!tpu.dma_semaphore, #tpu.memory_space<semaphore_mem>>)
      } else {
      }
      %add3A_117 = arith.constant 1 : i32
      %add3A_118 = arith.addi %add3A_104, %add3A_117 : i32
      %dma_wait3A_119 = arith.constant 0 : i32
      %dma_wait3A_120 = tpu.memref_slice %arg3[%mul3A_2, %dma_wait3A_119] : memref<65536x128xf32, #tpu.memory_space<hbm>> -> memref<128x128xf32, #tpu.memory_space<hbm>>
      %dma_wait3A_121 = arith.constant 0 : i32
      %dma_wait3A_122 = tpu.memref_slice %arg3[%mul3A_2, %dma_wait3A_121] : memref<65536x128xf32, #tpu.memory_space<hbm>> -> memref<128x128xf32, #tpu.memory_space<hbm>>
      tpu.wait_dma2 semaphore(%arg14 : memref<!tpu.dma_semaphore, #tpu.memory_space<semaphore_mem>>) src(%dma_wait3A_122 : memref<128x128xf32, #tpu.memory_space<hbm>>) dst(%arg10 : memref<128x128xf32, #tpu.memory_space<vmem>>)
      %parallel_loop3A_123 = arith.constant 0 : i32
      %parallel_loop3A_124 = arith.constant 128 : i32
      %parallel_loop3A_125 = arith.constant 1 : i32
      scf.for %parallel_loop3A_133 = %parallel_loop3A_123 to %parallel_loop3A_124 step %parallel_loop3A_125  : i32 {
        %parallel_loop3A_134 = arith.constant 128 : i32
        %parallel_loop3A_135 = arith.muli %add3A_118, %parallel_loop3A_134 : i32
        %parallel_loop3A_136 = arith.constant 16 : i32
        %parallel_loop3A_137 = arith.divsi %parallel_loop3A_133, %parallel_loop3A_136 : i32
        %parallel_loop3A_138 = arith.constant 0 : i32
        %parallel_loop3A_139 = arith.cmpi sgt, %parallel_loop3A_133, %parallel_loop3A_138 : i32
        %parallel_loop3A_140 = arith.extui %parallel_loop3A_139 : i1 to i32
        %parallel_loop3A_141 = arith.constant 0 : i32
        %parallel_loop3A_142 = arith.cmpi slt, %parallel_loop3A_133, %parallel_loop3A_141 : i32
        %parallel_loop3A_143 = arith.extui %parallel_loop3A_142 : i1 to i32
        %parallel_loop3A_144 = arith.subi %parallel_loop3A_140, %parallel_loop3A_143 : i32
        %parallel_loop3A_145 = arith.constant 0 : i32
        %parallel_loop3A_146 = arith.cmpi sgt, %parallel_loop3A_136, %parallel_loop3A_145 : i32
        %parallel_loop3A_147 = arith.extui %parallel_loop3A_146 : i1 to i32
        %parallel_loop3A_148 = arith.constant 0 : i32
        %parallel_loop3A_149 = arith.cmpi slt, %parallel_loop3A_136, %parallel_loop3A_148 : i32
        %parallel_loop3A_150 = arith.extui %parallel_loop3A_149 : i1 to i32
        %parallel_loop3A_151 = arith.subi %parallel_loop3A_147, %parallel_loop3A_150 : i32
        %parallel_loop3A_152 = arith.cmpi ne, %parallel_loop3A_144, %parallel_loop3A_151 : i32
        %parallel_loop3A_153 = arith.remsi %parallel_loop3A_133, %parallel_loop3A_136 : i32
        %parallel_loop3A_154 = arith.constant 0 : i32
        %parallel_loop3A_155 = arith.cmpi ne, %parallel_loop3A_153, %parallel_loop3A_154 : i32
        %parallel_loop3A_156 = arith.andi %parallel_loop3A_152, %parallel_loop3A_155 : i1
        %parallel_loop3A_157 = arith.constant 1 : i32
        %parallel_loop3A_158 = arith.subi %parallel_loop3A_137, %parallel_loop3A_157 : i32
        %parallel_loop3A_159 = arith.select %parallel_loop3A_156, %parallel_loop3A_158, %parallel_loop3A_137 : i32
        %parallel_loop3A_160 = arith.constant 16 : i32
        %parallel_loop3A_161 = arith.muli %parallel_loop3A_159, %parallel_loop3A_160 : i32
        %parallel_loop3A_162 = arith.addi %parallel_loop3A_135, %parallel_loop3A_161 : i32
        %parallel_loop3A_163 = arith.index_cast %parallel_loop3A_162 : i32 to index
        %parallel_loop3A_164 = tpu.vector_load %arg8[%parallel_loop3A_163] {strides = array<i32>} : memref<512xi32, #tpu.memory_space<vmem>>, vector<16xi32>,
        %parallel_loop3A_165 = arith.constant 16 : i32
        %parallel_loop3A_166 = arith.constant 0 : i32
        %parallel_loop3A_167 = arith.cmpi eq, %parallel_loop3A_165, %parallel_loop3A_166 : i32
        %parallel_loop3A_168 = arith.constant 1 : i32
        %parallel_loop3A_169 = arith.select %parallel_loop3A_167, %parallel_loop3A_168, %parallel_loop3A_165 : i32
        %parallel_loop3A_170 = arith.remsi %parallel_loop3A_133, %parallel_loop3A_169 : i32
        %parallel_loop3A_171 = arith.constant 0 : i32
        %parallel_loop3A_172 = arith.cmpi ne, %parallel_loop3A_170, %parallel_loop3A_171 : i32
        %parallel_loop3A_173 = arith.constant 0 : i32
        %parallel_loop3A_174 = arith.cmpi slt, %parallel_loop3A_170, %parallel_loop3A_173 : i32
        %parallel_loop3A_175 = arith.constant 0 : i32
        %parallel_loop3A_176 = arith.cmpi slt, %parallel_loop3A_169, %parallel_loop3A_175 : i32
        %parallel_loop3A_177 = arith.xori %parallel_loop3A_174, %parallel_loop3A_176 : i1
        %parallel_loop3A_178 = arith.andi %parallel_loop3A_177, %parallel_loop3A_172 : i1
        %parallel_loop3A_179 = arith.addi %parallel_loop3A_170, %parallel_loop3A_169 : i32
        %parallel_loop3A_180 = arith.select %parallel_loop3A_178, %parallel_loop3A_179, %parallel_loop3A_170 : i32
        %parallel_loop3A_181 = vector.broadcast %parallel_loop3A_180 : i32 to vector<16xi32>
        %parallel_loop3A_182 = arith.index_cast %parallel_loop3A_133 : i32 to index
        %parallel_loop3A_183 = arith.constant 0 : index
        %parallel_loop3A_184 = tpu.vector_load %arg10[%parallel_loop3A_182, %parallel_loop3A_183] {strides = array<i32>} : memref<128x128xf32, #tpu.memory_space<vmem>>, vector<16xf32>,
        %parallel_loop3A_185 = arith.index_cast %parallel_loop3A_133 : i32 to index
        %parallel_loop3A_186 = arith.constant 16 : index
        %parallel_loop3A_187 = tpu.vector_load %arg10[%parallel_loop3A_185, %parallel_loop3A_186] {strides = array<i32>} : memref<128x128xf32, #tpu.memory_space<vmem>>, vector<16xf32>,
        %parallel_loop3A_188 = arith.index_cast %parallel_loop3A_133 : i32 to index
        %parallel_loop3A_189 = arith.constant 32 : index
        %parallel_loop3A_190 = tpu.vector_load %arg10[%parallel_loop3A_188, %parallel_loop3A_189] {strides = array<i32>} : memref<128x128xf32, #tpu.memory_space<vmem>>, vector<16xf32>,
        %parallel_loop3A_191 = arith.index_cast %parallel_loop3A_133 : i32 to index
        %parallel_loop3A_192 = arith.constant 48 : index
        %parallel_loop3A_193 = tpu.vector_load %arg10[%parallel_loop3A_191, %parallel_loop3A_192] {strides = array<i32>} : memref<128x128xf32, #tpu.memory_space<vmem>>, vector<16xf32>,
        %parallel_loop3A_194 = arith.index_cast %parallel_loop3A_133 : i32 to index
        %parallel_loop3A_195 = arith.constant 64 : index
        %parallel_loop3A_196 = tpu.vector_load %arg10[%parallel_loop3A_194, %parallel_loop3A_195] {strides = array<i32>} : memref<128x128xf32, #tpu.memory_space<vmem>>, vector<16xf32>,
        %parallel_loop3A_197 = arith.index_cast %parallel_loop3A_133 : i32 to index
        %parallel_loop3A_198 = arith.constant 80 : index
        %parallel_loop3A_199 = tpu.vector_load %arg10[%parallel_loop3A_197, %parallel_loop3A_198] {strides = array<i32>} : memref<128x128xf32, #tpu.memory_space<vmem>>, vector<16xf32>,
        %parallel_loop3A_200 = arith.index_cast %parallel_loop3A_133 : i32 to index
        %parallel_loop3A_201 = arith.constant 96 : index
        %parallel_loop3A_202 = tpu.vector_load %arg10[%parallel_loop3A_200, %parallel_loop3A_201] {strides = array<i32>} : memref<128x128xf32, #tpu.memory_space<vmem>>, vector<16xf32>,
        %parallel_loop3A_203 = arith.index_cast %parallel_loop3A_133 : i32 to index
        %parallel_loop3A_204 = arith.constant 112 : index
        %parallel_loop3A_205 = tpu.vector_load %arg10[%parallel_loop3A_203, %parallel_loop3A_204] {strides = array<i32>} : memref<128x128xf32, #tpu.memory_space<vmem>>, vector<16xf32>,
        %parallel_loop3A_206 = arith.mulf %parallel_loop3A_184, %parallel_loop3A_184 : vector<16xf32>
        %parallel_loop3A_207 = arith.mulf %parallel_loop3A_187, %parallel_loop3A_187 : vector<16xf32>
        %parallel_loop3A_208 = arith.addf %parallel_loop3A_207, %parallel_loop3A_206 : vector<16xf32>
        %parallel_loop3A_209 = arith.mulf %parallel_loop3A_190, %parallel_loop3A_190 : vector<16xf32>
        %parallel_loop3A_210 = arith.addf %parallel_loop3A_209, %parallel_loop3A_208 : vector<16xf32>
        %parallel_loop3A_211 = arith.mulf %parallel_loop3A_193, %parallel_loop3A_193 : vector<16xf32>
        %parallel_loop3A_212 = arith.addf %parallel_loop3A_211, %parallel_loop3A_210 : vector<16xf32>
        %parallel_loop3A_213 = arith.mulf %parallel_loop3A_196, %parallel_loop3A_196 : vector<16xf32>
        %parallel_loop3A_214 = arith.addf %parallel_loop3A_213, %parallel_loop3A_212 : vector<16xf32>
        %parallel_loop3A_215 = arith.mulf %parallel_loop3A_199, %parallel_loop3A_199 : vector<16xf32>
        %parallel_loop3A_216 = arith.addf %parallel_loop3A_215, %parallel_loop3A_214 : vector<16xf32>
        %parallel_loop3A_217 = arith.mulf %parallel_loop3A_202, %parallel_loop3A_202 : vector<16xf32>
        %parallel_loop3A_218 = arith.addf %parallel_loop3A_217, %parallel_loop3A_216 : vector<16xf32>
        %parallel_loop3A_219 = arith.mulf %parallel_loop3A_205, %parallel_loop3A_205 : vector<16xf32>
        %parallel_loop3A_220 = arith.addf %parallel_loop3A_219, %parallel_loop3A_218 : vector<16xf32>
        %parallel_loop3A_221 = vector.shape_cast %xor3A_28 : vector<16xi32> to vector<16x1xi32>
        %parallel_loop3A_222 = vector.shape_cast %parallel_loop3A_221 : vector<16x1xi32> to vector<16xi32>
        %parallel_loop3A_223 = tpu.dynamic_gather %parallel_loop3A_220[%parallel_loop3A_222] in [0] : vector<16xf32>, vector<16xi32> -> vector<16xf32>
        %parallel_loop3A_224 = arith.addf %parallel_loop3A_220, %parallel_loop3A_223 : vector<16xf32>
        %parallel_loop3A_225 = vector.shape_cast %xor3A_31 : vector<16xi32> to vector<16x1xi32>
        %parallel_loop3A_226 = vector.shape_cast %parallel_loop3A_225 : vector<16x1xi32> to vector<16xi32>
        %parallel_loop3A_227 = tpu.dynamic_gather %parallel_loop3A_224[%parallel_loop3A_226] in [0] : vector<16xf32>, vector<16xi32> -> vector<16xf32>
        %parallel_loop3A_228 = arith.addf %parallel_loop3A_224, %parallel_loop3A_227 : vector<16xf32>
        %parallel_loop3A_229 = vector.shape_cast %xor3A_34 : vector<16xi32> to vector<16x1xi32>
        %parallel_loop3A_230 = vector.shape_cast %parallel_loop3A_229 : vector<16x1xi32> to vector<16xi32>
        %parallel_loop3A_231 = tpu.dynamic_gather %parallel_loop3A_228[%parallel_loop3A_230] in [0] : vector<16xf32>, vector<16xi32> -> vector<16xf32>
        %parallel_loop3A_232 = arith.addf %parallel_loop3A_228, %parallel_loop3A_231 : vector<16xf32>
        %parallel_loop3A_233 = vector.shape_cast %xor3A_37 : vector<16xi32> to vector<16x1xi32>
        %parallel_loop3A_234 = vector.shape_cast %parallel_loop3A_233 : vector<16x1xi32> to vector<16xi32>
        %parallel_loop3A_235 = tpu.dynamic_gather %parallel_loop3A_232[%parallel_loop3A_234] in [0] : vector<16xf32>, vector<16xi32> -> vector<16xf32>
        %parallel_loop3A_236 = arith.addf %parallel_loop3A_232, %parallel_loop3A_235 : vector<16xf32>
        %parallel_loop3A_237 = arith.constant 5.000000e-01 : f32
        %parallel_loop3A_238 = vector.broadcast %parallel_loop3A_237 : f32 to vector<16xf32>
        %parallel_loop3A_239 = arith.mulf %parallel_loop3A_236, %parallel_loop3A_238 : vector<16xf32>
        %parallel_loop3A_240 = vector.bitcast %parallel_loop3A_236 : vector<16xf32> to vector<16xi32>
        %parallel_loop3A_241 = arith.constant 1 : i32
        %parallel_loop3A_242 = vector.broadcast %parallel_loop3A_241 : i32 to vector<16xi32>
        %parallel_loop3A_243 = arith.shrui %parallel_loop3A_240, %parallel_loop3A_242 : vector<16xi32>
        %parallel_loop3A_244 = arith.constant 1597463007 : i32
        %parallel_loop3A_245 = vector.broadcast %parallel_loop3A_244 : i32 to vector<16xi32>
        %parallel_loop3A_246 = arith.subi %parallel_loop3A_245, %parallel_loop3A_243 : vector<16xi32>
        %parallel_loop3A_247 = vector.bitcast %parallel_loop3A_246 : vector<16xi32> to vector<16xf32>
        %parallel_loop3A_248 = arith.mulf %parallel_loop3A_239, %parallel_loop3A_247 : vector<16xf32>
        %parallel_loop3A_249 = arith.mulf %parallel_loop3A_248, %parallel_loop3A_247 : vector<16xf32>
        %parallel_loop3A_250 = arith.constant 1.500000e+00 : f32
        %parallel_loop3A_251 = vector.broadcast %parallel_loop3A_250 : f32 to vector<16xf32>
        %parallel_loop3A_252 = arith.subf %parallel_loop3A_251, %parallel_loop3A_249 : vector<16xf32>
        %parallel_loop3A_253 = arith.mulf %parallel_loop3A_247, %parallel_loop3A_252 : vector<16xf32>
        %parallel_loop3A_254 = arith.mulf %parallel_loop3A_239, %parallel_loop3A_253 : vector<16xf32>
        %parallel_loop3A_255 = arith.mulf %parallel_loop3A_254, %parallel_loop3A_253 : vector<16xf32>
        %parallel_loop3A_256 = arith.constant 1.500000e+00 : f32
        %parallel_loop3A_257 = vector.broadcast %parallel_loop3A_256 : f32 to vector<16xf32>
        %parallel_loop3A_258 = arith.subf %parallel_loop3A_257, %parallel_loop3A_255 : vector<16xf32>
        %parallel_loop3A_259 = arith.mulf %parallel_loop3A_253, %parallel_loop3A_258 : vector<16xf32>
        %parallel_loop3A_260 = vector.shape_cast %parallel_loop3A_181 : vector<16xi32> to vector<16x1xi32>
        %parallel_loop3A_261 = vector.shape_cast %parallel_loop3A_260 : vector<16x1xi32> to vector<16xi32>
        %parallel_loop3A_262 = tpu.dynamic_gather %parallel_loop3A_164[%parallel_loop3A_261] in [0] : vector<16xi32>, vector<16xi32> -> vector<16xi32>
        %parallel_loop3A_263 = arith.mulf %parallel_loop3A_184, %parallel_loop3A_259 : vector<16xf32>
        tpu.vector_store_idx %arg11[%parallel_loop3A_262, %add3A_5], %parallel_loop3A_263 {add = true} : memref<512x128xf32, #tpu.memory_space<vmem>>[vector<16xi32>, vector<16xi32>], vector<16xf32>,
        %parallel_loop3A_264 = arith.mulf %parallel_loop3A_187, %parallel_loop3A_259 : vector<16xf32>
        tpu.vector_store_idx %arg11[%parallel_loop3A_262, %add3A_8], %parallel_loop3A_264 {add = true} : memref<512x128xf32, #tpu.memory_space<vmem>>[vector<16xi32>, vector<16xi32>], vector<16xf32>,
        %parallel_loop3A_265 = arith.mulf %parallel_loop3A_190, %parallel_loop3A_259 : vector<16xf32>
        tpu.vector_store_idx %arg11[%parallel_loop3A_262, %add3A_11], %parallel_loop3A_265 {add = true} : memref<512x128xf32, #tpu.memory_space<vmem>>[vector<16xi32>, vector<16xi32>], vector<16xf32>,
        %parallel_loop3A_266 = arith.mulf %parallel_loop3A_193, %parallel_loop3A_259 : vector<16xf32>
        tpu.vector_store_idx %arg11[%parallel_loop3A_262, %add3A_14], %parallel_loop3A_266 {add = true} : memref<512x128xf32, #tpu.memory_space<vmem>>[vector<16xi32>, vector<16xi32>], vector<16xf32>,
        %parallel_loop3A_267 = arith.mulf %parallel_loop3A_196, %parallel_loop3A_259 : vector<16xf32>
        tpu.vector_store_idx %arg11[%parallel_loop3A_262, %add3A_17], %parallel_loop3A_267 {add = true} : memref<512x128xf32, #tpu.memory_space<vmem>>[vector<16xi32>, vector<16xi32>], vector<16xf32>,
        %parallel_loop3A_268 = arith.mulf %parallel_loop3A_199, %parallel_loop3A_259 : vector<16xf32>
        tpu.vector_store_idx %arg11[%parallel_loop3A_262, %add3A_20], %parallel_loop3A_268 {add = true} : memref<512x128xf32, #tpu.memory_space<vmem>>[vector<16xi32>, vector<16xi32>], vector<16xf32>,
        %parallel_loop3A_269 = arith.mulf %parallel_loop3A_202, %parallel_loop3A_259 : vector<16xf32>
        tpu.vector_store_idx %arg11[%parallel_loop3A_262, %add3A_23], %parallel_loop3A_269 {add = true} : memref<512x128xf32, #tpu.memory_space<vmem>>[vector<16xi32>, vector<16xi32>], vector<16xf32>,
        %parallel_loop3A_270 = arith.mulf %parallel_loop3A_205, %parallel_loop3A_259 : vector<16xf32>
        tpu.vector_store_idx %arg11[%parallel_loop3A_262, %add3A_26], %parallel_loop3A_270 {add = true} : memref<512x128xf32, #tpu.memory_space<vmem>>[vector<16xi32>, vector<16xi32>], vector<16xf32>,
      } {sc.loop_unroll_factor = 16 : i64, sc.parallel_access}
      %add3A_126 = arith.constant 2 : i32
      %add3A_127 = arith.addi %add3A_118, %add3A_126 : i32
      %lt3A_128 = arith.constant 4 : i32
      %lt3A_129 = arith.cmpi slt, %add3A_127, %lt3A_128 : i32
      %convert_element_type3A_130 = arith.extui %lt3A_129 : i1 to i32
      %cond3A_131 = arith.constant 0 : i32
      %cond3A_132 = arith.cmpi ne, %convert_element_type3A_130, %cond3A_131 : i32
      scf.if %cond3A_132 {
        %mul3A_133 = arith.constant 128 : i32
        %mul3A_134 = arith.muli %add3A_127, %mul3A_133 : i32
        %add3A_135 = arith.addi %mul3A_2, %mul3A_134 : i32
        %dma_start3A_136 = arith.constant 0 : i32
        %dma_start3A_137 = tpu.memref_slice %arg3[%add3A_135, %dma_start3A_136] : memref<65536x128xf32, #tpu.memory_space<hbm>> -> memref<128x128xf32, #tpu.memory_space<hbm>>
        %dma_start3A_138 = arith.constant 0 : i32
        %dma_start3A_139 = tpu.memref_slice %arg3[%add3A_135, %dma_start3A_138] : memref<65536x128xf32, #tpu.memory_space<hbm>> -> memref<128x128xf32, #tpu.memory_space<hbm>>
        tpu.enqueue_dma source(%dma_start3A_139 : memref<128x128xf32, #tpu.memory_space<hbm>>) target(%arg10 : memref<128x128xf32, #tpu.memory_space<vmem>>) target_semaphore(%arg14 : memref<!tpu.dma_semaphore, #tpu.memory_space<semaphore_mem>>)
      } else {
      }
    }
    %scan3A_79 = arith.constant 2 : i32
    %run_scoped3A_80 = arith.constant 1 : i32
    "tpu.region"() ({
      %run_scoped3A_100 = tpu.sem_alloc : memref<!tpu.dma_semaphore, #tpu.memory_space<semaphore_mem>>
      %dma_start3A_101 = arith.constant 0 : i32
      %dma_start3A_102 = arith.constant 0 : i32
      %dma_start3A_103 = tpu.memref_slice %arg6[%run_scoped3A_80, %add3A, %dma_start3A_101, %dma_start3A_102] : memref<3x32x512x128xf32, #tpu.memory_space<hbm>> -> memref<1x1x512x128xf32, #tpu.memory_space<hbm>>
      %dma_start3A_104 = tpu.memref_squeeze %dma_start3A_103 : memref<1x1x512x128xf32, #tpu.memory_space<hbm>> -> memref<512x128xf32, #tpu.memory_space<hbm>>
      %dma_start3A_105 = arith.constant 0 : i32
      %dma_start3A_106 = arith.constant 0 : i32
      %dma_start3A_107 = tpu.memref_slice %arg6[%run_scoped3A_80, %add3A, %dma_start3A_105, %dma_start3A_106] : memref<3x32x512x128xf32, #tpu.memory_space<hbm>> -> memref<1x1x512x128xf32, #tpu.memory_space<hbm>>
      %dma_start3A_108 = tpu.memref_squeeze %dma_start3A_107 : memref<1x1x512x128xf32, #tpu.memory_space<hbm>> -> memref<512x128xf32, #tpu.memory_space<hbm>>
      tpu.enqueue_dma source(%arg11 : memref<512x128xf32, #tpu.memory_space<vmem>>) target(%dma_start3A_108 : memref<512x128xf32, #tpu.memory_space<hbm>>) target_semaphore(%run_scoped3A_100 : memref<!tpu.dma_semaphore, #tpu.memory_space<semaphore_mem>>)
      %dma_wait3A = arith.constant 0 : i32
      %dma_wait3A_109 = arith.constant 0 : i32
      %dma_wait3A_110 = tpu.memref_slice %arg6[%run_scoped3A_80, %add3A, %dma_wait3A, %dma_wait3A_109] : memref<3x32x512x128xf32, #tpu.memory_space<hbm>> -> memref<1x1x512x128xf32, #tpu.memory_space<hbm>>
      %dma_wait3A_111 = tpu.memref_squeeze %dma_wait3A_110 : memref<1x1x512x128xf32, #tpu.memory_space<hbm>> -> memref<512x128xf32, #tpu.memory_space<hbm>>
      %dma_wait3A_112 = arith.constant 0 : i32
      %dma_wait3A_113 = arith.constant 0 : i32
      %dma_wait3A_114 = tpu.memref_slice %arg6[%run_scoped3A_80, %add3A, %dma_wait3A_112, %dma_wait3A_113] : memref<3x32x512x128xf32, #tpu.memory_space<hbm>> -> memref<1x1x512x128xf32, #tpu.memory_space<hbm>>
      %dma_wait3A_115 = tpu.memref_squeeze %dma_wait3A_114 : memref<1x1x512x128xf32, #tpu.memory_space<hbm>> -> memref<512x128xf32, #tpu.memory_space<hbm>>
      tpu.wait_dma2 semaphore(%run_scoped3A_100 : memref<!tpu.dma_semaphore, #tpu.memory_space<semaphore_mem>>) src(%arg11 : memref<512x128xf32, #tpu.memory_space<vmem>>) dst(%dma_wait3A_115 : memref<512x128xf32, #tpu.memory_space<hbm>>)
      tpu.yield
    }) : () -> ()
    %parallel_loop3A_81 = arith.constant 0 : i32
    %parallel_loop3A_82 = arith.constant 512 : i32
    %parallel_loop3A_83 = arith.constant 1 : i32
    scf.for %parallel_loop3A_100 = %parallel_loop3A_81 to %parallel_loop3A_82 step %parallel_loop3A_83  : i32 {
      %parallel_loop3A_101 = arith.index_cast %parallel_loop3A_100 : i32 to index
      %parallel_loop3A_102 = arith.constant 0 : index
      %parallel_loop3A_103 = tpu.vector_load %arg11[%parallel_loop3A_101, %parallel_loop3A_102] {strides = array<i32>} : memref<512x128xf32, #tpu.memory_space<vmem>>, vector<16xf32>,
      tpu.vector_store %arg11[%parallel_loop3A_101, %parallel_loop3A_102], %broadcast_in_dim3A_38 {strides = array<i32>} : memref<512x128xf32, #tpu.memory_space<vmem>>, vector<16xf32>,
      %parallel_loop3A_104 = arith.index_cast %parallel_loop3A_100 : i32 to index
      %parallel_loop3A_105 = arith.constant 16 : index
      %parallel_loop3A_106 = tpu.vector_load %arg11[%parallel_loop3A_104, %parallel_loop3A_105] {strides = array<i32>} : memref<512x128xf32, #tpu.memory_space<vmem>>, vector<16xf32>,
      tpu.vector_store %arg11[%parallel_loop3A_104, %parallel_loop3A_105], %broadcast_in_dim3A_38 {strides = array<i32>} : memref<512x128xf32, #tpu.memory_space<vmem>>, vector<16xf32>,
      %parallel_loop3A_107 = arith.index_cast %parallel_loop3A_100 : i32 to index
      %parallel_loop3A_108 = arith.constant 32 : index
      %parallel_loop3A_109 = tpu.vector_load %arg11[%parallel_loop3A_107, %parallel_loop3A_108] {strides = array<i32>} : memref<512x128xf32, #tpu.memory_space<vmem>>, vector<16xf32>,
      tpu.vector_store %arg11[%parallel_loop3A_107, %parallel_loop3A_108], %broadcast_in_dim3A_38 {strides = array<i32>} : memref<512x128xf32, #tpu.memory_space<vmem>>, vector<16xf32>,
      %parallel_loop3A_110 = arith.index_cast %parallel_loop3A_100 : i32 to index
      %parallel_loop3A_111 = arith.constant 48 : index
      %parallel_loop3A_112 = tpu.vector_load %arg11[%parallel_loop3A_110, %parallel_loop3A_111] {strides = array<i32>} : memref<512x128xf32, #tpu.memory_space<vmem>>, vector<16xf32>,
      tpu.vector_store %arg11[%parallel_loop3A_110, %parallel_loop3A_111], %broadcast_in_dim3A_38 {strides = array<i32>} : memref<512x128xf32, #tpu.memory_space<vmem>>, vector<16xf32>,
      %parallel_loop3A_113 = arith.index_cast %parallel_loop3A_100 : i32 to index
      %parallel_loop3A_114 = arith.constant 64 : index
      %parallel_loop3A_115 = tpu.vector_load %arg11[%parallel_loop3A_113, %parallel_loop3A_114] {strides = array<i32>} : memref<512x128xf32, #tpu.memory_space<vmem>>, vector<16xf32>,
      tpu.vector_store %arg11[%parallel_loop3A_113, %parallel_loop3A_114], %broadcast_in_dim3A_38 {strides = array<i32>} : memref<512x128xf32, #tpu.memory_space<vmem>>, vector<16xf32>,
      %parallel_loop3A_116 = arith.index_cast %parallel_loop3A_100 : i32 to index
      %parallel_loop3A_117 = arith.constant 80 : index
      %parallel_loop3A_118 = tpu.vector_load %arg11[%parallel_loop3A_116, %parallel_loop3A_117] {strides = array<i32>} : memref<512x128xf32, #tpu.memory_space<vmem>>, vector<16xf32>,
      tpu.vector_store %arg11[%parallel_loop3A_116, %parallel_loop3A_117], %broadcast_in_dim3A_38 {strides = array<i32>} : memref<512x128xf32, #tpu.memory_space<vmem>>, vector<16xf32>,
      %parallel_loop3A_119 = arith.index_cast %parallel_loop3A_100 : i32 to index
      %parallel_loop3A_120 = arith.constant 96 : index
      %parallel_loop3A_121 = tpu.vector_load %arg11[%parallel_loop3A_119, %parallel_loop3A_120] {strides = array<i32>} : memref<512x128xf32, #tpu.memory_space<vmem>>, vector<16xf32>,
      tpu.vector_store %arg11[%parallel_loop3A_119, %parallel_loop3A_120], %broadcast_in_dim3A_38 {strides = array<i32>} : memref<512x128xf32, #tpu.memory_space<vmem>>, vector<16xf32>,
      %parallel_loop3A_122 = arith.index_cast %parallel_loop3A_100 : i32 to index
      %parallel_loop3A_123 = arith.constant 112 : index
      %parallel_loop3A_124 = tpu.vector_load %arg11[%parallel_loop3A_122, %parallel_loop3A_123] {strides = array<i32>} : memref<512x128xf32, #tpu.memory_space<vmem>>, vector<16xf32>,
      tpu.vector_store %arg11[%parallel_loop3A_122, %parallel_loop3A_123], %broadcast_in_dim3A_38 {strides = array<i32>} : memref<512x128xf32, #tpu.memory_space<vmem>>, vector<16xf32>,
    } {sc.loop_unroll_factor = 4 : i64, sc.parallel_access}
    %dma_start3A_84 = arith.constant 0 : i32
    %dma_start3A_85 = tpu.memref_slice %arg4[%mul3A_2, %dma_start3A_84] : memref<65536x128xf32, #tpu.memory_space<hbm>> -> memref<128x128xf32, #tpu.memory_space<hbm>>
    %dma_start3A_86 = arith.constant 0 : i32
    %dma_start3A_87 = tpu.memref_slice %arg4[%mul3A_2, %dma_start3A_86] : memref<65536x128xf32, #tpu.memory_space<hbm>> -> memref<128x128xf32, #tpu.memory_space<hbm>>
    tpu.enqueue_dma source(%dma_start3A_87 : memref<128x128xf32, #tpu.memory_space<hbm>>) target(%arg9 : memref<128x128xf32, #tpu.memory_space<vmem>>) target_semaphore(%arg13 : memref<!tpu.dma_semaphore, #tpu.memory_space<semaphore_mem>>)
    %add3A_88 = arith.constant 128 : i32
    %add3A_89 = arith.addi %mul3A_2, %add3A_88 : i32
    %dma_start3A_90 = arith.constant 0 : i32
    %dma_start3A_91 = tpu.memref_slice %arg4[%add3A_89, %dma_start3A_90] : memref<65536x128xf32, #tpu.memory_space<hbm>> -> memref<128x128xf32, #tpu.memory_space<hbm>>
    %dma_start3A_92 = arith.constant 0 : i32
    %dma_start3A_93 = tpu.memref_slice %arg4[%add3A_89, %dma_start3A_92] : memref<65536x128xf32, #tpu.memory_space<hbm>> -> memref<128x128xf32, #tpu.memory_space<hbm>>
    tpu.enqueue_dma source(%dma_start3A_93 : memref<128x128xf32, #tpu.memory_space<hbm>>) target(%arg10 : memref<128x128xf32, #tpu.memory_space<vmem>>) target_semaphore(%arg14 : memref<!tpu.dma_semaphore, #tpu.memory_space<semaphore_mem>>)
    %scan3A_94 = arith.constant 0 : i32
    %scan3A_95 = arith.constant 2 : i32
    %scan3A_96 = arith.addi %scan3A_94, %scan3A_95 : i32
    %scan3A_97 = arith.constant 1 : i32
    scf.for %scan3A_100 = %scan3A_94 to %scan3A_96 step %scan3A_97  : i32 {
      %mul3A_101 = arith.constant 2 : i32
      %mul3A_102 = arith.muli %scan3A_100, %mul3A_101 : i32
      %add3A_103 = arith.constant 0 : i32
      %add3A_104 = arith.addi %add3A_103, %mul3A_102 : i32
      %add3A_105 = arith.constant 0 : i32
      %add3A_106 = arith.addi %add3A_104, %add3A_105 : i32
      %dma_wait3A = arith.constant 0 : i32
      %dma_wait3A_107 = tpu.memref_slice %arg4[%mul3A_2, %dma_wait3A] : memref<65536x128xf32, #tpu.memory_space<hbm>> -> memref<128x128xf32, #tpu.memory_space<hbm>>
      %dma_wait3A_108 = arith.constant 0 : i32
      %dma_wait3A_109 = tpu.memref_slice %arg4[%mul3A_2, %dma_wait3A_108] : memref<65536x128xf32, #tpu.memory_space<hbm>> -> memref<128x128xf32, #tpu.memory_space<hbm>>
      tpu.wait_dma2 semaphore(%arg13 : memref<!tpu.dma_semaphore, #tpu.memory_space<semaphore_mem>>) src(%dma_wait3A_109 : memref<128x128xf32, #tpu.memory_space<hbm>>) dst(%arg9 : memref<128x128xf32, #tpu.memory_space<vmem>>)
      %parallel_loop3A_110 = arith.constant 0 : i32
      %parallel_loop3A_111 = arith.constant 128 : i32
      %parallel_loop3A_112 = arith.constant 1 : i32
      scf.for %parallel_loop3A_133 = %parallel_loop3A_110 to %parallel_loop3A_111 step %parallel_loop3A_112  : i32 {
        %parallel_loop3A_134 = arith.constant 128 : i32
        %parallel_loop3A_135 = arith.muli %add3A_106, %parallel_loop3A_134 : i32
        %parallel_loop3A_136 = arith.constant 16 : i32
        %parallel_loop3A_137 = arith.divsi %parallel_loop3A_133, %parallel_loop3A_136 : i32
        %parallel_loop3A_138 = arith.constant 0 : i32
        %parallel_loop3A_139 = arith.cmpi sgt, %parallel_loop3A_133, %parallel_loop3A_138 : i32
        %parallel_loop3A_140 = arith.extui %parallel_loop3A_139 : i1 to i32
        %parallel_loop3A_141 = arith.constant 0 : i32
        %parallel_loop3A_142 = arith.cmpi slt, %parallel_loop3A_133, %parallel_loop3A_141 : i32
        %parallel_loop3A_143 = arith.extui %parallel_loop3A_142 : i1 to i32
        %parallel_loop3A_144 = arith.subi %parallel_loop3A_140, %parallel_loop3A_143 : i32
        %parallel_loop3A_145 = arith.constant 0 : i32
        %parallel_loop3A_146 = arith.cmpi sgt, %parallel_loop3A_136, %parallel_loop3A_145 : i32
        %parallel_loop3A_147 = arith.extui %parallel_loop3A_146 : i1 to i32
        %parallel_loop3A_148 = arith.constant 0 : i32
        %parallel_loop3A_149 = arith.cmpi slt, %parallel_loop3A_136, %parallel_loop3A_148 : i32
        %parallel_loop3A_150 = arith.extui %parallel_loop3A_149 : i1 to i32
        %parallel_loop3A_151 = arith.subi %parallel_loop3A_147, %parallel_loop3A_150 : i32
        %parallel_loop3A_152 = arith.cmpi ne, %parallel_loop3A_144, %parallel_loop3A_151 : i32
        %parallel_loop3A_153 = arith.remsi %parallel_loop3A_133, %parallel_loop3A_136 : i32
        %parallel_loop3A_154 = arith.constant 0 : i32
        %parallel_loop3A_155 = arith.cmpi ne, %parallel_loop3A_153, %parallel_loop3A_154 : i32
        %parallel_loop3A_156 = arith.andi %parallel_loop3A_152, %parallel_loop3A_155 : i1
        %parallel_loop3A_157 = arith.constant 1 : i32
        %parallel_loop3A_158 = arith.subi %parallel_loop3A_137, %parallel_loop3A_157 : i32
        %parallel_loop3A_159 = arith.select %parallel_loop3A_156, %parallel_loop3A_158, %parallel_loop3A_137 : i32
        %parallel_loop3A_160 = arith.constant 16 : i32
        %parallel_loop3A_161 = arith.muli %parallel_loop3A_159, %parallel_loop3A_160 : i32
        %parallel_loop3A_162 = arith.addi %parallel_loop3A_135, %parallel_loop3A_161 : i32
        %parallel_loop3A_163 = arith.index_cast %parallel_loop3A_162 : i32 to index
        %parallel_loop3A_164 = tpu.vector_load %arg8[%parallel_loop3A_163] {strides = array<i32>} : memref<512xi32, #tpu.memory_space<vmem>>, vector<16xi32>,
        %parallel_loop3A_165 = arith.constant 16 : i32
        %parallel_loop3A_166 = arith.constant 0 : i32
        %parallel_loop3A_167 = arith.cmpi eq, %parallel_loop3A_165, %parallel_loop3A_166 : i32
        %parallel_loop3A_168 = arith.constant 1 : i32
        %parallel_loop3A_169 = arith.select %parallel_loop3A_167, %parallel_loop3A_168, %parallel_loop3A_165 : i32
        %parallel_loop3A_170 = arith.remsi %parallel_loop3A_133, %parallel_loop3A_169 : i32
        %parallel_loop3A_171 = arith.constant 0 : i32
        %parallel_loop3A_172 = arith.cmpi ne, %parallel_loop3A_170, %parallel_loop3A_171 : i32
        %parallel_loop3A_173 = arith.constant 0 : i32
        %parallel_loop3A_174 = arith.cmpi slt, %parallel_loop3A_170, %parallel_loop3A_173 : i32
        %parallel_loop3A_175 = arith.constant 0 : i32
        %parallel_loop3A_176 = arith.cmpi slt, %parallel_loop3A_169, %parallel_loop3A_175 : i32
        %parallel_loop3A_177 = arith.xori %parallel_loop3A_174, %parallel_loop3A_176 : i1
        %parallel_loop3A_178 = arith.andi %parallel_loop3A_177, %parallel_loop3A_172 : i1
        %parallel_loop3A_179 = arith.addi %parallel_loop3A_170, %parallel_loop3A_169 : i32
        %parallel_loop3A_180 = arith.select %parallel_loop3A_178, %parallel_loop3A_179, %parallel_loop3A_170 : i32
        %parallel_loop3A_181 = vector.broadcast %parallel_loop3A_180 : i32 to vector<16xi32>
        %parallel_loop3A_182 = arith.index_cast %parallel_loop3A_133 : i32 to index
        %parallel_loop3A_183 = arith.constant 0 : index
        %parallel_loop3A_184 = tpu.vector_load %arg9[%parallel_loop3A_182, %parallel_loop3A_183] {strides = array<i32>} : memref<128x128xf32, #tpu.memory_space<vmem>>, vector<16xf32>,
        %parallel_loop3A_185 = arith.index_cast %parallel_loop3A_133 : i32 to index
        %parallel_loop3A_186 = arith.constant 16 : index
        %parallel_loop3A_187 = tpu.vector_load %arg9[%parallel_loop3A_185, %parallel_loop3A_186] {strides = array<i32>} : memref<128x128xf32, #tpu.memory_space<vmem>>, vector<16xf32>,
        %parallel_loop3A_188 = arith.index_cast %parallel_loop3A_133 : i32 to index
        %parallel_loop3A_189 = arith.constant 32 : index
        %parallel_loop3A_190 = tpu.vector_load %arg9[%parallel_loop3A_188, %parallel_loop3A_189] {strides = array<i32>} : memref<128x128xf32, #tpu.memory_space<vmem>>, vector<16xf32>,
        %parallel_loop3A_191 = arith.index_cast %parallel_loop3A_133 : i32 to index
        %parallel_loop3A_192 = arith.constant 48 : index
        %parallel_loop3A_193 = tpu.vector_load %arg9[%parallel_loop3A_191, %parallel_loop3A_192] {strides = array<i32>} : memref<128x128xf32, #tpu.memory_space<vmem>>, vector<16xf32>,
        %parallel_loop3A_194 = arith.index_cast %parallel_loop3A_133 : i32 to index
        %parallel_loop3A_195 = arith.constant 64 : index
        %parallel_loop3A_196 = tpu.vector_load %arg9[%parallel_loop3A_194, %parallel_loop3A_195] {strides = array<i32>} : memref<128x128xf32, #tpu.memory_space<vmem>>, vector<16xf32>,
        %parallel_loop3A_197 = arith.index_cast %parallel_loop3A_133 : i32 to index
        %parallel_loop3A_198 = arith.constant 80 : index
        %parallel_loop3A_199 = tpu.vector_load %arg9[%parallel_loop3A_197, %parallel_loop3A_198] {strides = array<i32>} : memref<128x128xf32, #tpu.memory_space<vmem>>, vector<16xf32>,
        %parallel_loop3A_200 = arith.index_cast %parallel_loop3A_133 : i32 to index
        %parallel_loop3A_201 = arith.constant 96 : index
        %parallel_loop3A_202 = tpu.vector_load %arg9[%parallel_loop3A_200, %parallel_loop3A_201] {strides = array<i32>} : memref<128x128xf32, #tpu.memory_space<vmem>>, vector<16xf32>,
        %parallel_loop3A_203 = arith.index_cast %parallel_loop3A_133 : i32 to index
        %parallel_loop3A_204 = arith.constant 112 : index
        %parallel_loop3A_205 = tpu.vector_load %arg9[%parallel_loop3A_203, %parallel_loop3A_204] {strides = array<i32>} : memref<128x128xf32, #tpu.memory_space<vmem>>, vector<16xf32>,
        %parallel_loop3A_206 = arith.mulf %parallel_loop3A_184, %parallel_loop3A_184 : vector<16xf32>
        %parallel_loop3A_207 = arith.mulf %parallel_loop3A_187, %parallel_loop3A_187 : vector<16xf32>
        %parallel_loop3A_208 = arith.addf %parallel_loop3A_207, %parallel_loop3A_206 : vector<16xf32>
        %parallel_loop3A_209 = arith.mulf %parallel_loop3A_190, %parallel_loop3A_190 : vector<16xf32>
        %parallel_loop3A_210 = arith.addf %parallel_loop3A_209, %parallel_loop3A_208 : vector<16xf32>
        %parallel_loop3A_211 = arith.mulf %parallel_loop3A_193, %parallel_loop3A_193 : vector<16xf32>
        %parallel_loop3A_212 = arith.addf %parallel_loop3A_211, %parallel_loop3A_210 : vector<16xf32>
        %parallel_loop3A_213 = arith.mulf %parallel_loop3A_196, %parallel_loop3A_196 : vector<16xf32>
        %parallel_loop3A_214 = arith.addf %parallel_loop3A_213, %parallel_loop3A_212 : vector<16xf32>
        %parallel_loop3A_215 = arith.mulf %parallel_loop3A_199, %parallel_loop3A_199 : vector<16xf32>
        %parallel_loop3A_216 = arith.addf %parallel_loop3A_215, %parallel_loop3A_214 : vector<16xf32>
        %parallel_loop3A_217 = arith.mulf %parallel_loop3A_202, %parallel_loop3A_202 : vector<16xf32>
        %parallel_loop3A_218 = arith.addf %parallel_loop3A_217, %parallel_loop3A_216 : vector<16xf32>
        %parallel_loop3A_219 = arith.mulf %parallel_loop3A_205, %parallel_loop3A_205 : vector<16xf32>
        %parallel_loop3A_220 = arith.addf %parallel_loop3A_219, %parallel_loop3A_218 : vector<16xf32>
        %parallel_loop3A_221 = vector.shape_cast %xor3A_28 : vector<16xi32> to vector<16x1xi32>
        %parallel_loop3A_222 = vector.shape_cast %parallel_loop3A_221 : vector<16x1xi32> to vector<16xi32>
        %parallel_loop3A_223 = tpu.dynamic_gather %parallel_loop3A_220[%parallel_loop3A_222] in [0] : vector<16xf32>, vector<16xi32> -> vector<16xf32>
        %parallel_loop3A_224 = arith.addf %parallel_loop3A_220, %parallel_loop3A_223 : vector<16xf32>
        %parallel_loop3A_225 = vector.shape_cast %xor3A_31 : vector<16xi32> to vector<16x1xi32>
        %parallel_loop3A_226 = vector.shape_cast %parallel_loop3A_225 : vector<16x1xi32> to vector<16xi32>
        %parallel_loop3A_227 = tpu.dynamic_gather %parallel_loop3A_224[%parallel_loop3A_226] in [0] : vector<16xf32>, vector<16xi32> -> vector<16xf32>
        %parallel_loop3A_228 = arith.addf %parallel_loop3A_224, %parallel_loop3A_227 : vector<16xf32>
        %parallel_loop3A_229 = vector.shape_cast %xor3A_34 : vector<16xi32> to vector<16x1xi32>
        %parallel_loop3A_230 = vector.shape_cast %parallel_loop3A_229 : vector<16x1xi32> to vector<16xi32>
        %parallel_loop3A_231 = tpu.dynamic_gather %parallel_loop3A_228[%parallel_loop3A_230] in [0] : vector<16xf32>, vector<16xi32> -> vector<16xf32>
        %parallel_loop3A_232 = arith.addf %parallel_loop3A_228, %parallel_loop3A_231 : vector<16xf32>
        %parallel_loop3A_233 = vector.shape_cast %xor3A_37 : vector<16xi32> to vector<16x1xi32>
        %parallel_loop3A_234 = vector.shape_cast %parallel_loop3A_233 : vector<16x1xi32> to vector<16xi32>
        %parallel_loop3A_235 = tpu.dynamic_gather %parallel_loop3A_232[%parallel_loop3A_234] in [0] : vector<16xf32>, vector<16xi32> -> vector<16xf32>
        %parallel_loop3A_236 = arith.addf %parallel_loop3A_232, %parallel_loop3A_235 : vector<16xf32>
        %parallel_loop3A_237 = arith.constant 5.000000e-01 : f32
        %parallel_loop3A_238 = vector.broadcast %parallel_loop3A_237 : f32 to vector<16xf32>
        %parallel_loop3A_239 = arith.mulf %parallel_loop3A_236, %parallel_loop3A_238 : vector<16xf32>
        %parallel_loop3A_240 = vector.bitcast %parallel_loop3A_236 : vector<16xf32> to vector<16xi32>
        %parallel_loop3A_241 = arith.constant 1 : i32
        %parallel_loop3A_242 = vector.broadcast %parallel_loop3A_241 : i32 to vector<16xi32>
        %parallel_loop3A_243 = arith.shrui %parallel_loop3A_240, %parallel_loop3A_242 : vector<16xi32>
        %parallel_loop3A_244 = arith.constant 1597463007 : i32
        %parallel_loop3A_245 = vector.broadcast %parallel_loop3A_244 : i32 to vector<16xi32>
        %parallel_loop3A_246 = arith.subi %parallel_loop3A_245, %parallel_loop3A_243 : vector<16xi32>
        %parallel_loop3A_247 = vector.bitcast %parallel_loop3A_246 : vector<16xi32> to vector<16xf32>
        %parallel_loop3A_248 = arith.mulf %parallel_loop3A_239, %parallel_loop3A_247 : vector<16xf32>
        %parallel_loop3A_249 = arith.mulf %parallel_loop3A_248, %parallel_loop3A_247 : vector<16xf32>
        %parallel_loop3A_250 = arith.constant 1.500000e+00 : f32
        %parallel_loop3A_251 = vector.broadcast %parallel_loop3A_250 : f32 to vector<16xf32>
        %parallel_loop3A_252 = arith.subf %parallel_loop3A_251, %parallel_loop3A_249 : vector<16xf32>
        %parallel_loop3A_253 = arith.mulf %parallel_loop3A_247, %parallel_loop3A_252 : vector<16xf32>
        %parallel_loop3A_254 = arith.mulf %parallel_loop3A_239, %parallel_loop3A_253 : vector<16xf32>
        %parallel_loop3A_255 = arith.mulf %parallel_loop3A_254, %parallel_loop3A_253 : vector<16xf32>
        %parallel_loop3A_256 = arith.constant 1.500000e+00 : f32
        %parallel_loop3A_257 = vector.broadcast %parallel_loop3A_256 : f32 to vector<16xf32>
        %parallel_loop3A_258 = arith.subf %parallel_loop3A_257, %parallel_loop3A_255 : vector<16xf32>
        %parallel_loop3A_259 = arith.mulf %parallel_loop3A_253, %parallel_loop3A_258 : vector<16xf32>
        %parallel_loop3A_260 = vector.shape_cast %parallel_loop3A_181 : vector<16xi32> to vector<16x1xi32>
        %parallel_loop3A_261 = vector.shape_cast %parallel_loop3A_260 : vector<16x1xi32> to vector<16xi32>
        %parallel_loop3A_262 = tpu.dynamic_gather %parallel_loop3A_164[%parallel_loop3A_261] in [0] : vector<16xi32>, vector<16xi32> -> vector<16xi32>
        %parallel_loop3A_263 = arith.mulf %parallel_loop3A_184, %parallel_loop3A_259 : vector<16xf32>
        tpu.vector_store_idx %arg11[%parallel_loop3A_262, %add3A_5], %parallel_loop3A_263 {add = true} : memref<512x128xf32, #tpu.memory_space<vmem>>[vector<16xi32>, vector<16xi32>], vector<16xf32>,
        %parallel_loop3A_264 = arith.mulf %parallel_loop3A_187, %parallel_loop3A_259 : vector<16xf32>
        tpu.vector_store_idx %arg11[%parallel_loop3A_262, %add3A_8], %parallel_loop3A_264 {add = true} : memref<512x128xf32, #tpu.memory_space<vmem>>[vector<16xi32>, vector<16xi32>], vector<16xf32>,
        %parallel_loop3A_265 = arith.mulf %parallel_loop3A_190, %parallel_loop3A_259 : vector<16xf32>
        tpu.vector_store_idx %arg11[%parallel_loop3A_262, %add3A_11], %parallel_loop3A_265 {add = true} : memref<512x128xf32, #tpu.memory_space<vmem>>[vector<16xi32>, vector<16xi32>], vector<16xf32>,
        %parallel_loop3A_266 = arith.mulf %parallel_loop3A_193, %parallel_loop3A_259 : vector<16xf32>
        tpu.vector_store_idx %arg11[%parallel_loop3A_262, %add3A_14], %parallel_loop3A_266 {add = true} : memref<512x128xf32, #tpu.memory_space<vmem>>[vector<16xi32>, vector<16xi32>], vector<16xf32>,
        %parallel_loop3A_267 = arith.mulf %parallel_loop3A_196, %parallel_loop3A_259 : vector<16xf32>
        tpu.vector_store_idx %arg11[%parallel_loop3A_262, %add3A_17], %parallel_loop3A_267 {add = true} : memref<512x128xf32, #tpu.memory_space<vmem>>[vector<16xi32>, vector<16xi32>], vector<16xf32>,
        %parallel_loop3A_268 = arith.mulf %parallel_loop3A_199, %parallel_loop3A_259 : vector<16xf32>
        tpu.vector_store_idx %arg11[%parallel_loop3A_262, %add3A_20], %parallel_loop3A_268 {add = true} : memref<512x128xf32, #tpu.memory_space<vmem>>[vector<16xi32>, vector<16xi32>], vector<16xf32>,
        %parallel_loop3A_269 = arith.mulf %parallel_loop3A_202, %parallel_loop3A_259 : vector<16xf32>
        tpu.vector_store_idx %arg11[%parallel_loop3A_262, %add3A_23], %parallel_loop3A_269 {add = true} : memref<512x128xf32, #tpu.memory_space<vmem>>[vector<16xi32>, vector<16xi32>], vector<16xf32>,
        %parallel_loop3A_270 = arith.mulf %parallel_loop3A_205, %parallel_loop3A_259 : vector<16xf32>
        tpu.vector_store_idx %arg11[%parallel_loop3A_262, %add3A_26], %parallel_loop3A_270 {add = true} : memref<512x128xf32, #tpu.memory_space<vmem>>[vector<16xi32>, vector<16xi32>], vector<16xf32>,
      } {sc.loop_unroll_factor = 16 : i64, sc.parallel_access}
      %add3A_113 = arith.constant 2 : i32
      %add3A_114 = arith.addi %add3A_106, %add3A_113 : i32
      %lt3A = arith.constant 4 : i32
      %lt3A_115 = arith.cmpi slt, %add3A_114, %lt3A : i32
      %convert_element_type3A = arith.extui %lt3A_115 : i1 to i32
      %cond3A = arith.constant 0 : i32
      %cond3A_116 = arith.cmpi ne, %convert_element_type3A, %cond3A : i32
      scf.if %cond3A_116 {
        %mul3A_133 = arith.constant 128 : i32
        %mul3A_134 = arith.muli %add3A_114, %mul3A_133 : i32
        %add3A_135 = arith.addi %mul3A_2, %mul3A_134 : i32
        %dma_start3A_136 = arith.constant 0 : i32
        %dma_start3A_137 = tpu.memref_slice %arg4[%add3A_135, %dma_start3A_136] : memref<65536x128xf32, #tpu.memory_space<hbm>> -> memref<128x128xf32, #tpu.memory_space<hbm>>
        %dma_start3A_138 = arith.constant 0 : i32
        %dma_start3A_139 = tpu.memref_slice %arg4[%add3A_135, %dma_start3A_138] : memref<65536x128xf32, #tpu.memory_space<hbm>> -> memref<128x128xf32, #tpu.memory_space<hbm>>
        tpu.enqueue_dma source(%dma_start3A_139 : memref<128x128xf32, #tpu.memory_space<hbm>>) target(%arg9 : memref<128x128xf32, #tpu.memory_space<vmem>>) target_semaphore(%arg13 : memref<!tpu.dma_semaphore, #tpu.memory_space<semaphore_mem>>)
      } else {
      }
      %add3A_117 = arith.constant 1 : i32
      %add3A_118 = arith.addi %add3A_104, %add3A_117 : i32
      %dma_wait3A_119 = arith.constant 0 : i32
      %dma_wait3A_120 = tpu.memref_slice %arg4[%mul3A_2, %dma_wait3A_119] : memref<65536x128xf32, #tpu.memory_space<hbm>> -> memref<128x128xf32, #tpu.memory_space<hbm>>
      %dma_wait3A_121 = arith.constant 0 : i32
      %dma_wait3A_122 = tpu.memref_slice %arg4[%mul3A_2, %dma_wait3A_121] : memref<65536x128xf32, #tpu.memory_space<hbm>> -> memref<128x128xf32, #tpu.memory_space<hbm>>
      tpu.wait_dma2 semaphore(%arg14 : memref<!tpu.dma_semaphore, #tpu.memory_space<semaphore_mem>>) src(%dma_wait3A_122 : memref<128x128xf32, #tpu.memory_space<hbm>>) dst(%arg10 : memref<128x128xf32, #tpu.memory_space<vmem>>)
      %parallel_loop3A_123 = arith.constant 0 : i32
      %parallel_loop3A_124 = arith.constant 128 : i32
      %parallel_loop3A_125 = arith.constant 1 : i32
      scf.for %parallel_loop3A_133 = %parallel_loop3A_123 to %parallel_loop3A_124 step %parallel_loop3A_125  : i32 {
        %parallel_loop3A_134 = arith.constant 128 : i32
        %parallel_loop3A_135 = arith.muli %add3A_118, %parallel_loop3A_134 : i32
        %parallel_loop3A_136 = arith.constant 16 : i32
        %parallel_loop3A_137 = arith.divsi %parallel_loop3A_133, %parallel_loop3A_136 : i32
        %parallel_loop3A_138 = arith.constant 0 : i32
        %parallel_loop3A_139 = arith.cmpi sgt, %parallel_loop3A_133, %parallel_loop3A_138 : i32
        %parallel_loop3A_140 = arith.extui %parallel_loop3A_139 : i1 to i32
        %parallel_loop3A_141 = arith.constant 0 : i32
        %parallel_loop3A_142 = arith.cmpi slt, %parallel_loop3A_133, %parallel_loop3A_141 : i32
        %parallel_loop3A_143 = arith.extui %parallel_loop3A_142 : i1 to i32
        %parallel_loop3A_144 = arith.subi %parallel_loop3A_140, %parallel_loop3A_143 : i32
        %parallel_loop3A_145 = arith.constant 0 : i32
        %parallel_loop3A_146 = arith.cmpi sgt, %parallel_loop3A_136, %parallel_loop3A_145 : i32
        %parallel_loop3A_147 = arith.extui %parallel_loop3A_146 : i1 to i32
        %parallel_loop3A_148 = arith.constant 0 : i32
        %parallel_loop3A_149 = arith.cmpi slt, %parallel_loop3A_136, %parallel_loop3A_148 : i32
        %parallel_loop3A_150 = arith.extui %parallel_loop3A_149 : i1 to i32
        %parallel_loop3A_151 = arith.subi %parallel_loop3A_147, %parallel_loop3A_150 : i32
        %parallel_loop3A_152 = arith.cmpi ne, %parallel_loop3A_144, %parallel_loop3A_151 : i32
        %parallel_loop3A_153 = arith.remsi %parallel_loop3A_133, %parallel_loop3A_136 : i32
        %parallel_loop3A_154 = arith.constant 0 : i32
        %parallel_loop3A_155 = arith.cmpi ne, %parallel_loop3A_153, %parallel_loop3A_154 : i32
        %parallel_loop3A_156 = arith.andi %parallel_loop3A_152, %parallel_loop3A_155 : i1
        %parallel_loop3A_157 = arith.constant 1 : i32
        %parallel_loop3A_158 = arith.subi %parallel_loop3A_137, %parallel_loop3A_157 : i32
        %parallel_loop3A_159 = arith.select %parallel_loop3A_156, %parallel_loop3A_158, %parallel_loop3A_137 : i32
        %parallel_loop3A_160 = arith.constant 16 : i32
        %parallel_loop3A_161 = arith.muli %parallel_loop3A_159, %parallel_loop3A_160 : i32
        %parallel_loop3A_162 = arith.addi %parallel_loop3A_135, %parallel_loop3A_161 : i32
        %parallel_loop3A_163 = arith.index_cast %parallel_loop3A_162 : i32 to index
        %parallel_loop3A_164 = tpu.vector_load %arg8[%parallel_loop3A_163] {strides = array<i32>} : memref<512xi32, #tpu.memory_space<vmem>>, vector<16xi32>,
        %parallel_loop3A_165 = arith.constant 16 : i32
        %parallel_loop3A_166 = arith.constant 0 : i32
        %parallel_loop3A_167 = arith.cmpi eq, %parallel_loop3A_165, %parallel_loop3A_166 : i32
        %parallel_loop3A_168 = arith.constant 1 : i32
        %parallel_loop3A_169 = arith.select %parallel_loop3A_167, %parallel_loop3A_168, %parallel_loop3A_165 : i32
        %parallel_loop3A_170 = arith.remsi %parallel_loop3A_133, %parallel_loop3A_169 : i32
        %parallel_loop3A_171 = arith.constant 0 : i32
        %parallel_loop3A_172 = arith.cmpi ne, %parallel_loop3A_170, %parallel_loop3A_171 : i32
        %parallel_loop3A_173 = arith.constant 0 : i32
        %parallel_loop3A_174 = arith.cmpi slt, %parallel_loop3A_170, %parallel_loop3A_173 : i32
        %parallel_loop3A_175 = arith.constant 0 : i32
        %parallel_loop3A_176 = arith.cmpi slt, %parallel_loop3A_169, %parallel_loop3A_175 : i32
        %parallel_loop3A_177 = arith.xori %parallel_loop3A_174, %parallel_loop3A_176 : i1
        %parallel_loop3A_178 = arith.andi %parallel_loop3A_177, %parallel_loop3A_172 : i1
        %parallel_loop3A_179 = arith.addi %parallel_loop3A_170, %parallel_loop3A_169 : i32
        %parallel_loop3A_180 = arith.select %parallel_loop3A_178, %parallel_loop3A_179, %parallel_loop3A_170 : i32
        %parallel_loop3A_181 = vector.broadcast %parallel_loop3A_180 : i32 to vector<16xi32>
        %parallel_loop3A_182 = arith.index_cast %parallel_loop3A_133 : i32 to index
        %parallel_loop3A_183 = arith.constant 0 : index
        %parallel_loop3A_184 = tpu.vector_load %arg10[%parallel_loop3A_182, %parallel_loop3A_183] {strides = array<i32>} : memref<128x128xf32, #tpu.memory_space<vmem>>, vector<16xf32>,
        %parallel_loop3A_185 = arith.index_cast %parallel_loop3A_133 : i32 to index
        %parallel_loop3A_186 = arith.constant 16 : index
        %parallel_loop3A_187 = tpu.vector_load %arg10[%parallel_loop3A_185, %parallel_loop3A_186] {strides = array<i32>} : memref<128x128xf32, #tpu.memory_space<vmem>>, vector<16xf32>,
        %parallel_loop3A_188 = arith.index_cast %parallel_loop3A_133 : i32 to index
        %parallel_loop3A_189 = arith.constant 32 : index
        %parallel_loop3A_190 = tpu.vector_load %arg10[%parallel_loop3A_188, %parallel_loop3A_189] {strides = array<i32>} : memref<128x128xf32, #tpu.memory_space<vmem>>, vector<16xf32>,
        %parallel_loop3A_191 = arith.index_cast %parallel_loop3A_133 : i32 to index
        %parallel_loop3A_192 = arith.constant 48 : index
        %parallel_loop3A_193 = tpu.vector_load %arg10[%parallel_loop3A_191, %parallel_loop3A_192] {strides = array<i32>} : memref<128x128xf32, #tpu.memory_space<vmem>>, vector<16xf32>,
        %parallel_loop3A_194 = arith.index_cast %parallel_loop3A_133 : i32 to index
        %parallel_loop3A_195 = arith.constant 64 : index
        %parallel_loop3A_196 = tpu.vector_load %arg10[%parallel_loop3A_194, %parallel_loop3A_195] {strides = array<i32>} : memref<128x128xf32, #tpu.memory_space<vmem>>, vector<16xf32>,
        %parallel_loop3A_197 = arith.index_cast %parallel_loop3A_133 : i32 to index
        %parallel_loop3A_198 = arith.constant 80 : index
        %parallel_loop3A_199 = tpu.vector_load %arg10[%parallel_loop3A_197, %parallel_loop3A_198] {strides = array<i32>} : memref<128x128xf32, #tpu.memory_space<vmem>>, vector<16xf32>,
        %parallel_loop3A_200 = arith.index_cast %parallel_loop3A_133 : i32 to index
        %parallel_loop3A_201 = arith.constant 96 : index
        %parallel_loop3A_202 = tpu.vector_load %arg10[%parallel_loop3A_200, %parallel_loop3A_201] {strides = array<i32>} : memref<128x128xf32, #tpu.memory_space<vmem>>, vector<16xf32>,
        %parallel_loop3A_203 = arith.index_cast %parallel_loop3A_133 : i32 to index
        %parallel_loop3A_204 = arith.constant 112 : index
        %parallel_loop3A_205 = tpu.vector_load %arg10[%parallel_loop3A_203, %parallel_loop3A_204] {strides = array<i32>} : memref<128x128xf32, #tpu.memory_space<vmem>>, vector<16xf32>,
        %parallel_loop3A_206 = arith.mulf %parallel_loop3A_184, %parallel_loop3A_184 : vector<16xf32>
        %parallel_loop3A_207 = arith.mulf %parallel_loop3A_187, %parallel_loop3A_187 : vector<16xf32>
        %parallel_loop3A_208 = arith.addf %parallel_loop3A_207, %parallel_loop3A_206 : vector<16xf32>
        %parallel_loop3A_209 = arith.mulf %parallel_loop3A_190, %parallel_loop3A_190 : vector<16xf32>
        %parallel_loop3A_210 = arith.addf %parallel_loop3A_209, %parallel_loop3A_208 : vector<16xf32>
        %parallel_loop3A_211 = arith.mulf %parallel_loop3A_193, %parallel_loop3A_193 : vector<16xf32>
        %parallel_loop3A_212 = arith.addf %parallel_loop3A_211, %parallel_loop3A_210 : vector<16xf32>
        %parallel_loop3A_213 = arith.mulf %parallel_loop3A_196, %parallel_loop3A_196 : vector<16xf32>
        %parallel_loop3A_214 = arith.addf %parallel_loop3A_213, %parallel_loop3A_212 : vector<16xf32>
        %parallel_loop3A_215 = arith.mulf %parallel_loop3A_199, %parallel_loop3A_199 : vector<16xf32>
        %parallel_loop3A_216 = arith.addf %parallel_loop3A_215, %parallel_loop3A_214 : vector<16xf32>
        %parallel_loop3A_217 = arith.mulf %parallel_loop3A_202, %parallel_loop3A_202 : vector<16xf32>
        %parallel_loop3A_218 = arith.addf %parallel_loop3A_217, %parallel_loop3A_216 : vector<16xf32>
        %parallel_loop3A_219 = arith.mulf %parallel_loop3A_205, %parallel_loop3A_205 : vector<16xf32>
        %parallel_loop3A_220 = arith.addf %parallel_loop3A_219, %parallel_loop3A_218 : vector<16xf32>
        %parallel_loop3A_221 = vector.shape_cast %xor3A_28 : vector<16xi32> to vector<16x1xi32>
        %parallel_loop3A_222 = vector.shape_cast %parallel_loop3A_221 : vector<16x1xi32> to vector<16xi32>
        %parallel_loop3A_223 = tpu.dynamic_gather %parallel_loop3A_220[%parallel_loop3A_222] in [0] : vector<16xf32>, vector<16xi32> -> vector<16xf32>
        %parallel_loop3A_224 = arith.addf %parallel_loop3A_220, %parallel_loop3A_223 : vector<16xf32>
        %parallel_loop3A_225 = vector.shape_cast %xor3A_31 : vector<16xi32> to vector<16x1xi32>
        %parallel_loop3A_226 = vector.shape_cast %parallel_loop3A_225 : vector<16x1xi32> to vector<16xi32>
        %parallel_loop3A_227 = tpu.dynamic_gather %parallel_loop3A_224[%parallel_loop3A_226] in [0] : vector<16xf32>, vector<16xi32> -> vector<16xf32>
        %parallel_loop3A_228 = arith.addf %parallel_loop3A_224, %parallel_loop3A_227 : vector<16xf32>
        %parallel_loop3A_229 = vector.shape_cast %xor3A_34 : vector<16xi32> to vector<16x1xi32>
        %parallel_loop3A_230 = vector.shape_cast %parallel_loop3A_229 : vector<16x1xi32> to vector<16xi32>
        %parallel_loop3A_231 = tpu.dynamic_gather %parallel_loop3A_228[%parallel_loop3A_230] in [0] : vector<16xf32>, vector<16xi32> -> vector<16xf32>
        %parallel_loop3A_232 = arith.addf %parallel_loop3A_228, %parallel_loop3A_231 : vector<16xf32>
        %parallel_loop3A_233 = vector.shape_cast %xor3A_37 : vector<16xi32> to vector<16x1xi32>
        %parallel_loop3A_234 = vector.shape_cast %parallel_loop3A_233 : vector<16x1xi32> to vector<16xi32>
        %parallel_loop3A_235 = tpu.dynamic_gather %parallel_loop3A_232[%parallel_loop3A_234] in [0] : vector<16xf32>, vector<16xi32> -> vector<16xf32>
        %parallel_loop3A_236 = arith.addf %parallel_loop3A_232, %parallel_loop3A_235 : vector<16xf32>
        %parallel_loop3A_237 = arith.constant 5.000000e-01 : f32
        %parallel_loop3A_238 = vector.broadcast %parallel_loop3A_237 : f32 to vector<16xf32>
        %parallel_loop3A_239 = arith.mulf %parallel_loop3A_236, %parallel_loop3A_238 : vector<16xf32>
        %parallel_loop3A_240 = vector.bitcast %parallel_loop3A_236 : vector<16xf32> to vector<16xi32>
        %parallel_loop3A_241 = arith.constant 1 : i32
        %parallel_loop3A_242 = vector.broadcast %parallel_loop3A_241 : i32 to vector<16xi32>
        %parallel_loop3A_243 = arith.shrui %parallel_loop3A_240, %parallel_loop3A_242 : vector<16xi32>
        %parallel_loop3A_244 = arith.constant 1597463007 : i32
        %parallel_loop3A_245 = vector.broadcast %parallel_loop3A_244 : i32 to vector<16xi32>
        %parallel_loop3A_246 = arith.subi %parallel_loop3A_245, %parallel_loop3A_243 : vector<16xi32>
        %parallel_loop3A_247 = vector.bitcast %parallel_loop3A_246 : vector<16xi32> to vector<16xf32>
        %parallel_loop3A_248 = arith.mulf %parallel_loop3A_239, %parallel_loop3A_247 : vector<16xf32>
        %parallel_loop3A_249 = arith.mulf %parallel_loop3A_248, %parallel_loop3A_247 : vector<16xf32>
        %parallel_loop3A_250 = arith.constant 1.500000e+00 : f32
        %parallel_loop3A_251 = vector.broadcast %parallel_loop3A_250 : f32 to vector<16xf32>
        %parallel_loop3A_252 = arith.subf %parallel_loop3A_251, %parallel_loop3A_249 : vector<16xf32>
        %parallel_loop3A_253 = arith.mulf %parallel_loop3A_247, %parallel_loop3A_252 : vector<16xf32>
        %parallel_loop3A_254 = arith.mulf %parallel_loop3A_239, %parallel_loop3A_253 : vector<16xf32>
        %parallel_loop3A_255 = arith.mulf %parallel_loop3A_254, %parallel_loop3A_253 : vector<16xf32>
        %parallel_loop3A_256 = arith.constant 1.500000e+00 : f32
        %parallel_loop3A_257 = vector.broadcast %parallel_loop3A_256 : f32 to vector<16xf32>
        %parallel_loop3A_258 = arith.subf %parallel_loop3A_257, %parallel_loop3A_255 : vector<16xf32>
        %parallel_loop3A_259 = arith.mulf %parallel_loop3A_253, %parallel_loop3A_258 : vector<16xf32>
        %parallel_loop3A_260 = vector.shape_cast %parallel_loop3A_181 : vector<16xi32> to vector<16x1xi32>
        %parallel_loop3A_261 = vector.shape_cast %parallel_loop3A_260 : vector<16x1xi32> to vector<16xi32>
        %parallel_loop3A_262 = tpu.dynamic_gather %parallel_loop3A_164[%parallel_loop3A_261] in [0] : vector<16xi32>, vector<16xi32> -> vector<16xi32>
        %parallel_loop3A_263 = arith.mulf %parallel_loop3A_184, %parallel_loop3A_259 : vector<16xf32>
        tpu.vector_store_idx %arg11[%parallel_loop3A_262, %add3A_5], %parallel_loop3A_263 {add = true} : memref<512x128xf32, #tpu.memory_space<vmem>>[vector<16xi32>, vector<16xi32>], vector<16xf32>,
        %parallel_loop3A_264 = arith.mulf %parallel_loop3A_187, %parallel_loop3A_259 : vector<16xf32>
        tpu.vector_store_idx %arg11[%parallel_loop3A_262, %add3A_8], %parallel_loop3A_264 {add = true} : memref<512x128xf32, #tpu.memory_space<vmem>>[vector<16xi32>, vector<16xi32>], vector<16xf32>,
        %parallel_loop3A_265 = arith.mulf %parallel_loop3A_190, %parallel_loop3A_259 : vector<16xf32>
        tpu.vector_store_idx %arg11[%parallel_loop3A_262, %add3A_11], %parallel_loop3A_265 {add = true} : memref<512x128xf32, #tpu.memory_space<vmem>>[vector<16xi32>, vector<16xi32>], vector<16xf32>,
        %parallel_loop3A_266 = arith.mulf %parallel_loop3A_193, %parallel_loop3A_259 : vector<16xf32>
        tpu.vector_store_idx %arg11[%parallel_loop3A_262, %add3A_14], %parallel_loop3A_266 {add = true} : memref<512x128xf32, #tpu.memory_space<vmem>>[vector<16xi32>, vector<16xi32>], vector<16xf32>,
        %parallel_loop3A_267 = arith.mulf %parallel_loop3A_196, %parallel_loop3A_259 : vector<16xf32>
        tpu.vector_store_idx %arg11[%parallel_loop3A_262, %add3A_17], %parallel_loop3A_267 {add = true} : memref<512x128xf32, #tpu.memory_space<vmem>>[vector<16xi32>, vector<16xi32>], vector<16xf32>,
        %parallel_loop3A_268 = arith.mulf %parallel_loop3A_199, %parallel_loop3A_259 : vector<16xf32>
        tpu.vector_store_idx %arg11[%parallel_loop3A_262, %add3A_20], %parallel_loop3A_268 {add = true} : memref<512x128xf32, #tpu.memory_space<vmem>>[vector<16xi32>, vector<16xi32>], vector<16xf32>,
        %parallel_loop3A_269 = arith.mulf %parallel_loop3A_202, %parallel_loop3A_259 : vector<16xf32>
        tpu.vector_store_idx %arg11[%parallel_loop3A_262, %add3A_23], %parallel_loop3A_269 {add = true} : memref<512x128xf32, #tpu.memory_space<vmem>>[vector<16xi32>, vector<16xi32>], vector<16xf32>,
        %parallel_loop3A_270 = arith.mulf %parallel_loop3A_205, %parallel_loop3A_259 : vector<16xf32>
        tpu.vector_store_idx %arg11[%parallel_loop3A_262, %add3A_26], %parallel_loop3A_270 {add = true} : memref<512x128xf32, #tpu.memory_space<vmem>>[vector<16xi32>, vector<16xi32>], vector<16xf32>,
      } {sc.loop_unroll_factor = 16 : i64, sc.parallel_access}
      %add3A_126 = arith.constant 2 : i32
      %add3A_127 = arith.addi %add3A_118, %add3A_126 : i32
      %lt3A_128 = arith.constant 4 : i32
      %lt3A_129 = arith.cmpi slt, %add3A_127, %lt3A_128 : i32
      %convert_element_type3A_130 = arith.extui %lt3A_129 : i1 to i32
      %cond3A_131 = arith.constant 0 : i32
      %cond3A_132 = arith.cmpi ne, %convert_element_type3A_130, %cond3A_131 : i32
      scf.if %cond3A_132 {
        %mul3A_133 = arith.constant 128 : i32
        %mul3A_134 = arith.muli %add3A_127, %mul3A_133 : i32
        %add3A_135 = arith.addi %mul3A_2, %mul3A_134 : i32
        %dma_start3A_136 = arith.constant 0 : i32
        %dma_start3A_137 = tpu.memref_slice %arg4[%add3A_135, %dma_start3A_136] : memref<65536x128xf32, #tpu.memory_space<hbm>> -> memref<128x128xf32, #tpu.memory_space<hbm>>
        %dma_start3A_138 = arith.constant 0 : i32
        %dma_start3A_139 = tpu.memref_slice %arg4[%add3A_135, %dma_start3A_138] : memref<65536x128xf32, #tpu.memory_space<hbm>> -> memref<128x128xf32, #tpu.memory_space<hbm>>
        tpu.enqueue_dma source(%dma_start3A_139 : memref<128x128xf32, #tpu.memory_space<hbm>>) target(%arg10 : memref<128x128xf32, #tpu.memory_space<vmem>>) target_semaphore(%arg14 : memref<!tpu.dma_semaphore, #tpu.memory_space<semaphore_mem>>)
      } else {
      }
    }
    %scan3A_98 = arith.constant 2 : i32
    %run_scoped3A_99 = arith.constant 2 : i32
    "tpu.region"() ({
      %run_scoped3A_100 = tpu.sem_alloc : memref<!tpu.dma_semaphore, #tpu.memory_space<semaphore_mem>>
      %dma_start3A_101 = arith.constant 0 : i32
      %dma_start3A_102 = arith.constant 0 : i32
      %dma_start3A_103 = tpu.memref_slice %arg6[%run_scoped3A_99, %add3A, %dma_start3A_101, %dma_start3A_102] : memref<3x32x512x128xf32, #tpu.memory_space<hbm>> -> memref<1x1x512x128xf32, #tpu.memory_space<hbm>>
      %dma_start3A_104 = tpu.memref_squeeze %dma_start3A_103 : memref<1x1x512x128xf32, #tpu.memory_space<hbm>> -> memref<512x128xf32, #tpu.memory_space<hbm>>
      %dma_start3A_105 = arith.constant 0 : i32
      %dma_start3A_106 = arith.constant 0 : i32
      %dma_start3A_107 = tpu.memref_slice %arg6[%run_scoped3A_99, %add3A, %dma_start3A_105, %dma_start3A_106] : memref<3x32x512x128xf32, #tpu.memory_space<hbm>> -> memref<1x1x512x128xf32, #tpu.memory_space<hbm>>
      %dma_start3A_108 = tpu.memref_squeeze %dma_start3A_107 : memref<1x1x512x128xf32, #tpu.memory_space<hbm>> -> memref<512x128xf32, #tpu.memory_space<hbm>>
      tpu.enqueue_dma source(%arg11 : memref<512x128xf32, #tpu.memory_space<vmem>>) target(%dma_start3A_108 : memref<512x128xf32, #tpu.memory_space<hbm>>) target_semaphore(%run_scoped3A_100 : memref<!tpu.dma_semaphore, #tpu.memory_space<semaphore_mem>>)
      %dma_wait3A = arith.constant 0 : i32
      %dma_wait3A_109 = arith.constant 0 : i32
      %dma_wait3A_110 = tpu.memref_slice %arg6[%run_scoped3A_99, %add3A, %dma_wait3A, %dma_wait3A_109] : memref<3x32x512x128xf32, #tpu.memory_space<hbm>> -> memref<1x1x512x128xf32, #tpu.memory_space<hbm>>
      %dma_wait3A_111 = tpu.memref_squeeze %dma_wait3A_110 : memref<1x1x512x128xf32, #tpu.memory_space<hbm>> -> memref<512x128xf32, #tpu.memory_space<hbm>>
      %dma_wait3A_112 = arith.constant 0 : i32
      %dma_wait3A_113 = arith.constant 0 : i32
      %dma_wait3A_114 = tpu.memref_slice %arg6[%run_scoped3A_99, %add3A, %dma_wait3A_112, %dma_wait3A_113] : memref<3x32x512x128xf32, #tpu.memory_space<hbm>> -> memref<1x1x512x128xf32, #tpu.memory_space<hbm>>
      %dma_wait3A_115 = tpu.memref_squeeze %dma_wait3A_114 : memref<1x1x512x128xf32, #tpu.memory_space<hbm>> -> memref<512x128xf32, #tpu.memory_space<hbm>>
      tpu.wait_dma2 semaphore(%run_scoped3A_100 : memref<!tpu.dma_semaphore, #tpu.memory_space<semaphore_mem>>) src(%arg11 : memref<512x128xf32, #tpu.memory_space<vmem>>) dst(%dma_wait3A_115 : memref<512x128xf32, #tpu.memory_space<hbm>>)
      tpu.yield
    }) : () -> ()
    return
  }
}

module attributes {stable_mosaic.version = 14 : i64} {
  func.func @_tc_finish_body(%arg0: i32, %arg1: memref<8x1x512xf32, #tpu.memory_space<vmem>>, %arg2: memref<3x8x512x128xf32, #tpu.memory_space<vmem>>, %arg3: memref<512x384xf32, #tpu.memory_space<vmem>>, %arg4: memref<1x512xf32, #tpu.memory_space<vmem>>, %arg5: memref<1x1xf32, #tpu.memory_space<vmem>>, %arg6: memref<3x512x128xf32, #tpu.memory_space<vmem>>, %arg7: memref<1x512xf32, #tpu.memory_space<vmem>>) attributes {dimension_semantics = [#tpu.dimension_semantics<arbitrary>], iteration_bounds = array<i64: 4>, scalar_prefetch = 0 : i64, scratch_operands = 2 : i64, tpu.core_type = #tpu.core_type<tc>, window_params = [{transform_indices = @transform_0, window_bounds = array<i64: 8, 1, 512>}, {transform_indices = @transform_1, window_bounds = array<i64: 3, 8, 512, 128>}, {pipeline_mode = #tpu.pipeline_mode<synchronous>, transform_indices = @transform_2, window_bounds = array<i64: 512, 384>}, {pipeline_mode = #tpu.pipeline_mode<synchronous>, transform_indices = @transform_3, window_bounds = array<i64: 1, 512>}, {pipeline_mode = #tpu.pipeline_mode<synchronous>, transform_indices = @transform_4, window_bounds = array<i64: 1, 1>}]} {
    %get3A = arith.constant 0 : index
    %get3A_0 = arith.constant 0 : index
    %get3A_1 = arith.constant 0 : index
    %get3A_2 = arith.constant 0 : index
    %get3A_3 = vector.load %arg2[%get3A, %get3A_0, %get3A_1, %get3A_2] : memref<3x8x512x128xf32, #tpu.memory_space<vmem>>, vector<3x8x512x128xf32>
    %reduce_sum3A = arith.constant dense<0.000000e+00> : vector<3x512x128xf32>
    %reduce_sum3A_4 = vector.multi_reduction <add>, %get3A_3, %reduce_sum3A [1] : vector<3x8x512x128xf32> to vector<3x512x128xf32>
    %get3A_5 = arith.constant 0 : index
    %get3A_6 = arith.constant 0 : index
    %get3A_7 = arith.constant 0 : index
    %get3A_8 = vector.load %arg1[%get3A_5, %get3A_6, %get3A_7] : memref<8x1x512xf32, #tpu.memory_space<vmem>>, vector<8x1x512xf32>
    %get3A_9 = vector.shape_cast %get3A_8 : vector<8x1x512xf32> to vector<8x512xf32>
    %reduce_sum3A_10 = arith.constant dense<0.000000e+00> : vector<512xf32>
    %reduce_sum3A_11 = vector.multi_reduction <add>, %get3A_9, %reduce_sum3A_10 [0] : vector<8x512xf32> to vector<512xf32>
    %broadcast_in_dim3A = vector.shape_cast %reduce_sum3A_11 : vector<512xf32> to vector<1x512xf32>
    %eq3A = arith.constant 0 : i32
    %eq3A_12 = arith.cmpi eq, %arg0, %eq3A : i32
    %convert_element_type3A = arith.extui %eq3A_12 : i1 to i32
    %cond3A = arith.constant 0 : i32
    %cond3A_13 = arith.cmpi ne, %convert_element_type3A, %cond3A : i32
    scf.if %cond3A_13 {
      %get3A_23 = arith.constant 0 : index
      %get3A_24 = arith.constant 0 : index
      %get3A_25 = vector.load %arg3[%get3A_23, %get3A_24] : memref<512x384xf32, #tpu.memory_space<vmem>>, vector<512x384xf32>
      %slice3A = vector.extract_strided_slice %reduce_sum3A_4 {offsets = [0, 0, 0], sizes = [1, 512, 128], strides = [1, 1, 1]} : vector<3x512x128xf32> to vector<1x512x128xf32>
      %squeeze3A = vector.shape_cast %slice3A : vector<1x512x128xf32> to vector<512x128xf32>
      %slice3A_26 = vector.extract_strided_slice %get3A_25 {offsets = [0, 0], sizes = [512, 128], strides = [1, 1]} : vector<512x384xf32> to vector<512x128xf32>
      %add3A = arith.addf %squeeze3A, %slice3A_26 : vector<512x128xf32>
      %swap3A = arith.constant 0 : index
      %swap3A_27 = arith.constant 0 : index
      %swap3A_28 = arith.constant 0 : index
      %swap3A_29 = vector.load %arg6[%swap3A, %swap3A_27, %swap3A_28] : memref<3x512x128xf32, #tpu.memory_space<vmem>>, vector<1x512x128xf32>
      %swap3A_30 = vector.shape_cast %swap3A_29 : vector<1x512x128xf32> to vector<512x128xf32>
      %swap3A_31 = vector.shape_cast %add3A : vector<512x128xf32> to vector<1x512x128xf32>
      tpu.vector_store %arg6[%swap3A, %swap3A_27, %swap3A_28], %swap3A_31 {strides = array<i32>} : memref<3x512x128xf32, #tpu.memory_space<vmem>>, vector<1x512x128xf32>,
      %slice3A_32 = vector.extract_strided_slice %reduce_sum3A_4 {offsets = [1, 0, 0], sizes = [1, 512, 128], strides = [1, 1, 1]} : vector<3x512x128xf32> to vector<1x512x128xf32>
      %squeeze3A_33 = vector.shape_cast %slice3A_32 : vector<1x512x128xf32> to vector<512x128xf32>
      %slice3A_34 = vector.extract_strided_slice %get3A_25 {offsets = [0, 128], sizes = [512, 128], strides = [1, 1]} : vector<512x384xf32> to vector<512x128xf32>
      %add3A_35 = arith.addf %squeeze3A_33, %slice3A_34 : vector<512x128xf32>
      %swap3A_36 = arith.constant 1 : index
      %swap3A_37 = arith.constant 0 : index
      %swap3A_38 = arith.constant 0 : index
      %swap3A_39 = vector.load %arg6[%swap3A_36, %swap3A_37, %swap3A_38] : memref<3x512x128xf32, #tpu.memory_space<vmem>>, vector<1x512x128xf32>
      %swap3A_40 = vector.shape_cast %swap3A_39 : vector<1x512x128xf32> to vector<512x128xf32>
      %swap3A_41 = vector.shape_cast %add3A_35 : vector<512x128xf32> to vector<1x512x128xf32>
      tpu.vector_store %arg6[%swap3A_36, %swap3A_37, %swap3A_38], %swap3A_41 {strides = array<i32>} : memref<3x512x128xf32, #tpu.memory_space<vmem>>, vector<1x512x128xf32>,
      %slice3A_42 = vector.extract_strided_slice %reduce_sum3A_4 {offsets = [2, 0, 0], sizes = [1, 512, 128], strides = [1, 1, 1]} : vector<3x512x128xf32> to vector<1x512x128xf32>
      %squeeze3A_43 = vector.shape_cast %slice3A_42 : vector<1x512x128xf32> to vector<512x128xf32>
      %slice3A_44 = vector.extract_strided_slice %get3A_25 {offsets = [0, 256], sizes = [512, 128], strides = [1, 1]} : vector<512x384xf32> to vector<512x128xf32>
      %add3A_45 = arith.addf %squeeze3A_43, %slice3A_44 : vector<512x128xf32>
      %swap3A_46 = arith.constant 2 : index
      %swap3A_47 = arith.constant 0 : index
      %swap3A_48 = arith.constant 0 : index
      %swap3A_49 = vector.load %arg6[%swap3A_46, %swap3A_47, %swap3A_48] : memref<3x512x128xf32, #tpu.memory_space<vmem>>, vector<1x512x128xf32>
      %swap3A_50 = vector.shape_cast %swap3A_49 : vector<1x512x128xf32> to vector<512x128xf32>
      %swap3A_51 = vector.shape_cast %add3A_45 : vector<512x128xf32> to vector<1x512x128xf32>
      tpu.vector_store %arg6[%swap3A_46, %swap3A_47, %swap3A_48], %swap3A_51 {strides = array<i32>} : memref<3x512x128xf32, #tpu.memory_space<vmem>>, vector<1x512x128xf32>,
      %get3A_52 = arith.constant 0 : index
      %get3A_53 = arith.constant 0 : index
      %get3A_54 = vector.load %arg4[%get3A_52, %get3A_53] : memref<1x512xf32, #tpu.memory_space<vmem>>, vector<1x512xf32>
      %add3A_55 = arith.addf %broadcast_in_dim3A, %get3A_54 : vector<1x512xf32>
      %swap3A_56 = arith.constant 0 : index
      %swap3A_57 = arith.constant 0 : index
      %swap3A_58 = vector.load %arg7[%swap3A_56, %swap3A_57] : memref<1x512xf32, #tpu.memory_space<vmem>>, vector<1x512xf32>
      tpu.vector_store %arg7[%swap3A_56, %swap3A_57], %add3A_55 {strides = array<i32>} : memref<1x512xf32, #tpu.memory_space<vmem>>, vector<1x512xf32>,
    } else {
    }
    %gt3A = arith.constant 0 : i32
    %gt3A_14 = arith.cmpi sgt, %arg0, %gt3A : i32
    %convert_element_type3A_15 = arith.extui %gt3A_14 : i1 to i32
    %cond3A_16 = arith.constant 0 : i32
    %cond3A_17 = arith.cmpi ne, %convert_element_type3A_15, %cond3A_16 : i32
    scf.if %cond3A_17 {
      %get3A_23 = arith.constant 0 : index
      %get3A_24 = arith.constant 0 : index
      %get3A_25 = arith.constant 0 : index
      %get3A_26 = vector.load %arg6[%get3A_23, %get3A_24, %get3A_25] : memref<3x512x128xf32, #tpu.memory_space<vmem>>, vector<3x512x128xf32>
      %add3A = arith.addf %get3A_26, %reduce_sum3A_4 : vector<3x512x128xf32>
      %swap3A = arith.constant 0 : index
      %swap3A_27 = arith.constant 0 : index
      %swap3A_28 = arith.constant 0 : index
      %swap3A_29 = vector.load %arg6[%swap3A, %swap3A_27, %swap3A_28] : memref<3x512x128xf32, #tpu.memory_space<vmem>>, vector<3x512x128xf32>
      tpu.vector_store %arg6[%swap3A, %swap3A_27, %swap3A_28], %add3A {strides = array<i32>} : memref<3x512x128xf32, #tpu.memory_space<vmem>>, vector<3x512x128xf32>,
      %get3A_30 = arith.constant 0 : index
      %get3A_31 = arith.constant 0 : index
      %get3A_32 = vector.load %arg7[%get3A_30, %get3A_31] : memref<1x512xf32, #tpu.memory_space<vmem>>, vector<1x512xf32>
      %add3A_33 = arith.addf %get3A_32, %broadcast_in_dim3A : vector<1x512xf32>
      %swap3A_34 = arith.constant 0 : index
      %swap3A_35 = arith.constant 0 : index
      %swap3A_36 = vector.load %arg7[%swap3A_34, %swap3A_35] : memref<1x512xf32, #tpu.memory_space<vmem>>, vector<1x512xf32>
      tpu.vector_store %arg7[%swap3A_34, %swap3A_35], %add3A_33 {strides = array<i32>} : memref<1x512xf32, #tpu.memory_space<vmem>>, vector<1x512xf32>,
    } else {
    }
    %eq3A_18 = arith.constant 3 : i32
    %eq3A_19 = arith.cmpi eq, %arg0, %eq3A_18 : i32
    %convert_element_type3A_20 = arith.extui %eq3A_19 : i1 to i32
    %cond3A_21 = arith.constant 0 : i32
    %cond3A_22 = arith.cmpi ne, %convert_element_type3A_20, %cond3A_21 : i32
    scf.if %cond3A_22 {
      %get3A_23 = arith.constant 0 : index
      %get3A_24 = arith.constant 0 : index
      %get3A_25 = vector.load %arg7[%get3A_23, %get3A_24] : memref<1x512xf32, #tpu.memory_space<vmem>>, vector<1x512xf32>
      %get3A_26 = vector.shape_cast %get3A_25 : vector<1x512xf32> to vector<512xf32>
      %max3A = arith.constant 1.000000e+00 : f32
      %max3A_27 = vector.broadcast %max3A : f32 to vector<512xf32>
      %max3A_28 = arith.maximumf %get3A_26, %max3A_27 : vector<512xf32>
      %broadcast_in_dim3A_29 = vector.shape_cast %max3A_28 : vector<512xf32> to vector<512x1xf32>
      %get3A_30 = arith.constant 0 : index
      %get3A_31 = arith.constant 0 : index
      %get3A_32 = arith.constant 0 : index
      %get3A_33 = vector.load %arg6[%get3A_30, %get3A_31, %get3A_32] : memref<3x512x128xf32, #tpu.memory_space<vmem>>, vector<1x512x128xf32>
      %get3A_34 = vector.shape_cast %get3A_33 : vector<1x512x128xf32> to vector<512x128xf32>
      %div3A = vector.broadcast %broadcast_in_dim3A_29 : vector<512x1xf32> to vector<512x128xf32>
      %div3A_35 = arith.divf %get3A_34, %div3A : vector<512x128xf32>
      %get3A_36 = arith.constant 1 : index
      %get3A_37 = arith.constant 0 : index
      %get3A_38 = arith.constant 0 : index
      %get3A_39 = vector.load %arg6[%get3A_36, %get3A_37, %get3A_38] : memref<3x512x128xf32, #tpu.memory_space<vmem>>, vector<1x512x128xf32>
      %get3A_40 = vector.shape_cast %get3A_39 : vector<1x512x128xf32> to vector<512x128xf32>
      %div3A_41 = vector.broadcast %broadcast_in_dim3A_29 : vector<512x1xf32> to vector<512x128xf32>
      %div3A_42 = arith.divf %get3A_40, %div3A_41 : vector<512x128xf32>
      %get3A_43 = arith.constant 2 : index
      %get3A_44 = arith.constant 0 : index
      %get3A_45 = arith.constant 0 : index
      %get3A_46 = vector.load %arg6[%get3A_43, %get3A_44, %get3A_45] : memref<3x512x128xf32, #tpu.memory_space<vmem>>, vector<1x512x128xf32>
      %get3A_47 = vector.shape_cast %get3A_46 : vector<1x512x128xf32> to vector<512x128xf32>
      %div3A_48 = vector.broadcast %broadcast_in_dim3A_29 : vector<512x1xf32> to vector<512x128xf32>
      %div3A_49 = arith.divf %get3A_47, %div3A_48 : vector<512x128xf32>
      %sub3A = arith.subf %div3A_35, %div3A_42 : vector<512x128xf32>
      %integer_pow3A = arith.mulf %sub3A, %sub3A : vector<512x128xf32>
      %reduce_sum3A_50 = arith.constant dense<0.000000e+00> : vector<512xf32>
      %reduce_sum3A_51 = vector.multi_reduction <add>, %integer_pow3A, %reduce_sum3A_50 [1] : vector<512x128xf32> to vector<512xf32>
      %sub3A_52 = arith.subf %div3A_35, %div3A_49 : vector<512x128xf32>
      %integer_pow3A_53 = arith.mulf %sub3A_52, %sub3A_52 : vector<512x128xf32>
      %reduce_sum3A_54 = arith.constant dense<0.000000e+00> : vector<512xf32>
      %reduce_sum3A_55 = vector.multi_reduction <add>, %integer_pow3A_53, %reduce_sum3A_54 [1] : vector<512x128xf32> to vector<512xf32>
      %add3A = arith.addf %reduce_sum3A_51, %reduce_sum3A_55 : vector<512xf32>
      %sub3A_56 = arith.subf %div3A_42, %div3A_49 : vector<512x128xf32>
      %integer_pow3A_57 = arith.mulf %sub3A_56, %sub3A_56 : vector<512x128xf32>
      %reduce_sum3A_58 = arith.constant dense<0.000000e+00> : vector<512xf32>
      %reduce_sum3A_59 = vector.multi_reduction <add>, %integer_pow3A_57, %reduce_sum3A_58 [1] : vector<512x128xf32> to vector<512xf32>
      %add3A_60 = arith.addf %add3A, %reduce_sum3A_59 : vector<512xf32>
      %gt3A_61 = arith.constant 0.000000e+00 : f32
      %gt3A_62 = vector.broadcast %gt3A_61 : f32 to vector<512xf32>
      %gt3A_63 = arith.cmpf ogt, %get3A_26, %gt3A_62 : vector<512xf32>
      %sub3A_64 = arith.constant 5.000000e-01 : f32
      %sub3A_65 = vector.broadcast %sub3A_64 : f32 to vector<512xf32>
      %sub3A_66 = arith.subf %add3A_60, %sub3A_65 : vector<512xf32>
      %max3A_67 = arith.constant 0.000000e+00 : f32
      %max3A_68 = vector.broadcast %max3A_67 : f32 to vector<512xf32>
      %max3A_69 = arith.maximumf %sub3A_66, %max3A_68 : vector<512xf32>
      %jit3A = arith.constant 0.000000e+00 : f32
      %broadcast_in_dim3A_70 = vector.broadcast %jit3A : f32 to vector<512xf32>
      %select_n3A = arith.select %gt3A_63, %max3A_69, %broadcast_in_dim3A_70 : vector<512xi1>, vector<512xf32>
      %reduce_sum3A_71 = vector.shape_cast %select_n3A : vector<512xf32> to vector<1x512xf32>
      %reduce_sum3A_72 = arith.constant dense<0.000000e+00> : vector<1xf32>
      %reduce_sum3A_73 = vector.multi_reduction <add>, %reduce_sum3A_71, %reduce_sum3A_72 [1] : vector<1x512xf32> to vector<1xf32>
      %reduce_sum3A_74 = vector.shape_cast %reduce_sum3A_73 : vector<1xf32> to vector<1x1xf32>
      %reduce_sum3A_75 = vector.extract %reduce_sum3A_74[0, 0] : f32 from vector<1x1xf32>
      %broadcast_in_dim3A_76 = vector.broadcast %reduce_sum3A_75 : f32 to vector<1x1xf32>
      %swap3A = arith.constant 0 : index
      %swap3A_77 = arith.constant 0 : index
      %swap3A_78 = vector.load %arg5[%swap3A, %swap3A_77] : memref<1x1xf32, #tpu.memory_space<vmem>>, vector<1x1xf32>
      tpu.vector_store %arg5[%swap3A, %swap3A_77], %broadcast_in_dim3A_76 {strides = array<i32>} : memref<1x1xf32, #tpu.memory_space<vmem>>, vector<1x1xf32>,
    } else {
    }
    return
  }
  func.func @transform_0(%arg0: i32) -> (i32, i32, i32) {
    %c0_i32 = arith.constant 0 : i32
    %c0_i32_0 = arith.constant 0 : i32
    %c0_i32_1 = arith.constant 0 : i32
    return %arg0, %c0_i32, %c0_i32_0 : i32, i32, i32
  }
  func.func @transform_1(%arg0: i32) -> (i32, i32, i32, i32) {
    %c0_i32 = arith.constant 0 : i32
    %c0_i32_0 = arith.constant 0 : i32
    %c0_i32_1 = arith.constant 0 : i32
    %c0_i32_2 = arith.constant 0 : i32
    return %c0_i32, %arg0, %c0_i32_0, %c0_i32_1 : i32, i32, i32, i32
  }
  func.func @transform_2(%arg0: i32) -> (i32, i32) {
    %c0_i32 = arith.constant 0 : i32
    %c0_i32_0 = arith.constant 0 : i32
    %c0_i32_1 = arith.constant 0 : i32
    return %c0_i32, %c0_i32_0 : i32, i32
  }
  func.func @transform_3(%arg0: i32) -> (i32, i32) {
    %c0_i32 = arith.constant 0 : i32
    %c0_i32_0 = arith.constant 0 : i32
    %c0_i32_1 = arith.constant 0 : i32
    return %c0_i32, %c0_i32_0 : i32, i32
  }
  func.func @transform_4(%arg0: i32) -> (i32, i32) {
    %c0_i32 = arith.constant 0 : i32
    %c0_i32_0 = arith.constant 0 : i32
    %c0_i32_1 = arith.constant 0 : i32
    return %c0_i32, %c0_i32_0 : i32, i32
  }
}

module attributes {stable_mosaic.version = 14 : i64} {
  func.func @_tc_main_body(%arg0: i32, %arg1: memref<1x1x4096xi32, #tpu.memory_space<vmem>>, %arg2: memref<4096x128xf32, #tpu.memory_space<vmem>>, %arg3: memref<4096x128xf32, #tpu.memory_space<vmem>>, %arg4: memref<4096x128xf32, #tpu.memory_space<vmem>>, %arg5: memref<512x384xf32, #tpu.memory_space<vmem>>, %arg6: memref<1x512xf32, #tpu.memory_space<vmem>>, %arg7: memref<512x384xf32, #tpu.memory_space<vmem>>, %arg8: memref<1x512xf32, #tpu.memory_space<vmem>>) attributes {dimension_semantics = [#tpu.dimension_semantics<arbitrary>], iteration_bounds = array<i64: 12>, scalar_prefetch = 0 : i64, scratch_operands = 2 : i64, tpu.core_type = #tpu.core_type<tc>, window_params = [{transform_indices = @transform_0, window_bounds = array<i64: 1, 1, 4096>}, {transform_indices = @transform_1, window_bounds = array<i64: 4096, 128>}, {transform_indices = @transform_2, window_bounds = array<i64: 4096, 128>}, {transform_indices = @transform_3, window_bounds = array<i64: 4096, 128>}, {pipeline_mode = #tpu.pipeline_mode<synchronous>, transform_indices = @transform_4, window_bounds = array<i64: 512, 384>}, {pipeline_mode = #tpu.pipeline_mode<synchronous>, transform_indices = @transform_5, window_bounds = array<i64: 1, 512>}]} {
    %get3A = arith.constant 0 : index
    %get3A_0 = arith.constant 0 : index
    %get3A_1 = arith.constant 0 : index
    %get3A_2 = vector.load %arg1[%get3A, %get3A_0, %get3A_1] : memref<1x1x4096xi32, #tpu.memory_space<vmem>>, vector<1x1x4096xi32>
    %get3A_3 = vector.shape_cast %get3A_2 : vector<1x1x4096xi32> to vector<4096xi32>
    %get3A_4 = arith.constant 0 : index
    %get3A_5 = arith.constant 0 : index
    %get3A_6 = vector.load %arg2[%get3A_4, %get3A_5] : memref<4096x128xf32, #tpu.memory_space<vmem>>, vector<4096x128xf32>
    %get3A_7 = arith.constant 0 : index
    %get3A_8 = arith.constant 0 : index
    %get3A_9 = vector.load %arg3[%get3A_7, %get3A_8] : memref<4096x128xf32, #tpu.memory_space<vmem>>, vector<4096x128xf32>
    %get3A_10 = arith.constant 0 : index
    %get3A_11 = arith.constant 0 : index
    %get3A_12 = vector.load %arg4[%get3A_10, %get3A_11] : memref<4096x128xf32, #tpu.memory_space<vmem>>, vector<4096x128xf32>
    %concatenate3A = tpu.concatenate %get3A_6, %get3A_9, %get3A_12 in 1 : vector<4096x128xf32>, vector<4096x128xf32>, vector<4096x128xf32> -> vector<4096x384xf32>
    %iota3A = tpu.iota {dimensions = array<i32: 0>} : vector<384x8xi32>
    %jit3A = arith.constant 128 : i32
    %div3A = vector.broadcast %jit3A : i32 to vector<384x8xi32>
    %div3A_13 = arith.divsi %iota3A, %div3A : vector<384x8xi32>
    %sign3A = arith.constant 0 : i32
    %sign3A_14 = vector.broadcast %sign3A : i32 to vector<384x8xi32>
    %sign3A_15 = arith.cmpi sgt, %iota3A, %sign3A_14 : vector<384x8xi32>
    %sign3A_16 = arith.extui %sign3A_15 : vector<384x8xi1> to vector<384x8xi32>
    %sign3A_17 = arith.constant 0 : i32
    %sign3A_18 = vector.broadcast %sign3A_17 : i32 to vector<384x8xi32>
    %sign3A_19 = arith.cmpi slt, %iota3A, %sign3A_18 : vector<384x8xi32>
    %sign3A_20 = arith.extui %sign3A_19 : vector<384x8xi1> to vector<384x8xi32>
    %sign3A_21 = arith.subi %sign3A_16, %sign3A_20 : vector<384x8xi32>
    %sign3A_22 = arith.constant 0 : i32
    %sign3A_23 = arith.cmpi sgt, %jit3A, %sign3A_22 : i32
    %sign3A_24 = arith.extui %sign3A_23 : i1 to i32
    %sign3A_25 = arith.constant 0 : i32
    %sign3A_26 = arith.cmpi slt, %jit3A, %sign3A_25 : i32
    %sign3A_27 = arith.extui %sign3A_26 : i1 to i32
    %sign3A_28 = arith.subi %sign3A_24, %sign3A_27 : i32
    %ne3A = vector.broadcast %sign3A_28 : i32 to vector<384x8xi32>
    %ne3A_29 = arith.cmpi ne, %sign3A_21, %ne3A : vector<384x8xi32>
    %rem3A = vector.broadcast %jit3A : i32 to vector<384x8xi32>
    %rem3A_30 = arith.remsi %iota3A, %rem3A : vector<384x8xi32>
    %ne3A_31 = arith.constant 0 : i32
    %ne3A_32 = vector.broadcast %ne3A_31 : i32 to vector<384x8xi32>
    %ne3A_33 = arith.cmpi ne, %rem3A_30, %ne3A_32 : vector<384x8xi32>
    %and3A = arith.andi %ne3A_29, %ne3A_33 : vector<384x8xi1>
    %sub3A = arith.constant 1 : i32
    %sub3A_34 = vector.broadcast %sub3A : i32 to vector<384x8xi32>
    %sub3A_35 = arith.subi %div3A_13, %sub3A_34 : vector<384x8xi32>
    %select_n3A = arith.select %and3A, %sub3A_35, %div3A_13 : vector<384x8xi1>, vector<384x8xi32>
    %iota3A_36 = tpu.iota {dimensions = array<i32: 1>} : vector<384x8xi32>
    %eq3A = arith.cmpi eq, %select_n3A, %iota3A_36 : vector<384x8xi32>
    %convert_element_type3A = arith.extui %eq3A : vector<384x8xi1> to vector<384x8xi32>
    %convert_element_type3A_37 = arith.sitofp %convert_element_type3A : vector<384x8xi32> to vector<384x8xf32>
    %iota3A_38 = tpu.iota {dimensions = array<i32: 1>} : vector<4096x8xi32>
    %ge3A = arith.constant 3 : i32
    %ge3A_39 = vector.broadcast %ge3A : i32 to vector<4096x8xi32>
    %ge3A_40 = arith.cmpi sge, %iota3A_38, %ge3A_39 : vector<4096x8xi32>
    %convert_element_type3A_41 = arith.extui %ge3A_40 : vector<4096x8xi1> to vector<4096x8xi32>
    %convert_element_type3A_42 = arith.sitofp %convert_element_type3A_41 : vector<4096x8xi32> to vector<4096x8xf32>
    %mul3A = arith.mulf %concatenate3A, %concatenate3A : vector<4096x384xf32>
    %dot_general3A = arith.constant dense<0.000000e+00> : vector<4096x8xf32>
    %dot_general3A_43 = tpu.matmul %mul3A, %convert_element_type3A_37, %dot_general3A {dimension_numbers = #tpu.dot_dimension_numbers<[1], [0], [0], [1], [0, 0, 1, 1], [], []>, transpose_lhs_hint = false} : vector<4096x384xf32>, vector<384x8xf32>, vector<4096x8xf32> -> vector<4096x8xf32>
    %add3A = arith.addf %dot_general3A_43, %convert_element_type3A_42 : vector<4096x8xf32>
    %rsqrt3A = math.rsqrt %add3A : vector<4096x8xf32>
    %dot_general3A_44 = arith.constant dense<0.000000e+00> : vector<4096x384xf32>
    %dot_general3A_45 = tpu.matmul %rsqrt3A, %convert_element_type3A_37, %dot_general3A_44 {dimension_numbers = #tpu.dot_dimension_numbers<[1], [1], [0], [0], [0, 0, 1, 0], [], []>, transpose_lhs_hint = false} : vector<4096x8xf32>, vector<384x8xf32>, vector<4096x384xf32> -> vector<4096x384xf32>
    %mul3A_46 = arith.mulf %concatenate3A, %dot_general3A_45 : vector<4096x384xf32>
    %iota3A_47 = tpu.iota {dimensions = array<i32: 1>} : vector<4096x512xi32>
    %broadcast_in_dim3A = vector.shape_cast %get3A_3 : vector<4096xi32> to vector<4096x1xi32>
    %eq3A_48 = vector.broadcast %broadcast_in_dim3A : vector<4096x1xi32> to vector<4096x512xi32>
    %eq3A_49 = arith.cmpi eq, %eq3A_48, %iota3A_47 : vector<4096x512xi32>
    %convert_element_type3A_50 = arith.extui %eq3A_49 : vector<4096x512xi1> to vector<4096x512xi32>
    %convert_element_type3A_51 = arith.sitofp %convert_element_type3A_50 : vector<4096x512xi32> to vector<4096x512xf32>
    %dot_general3A_52 = arith.constant dense<0.000000e+00> : vector<512x384xf32>
    %dot_general3A_53 = tpu.matmul %convert_element_type3A_51, %mul3A_46, %dot_general3A_52 {dimension_numbers = #tpu.dot_dimension_numbers<[0], [0], [1], [1], [0, 1, 1, 1], [], []>, transpose_lhs_hint = false} : vector<4096x512xf32>, vector<4096x384xf32>, vector<512x384xf32> -> vector<512x384xf32>
    %broadcast_in_dim3A_54 = arith.constant 1.000000e+00 : f32
    %broadcast_in_dim3A_55 = vector.broadcast %broadcast_in_dim3A_54 : f32 to vector<8x4096xf32>
    %dot_general3A_56 = arith.constant dense<0.000000e+00> : vector<8x512xf32>
    %dot_general3A_57 = tpu.matmul %broadcast_in_dim3A_55, %convert_element_type3A_51, %dot_general3A_56 {dimension_numbers = #tpu.dot_dimension_numbers<[1], [0], [0], [1], [0, 0, 1, 1], [], []>, transpose_lhs_hint = false} : vector<8x4096xf32>, vector<4096x512xf32>, vector<8x512xf32> -> vector<8x512xf32>
    %slice3A = vector.extract_strided_slice %dot_general3A_57 {offsets = [0, 0], sizes = [1, 512], strides = [1, 1]} : vector<8x512xf32> to vector<1x512xf32>
    %eq3A_58 = arith.constant 0 : i32
    %eq3A_59 = arith.cmpi eq, %arg0, %eq3A_58 : i32
    %convert_element_type3A_60 = arith.extui %eq3A_59 : i1 to i32
    %cond3A = arith.constant 0 : i32
    %cond3A_61 = arith.cmpi ne, %convert_element_type3A_60, %cond3A : i32
    scf.if %cond3A_61 {
      %swap3A = arith.constant 0 : index
      %swap3A_71 = arith.constant 0 : index
      %swap3A_72 = vector.load %arg7[%swap3A, %swap3A_71] : memref<512x384xf32, #tpu.memory_space<vmem>>, vector<512x384xf32>
      tpu.vector_store %arg7[%swap3A, %swap3A_71], %dot_general3A_53 {strides = array<i32>} : memref<512x384xf32, #tpu.memory_space<vmem>>, vector<512x384xf32>,
      %swap3A_73 = arith.constant 0 : index
      %swap3A_74 = arith.constant 0 : index
      %swap3A_75 = vector.load %arg8[%swap3A_73, %swap3A_74] : memref<1x512xf32, #tpu.memory_space<vmem>>, vector<1x512xf32>
      tpu.vector_store %arg8[%swap3A_73, %swap3A_74], %slice3A {strides = array<i32>} : memref<1x512xf32, #tpu.memory_space<vmem>>, vector<1x512xf32>,
    } else {
    }
    %gt3A = arith.constant 0 : i32
    %gt3A_62 = arith.cmpi sgt, %arg0, %gt3A : i32
    %convert_element_type3A_63 = arith.extui %gt3A_62 : i1 to i32
    %cond3A_64 = arith.constant 0 : i32
    %cond3A_65 = arith.cmpi ne, %convert_element_type3A_63, %cond3A_64 : i32
    scf.if %cond3A_65 {
      %get3A_71 = arith.constant 0 : index
      %get3A_72 = arith.constant 0 : index
      %get3A_73 = vector.load %arg7[%get3A_71, %get3A_72] : memref<512x384xf32, #tpu.memory_space<vmem>>, vector<512x384xf32>
      %add3A_74 = arith.addf %get3A_73, %dot_general3A_53 : vector<512x384xf32>
      %swap3A = arith.constant 0 : index
      %swap3A_75 = arith.constant 0 : index
      %swap3A_76 = vector.load %arg7[%swap3A, %swap3A_75] : memref<512x384xf32, #tpu.memory_space<vmem>>, vector<512x384xf32>
      tpu.vector_store %arg7[%swap3A, %swap3A_75], %add3A_74 {strides = array<i32>} : memref<512x384xf32, #tpu.memory_space<vmem>>, vector<512x384xf32>,
      %get3A_77 = arith.constant 0 : index
      %get3A_78 = arith.constant 0 : index
      %get3A_79 = vector.load %arg8[%get3A_77, %get3A_78] : memref<1x512xf32, #tpu.memory_space<vmem>>, vector<1x512xf32>
      %add3A_80 = arith.addf %get3A_79, %slice3A : vector<1x512xf32>
      %swap3A_81 = arith.constant 0 : index
      %swap3A_82 = arith.constant 0 : index
      %swap3A_83 = vector.load %arg8[%swap3A_81, %swap3A_82] : memref<1x512xf32, #tpu.memory_space<vmem>>, vector<1x512xf32>
      tpu.vector_store %arg8[%swap3A_81, %swap3A_82], %add3A_80 {strides = array<i32>} : memref<1x512xf32, #tpu.memory_space<vmem>>, vector<1x512xf32>,
    } else {
    }
    %eq3A_66 = arith.constant 11 : i32
    %eq3A_67 = arith.cmpi eq, %arg0, %eq3A_66 : i32
    %convert_element_type3A_68 = arith.extui %eq3A_67 : i1 to i32
    %cond3A_69 = arith.constant 0 : i32
    %cond3A_70 = arith.cmpi ne, %convert_element_type3A_68, %cond3A_69 : i32
    scf.if %cond3A_70 {
      %get3A_71 = arith.constant 0 : index
      %get3A_72 = arith.constant 0 : index
      %get3A_73 = vector.load %arg7[%get3A_71, %get3A_72] : memref<512x384xf32, #tpu.memory_space<vmem>>, vector<512x384xf32>
      %swap3A = arith.constant 0 : index
      %swap3A_74 = arith.constant 0 : index
      %swap3A_75 = vector.load %arg5[%swap3A, %swap3A_74] : memref<512x384xf32, #tpu.memory_space<vmem>>, vector<512x384xf32>
      tpu.vector_store %arg5[%swap3A, %swap3A_74], %get3A_73 {strides = array<i32>} : memref<512x384xf32, #tpu.memory_space<vmem>>, vector<512x384xf32>,
      %get3A_76 = arith.constant 0 : index
      %get3A_77 = arith.constant 0 : index
      %get3A_78 = vector.load %arg8[%get3A_76, %get3A_77] : memref<1x512xf32, #tpu.memory_space<vmem>>, vector<1x512xf32>
      %swap3A_79 = arith.constant 0 : index
      %swap3A_80 = arith.constant 0 : index
      %swap3A_81 = vector.load %arg6[%swap3A_79, %swap3A_80] : memref<1x512xf32, #tpu.memory_space<vmem>>, vector<1x512xf32>
      tpu.vector_store %arg6[%swap3A_79, %swap3A_80], %get3A_78 {strides = array<i32>} : memref<1x512xf32, #tpu.memory_space<vmem>>, vector<1x512xf32>,
    } else {
    }
    return
  }
  func.func @transform_0(%arg0: i32) -> (i32, i32, i32) {
    %add3A = arith.constant 4 : i32
    %add3A_0 = arith.addi %arg0, %add3A : i32
    %c0_i32 = arith.constant 0 : i32
    %c0_i32_1 = arith.constant 0 : i32
    %c0_i32_2 = arith.constant 0 : i32
    return %add3A_0, %c0_i32, %c0_i32_1 : i32, i32, i32
  }
  func.func @transform_1(%arg0: i32) -> (i32, i32) {
    %add3A = arith.constant 4 : i32
    %add3A_0 = arith.addi %arg0, %add3A : i32
    %c0_i32 = arith.constant 0 : i32
    %c0_i32_1 = arith.constant 0 : i32
    return %add3A_0, %c0_i32 : i32, i32
  }
  func.func @transform_2(%arg0: i32) -> (i32, i32) {
    %add3A = arith.constant 4 : i32
    %add3A_0 = arith.addi %arg0, %add3A : i32
    %c0_i32 = arith.constant 0 : i32
    %c0_i32_1 = arith.constant 0 : i32
    return %add3A_0, %c0_i32 : i32, i32
  }
  func.func @transform_3(%arg0: i32) -> (i32, i32) {
    %add3A = arith.constant 4 : i32
    %add3A_0 = arith.addi %arg0, %add3A : i32
    %c0_i32 = arith.constant 0 : i32
    %c0_i32_1 = arith.constant 0 : i32
    return %add3A_0, %c0_i32 : i32, i32
  }
  func.func @transform_4(%arg0: i32) -> (i32, i32) {
    %c0_i32 = arith.constant 0 : i32
    %c0_i32_0 = arith.constant 0 : i32
    %c0_i32_1 = arith.constant 0 : i32
    return %c0_i32, %c0_i32_0 : i32, i32
  }
  func.func @transform_5(%arg0: i32) -> (i32, i32) {
    %c0_i32 = arith.constant 0 : i32
    %c0_i32_0 = arith.constant 0 : i32
    %c0_i32_1 = arith.constant 0 : i32
    return %c0_i32, %c0_i32_0 : i32, i32
  }
}

</mosaic_0001>

<sc_bundles>
// kernel: kernel.5.cloned.1.call-start
scs
__scs_entry_jumppad:
0x0: {  	(pc) =	sbr.rel $0x88, $3  }
0x1: {  	(tag) =	ssettag $0x0;
	lr =	simm.s32 $0x1  }
0x2: {  	[smem:$0x3F9D] =	sst lr;
	_ =	strace $0xD0000000  }
0x3: {  	_ = 	snop  }
0x4: {  	_ = 	snop  }
0x5: {  	_ = 	snop  }
0x6: {  	_ = 	snop  }
0x7: {  	_ = 	snop  }
__scs_overlays_trampoline_lowered:
0x8: {  	[smem:$0x3FAC] =	sst s0  }
0x9: {  	[smem:$0x3FAD] =	sst s1  }
0xa: {  	[smem:$0x3FAE] =	sst s2  }
0xb: {  	[smem:$0x3FAF] =	sst s3  }
0xc: {  	[smem:$0x3FB0] =	sst s4  }
0xd: {  	[smem:$0x3FB1] =	sst s5  }
0xe: {  	[smem:$0x3FB2] =	sst s6  }
0xf: {  	[smem:$0x3FB3] =	sst s7  }
0x10: {  	[smem:$0x3FB4] =	sst s8  }
0x11: {  	[smem:$0x3FB5] =	sst s9;
	s0 =	simm.s32 @!p0 $0x0  }
0x12: {  	s1 =	sld [smem:$0x3F9B];
	s0 =	simm.s32 @p0 $0x1  }
0x13: {  	[smem:$0x3FB6] =	sst s0;
	s0 =	simm.s32 @!p1 $0x0  }
0x14: {  	s2 =	sld [smem:$0x3F9A];
	s0 =	simm.s32 @p1 $0x1  }
0x15: {  	[smem:$0x3FB7] =	sst s0;
	s0 =	simm.s32 @!p2 $0x0  }
0x16: {  	s3 =	sld [smem:$0x3FDB];
	s0 =	simm.s32 @p2 $0x1  }
0x17: {  	s4 =	simm.s32 $0x1BF5;
	[smem:$0x3FB9] =	sst s0  }
0x18: {  	s0 =	sld [smem:$0x3F9C];
	_ =	swait.ge [sflag:s4], $0x0  }
0x19: {  	s7 =	sld [smem:$0x3F9D]  }
0x1a: {  	s8 =	sadd.s32 $0xFFFFE003, lr  }
0x1b: {  	s9 =	sadd.s32 $0xFFFFFEF7, lr;
	s5 =	simm.s32 $0xFFFFFFFF;
	p2 =	slt.u32 s8, $0xFFFFF086  }
0x1c: {  	p1 =	slt.u32 s9, $0xF7A;
	s5 =	simm.s32 @!p2 $0x0  }
0x1d: {  	s5 =	simm.s32 @p1 $0x1;
	p0 =	seq.s32 s7, s2  }
0x1e: {  	s7 =	smul.u32 @!p0 $0xF7A, s2;
	p2 =	seq.s32 @!p0 s5, $0x0  }
0x1f: {  	s9 =	smul.u32 $0xF7A, s1;
	s8 =	simm.s32 @!p0 $0x1BF5;
	p2 =	por !p2, p0  }
0x20: {  	[sflag:s8] =	ssyncset.s32 @!p0 $0xFFFFF086;
	s6 =	sadd.s32 @!p0 s3, s7;
	s7 =	simm.s32 @!p0 $0x108  }
0x21: {  	s3 =	sadd.s32 s3, s9;
	s6 =	sadd.s32 @!p0 $0x88, s6;
	s7 =	simm.s32 @p2 $0x1082  }
0x22: {  	[simem:s7], [sflag:s8] =	dma.local @!p0 [hbm:s6], $0xF7A  }
0x23: {  	s9 =	sor.u32 $0xD0000000, s2;
	s6 =	simm.s32 $0x108;
	_ =	swait.ge @!p0 [sflag:s8], $0x0  }
0x24: {  	s3 =	sadd.s32 $0x88, s3;
	s6 =	simm.s32 @!p1 $0x1082;
	[sflag:s4] =	ssyncset.s32 $0xFFFFF086  }
0x25: {  	[simem:s6], [sflag:s4] =	dma.local [hbm:s3], $0xF7A  }
0x26: {  	[smem:$0x3F9D] =	sst s1;
	(tag) =	ssettag s2;
	_ =	strace s9  }
0x27: {  	s1 =	sld [smem:$0x3FAD]  }
0x28: {  	s2 =	sld [smem:$0x3FAE]  }
0x29: {  	s4 =	sld [smem:$0x3FB0]  }
0x2a: {  	p0 =	seq.s32 s5, $0x0;
	s5 =	sld [smem:$0x3FB1]  }
0x2b: {  	s6 =	sld [smem:$0x3FB2]  }
0x2c: {  	s7 =	sld [smem:$0x3FB3]  }
0x2d: {  	s3 =	simm.s32 $0x108;
	s8 =	sld [smem:$0x3FB4]  }
0x2e: {  	s3 =	simm.s32 @!p0 $0x1082;
	s9 =	sld [smem:$0x3FB5]  }
0x2f: {  	lr =	sadd.s32 s0, s3;
	s0 =	sld [smem:$0x3FAC]  }
0x30: {  	s3 =	sld [smem:$0x3FAF]  }
0x31: {  	[smem:$0x3FB8] =	sst s10  }
0x32: {  	s10 =	sld [smem:$0x3FB6];
	_ =	sdelay $0x3  }
0x33: {  	p0 =	seq.s32 s10, $0x1;
	s10 =	sld [smem:$0x3FB8];
	_ =	sdelay $0x3  }
0x34: {  	[smem:$0x3FB8] =	sst s10  }
0x35: {  	s10 =	sld [smem:$0x3FB7];
	_ =	sdelay $0x3  }
0x36: {  	p1 =	seq.s32 s10, $0x1;
	s10 =	sld [smem:$0x3FB8];
	_ =	sdelay $0x3  }
0x37: {  	[smem:$0x3FB8] =	sst s10  }
0x38: {  	s10 =	sld [smem:$0x3FB9]  }
0x39: {  	_ = 	snop;
	(pc) =	sbr.ind lr, $3  }
0x3a: {  	_ = 	snop  }
0x3b: {  	_ = 	snop  }
0x3c: {  	p2 =	seq.s32 s10, $0x1;
	s10 =	sld [smem:$0x3FB8]  }
0x3d: {  	_ =	shalt  }
0x3e: {  	_ =	shalt  }
0x3f: {  	_ =	shalt  }
0x40: {  	_ =	shalt  }
0x41: {  	_ =	shalt  }
0x42: {  	_ =	shalt  }
0x43: {  	_ =	shalt  }
0x44: {  	_ =	shalt  }
0x45: {  	_ =	shalt  }
0x46: {  	_ =	shalt  }
0x47: {  	_ =	shalt  }
0x48: {  	_ =	shalt  }
0x49: {  	_ =	shalt  }
0x4a: {  	_ =	shalt  }
0x4b: {  	_ =	shalt  }
0x4c: {  	_ =	shalt  }
0x4d: {  	_ =	shalt  }
0x4e: {  	_ =	shalt  }
0x4f: {  	_ =	shalt  }
0x50: {  	_ =	shalt  }
0x51: {  	_ =	shalt  }
0x52: {  	_ =	shalt  }
0x53: {  	_ =	shalt  }
0x54: {  	_ =	shalt  }
0x55: {  	_ =	shalt  }
0x56: {  	_ =	shalt  }
0x57: {  	_ =	shalt  }
0x58: {  	_ =	shalt  }
0x59: {  	_ =	shalt  }
0x5a: {  	_ =	shalt  }
0x5b: {  	_ =	shalt  }
0x5c: {  	_ =	shalt  }
0x5d: {  	_ =	shalt  }
0x5e: {  	_ =	shalt  }
0x5f: {  	_ =	shalt  }
0x60: {  	_ =	shalt  }
0x61: {  	_ =	shalt  }
0x62: {  	_ =	shalt  }
0x63: {  	_ =	shalt  }
0x64: {  	_ =	shalt  }
0x65: {  	_ =	shalt  }
0x66: {  	_ =	shalt  }
0x67: {  	_ =	shalt  }
0x68: {  	_ =	shalt  }
0x69: {  	_ =	shalt  }
0x6a: {  	_ =	shalt  }
0x6b: {  	_ =	shalt  }
0x6c: {  	_ =	shalt  }
0x6d: {  	_ =	shalt  }
0x6e: {  	_ =	shalt  }
0x6f: {  	_ =	shalt  }
0x70: {  	_ =	shalt  }
0x71: {  	_ =	shalt  }
0x72: {  	_ =	shalt  }
0x73: {  	_ =	shalt  }
0x74: {  	_ =	shalt  }
0x75: {  	_ =	shalt  }
0x76: {  	_ =	shalt  }
0x77: {  	_ =	shalt  }
0x78: {  	_ =	shalt  }
0x79: {  	_ =	shalt  }
0x7a: {  	_ =	shalt  }
0x7b: {  	_ =	shalt  }
0x7c: {  	_ =	shalt  }
0x7d: {  	_ =	shalt  }
0x7e: {  	_ =	shalt  }
0x7f: {  	_ =	shalt  }
0x80: {  	_ =	shalt  }
0x81: {  	_ =	shalt  }
0x82: {  	_ =	shalt  }
0x83: {  	_ =	shalt  }
0x84: {  	_ =	shalt  }
0x85: {  	_ =	shalt  }
0x86: {  	_ =	shalt  }
0x87: {  	_ =	shalt  }
.Lfunc_end0:
.L_simem_size_0:
called_computation_lowered:
.L_overlay_start_0:
0x88: {  	s2 =	sld [smem:$0x3FD9]  }
0x89: {  	s3 =	sld [smem:$0x3FFE];
	_ =	sdelay $0x1  }
0x8a: {  	s1 =	srdreg.scid  }
0x8b: {  	s0 =	sand.u32 $0x1, s1  }
0x8c: {  	s17 =	sshll.u32 s0, $0xA;
	s2 =	sadd.s32 s3, s2  }
0x8d: {  	s2 =	sadd.s32 s2, s17  }
0x8e: {  	[smem:$0x3FC4] =	sst s2  }
0x8f: {  	_ = 	snop  }
0x90: {  	s2 =	sld [smem:$0x3FC9]  }
0x91: {  	s18 =	sld [smem:$0x3FC8]  }
0x92: {  	s4 =	sld [smem:$0x3FC7]  }
0x93: {  	s5 =	sld [smem:$0x3FC6];
	(tm) =	ssettm $0x1  }
0x94: {  	s6 =	sld [smem:$0x3FFB];
	_ =	sdelay $0x3  }
0x95: {  	_ =	strace s6  }
0x96: {  	s6 =	sld [smem:$0x3FFC];
	_ =	sdelay $0x3  }
0x97: {  	_ =	strace s6  }
0x98: {  	s6 =	sld [smem:$0x3FFD];
	_ =	sdelay $0x3  }
0x99: {  	_ =	strace s6  }
0x9a: {  	_ =	strace $0x8FFFFFFF  }
0x9b: {  	s19 =	sld [smem:$0x3FDB];
	_ =	sdelay $0x1  }
0x9c: {  	s7 =	simm.s32 $_scs_section_size  }
0x9d: {  	s8 =	simm.s32 $_size__tile_overlayer_lowered;
	s9 =	simm.s32 $_tile_overlayer_lowered  }
0x9e: {  	s22 =	simm.s32 $0x1BFF;
	s21 =	sshll.u32 s9, $0x1;
	s6 =	sadd.s32 s7, s19  }
0x9f: {  	s10 =	simm.s32 $0x0;
	s20 =	sshll.u32 s8, $0x1;
	s8 =	sadd.s32 s21, s6  }
0xa0: {  	[timem:s10], [sflag:s22] =	dma.local [hbm:s8], s20  }
0xa1: {  	_ =	swait.ge [sflag:s22], s20  }
0xa2: {  	s7 =	ssub.s32 $0x0, s20;
	[sflag:s22] =	ssyncset.done $0x0  }
0xa3: {  	[sflag:s22] =	ssyncadd.s32 s7;
	_ =	sdelay $0x1  }
0xa4: {  	s23 =	simm.s32 $0x1B8B  }
0xa5: {  	_ =	swait.ge [sflag:s23], $0x1  }
0xa6: {  	[sflag:s23] =	ssyncset.done $0x0  }
0xa7: {  	s25 =	simm.s32 $0x1B8E;
	s24 =	sld [smem:$0x3FFE];
	[sflag:s23] =	ssyncadd.s32 $0xFFFFFFFF  }
0xa8: {  	s26 =	simm.s32 $execute0_lowered;
	[smem:$0x3FD2] =	sst s25  }
0xa9: {  	s8 =	sshll.u32 s26, $0x1;
	_ =	strace $0x80000046;
	[dreg:$0x1] =	wrdreg $0xFFFFFFFF  }
0xaa: {  	s28 =	simm.s32 $_size_execute0_lowered;
	s6 =	sadd.s32 s6, s8;
	[dreg:$0x0] =	wrdreg $0x0  }
0xab: {  	s8 =	sshll.u32 s28, $0x1;
	[dreg:$0x2] =	wrdreg s6  }
0xac: {  	[dreg:$0x3] =	wrdreg s8  }
0xad: {  	[dreg:$0x4] =	wrdreg $0xC0  }
0xae: {  	_ =	task [dreg:s10], $0x5FFFF  }
0xaf: {  	[dreg:$0x1] =	wrdreg $0xFFFFFFFF  }
0xb0: {  	[dreg:$0x0] =	wrdreg $0x60  }
0xb1: {  	[dreg:$0x2] =	wrdreg s2  }
0xb2: {  	[dreg:$0x3] =	wrdreg s18  }
0xb3: {  	[dreg:$0x4] =	wrdreg s4  }
0xb4: {  	[dreg:$0x5] =	wrdreg s5  }
0xb5: {  	[dreg:$0x6] =	wrdreg s24  }
0xb6: {  	[dreg:$0x7] =	wrdreg $0x9  }
0xb7: {  	_ =	task.clear_ibuf [dreg:s10], $0x8FFFF;
	_ =	strace $0x90000046  }
0xb8: {  	s29 =	simm.s32 $0x9;
	_ =	strace $0x80000048  }
0xb9: {  	_ =	swait.ge [sflag:s29], $0x1  }
0xba: {  	[sflag:s29] =	ssyncadd.s32 $0xFFFFFFFF  }
0xbb: {  	_ =	strace $0x90000048  }
0xbc: {  	_ =	sfence  }
0xbd: {  	s30 =	sld [smem:$0x0];
	_ =	sdelay $0x2  }
0xbe: {  	s31 =	sshll.u32 s1, $0xD;
	s1 =	sshrl.u32 s1, $0x2  }
0xbf: {  	s3 =	sand.u32 $0x4000, s31;
	s1 =	sadd.s32 s1, s30  }
0xc0: {  	s0 =	sor.u32 s3, s0;
	s1 =	sshll.u32 s1, $0x11  }
0xc1: {  	s0 =	sor.u32 s1, s0  }
0xc2: {  	s0 =	sadd.s32 $0x8F2B, s0  }
0xc3: {  	[sflag:s0] =	ssyncadd.remote.s32 $0x1  }
0xc4: {  	_ =	sfence.sel $0xFFFF  }
0xc5: {  	[dreg:$0x0] =	wrdreg $0xFFFFFFFF;
	(pc) =	sbr.abs _section_cstart, $3  }
0xc6: {  	[dreg:$0x1] =	wrdreg $0xFFFFFFFF  }
0xc7: {  	_ =	task.clear_ibuf [dreg:s10], $0x2FFFF;
	_ =	strace $0x9FFFFFFF  }
0xc8: {  	(tm) =	ssettm $0x7FFFFFFF  }
0xc9: {  	_ =	shalt  }
tec
execute0_lowered:
.L_overlay_start_1:
0x0: {  	(tag) =	ssettag $0x1  }
0x1: {  	s5 =	rddreg [dreg:$0x0]  }
0x2: {  	s1 =	rddreg [dreg:$0x1]  }
0x3: {  	s0 =	rddreg [dreg:$0x2]  }
0x4: {  	s3 =	rddreg [dreg:$0x3]  }
0x5: {  	v0 =	vimm.s32 $0xEFCDAB89;
	v1 =	vimm.s32 $0x67452301;
	v2 =	vimm.s32 $0xDCFE98BA;
	s4 =	rddreg [dreg:$0x4]  }
0x6: {  	v3 =	vimm.s32 $0x54761032;
	v4 =	vimm.s32 $0xBA98FEDC;
	v5 =	vimm.s32 $0x32107654;
	s2 =	simm.s32 $0x0;
	s6 =	srdreg.scid;
	s7 =	stileid.u32  }
0x7: {  	v6 =	vimm.s32 $0xFEDCBA98;
	v7 =	vimm.s32 $0x76543210;
	v59 =	vimm.f32 $0.0e+00;
	s21 =	simm.s32 $0x3;
	s22 =	simm.s32 $0x200;
	s23 =	simm.s32 $0x4200  }
0x8: {  	v29 =	vimm.s32 $0x1;
	v27 =	vimm.s32 $0x0;
	v28 =	vlaneseq.u32;
	s24 =	simm.s32 $0x1;
	s25 =	simm.s32 $0x8200;
	s26 =	simm.s32 $0x18200  }
0x9: {  	v56 =	vimm.s32 $0x2;
	v57 =	vimm.s32 $0x3;
	s28 =	simm.s32 $0x2;
	v0 =	vunpack.c.l.s4.s8 v0;
	s6 =	sand.u32 $0x1, s6;
	s7 =	sshll.u32 s7, $0x1  }
0xa: {  	s29 =	simm.s32 $0x0;
	v1 =	vunpack.c.l.s4.s8 v1;
	v2 =	vunpack.c.l.s4.s8 v2;
	v3 =	vunpack.c.l.s4.s8 v3;
	[smem:$0x7FF] =	sst s2;
	s7 =	sor.u32 s6, s7  }
0xb: {  	v4 =	vunpack.c.l.s4.s8 v4;
	v5 =	vunpack.c.l.s4.s8 v5;
	v6 =	vunpack.c.l.s4.s8 v6;
	_ =	strace $0x80000047;
	s6 =	ssub.s32 $0x2, s6;
	s15 =	sshll.u32 s7, $0xD  }
0xc: {  	v7 =	vunpack.c.l.s4.s8 v7;
	v51 =	vor.u32 $0x10, v28;
	v53 =	vor.u32 $0x20, v28;
	s7 =	sshll.u32 s7, $0x6;
	s8 =	sshrl.u32 s6, $0x1;
	s19 =	sadd.s32 s15, s4  }
0xd: {  	v54 =	vor.u32 $0x30, v28;
	v0 =	vunpack.c.0.s8.s32 v0;
	v1 =	vunpack.c.0.s8.s32 v1;
	s9 =	sadd.s32 s7, s4;
	s20 =	ssub.s32 s6, s8;
	s3 =	sadd.s32 s3, s7  }
0xe: {  	[tilespmem:$0x1FFC0] =	vst v51;
	v2 =	vunpack.c.0.s8.s32 v2;
	v3 =	vunpack.c.0.s8.s32 v3;
	v55 =	vunpack.c.0.s8.s32 v6;
	s4 =	sadd.s32 s5, s15;
	s16 =	sor.u32 $0x800, s15;
	s10 =	sadd.s32 s1, s15  }
0xf: {  	[tilespmem:$0x1FFD0] =	vst v53;
	v4 =	vunpack.c.0.s8.s32 v4;
	v5 =	vunpack.c.0.s8.s32 v5;
	s15 =	sadd.s32 s0, s15;
	v1 =	vcombine.low v1, v0;
	s5 =	sadd.s32 s5, s16;
	s6 =	sadd.s32 $0x1000, s4  }
0x10: {  	[tilespmem:$0x1FFE0] =	vst v54;
	v2 =	vcombine.low v3, v2;
	v6 =	vand.u32 $0xF, v55;
	s7 =	sadd.s32 $0x1800, s4;
	s8 =	sadd.s32 $0x1600, s19;
	s9 =	sadd.s32 $0xE00, s9;
	v55 =	vor.u32 $0x40, v28  }
0x11: {  	v58 =	vunpack.c.0.s8.s32 v7;
	v4 =	vcombine.low v5, v4;
	s11 =	sadd.s32 s1, s16;
	s12 =	sadd.s32 $0x1000, s10;
	s13 =	sadd.s32 $0x1800, s10;
	[tilespmem:$0x1FFF0] =	vst v55;
	v63 =	vand.u32 $0xF, v1  }
0x12: {  	v13 =	vor.u32 $0x50, v28;
	v14 =	vor.u32 $0x60, v28;
	s14 =	sadd.s32 $0x41600, s19;
	s16 =	sadd.s32 s0, s16;
	s17 =	sadd.s32 $0x1000, s15;
	v60 =	vand.u32 $0xF, v2;
	[tilespmem:$0x1FFA0] =	vst v63  }
0x13: {  	v15 =	vor.u32 $0x70, v28;
	s18 =	sadd.s32 $0x1800, s15;
	s19 =	sadd.s32 $0x81600, s19;
	s20 =	smax.u32 s20, $0x1;
	v62 =	vcombine.low v6, v58;
	v61 =	vand.u32 $0xF, v4;
	[tilespmem:$0x1FFB0] =	vst v60  }
.LBB2_1:
0x14: {  	[tilespmem:s2], [sflag:$0x3] =	stream.linear.gather [hbm4b:s3+s2], $0x200, $0x38;
	[tilespmem:$0x18400] =	vst v63  }
0x15: {  	_ =	swait.ge [sflag:s21], $0x200  }
0x16: {  	[sflag:s21] =	ssyncset.done $0x0  }
0x17: {  	s1 =	simm.s32 $0x18220;
	[sflag:s21] =	ssyncadd.s32 $0xFFFFFE00  }
0x18: {  	[tilespmem:s1+$0xFFFFFFE0] =	vst v59  }
0x19: {  	[tilespmem:s1+$0x10] =	vst v59  }
0x1a: {  	s30 =	simm.s32 $0x0;
	[tilespmem:s1+$0x0] =	vst v59  }
.LBB2_2:
0x1b: {  	s30 =	sadd.s32 $0x4, s30  }
0x1c: {  	[tilespmem:s1+$0xFFFFFFF0] =	vst v59;
	s1 =	sadd.s32 $0x40, s1;
	s0 =	simm.s32 $0x8300;
	p0 =	slt.u32 s30, $0x1C  }
.Ltmp0:
0x1d: {  	[tilespmem:s1+$0xFFFFFFE0] =	vst v59;
	(pc) =	sbr.rel @p0 .LBB2_2-.Ltmp0, $3  }
0x1e: {  	_ =	sdelay $0x1  }
0x1f: {  	[tilespmem:s1+$0x10] =	vst v59  }
0x20: {  	[tilespmem:s1+$0x0] =	vst v59  }
0x21: {  	[tilespmem:s1+$0xFFFFFFF0] =	vst v59  }
0x22: {  	[tilespmem:s0+$0xFFFFFF00] =	vst v59  }
0x23: {  	[tilespmem:s0+$0xF0] =	vst v59  }
0x24: {  	[tilespmem:s0+$0xE0] =	vst v59  }
0x25: {  	[tilespmem:s0+$0xD0] =	vst v59  }
0x26: {  	[tilespmem:s0+$0xC0] =	vst v59  }
0x27: {  	[tilespmem:s0+$0xB0] =	vst v59  }
0x28: {  	[tilespmem:s0+$0xA0] =	vst v59  }
0x29: {  	[tilespmem:s0+$0x90] =	vst v59  }
0x2a: {  	[tilespmem:s0+$0x80] =	vst v59  }
0x2b: {  	[tilespmem:s0+$0x70] =	vst v59  }
0x2c: {  	[tilespmem:s0+$0x60] =	vst v59  }
0x2d: {  	[tilespmem:s0+$0x50] =	vst v59  }
0x2e: {  	[tilespmem:s0+$0x40] =	vst v59  }
0x2f: {  	[tilespmem:s0+$0x30] =	vst v59  }
0x30: {  	[tilespmem:s0+$0x20] =	vst v59  }
0x31: {  	[tilespmem:s0+$0x10] =	vst v59  }
0x32: {  	[tilespmem:s0+$0x0] =	vst v59  }
0x33: {  	[tilespmem:s0+$0xFFFFFFF0] =	vst v59  }
0x34: {  	[tilespmem:s0+$0xFFFFFFE0] =	vst v59  }
0x35: {  	[tilespmem:s0+$0xFFFFFFD0] =	vst v59  }
0x36: {  	[tilespmem:s0+$0xFFFFFFC0] =	vst v59  }
0x37: {  	[tilespmem:s0+$0xFFFFFFB0] =	vst v59  }
0x38: {  	[tilespmem:s0+$0xFFFFFFA0] =	vst v59  }
0x39: {  	[tilespmem:s0+$0xFFFFFF90] =	vst v59  }
0x3a: {  	[tilespmem:s0+$0xFFFFFF80] =	vst v59  }
0x3b: {  	[tilespmem:s0+$0xFFFFFF70] =	vst v59  }
0x3c: {  	[tilespmem:s0+$0xFFFFFF60] =	vst v59  }
0x3d: {  	[tilespmem:s0+$0xFFFFFF50] =	vst v59  }
0x3e: {  	[tilespmem:s0+$0xFFFFFF40] =	vst v59  }
0x3f: {  	[tilespmem:s0+$0xFFFFFF30] =	vst v59  }
0x40: {  	s1 =	simm.s32 $0x0;
	[tilespmem:s0+$0xFFFFFF20] =	vst v59  }
.LBB2_4:
0x41: {  	s1 =	sadd.s32 $0x4, s1;
	[tilespmem:s0+$0xFFFFFF10] =	vst v59;
	s0 =	sadd.s32 $0x200, s0  }
0x42: {  	[tilespmem:s0+$0xFFFFFF00] =	vst v59;
	p0 =	slt.u32 s1, $0x1FC  }
0x43: {  	[tilespmem:s0+$0xF0] =	vst v59  }
0x44: {  	[tilespmem:s0+$0xE0] =	vst v59  }
0x45: {  	[tilespmem:s0+$0xD0] =	vst v59  }
0x46: {  	[tilespmem:s0+$0xC0] =	vst v59  }
0x47: {  	[tilespmem:s0+$0xB0] =	vst v59  }
0x48: {  	[tilespmem:s0+$0xA0] =	vst v59  }
0x49: {  	[tilespmem:s0+$0x90] =	vst v59  }
0x4a: {  	[tilespmem:s0+$0x80] =	vst v59  }
0x4b: {  	[tilespmem:s0+$0x70] =	vst v59  }
0x4c: {  	[tilespmem:s0+$0x60] =	vst v59  }
0x4d: {  	[tilespmem:s0+$0x50] =	vst v59  }
0x4e: {  	[tilespmem:s0+$0x40] =	vst v59  }
0x4f: {  	[tilespmem:s0+$0x30] =	vst v59  }
0x50: {  	[tilespmem:s0+$0x20] =	vst v59  }
0x51: {  	[tilespmem:s0+$0x10] =	vst v59  }
0x52: {  	[tilespmem:s0+$0x0] =	vst v59  }
0x53: {  	[tilespmem:s0+$0xFFFFFFF0] =	vst v59  }
0x54: {  	[tilespmem:s0+$0xFFFFFFE0] =	vst v59  }
0x55: {  	[tilespmem:s0+$0xFFFFFFD0] =	vst v59  }
0x56: {  	[tilespmem:s0+$0xFFFFFFC0] =	vst v59  }
0x57: {  	[tilespmem:s0+$0xFFFFFFB0] =	vst v59  }
0x58: {  	[tilespmem:s0+$0xFFFFFFA0] =	vst v59  }
0x59: {  	[tilespmem:s0+$0xFFFFFF90] =	vst v59  }
0x5a: {  	[tilespmem:s0+$0xFFFFFF80] =	vst v59  }
0x5b: {  	[tilespmem:s0+$0xFFFFFF70] =	vst v59  }
.Ltmp1:
0x5c: {  	[tilespmem:s0+$0xFFFFFF60] =	vst v59;
	(pc) =	sbr.rel @p0 .LBB2_4-.Ltmp1, $4  }
0x5d: {  	[tilespmem:s0+$0xFFFFFF50] =	vst v59  }
0x5e: {  	[tilespmem:s0+$0xFFFFFF40] =	vst v59  }
0x5f: {  	[tilespmem:s0+$0xFFFFFF30] =	vst v59  }
0x60: {  	[tilespmem:s0+$0xFFFFFF20] =	vst v59  }
0x61: {  	[tilespmem:s0+$0xFFFFFF10] =	vst v59;
	s0 =	simm.s32 $0x0;
	p1 =	por $0x1, $0x1;
	s1 =	smov.u32 s5  }
0x62: {  	[tilespmem:s22], [sflag:$0x1] =	stream.linear.gather [hbm4b:s4+s0], $0x4000, $0x38;
	[tilespmem:$0x18400] =	vst v63  }
.LBB2_6:
0x63: {  	[tilespmem:s23], [sflag:$0x2] =	stream.linear.gather [hbm4b:s1+s2], $0x4000, $0x38;
	[tilespmem:$0x18400] =	vst v63  }
0x64: {  	s1 =	sshra.s32 s0, $0x2;
	_ =	swait.ge [sflag:s24], $0x4000  }
0x65: {  	p0 =	por p1, p1;
	s31 =	simm.s32 $0xFFFFFFF0;
	[sflag:s24] =	ssyncset.done $0x0  }
0x66: {  	s0 =	simm.s32 $0x600;
	s30 =	smov.u32 s1;
	[sflag:s24] =	ssyncadd.s32 $0xFFFFC000  }
.LBB2_7:
0x67: {  	v5 =	vld [tilespmem:s0+$0xFFFFFC00]  }
0x68: {  	v6 =	vld [tilespmem:s0+$0xFFFFFC10];
	_ =	sdelay $0x1  }
0x69: {  	v17 =	vld [tilespmem:s0+$0xFFFFFC20];
	_ =	sdelay $0x1  }
0x6a: {  	v31 =	vld [tilespmem:s0+$0xFFFFFC30]  }
0x6b: {  	v7 =	vmul.f32 v5, v5;
	v18 =	vmul.f32 v6, v6  }
0x6c: {  	v35 =	vld [tilespmem:s0+$0xFFFFFC40]  }
0x6d: {  	v32 =	vmul.f32 v17, v17;
	v7 =	vadd.f32 v18, v7  }
0x6e: {  	v37 =	vld [tilespmem:s0+$0xFFFFFC50]  }
0x6f: {  	v38 =	vld [tilespmem:s0+$0xFFFFFC60];
	v33 =	vmul.f32 v31, v31;
	v7 =	vadd.f32 v7, v32  }
0x70: {  	v26 =	vld [tilespmem:s0+$0xFFFFFC80]  }
0x71: {  	v43 =	vld [tilespmem:s0+$0xFFFFFC90];
	v34 =	vmul.f32 v35, v35;
	v7 =	vadd.f32 v7, v33  }
0x72: {  	v36 =	vld [tilespmem:s0+$0xFFFFFC70]  }
0x73: {  	v23 =	vld [tilespmem:s0+$0xFFFFFCA0];
	v39 =	vmul.f32 v37, v37;
	v7 =	vadd.f32 v7, v34;
	_ =	sdelay $0x1  }
0x74: {  	v42 =	vmul.f32 v38, v38;
	v32 =	vld [tilespmem:s0+$0xFFFFFCB0];
	v7 =	vadd.f32 v7, v39  }
0x75: {  	v45 =	vmul.f32 v26, v26;
	v19 =	vmul.f32 v43, v43  }
0x76: {  	v22 =	vld [tilespmem:s0+$0xFFFFFCC0];
	v44 =	vmul.f32 v36, v36;
	v7 =	vadd.f32 v7, v42  }
0x77: {  	v46 =	vmul.f32 v23, v23;
	v18 =	vadd.f32 v19, v45  }
0x78: {  	v42 =	vld [tilespmem:s0+$0xFFFFFCD0];
	v7 =	vadd.f32 v7, v44  }
0x79: {  	v18 =	vadd.f32 v18, v46;
	v47 =	vmul.f32 v32, v32  }
0x7a: {  	v19 =	vld [tilespmem:s0+$0xFFFFFCE0];
	v20 =	vperm.xlane v7, v63  }
0x7b: {  	v24 =	vmul.f32 v22, v22;
	v18 =	vadd.f32 v18, v47  }
0x7c: {  	v7 =	vadd.f32 v7, v20;
	v20 =	vld [tilespmem:s0+$0xFFFFFCF0]  }
0x7d: {  	v18 =	vadd.f32 v18, v24;
	v48 =	vmul.f32 v42, v42  }
0x7e: {  	v21 =	vperm.xlane v7, v60  }
0x7f: {  	v49 =	vmul.f32 v19, v19;
	v18 =	vadd.f32 v18, v48  }
0x80: {  	v7 =	vadd.f32 v7, v21  }
0x81: {  	v18 =	vadd.f32 v18, v49;
	v50 =	vmul.f32 v20, v20  }
0x82: {  	v24 =	vperm.xlane v7, v61  }
0x83: {  	v18 =	vadd.f32 v18, v50  }
0x84: {  	v7 =	vadd.f32 v7, v24  }
0x85: {  	v21 =	vperm.xlane v18, v63  }
0x86: {  	v25 =	vperm.xlane v7, v62  }
0x87: {  	v18 =	vadd.f32 v18, v21  }
0x88: {  	v24 =	vld [tilespmem:s0+$0xFFFFFD00];
	v7 =	vadd.f32 v7, v25  }
0x89: {  	v25 =	vld [tilespmem:s0+$0xFFFFFD10];
	v39 =	vperm.xlane v18, v60  }
0x8a: {  	v30 =	vmul.f32 $5.000000000e-01, v7;
	v7 =	vshrl.u32 v7, $0x1  }
0x8b: {  	v21 =	vld [tilespmem:s0+$0xFFFFFD20];
	v33 =	vsub.s32 $0x5F3759DF, v7;
	v18 =	vadd.f32 v18, v39  }
0x8c: {  	v34 =	vmul.f32 v33, v30  }
0x8d: {  	v40 =	vmul.f32 v24, v24;
	v7 =	vld [tilespmem:s0+$0xFFFFFD30];
	v46 =	vperm.xlane v18, v61  }
0x8e: {  	v41 =	vld [tilespmem:s0+$0xFFFFFD40];
	v44 =	vmul.f32 v25, v25;
	v45 =	vmul.f32 v33, v34  }
0x8f: {  	v39 =	vld [tilespmem:s0+$0xFFFFFD50];
	v18 =	vadd.f32 v18, v46  }
0x90: {  	v52 =	vmul.f32 v21, v21;
	v34 =	vld [tilespmem:s30+$0x0];
	v40 =	vadd.f32 v44, v40;
	v45 =	vsub.f32 $1.500000000e+00, v45  }
0x91: {  	v48 =	vperm.xlane v18, v62  }
0x92: {  	v47 =	vmul.f32 v7, v7;
	v44 =	vadd.f32 v40, v52;
	v45 =	vmul.f32 v33, v45  }
0x93: {  	v58 =	vmul.f32 v41, v41;
	v40 =	vld [tilespmem:s0+$0xFFFFFD60];
	v18 =	vadd.f32 v18, v48  }
0x94: {  	v3 =	vmul.f32 v39, v39;
	v44 =	vadd.f32 v44, v47;
	v59 =	vmul.f32 v45, v30  }
0x95: {  	v33 =	vld [tilespmem:s0+$0xFFFFFD70];
	v0 =	vperm.xlane v34, v27;
	v50 =	vmul.f32 $5.000000000e-01, v18;
	v18 =	vshrl.u32 v18, $0x1  }
0x96: {  	v44 =	vadd.f32 v44, v58;
	v47 =	vmul.f32 v59, v45;
	v18 =	vsub.s32 $0x5F3759DF, v18  }
0x97: {  	v48 =	vshll.u32 v0, $0x7;
	v10 =	vmul.f32 v18, v50  }
0x98: {  	v4 =	vmul.f32 v40, v40;
	v44 =	vadd.f32 v44, v3;
	v47 =	vsub.f32 $1.500000000e+00, v47  }
0x99: {  	v49 =	vor.u32 v28, v48;
	v9 =	vor.u32 v51, v48;
	v51 =	vmul.f32 v18, v10  }
0x9a: {  	v8 =	vmul.f32 v33, v33;
	v44 =	vadd.f32 v44, v4;
	v45 =	vmul.f32 v47, v45  }
0x9b: {  	v1 =	vor.u32 v55, v48;
	v55 =	vld [tilespmem:$0x1FFC0];
	v59 =	vsub.f32 $1.500000000e+00, v51  }
0x9c: {  	[tilespmem:$0x1FF70] =	vst v0;
	v44 =	vadd.f32 v44, v8;
	v5 =	vmul.f32 v45, v5;
	v0 =	vmul.f32 v45, v17;
	v17 =	vld [tilespmem:s0+$0xFFFFFD80]  }
0x9d: {  	v11 =	vor.u32 v53, v48;
	v6 =	vmul.f32 v45, v6;
	v51 =	vmul.f32 v18, v59;
	v18 =	vld [tilespmem:s0+$0xFFFFFD90]  }
0x9e: {  	v58 =	vor.u32 v54, v48;
	v52 =	vperm.xlane v44, v63;
	[tilespmem:v49+s25+$0x0] =	vst.idx.add.f32.msk $0xffff, v5  }
0x9f: {  	v31 =	vmul.f32 v45, v31;
	v35 =	vmul.f32 v45, v35;
	[tilespmem:v9+s25+$0x0] =	vst.idx.add.f32.msk $0xffff, v6  }
0xa0: {  	v5 =	vld [tilespmem:s0+$0xFFFFFDA0];
	v44 =	vadd.f32 v44, v52;
	v8 =	vmul.f32 v51, v50;
	v50 =	vor.u32 v13, v48  }
0xa1: {  	v37 =	vmul.f32 v45, v37;
	v47 =	vmul.f32 v45, v38;
	v6 =	vld [tilespmem:s0+$0xFFFFFDB0]  }
0xa2: {  	v59 =	vperm.xlane v34, v29;
	[tilespmem:v11+s25+$0x0] =	vst.idx.add.f32.msk $0xffff, v0;
	v2 =	vperm.xlane v44, v60  }
0xa3: {  	[tilespmem:v58+s25+$0x0] =	vst.idx.add.f32.msk $0xffff, v31;
	v31 =	vmul.f32 v8, v51;
	v10 =	vmul.f32 v17, v17  }
0xa4: {  	[tilespmem:v1+s25+$0x0] =	vst.idx.add.f32.msk $0xffff, v35;
	v11 =	vmul.f32 v18, v18;
	v44 =	vadd.f32 v44, v2  }
0xa5: {  	v58 =	vsub.f32 $1.500000000e+00, v31;
	v3 =	vmul.f32 v5, v5;
	[tilespmem:v50+s25+$0x0] =	vst.idx.add.f32.msk $0xffff, v37;
	v50 =	vshll.u32 v59, $0x7  }
0xa6: {  	v35 =	vld [tilespmem:s0+$0xFFFFFDC0];
	v46 =	vadd.f32 v11, v10;
	v9 =	vperm.xlane v44, v61;
	v10 =	vor.u32 v28, v50  }
0xa7: {  	v38 =	vld [tilespmem:s0+$0xFFFFFDD0];
	v45 =	vmul.f32 v45, v36;
	v51 =	vmul.f32 v58, v51;
	v54 =	vor.u32 v55, v50  }
0xa8: {  	v36 =	vld [tilespmem:s0+$0xFFFFFDE0];
	v8 =	vadd.f32 v46, v3;
	v44 =	vadd.f32 v44, v9;
	v9 =	vmul.f32 v6, v6  }
0xa9: {  	v37 =	vld [tilespmem:s0+$0xFFFFFDF0];
	v26 =	vmul.f32 v51, v26  }
0xaa: {  	v52 =	vor.u32 v14, v48;
	v4 =	vperm.xlane v44, v62;
	v46 =	vadd.f32 v8, v9;
	v8 =	vld [tilespmem:$0x1FFD0]  }
0xab: {  	v11 =	vmul.f32 v35, v35;
	v43 =	vmul.f32 v51, v43;
	[tilespmem:v10+s25+$0x0] =	vst.idx.add.f32.msk $0xffff, v26  }
0xac: {  	v48 =	vor.u32 v15, v48;
	v10 =	vld [tilespmem:$0x1FFE0];
	v44 =	vadd.f32 v44, v4  }
0xad: {  	v58 =	vmul.f32 v38, v38;
	v46 =	vadd.f32 v46, v11;
	[tilespmem:v54+s25+$0x0] =	vst.idx.add.f32.msk $0xffff, v43  }
0xae: {  	v4 =	vmul.f32 v36, v36;
	v54 =	vld [tilespmem:$0x1FFF0];
	v55 =	vmul.f32 $5.000000000e-01, v44;
	v44 =	vshrl.u32 v44, $0x1  }
0xaf: {  	[tilespmem:$0x1FF80] =	vst v59;
	v26 =	vadd.f32 v46, v58;
	v44 =	vsub.s32 $0x5F3759DF, v44;
	v9 =	vor.u32 v8, v50  }
0xb0: {  	[tilespmem:v52+s25+$0x0] =	vst.idx.add.f32.msk $0xffff, v47;
	v59 =	vmul.f32 v44, v55  }
0xb1: {  	v52 =	vmul.f32 v37, v37;
	v11 =	vor.u32 v10, v50;
	v26 =	vadd.f32 v26, v4  }
0xb2: {  	[tilespmem:v48+s25+$0x0] =	vst.idx.add.f32.msk $0xffff, v45;
	v23 =	vmul.f32 v51, v23;
	v45 =	vmul.f32 v44, v59  }
0xb3: {  	v58 =	vor.u32 v54, v50;
	v26 =	vadd.f32 v26, v52;
	v52 =	vld [tilespmem:$0x1FFC0]  }
0xb4: {  	v32 =	vmul.f32 v51, v32;
	v53 =	vsub.f32 $1.500000000e+00, v45;
	[tilespmem:v9+s25+$0x0] =	vst.idx.add.f32.msk $0xffff, v23  }
0xb5: {  	v22 =	vmul.f32 v51, v22;
	v2 =	vperm.xlane v26, v63;
	v45 =	vld [tilespmem:s0+$0xFFFFFE40]  }
0xb6: {  	v59 =	vor.u32 v13, v50;
	[tilespmem:v11+s25+$0x0] =	vst.idx.add.f32.msk $0xffff, v32;
	v43 =	vmul.f32 v44, v53  }
0xb7: {  	v4 =	vor.u32 v14, v50;
	v11 =	vmul.f32 v51, v19;
	v19 =	vld [tilespmem:s0+$0xFFFFFE10];
	v23 =	vadd.f32 v26, v2  }
0xb8: {  	v9 =	vperm.xlane v34, v56;
	[tilespmem:v58+s25+$0x0] =	vst.idx.add.f32.msk $0xffff, v22;
	v3 =	vmul.f32 v43, v55  }
0xb9: {  	v42 =	vmul.f32 v51, v42;
	v22 =	vld [tilespmem:s0+$0xFFFFFE00];
	v10 =	vperm.xlane v23, v60  }
0xba: {  	[tilespmem:$0x1FF90] =	vst v9;
	v26 =	vor.u32 v15, v50;
	v48 =	vshll.u32 v9, $0x7;
	v9 =	vld [tilespmem:$0x1FFE0];
	v8 =	vmul.f32 v3, v43  }
0xbb: {  	[tilespmem:v59+s25+$0x0] =	vst.idx.add.f32.msk $0xffff, v42;
	v42 =	vadd.f32 v23, v10  }
0xbc: {  	v20 =	vmul.f32 v51, v20;
	v59 =	vld [tilespmem:$0x1FFD0];
	v32 =	vsub.f32 $1.500000000e+00, v8  }
0xbd: {  	v50 =	vor.u32 v28, v48;
	[tilespmem:v4+s25+$0x0] =	vst.idx.add.f32.msk $0xffff, v11;
	v54 =	vperm.xlane v42, v61  }
0xbe: {  	v23 =	vld [tilespmem:s0+$0xFFFFFE20];
	v44 =	vmul.f32 v32, v43  }
0xbf: {  	v53 =	vor.u32 v52, v48;
	[tilespmem:v26+s25+$0x0] =	vst.idx.add.f32.msk $0xffff, v20;
	v26 =	vadd.f32 v42, v54  }
0xc0: {  	v58 =	vmul.f32 v19, v19;
	v43 =	vld [tilespmem:s0+$0xFFFFFE50];
	v55 =	vmul.f32 v44, v24  }
0xc1: {  	v56 =	vmul.f32 v22, v22;
	v4 =	vor.u32 v59, v48;
	v24 =	vld [tilespmem:s0+$0xFFFFFE30];
	v8 =	vperm.xlane v26, v62  }
0xc2: {  	v25 =	vmul.f32 v44, v25;
	[tilespmem:v50+s25+$0x0] =	vst.idx.add.f32.msk $0xffff, v55  }
0xc3: {  	v10 =	vor.u32 v9, v48;
	v20 =	vadd.f32 v58, v56;
	v26 =	vadd.f32 v26, v8;
	v55 =	vld [tilespmem:$0x1FFF0]  }
0xc4: {  	v21 =	vmul.f32 v44, v21;
	[tilespmem:v53+s25+$0x0] =	vst.idx.add.f32.msk $0xffff, v25;
	v25 =	vmul.f32 v23, v23  }
0xc5: {  	v42 =	vld [tilespmem:s0+$0xFFFFFE90];
	v32 =	vmul.f32 $5.000000000e-01, v26  }
0xc6: {  	[tilespmem:v4+s25+$0x0] =	vst.idx.add.f32.msk $0xffff, v21;
	v53 =	vshrl.u32 v26, $0x1;
	v25 =	vadd.f32 v20, v25;
	v11 =	vmul.f32 v24, v24  }
0xc7: {  	v7 =	vmul.f32 v44, v7;
	v20 =	vld [tilespmem:s0+$0xFFFFFE60];
	v21 =	vsub.s32 $0x5F3759DF, v53  }
0xc8: {  	v54 =	vmul.f32 v45, v45;
	v58 =	vmul.f32 v21, v32;
	v26 =	vadd.f32 v25, v11;
	v25 =	vld [tilespmem:s0+$0xFFFFFE70]  }
0xc9: {  	v41 =	vmul.f32 v44, v41;
	[tilespmem:v10+s25+$0x0] =	vst.idx.add.f32.msk $0xffff, v7;
	v56 =	vor.u32 v55, v48  }
0xca: {  	v59 =	vmul.f32 v43, v43;
	v7 =	vld [tilespmem:s0+$0xFFFFFE80];
	v1 =	vmul.f32 v21, v58;
	v26 =	vadd.f32 v26, v54  }
0xcb: {  	v0 =	vor.u32 v13, v48;
	v39 =	vmul.f32 v44, v39;
	v10 =	vmul.f32 v44, v40  }
0xcc: {  	v47 =	vld [tilespmem:s0+$0xFFFFFEA0];
	v2 =	vmul.f32 v20, v20;
	v8 =	vsub.f32 $1.500000000e+00, v1;
	v26 =	vadd.f32 v26, v59  }
0xcd: {  	v49 =	vld [tilespmem:s0+$0xFFFFFEC0];
	v44 =	vmul.f32 v44, v33;
	v9 =	vmul.f32 v25, v25  }
0xce: {  	[tilespmem:v56+s25+$0x0] =	vst.idx.add.f32.msk $0xffff, v41;
	v21 =	vmul.f32 v21, v8;
	v26 =	vadd.f32 v26, v2  }
0xcf: {  	v3 =	vor.u32 v14, v48;
	v55 =	vmul.f32 v7, v7;
	v41 =	vld [tilespmem:s0+$0xFFFFFEB0];
	v56 =	vmul.f32 v42, v42  }
0xd0: {  	v52 =	vld [tilespmem:s0+$0xFFFFFED0];
	v33 =	vperm.xlane v34, v57;
	v53 =	vmul.f32 v21, v32;
	v26 =	vadd.f32 v26, v9  }
0xd1: {  	v57 =	vmul.f32 v47, v47;
	[tilespmem:v0+s25+$0x0] =	vst.idx.add.f32.msk $0xffff, v39;
	v39 =	vadd.f32 v56, v55  }
0xd2: {  	v50 =	vld [tilespmem:s0+$0xFFFFFEF0];
	v11 =	vor.u32 v15, v48;
	v46 =	vmul.f32 v53, v21;
	v54 =	vperm.xlane v26, v63  }
0xd3: {  	v40 =	vshll.u32 v33, $0x7;
	v8 =	vld [tilespmem:$0x1FFC0];
	v39 =	vadd.f32 v39, v57  }
0xd4: {  	v53 =	vld [tilespmem:s0+$0xFFFFFEE0];
	v59 =	vmul.f32 v41, v41;
	v46 =	vsub.f32 $1.500000000e+00, v46;
	v26 =	vadd.f32 v26, v54  }
0xd5: {  	v4 =	vor.u32 v28, v40;
	[tilespmem:v3+s25+$0x0] =	vst.idx.add.f32.msk $0xffff, v10;
	v10 =	vmul.f32 v49, v49  }
0xd6: {  	v55 =	vld [tilespmem:$0x1FFD0];
	v39 =	vadd.f32 v39, v59;
	v54 =	vmul.f32 v46, v21;
	v58 =	vperm.xlane v26, v60  }
0xd7: {  	v32 =	vmul.f32 v52, v52;
	[tilespmem:v11+s25+$0x0] =	vst.idx.add.f32.msk $0xffff, v44  }
0xd8: {  	v39 =	vadd.f32 v39, v10;
	v17 =	vmul.f32 v54, v17;
	v26 =	vadd.f32 v26, v58  }
0xd9: {  	v9 =	vor.u32 v8, v40;
	v57 =	vmul.f32 v53, v53;
	v58 =	vld [tilespmem:$0x1FFE0]  }
0xda: {  	[tilespmem:v4+s25+$0x0] =	vst.idx.add.f32.msk $0xffff, v17;
	v17 =	vadd.f32 v39, v32;
	v11 =	vperm.xlane v26, v61  }
0xdb: {  	v1 =	vmul.f32 v50, v50  }
0xdc: {  	v56 =	vor.u32 v55, v40;
	v44 =	vadd.f32 v17, v57;
	v26 =	vadd.f32 v26, v11  }
0xdd: {  	v18 =	vmul.f32 v54, v18  }
0xde: {  	v21 =	vld [tilespmem:s0+$0xFFFFFF00];
	v59 =	vor.u32 v58, v40;
	v2 =	vadd.f32 v44, v1;
	v0 =	vperm.xlane v26, v62  }
0xdf: {  	v5 =	vmul.f32 v54, v5;
	[tilespmem:v9+s25+$0x0] =	vst.idx.add.f32.msk $0xffff, v18  }
0xe0: {  	v17 =	vld [tilespmem:s0+$0xFFFFFF10];
	v8 =	vperm.xlane v2, v63;
	v26 =	vadd.f32 v26, v0  }
0xe1: {  	v6 =	vmul.f32 v54, v6;
	[tilespmem:v56+s25+$0x0] =	vst.idx.add.f32.msk $0xffff, v5  }
0xe2: {  	v5 =	vld [tilespmem:s0+$0xFFFFFF20];
	v18 =	vadd.f32 v2, v8;
	v44 =	vmul.f32 $5.000000000e-01, v26;
	v26 =	vshrl.u32 v26, $0x1  }
0xe3: {  	[tilespmem:v59+s25+$0x0] =	vst.idx.add.f32.msk $0xffff, v6;
	v6 =	vsub.s32 $0x5F3759DF, v26  }
0xe4: {  	v11 =	vperm.xlane v18, v60;
	v60 =	vld [tilespmem:$0x1FFF0];
	v26 =	vmul.f32 v6, v44;
	_ =	sdelay $0x1  }
0xe5: {  	v51 =	vld [tilespmem:s0+$0xFFFFFF30];
	v26 =	vmul.f32 v6, v26  }
0xe6: {  	v55 =	vmul.f32 v54, v38  }
0xe7: {  	v9 =	vmul.f32 v21, v21;
	v10 =	vmul.f32 v17, v17;
	v26 =	vsub.f32 $1.500000000e+00, v26  }
0xe8: {  	v48 =	vld [tilespmem:s0+$0xFFFFFF40];
	v36 =	vmul.f32 v54, v36;
	v32 =	vmul.f32 v5, v5;
	v58 =	vor.u32 v60, v40  }
0xe9: {  	v46 =	vld [tilespmem:s0+$0xFFFFFF50];
	v39 =	vadd.f32 v10, v9;
	v10 =	vor.u32 v13, v40;
	v6 =	vmul.f32 v6, v26  }
0xea: {  	v57 =	vmul.f32 v54, v35;
	v9 =	vmul.f32 v51, v51;
	v18 =	vadd.f32 v18, v11  }
0xeb: {  	v38 =	vld [tilespmem:s0+$0xFFFFFF60];
	v3 =	vadd.f32 v39, v32;
	v11 =	vmul.f32 v6, v44;
	v44 =	vimm.s32 $0x4  }
0xec: {  	v26 =	vperm.xlane v18, v61;
	v35 =	vperm.xlane v34, v44;
	v44 =	vld [tilespmem:s0+$0xFFFFFF70]  }
0xed: {  	v59 =	vmul.f32 v48, v48;
	v39 =	vadd.f32 v3, v9;
	[tilespmem:v58+s25+$0x0] =	vst.idx.add.f32.msk $0xffff, v57  }
0xee: {  	v3 =	vmul.f32 v46, v46;
	v18 =	vadd.f32 v18, v26;
	[tilespmem:v10+s25+$0x0] =	vst.idx.add.f32.msk $0xffff, v55  }
0xef: {  	v60 =	vor.u32 v14, v40;
	v26 =	vadd.f32 v39, v59;
	v4 =	vmul.f32 v11, v6;
	v55 =	vld [tilespmem:$0x1FFC0]  }
0xf0: {  	v30 =	vmovc v61;
	v9 =	vmul.f32 v38, v38;
	v40 =	vor.u32 v15, v40;
	v61 =	vld [tilespmem:$0x1FFE0];
	v8 =	vperm.xlane v18, v62  }
0xf1: {  	v59 =	vld [tilespmem:$0x1FFD0];
	v26 =	vadd.f32 v26, v3;
	v58 =	vshll.u32 v35, $0x7;
	v10 =	vsub.f32 $1.500000000e+00, v4  }
0xf2: {  	v37 =	vmul.f32 v54, v37;
	v11 =	vor.u32 v28, v58;
	v18 =	vadd.f32 v18, v8  }
0xf3: {  	v26 =	vadd.f32 v26, v9;
	v32 =	vmul.f32 v44, v44;
	v6 =	vmul.f32 v10, v6;
	v10 =	vld [tilespmem:$0x1FFF0]  }
0xf4: {  	[tilespmem:v60+s25+$0x0] =	vst.idx.add.f32.msk $0xffff, v36;
	v36 =	vmul.f32 $5.000000000e-01, v18;
	v18 =	vshrl.u32 v18, $0x1;
	v57 =	vor.u32 v55, v58  }
0xf5: {  	[tilespmem:v40+s25+$0x0] =	vst.idx.add.f32.msk $0xffff, v37;
	v18 =	vsub.s32 $0x5F3759DF, v18;
	v26 =	vadd.f32 v26, v32;
	v22 =	vmul.f32 v6, v22  }
0xf6: {  	v4 =	vor.u32 v61, v58;
	v60 =	vor.u32 v59, v58;
	v55 =	vld [tilespmem:$0x1FFB0];
	v8 =	vmul.f32 v18, v36  }
0xf7: {  	v19 =	vmul.f32 v6, v19;
	v9 =	vperm.xlane v26, v63;
	[tilespmem:v11+s25+$0x0] =	vst.idx.add.f32.msk $0xffff, v22  }
0xf8: {  	v40 =	vmul.f32 v18, v8;
	v22 =	vld [tilespmem:s0+$0xFFFFFF90];
	v11 =	vor.u32 v10, v58  }
0xf9: {  	v23 =	vmul.f32 v6, v23;
	v26 =	vadd.f32 v26, v9;
	[tilespmem:v57+s25+$0x0] =	vst.idx.add.f32.msk $0xffff, v19  }
0xfa: {  	v32 =	vmul.f32 v6, v24;
	v24 =	vmul.f32 v6, v45;
	v54 =	vsub.f32 $1.500000000e+00, v40;
	v40 =	vld [tilespmem:s0+$0xFFFFFFE0]  }
0xfb: {  	v45 =	vor.u32 v13, v58;
	[tilespmem:v60+s25+$0x0] =	vst.idx.add.f32.msk $0xffff, v23;
	v56 =	vperm.xlane v26, v55  }
0xfc: {  	[tilespmem:v4+s25+$0x0] =	vst.idx.add.f32.msk $0xffff, v32;
	v57 =	vmul.f32 v18, v54  }
0xfd: {  	[tilespmem:v11+s25+$0x0] =	vst.idx.add.f32.msk $0xffff, v24;
	v59 =	vadd.f32 v26, v56  }
0xfe: {  	v23 =	vld [tilespmem:s0+$0xFFFFFF80];
	v24 =	vmul.f32 v6, v43;
	v26 =	vor.u32 v14, v58;
	v36 =	vmul.f32 v57, v36  }
0xff: {  	v20 =	vmul.f32 v6, v20;
	v18 =	vld [tilespmem:s0+$0xFFFFFFA0]  }
0x100: {  	v60 =	vperm.xlane v59, v30;
	[tilespmem:v45+s25+$0x0] =	vst.idx.add.f32.msk $0xffff, v24;
	v24 =	vmul.f32 v36, v57  }
0x101: {  	v8 =	vimm.s32 $0x5;
	v6 =	vmul.f32 v6, v25;
	v25 =	vor.u32 v15, v58;
	v11 =	vld [tilespmem:$0x1FFC0]  }
0x102: {  	v36 =	vperm.xlane v34, v8;
	v45 =	vld [tilespmem:s0+$0xFFFFFFB0];
	v61 =	vadd.f32 v59, v60;
	v24 =	vsub.f32 $1.500000000e+00, v24  }
0x103: {  	v9 =	vmul.f32 v23, v23;
	[tilespmem:v26+s25+$0x0] =	vst.idx.add.f32.msk $0xffff, v20;
	v26 =	vmul.f32 v22, v22  }
0x104: {  	v43 =	vld [tilespmem:s0+$0xFFFFFFD0];
	v39 =	vperm.xlane v61, v62;
	v19 =	vmul.f32 v24, v57;
	v24 =	vshll.u32 v36, $0x7  }
0x105: {  	v60 =	vld [tilespmem:$0x1FFD0];
	v10 =	vor.u32 v28, v24  }
0x106: {  	v20 =	vadd.f32 v26, v9;
	v26 =	vmul.f32 v18, v18;
	v37 =	vadd.f32 v61, v39;
	v39 =	vld [tilespmem:s0+$0xFFFFFFC0]  }
0x107: {  	[tilespmem:v25+s25+$0x0] =	vst.idx.add.f32.msk $0xffff, v6;
	v32 =	vor.u32 v11, v24  }
0x108: {  	v25 =	vmul.f32 v45, v45;
	v11 =	vld [tilespmem:$0x1FFE0];
	v7 =	vmul.f32 v19, v7;
	v20 =	vadd.f32 v20, v26  }
0x109: {  	v55 =	vld [tilespmem:$0x1FFF0];
	v3 =	vmul.f32 v19, v42;
	v56 =	vmul.f32 $5.000000000e-01, v37;
	v37 =	vshrl.u32 v37, $0x1  }
0x10a: {  	v42 =	vld [tilespmem:s0+$0xFFFFFFF0];
	v61 =	vor.u32 v60, v24;
	v6 =	vsub.s32 $0x5F3759DF, v37;
	v20 =	vadd.f32 v20, v25  }
0x10b: {  	v26 =	vmul.f32 v6, v56;
	[tilespmem:v10+s25+$0x0] =	vst.idx.add.f32.msk $0xffff, v7;
	v25 =	vmul.f32 v39, v39  }
0x10c: {  	v10 =	vmul.f32 v43, v43;
	[tilespmem:v32+s25+$0x0] =	vst.idx.add.f32.msk $0xffff, v3  }
0x10d: {  	v32 =	vor.u32 v11, v24;
	v26 =	vmul.f32 v6, v26;
	v9 =	vadd.f32 v20, v25  }
0x10e: {  	v58 =	vmul.f32 v40, v40;
	v25 =	vmul.f32 v19, v47  }
0x10f: {  	v57 =	vor.u32 v55, v24;
	v26 =	vsub.f32 $1.500000000e+00, v26;
	v7 =	vadd.f32 v9, v10  }
0x110: {  	v59 =	vmul.f32 v42, v42;
	[tilespmem:v61+s25+$0x0] =	vst.idx.add.f32.msk $0xffff, v25;
	v25 =	vmul.f32 v19, v41  }
0x111: {  	v54 =	vld [tilespmem:$0x1FFB0];
	v6 =	vmul.f32 v6, v26;
	v26 =	vor.u32 v13, v24;
	v7 =	vadd.f32 v7, v58  }
0x112: {  	v60 =	vmul.f32 v19, v49;
	v61 =	vor.u32 v14, v24;
	v9 =	vimm.s32 $0x6;
	[tilespmem:v32+s25+$0x0] =	vst.idx.add.f32.msk $0xffff, v25  }
0x113: {  	v25 =	vmul.f32 v19, v52;
	v52 =	vld [tilespmem:$0x1FFC0];
	v3 =	vmul.f32 v6, v56;
	v7 =	vadd.f32 v7, v59  }
0x114: {  	v10 =	vmul.f32 v19, v53;
	v37 =	vperm.xlane v34, v9;
	[tilespmem:v57+s25+$0x0] =	vst.idx.add.f32.msk $0xffff, v60  }
0x115: {  	v11 =	vor.u32 v15, v24;
	v56 =	vld [tilespmem:$0x1FFD0];
	v8 =	vmul.f32 v3, v6;
	v24 =	vperm.xlane v7, v63  }
0x116: {  	[tilespmem:v26+s25+$0x0] =	vst.idx.add.f32.msk $0xffff, v25  }
0x117: {  	v25 =	vshll.u32 v37, $0x7;
	v20 =	vsub.f32 $1.500000000e+00, v8;
	[tilespmem:v61+s25+$0x0] =	vst.idx.add.f32.msk $0xffff, v10;
	v32 =	vadd.f32 v7, v24  }
0x118: {  	v19 =	vmul.f32 v19, v50;
	v26 =	vor.u32 v28, v25;
	v8 =	vld [tilespmem:$0x1FFE0]  }
0x119: {  	v53 =	vor.u32 v52, v25;
	v24 =	vld [tilespmem:s0+$0x0];
	v47 =	vmul.f32 v20, v6;
	v55 =	vperm.xlane v32, v54  }
0x11a: {  	v7 =	vld [tilespmem:s0+$0x10];
	v57 =	vor.u32 v56, v25  }
0x11b: {  	[tilespmem:v11+s25+$0x0] =	vst.idx.add.f32.msk $0xffff, v19;
	v21 =	vmul.f32 v47, v21;
	v41 =	vadd.f32 v32, v55  }
0x11c: {  	v19 =	vld [tilespmem:s0+$0x20];
	v17 =	vmul.f32 v47, v17  }
0x11d: {  	v60 =	vmul.f32 v47, v5;
	[tilespmem:v26+s25+$0x0] =	vst.idx.add.f32.msk $0xffff, v21;
	v26 =	vperm.xlane v41, v30  }
0x11e: {  	[tilespmem:v53+s25+$0x0] =	vst.idx.add.f32.msk $0xffff, v17  }
0x11f: {  	[tilespmem:v57+s25+$0x0] =	vst.idx.add.f32.msk $0xffff, v60;
	v26 =	vadd.f32 v41, v26  }
0x120: {  	v58 =	vmul.f32 v24, v24;
	v59 =	vmul.f32 v7, v7;
	v57 =	vld [tilespmem:$0x1FFF0]  }
0x121: {  	v9 =	vperm.xlane v26, v62  }
0x122: {  	v20 =	vld [tilespmem:s0+$0x30];
	v61 =	vmul.f32 v19, v19;
	v6 =	vadd.f32 v59, v58  }
0x123: {  	v50 =	vor.u32 v8, v25;
	v26 =	vadd.f32 v26, v9  }
0x124: {  	v17 =	vld [tilespmem:s0+$0x40];
	v10 =	vadd.f32 v6, v61  }
0x125: {  	v58 =	vor.u32 v57, v25;
	v61 =	vmul.f32 $5.000000000e-01, v26;
	v26 =	vshrl.u32 v26, $0x1  }
0x126: {  	v5 =	vld [tilespmem:s0+$0x50];
	v32 =	vmul.f32 v47, v51;
	v59 =	vor.u32 v13, v25;
	v26 =	vsub.s32 $0x5F3759DF, v26  }
0x127: {  	v11 =	vmul.f32 v20, v20;
	v6 =	vld [tilespmem:s0+$0x60];
	v2 =	vmul.f32 v26, v61  }
0x128: {  	v48 =	vmul.f32 v47, v48;
	v46 =	vmul.f32 v47, v46;
	[tilespmem:v50+s25+$0x0] =	vst.idx.add.f32.msk $0xffff, v32  }
0x129: {  	v41 =	vld [tilespmem:s0+$0x70];
	v21 =	vadd.f32 v10, v11;
	v60 =	vmul.f32 v17, v17;
	v4 =	vmul.f32 v26, v2  }
0x12a: {  	v1 =	vor.u32 v14, v25;
	[tilespmem:v58+s25+$0x0] =	vst.idx.add.f32.msk $0xffff, v48  }
0x12b: {  	v0 =	vmul.f32 v5, v5;
	v21 =	vadd.f32 v21, v60;
	[tilespmem:v59+s25+$0x0] =	vst.idx.add.f32.msk $0xffff, v46;
	v46 =	vsub.f32 $1.500000000e+00, v4  }
0x12c: {  	v52 =	vld [tilespmem:$0x1FFB0]  }
0x12d: {  	v54 =	vld [tilespmem:s0+$0x90];
	v3 =	vmul.f32 v6, v6;
	v21 =	vadd.f32 v21, v0;
	v26 =	vmul.f32 v26, v46  }
0x12e: {  	v38 =	vmul.f32 v47, v38;
	v51 =	vld [tilespmem:s0+$0xC0];
	v25 =	vor.u32 v15, v25  }
0x12f: {  	v57 =	vld [tilespmem:s0+$0x80];
	v8 =	vmul.f32 v41, v41;
	v21 =	vadd.f32 v21, v3;
	v10 =	vmul.f32 v26, v61  }
0x130: {  	v11 =	vimm.s32 $0x7;
	v9 =	vmul.f32 v47, v44;
	[tilespmem:v1+s25+$0x0] =	vst.idx.add.f32.msk $0xffff, v38  }
0x131: {  	v50 =	vld [tilespmem:s0+$0xB0];
	v21 =	vadd.f32 v21, v8;
	v38 =	vperm.xlane v34, v11;
	v44 =	vmul.f32 v10, v26  }
0x132: {  	v59 =	vld [tilespmem:s0+$0xA0]  }
0x133: {  	[tilespmem:v25+s25+$0x0] =	vst.idx.add.f32.msk $0xffff, v9;
	v25 =	vperm.xlane v21, v63;
	v56 =	vshll.u32 v38, $0x7;
	v44 =	vsub.f32 $1.500000000e+00, v44  }
0x134: {  	v31 =	vmov v62;
	v32 =	vmul.f32 v54, v54;
	v62 =	vld [tilespmem:s0+$0xD0];
	v58 =	vor.u32 v28, v56  }
0x135: {  	v60 =	vld [tilespmem:s0+$0x100];
	v21 =	vadd.f32 v21, v25;
	v25 =	vmul.f32 v57, v57;
	v26 =	vmul.f32 v44, v26  }
0x136: {  	v8 =	vld [tilespmem:$0x1FFC0]  }
0x137: {  	v48 =	vld [tilespmem:s0+$0x150];
	v55 =	vmul.f32 v59, v59;
	v25 =	vadd.f32 v32, v25;
	v23 =	vmul.f32 v26, v23  }
0x138: {  	v61 =	vld [tilespmem:s0+$0xE0];
	v53 =	vperm.xlane v21, v52  }
0x139: {  	v4 =	vmul.f32 v50, v50;
	v25 =	vadd.f32 v25, v55;
	[tilespmem:v58+s25+$0x0] =	vst.idx.add.f32.msk $0xffff, v23  }
0x13a: {  	v21 =	vadd.f32 v21, v53;
	v23 =	vld [tilespmem:$0x1FFD0]  }
0x13b: {  	v9 =	vor.u32 v8, v56;
	v8 =	vld [tilespmem:$0x1FFE0];
	v10 =	vmul.f32 v51, v51;
	v25 =	vadd.f32 v25, v4  }
0x13c: {  	v52 =	vld [tilespmem:s0+$0xF0];
	v47 =	vperm.xlane v21, v30  }
0x13d: {  	v11 =	vmul.f32 v62, v62;
	v53 =	vld [tilespmem:s0+$0x110];
	v25 =	vadd.f32 v25, v10  }
0x13e: {  	v46 =	vld [tilespmem:s0+$0x140];
	v3 =	vmul.f32 v61, v61;
	v21 =	vadd.f32 v21, v47  }
0x13f: {  	v55 =	vld [tilespmem:s0+$0x120];
	v22 =	vmul.f32 v26, v22;
	v25 =	vadd.f32 v25, v11;
	v32 =	vor.u32 v23, v56  }
0x140: {  	v44 =	vor.u32 v8, v56;
	v47 =	vperm.xlane v21, v31;
	v58 =	vld [tilespmem:s0+$0x130]  }
0x141: {  	[tilespmem:v9+s25+$0x0] =	vst.idx.add.f32.msk $0xffff, v22;
	v4 =	vadd.f32 v25, v3;
	v25 =	vmul.f32 v52, v52  }
0x142: {  	v18 =	vmul.f32 v26, v18;
	v10 =	vmul.f32 v53, v53;
	v21 =	vadd.f32 v21, v47;
	v47 =	vld [tilespmem:s0+$0x160]  }
0x143: {  	v45 =	vmul.f32 v26, v45;
	v9 =	vmul.f32 v60, v60;
	v22 =	vadd.f32 v4, v25;
	v4 =	vld [tilespmem:$0x1FFA0]  }
0x144: {  	v63 =	vmul.f32 $5.000000000e-01, v21;
	[tilespmem:v32+s25+$0x0] =	vst.idx.add.f32.msk $0xffff, v18  }
0x145: {  	v21 =	vshrl.u32 v21, $0x1;
	v11 =	vadd.f32 v10, v9;
	v32 =	vmul.f32 v55, v55;
	[tilespmem:v44+s25+$0x0] =	vst.idx.add.f32.msk $0xffff, v45  }
0x146: {  	v18 =	vsub.s32 $0x5F3759DF, v21;
	v45 =	vld [tilespmem:$0x1FFF0]  }
0x147: {  	v25 =	vmul.f32 v18, v63;
	v21 =	vadd.f32 v11, v32;
	v11 =	vld [tilespmem:$0x1FFB0]  }
0x148: {  	v43 =	vmul.f32 v26, v43;
	v8 =	vperm.xlane v22, v4  }
0x149: {  	v40 =	vmul.f32 v26, v40;
	v25 =	vmul.f32 v18, v25  }
0x14a: {  	v10 =	vmul.f32 v46, v46;
	v9 =	vmul.f32 v58, v58;
	v22 =	vadd.f32 v22, v8  }
0x14b: {  	v4 =	vmul.f32 v48, v48;
	v8 =	vmul.f32 v47, v47;
	v25 =	vsub.f32 $1.500000000e+00, v25  }
0x14c: {  	v21 =	vadd.f32 v21, v9;
	v45 =	vor.u32 v45, v56;
	v32 =	vperm.xlane v22, v11  }
0x14d: {  	v49 =	vld [tilespmem:s0+$0x170];
	v27 =	vor.u32 v14, v56;
	v44 =	vmul.f32 v26, v39;
	v18 =	vmul.f32 v18, v25  }
0x14e: {  	v21 =	vadd.f32 v21, v10;
	v25 =	vor.u32 v13, v56;
	v22 =	vadd.f32 v22, v32  }
0x14f: {  	v26 =	vmul.f32 v26, v42;
	v56 =	vor.u32 v15, v56;
	v9 =	vmul.f32 v18, v63  }
0x150: {  	v21 =	vadd.f32 v21, v4;
	v4 =	vimm.s32 $0x8;
	v63 =	vld [tilespmem:$0x1FFB0];
	v10 =	vperm.xlane v22, v30  }
0x151: {  	v39 =	vperm.xlane v34, v4;
	v28 =	vmul.f32 v9, v18;
	[tilespmem:v45+s25+$0x0] =	vst.idx.add.f32.msk $0xffff, v44  }
0x152: {  	v11 =	vmul.f32 v49, v49;
	v32 =	vlaneseq.u32;
	v22 =	vadd.f32 v22, v10;
	v10 =	vld [tilespmem:$0x1FFA0]  }
0x153: {  	v21 =	vadd.f32 v21, v8;
	[tilespmem:v25+s25+$0x0] =	vst.idx.add.f32.msk $0xffff, v43;
	v25 =	vshll.u32 v39, $0x7;
	v8 =	vsub.f32 $1.500000000e+00, v28  }
0x154: {  	v9 =	vor.u32 v32, v25;
	[tilespmem:v27+s25+$0x0] =	vst.idx.add.f32.msk $0xffff, v40  }
0x155: {  	v21 =	vadd.f32 v21, v11;
	[tilespmem:v56+s25+$0x0] =	vst.idx.add.f32.msk $0xffff, v26;
	v23 =	vmul.f32 v8, v18  }
0x156: {  	v56 =	vld [tilespmem:$0x1FFC0];
	v28 =	vperm.xlane v22, v31  }
0x157: {  	v24 =	vmul.f32 v23, v24;
	v11 =	vperm.xlane v21, v10  }
0x158: {  	v8 =	vld [tilespmem:$0x1FFD0];
	v44 =	vadd.f32 v22, v28  }
0x159: {  	[tilespmem:v9+s25+$0x0] =	vst.idx.add.f32.msk $0xffff, v24;
	v45 =	vadd.f32 v21, v11  }
0x15a: {  	v26 =	vmul.f32 $5.000000000e-01, v44;
	v18 =	vshrl.u32 v44, $0x1;
	v21 =	vld [tilespmem:s0+$0x180]  }
0x15b: {  	v27 =	vor.u32 v56, v25;
	v28 =	vsub.s32 $0x5F3759DF, v18;
	v18 =	vld [tilespmem:s0+$0x190];
	v3 =	vperm.xlane v45, v63  }
0x15c: {  	v9 =	vld [tilespmem:$0x1FFE0];
	v24 =	vmul.f32 v28, v26  }
0x15d: {  	v7 =	vmul.f32 v23, v7;
	v22 =	vld [tilespmem:s0+$0x1A0];
	v40 =	vadd.f32 v45, v3  }
0x15e: {  	v19 =	vmul.f32 v23, v19;
	v24 =	vmul.f32 v28, v24;
	v45 =	vld [tilespmem:$0x1FFF0]  }
0x15f: {  	v2 =	vld [tilespmem:$0x1FFC0];
	v20 =	vmul.f32 v23, v20;
	v63 =	vor.u32 v8, v25;
	v10 =	vperm.xlane v40, v30  }
0x160: {  	[tilespmem:v27+s25+$0x0] =	vst.idx.add.f32.msk $0xffff, v7;
	v11 =	vsub.f32 $1.500000000e+00, v24;
	v24 =	vmul.f32 v21, v21;
	v27 =	vmul.f32 v18, v18  }
0x161: {  	v17 =	vmul.f32 v23, v17;
	v56 =	vld [tilespmem:s0+$0x1B0];
	v29 =	vor.u32 v9, v25;
	v40 =	vadd.f32 v40, v10  }
0x162: {  	v43 =	vld [tilespmem:s0+$0x1E0];
	v5 =	vmul.f32 v23, v5;
	v7 =	vmul.f32 v28, v11;
	v24 =	vadd.f32 v27, v24  }
0x163: {  	v27 =	vmul.f32 v22, v22;
	v16 =	vor.u32 v45, v25;
	v45 =	vld [tilespmem:s0+$0x1C0];
	v42 =	vperm.xlane v40, v31  }
0x164: {  	v8 =	vor.u32 v14, v25;
	v28 =	vor.u32 v13, v25;
	[tilespmem:v63+s25+$0x0] =	vst.idx.add.f32.msk $0xffff, v19  }
0x165: {  	v44 =	vld [tilespmem:s0+$0x1D0];
	v26 =	vmul.f32 v7, v26;
	v24 =	vadd.f32 v24, v27;
	v42 =	vadd.f32 v40, v42  }
0x166: {  	v27 =	vmul.f32 v56, v56;
	[tilespmem:v29+s25+$0x0] =	vst.idx.add.f32.msk $0xffff, v20;
	v20 =	vor.u32 v15, v25  }
0x167: {  	v26 =	vmul.f32 v26, v7;
	v0 =	vmul.f32 $5.000000000e-01, v42;
	v1 =	vshrl.u32 v42, $0x1;
	v42 =	vld [tilespmem:s0+$0x1F0]  }
0x168: {  	v4 =	vimm.s32 $0x9;
	v24 =	vadd.f32 v24, v27;
	v27 =	vmul.f32 v45, v45;
	[tilespmem:v16+s25+$0x0] =	vst.idx.add.f32.msk $0xffff, v17  }
0x169: {  	v6 =	vmul.f32 v23, v6;
	v10 =	vmul.f32 v43, v43;
	v25 =	vsub.f32 $1.500000000e+00, v26;
	[tilespmem:v28+s25+$0x0] =	vst.idx.add.f32.msk $0xffff, v5  }
0x16a: {  	v5 =	vmul.f32 v23, v41;
	v41 =	vld [tilespmem:$0x1FFD0];
	v9 =	vadd.f32 v24, v27;
	v24 =	vmul.f32 v44, v44  }
0x16b: {  	v40 =	vperm.xlane v34, v4;
	v1 =	vsub.s32 $0x5F3759DF, v1;
	v7 =	vmul.f32 v25, v7;
	[tilespmem:v8+s25+$0x0] =	vst.idx.add.f32.msk $0xffff, v6  }
0x16c: {  	v26 =	vmul.f32 v1, v0;
	[tilespmem:v20+s25+$0x0] =	vst.idx.add.f32.msk $0xffff, v5;
	v17 =	vadd.f32 v9, v24  }
0x16d: {  	v16 =	vshll.u32 v40, $0x7;
	v63 =	vmul.f32 v7, v57;
	v20 =	vmul.f32 v7, v54;
	v54 =	vld [tilespmem:$0x1FFA0]  }
0x16e: {  	v57 =	vld [tilespmem:$0x1FFE0];
	v25 =	vmul.f32 v1, v26;
	v11 =	vmul.f32 v42, v42;
	v17 =	vadd.f32 v17, v10  }
0x16f: {  	v24 =	vor.u32 v32, v16;
	v26 =	vor.u32 v2, v16;
	v23 =	vor.u32 v41, v16  }
0x170: {  	v25 =	vsub.f32 $1.500000000e+00, v25;
	v41 =	vmul.f32 v7, v59;
	v59 =	vld [tilespmem:$0x1FFF0];
	v8 =	vadd.f32 v17, v11;
	_ =	sdelay $0x1  }
0x171: {  	v1 =	vmul.f32 v1, v25;
	v17 =	vperm.xlane v8, v54;
	v54 =	vld [tilespmem:$0x1FFB0]  }
0x172: {  	v19 =	vor.u32 v13, v16;
	v5 =	vor.u32 v57, v16;
	v25 =	vmul.f32 v7, v62  }
0x173: {  	v62 =	vmul.f32 v7, v61;
	[tilespmem:v24+s25+$0x0] =	vst.idx.add.f32.msk $0xffff, v63;
	v0 =	vmul.f32 v1, v0  }
0x174: {  	[tilespmem:v26+s25+$0x0] =	vst.idx.add.f32.msk $0xffff, v20;
	v63 =	vor.u32 v59, v16;
	v8 =	vadd.f32 v8, v17  }
0x175: {  	[tilespmem:v23+s25+$0x0] =	vst.idx.add.f32.msk $0xffff, v41;
	v17 =	vmul.f32 v7, v50;
	v0 =	vmul.f32 v0, v1;
	v50 =	vimm.s32 $0xA  }
0x176: {  	v20 =	vor.u32 v14, v16;
	v41 =	vperm.xlane v34, v50;
	v50 =	vld [tilespmem:$0x1FFC0];
	v57 =	vperm.xlane v8, v54  }
0x177: {  	v24 =	vmul.f32 v7, v51;
	v16 =	vor.u32 v15, v16;
	[tilespmem:v5+s25+$0x0] =	vst.idx.add.f32.msk $0xffff, v17  }
0x178: {  	v0 =	vsub.f32 $1.500000000e+00, v0;
	v17 =	vshll.u32 v41, $0x7;
	v54 =	vld [tilespmem:s0+$0x210];
	v59 =	vadd.f32 v8, v57  }
0x179: {  	v11 =	vmul.f32 v7, v52;
	[tilespmem:v63+s25+$0x0] =	vst.idx.add.f32.msk $0xffff, v24;
	v63 =	vor.u32 v32, v17  }
0x17a: {  	v0 =	vmul.f32 v0, v1;
	[tilespmem:v19+s25+$0x0] =	vst.idx.add.f32.msk $0xffff, v25;
	v10 =	vperm.xlane v59, v30  }
0x17b: {  	[tilespmem:v20+s25+$0x0] =	vst.idx.add.f32.msk $0xffff, v62;
	v51 =	vor.u32 v50, v17  }
0x17c: {  	v23 =	vmul.f32 v0, v60;
	[tilespmem:v16+s25+$0x0] =	vst.idx.add.f32.msk $0xffff, v11;
	v1 =	vadd.f32 v59, v10  }
0x17d: {  	v11 =	vld [tilespmem:$0x1FFD0]  }
0x17e: {  	[tilespmem:v63+s25+$0x0] =	vst.idx.add.f32.msk $0xffff, v23;
	v59 =	vmul.f32 v0, v53;
	v57 =	vperm.xlane v1, v31  }
0x17f: {  	v63 =	vld [tilespmem:s0+$0x200]  }
0x180: {  	[tilespmem:v51+s25+$0x0] =	vst.idx.add.f32.msk $0xffff, v59;
	v1 =	vadd.f32 v1, v57  }
0x181: {  	v51 =	vld [tilespmem:s0+$0x220]  }
0x182: {  	v61 =	vld [tilespmem:$0x1FFE0];
	v50 =	vmul.f32 v0, v58;
	v16 =	vmul.f32 $5.000000000e-01, v1;
	v1 =	vshrl.u32 v1, $0x1  }
0x183: {  	v7 =	vld [tilespmem:s0+$0x230];
	v58 =	vmul.f32 v54, v54;
	v23 =	vmul.f32 v0, v55;
	v1 =	vsub.s32 $0x5F3759DF, v1  }
0x184: {  	v52 =	vld [tilespmem:$0x1FFF0];
	v57 =	vmul.f32 v63, v63;
	v55 =	vmul.f32 v1, v16  }
0x185: {  	v5 =	vld [tilespmem:s0+$0x240];
	v20 =	vor.u32 v11, v17  }
0x186: {  	v8 =	vadd.f32 v58, v57;
	v60 =	vmul.f32 v51, v51;
	v6 =	vmul.f32 v1, v55  }
0x187: {  	v62 =	vor.u32 v61, v17  }
0x188: {  	v61 =	vmul.f32 v7, v7;
	v8 =	vadd.f32 v8, v60;
	v24 =	vsub.f32 $1.500000000e+00, v6;
	v6 =	vld [tilespmem:s0+$0x250]  }
0x189: {  	v4 =	vmul.f32 v0, v48;
	v59 =	vmul.f32 v0, v46;
	v46 =	vld [tilespmem:s0+$0x260]  }
0x18a: {  	v48 =	vld [tilespmem:s0+$0x270];
	v3 =	vmul.f32 v5, v5;
	v53 =	vor.u32 v52, v17;
	v8 =	vadd.f32 v8, v61  }
0x18b: {  	v25 =	vmul.f32 v0, v47;
	[tilespmem:v20+s25+$0x0] =	vst.idx.add.f32.msk $0xffff, v23;
	v1 =	vmul.f32 v1, v24  }
0x18c: {  	v11 =	vimm.s32 $0xB;
	[tilespmem:v62+s25+$0x0] =	vst.idx.add.f32.msk $0xffff, v50;
	v62 =	vor.u32 v13, v17;
	v8 =	vadd.f32 v8, v3  }
0x18d: {  	v52 =	vld [tilespmem:$0x1FFC0];
	v24 =	vor.u32 v14, v17;
	v16 =	vmul.f32 v1, v16;
	v10 =	vmul.f32 v6, v6  }
0x18e: {  	v34 =	vperm.xlane v34, v11;
	v47 =	vmul.f32 v46, v46;
	v58 =	vld [tilespmem:$0x1FFB0];
	v17 =	vor.u32 v15, v17  }
0x18f: {  	[tilespmem:v53+s25+$0x0] =	vst.idx.add.f32.msk $0xffff, v59;
	v16 =	vmul.f32 v16, v1;
	v8 =	vadd.f32 v8, v10  }
0x190: {  	v0 =	vmul.f32 v0, v49;
	v20 =	vshll.u32 v34, $0x7;
	v55 =	vld [tilespmem:$0x1FFA0]  }
0x191: {  	v50 =	vmul.f32 v48, v48;
	[tilespmem:v62+s25+$0x0] =	vst.idx.add.f32.msk $0xffff, v4;
	v16 =	vsub.f32 $1.500000000e+00, v16;
	v8 =	vadd.f32 v8, v47  }
0x192: {  	v49 =	vor.u32 v32, v20;
	[tilespmem:v24+s25+$0x0] =	vst.idx.add.f32.msk $0xffff, v25  }
0x193: {  	[tilespmem:v17+s25+$0x0] =	vst.idx.add.f32.msk $0xffff, v0;
	v1 =	vmul.f32 v16, v1;
	v8 =	vadd.f32 v8, v50  }
0x194: {  	v17 =	vld [tilespmem:s0+$0x290]  }
0x195: {  	v0 =	vor.u32 v52, v20;
	v16 =	vmul.f32 v1, v21;
	v21 =	vld [tilespmem:s0+$0x280];
	v19 =	vperm.xlane v8, v55  }
0x196: {  	v53 =	vld [tilespmem:$0x1FFD0]  }
0x197: {  	v8 =	vadd.f32 v8, v19;
	v19 =	vld [tilespmem:s0+$0x2A0]  }
0x198: {  	[tilespmem:v49+s25+$0x0] =	vst.idx.add.f32.msk $0xffff, v16;
	v16 =	vmul.f32 v1, v18  }
0x199: {  	v57 =	vmul.f32 v1, v22;
	v22 =	vld [tilespmem:s0+$0x2B0];
	v60 =	vmul.f32 v17, v17  }
0x19a: {  	[tilespmem:v0+s25+$0x0] =	vst.idx.add.f32.msk $0xffff, v16;
	v16 =	vperm.xlane v8, v58;
	v59 =	vmul.f32 v21, v21  }
0x19b: {  	v52 =	vld [tilespmem:s0+$0x2C0]  }
0x19c: {  	v62 =	vld [tilespmem:$0x1FFE0];
	v8 =	vadd.f32 v8, v16;
	v0 =	vadd.f32 v60, v59;
	v16 =	vmul.f32 v19, v19  }
0x19d: {  	v59 =	vld [tilespmem:s0+$0x2D0]  }
0x19e: {  	v0 =	vadd.f32 v0, v16;
	v16 =	vmul.f32 v22, v22  }
0x19f: {  	v24 =	vor.u32 v53, v20;
	v53 =	vld [tilespmem:s0+$0x2E0]  }
0x1a0: {  	v11 =	vld [tilespmem:$0x1FFF0];
	v61 =	vperm.xlane v8, v30;
	v0 =	vadd.f32 v0, v16;
	v16 =	vmul.f32 v52, v52  }
0x1a1: {  	v4 =	vor.u32 v62, v20;
	v49 =	vld [tilespmem:s0+$0x2F0]  }
0x1a2: {  	v62 =	vld [tilespmem:$0x1FFA0];
	v8 =	vadd.f32 v8, v61;
	v0 =	vadd.f32 v0, v16;
	v16 =	vmul.f32 v59, v59  }
0x1a3: {  	v50 =	vld [tilespmem:s0+$0x310]  }
0x1a4: {  	v55 =	vld [tilespmem:s0+$0x300];
	v47 =	vperm.xlane v8, v31;
	v0 =	vadd.f32 v0, v16;
	v16 =	vmul.f32 v53, v53  }
0x1a5: {  	v10 =	vld [tilespmem:$0x1FFB0]  }
0x1a6: {  	v8 =	vadd.f32 v8, v47;
	v47 =	vld [tilespmem:s0+$0x320];
	v0 =	vadd.f32 v0, v16;
	v16 =	vmul.f32 v49, v49  }
0x1a7: {  	[tilespmem:v24+s25+$0x0] =	vst.idx.add.f32.msk $0xffff, v57;
	v24 =	vmul.f32 v1, v56  }
0x1a8: {  	v58 =	vmul.f32 v50, v50;
	v60 =	vld [tilespmem:s0+$0x330];
	v0 =	vadd.f32 v0, v16  }
0x1a9: {  	[tilespmem:v4+s25+$0x0] =	vst.idx.add.f32.msk $0xffff, v24;
	v57 =	vshrl.u32 v8, $0x1;
	v8 =	vmul.f32 $5.000000000e-01, v8;
	v16 =	vmul.f32 v55, v55  }
0x1aa: {  	v61 =	vld [tilespmem:s0+$0x340];
	v18 =	vsub.s32 $0x5F3759DF, v57;
	v25 =	vperm.xlane v0, v62  }
0x1ab: {  	v24 =	vmul.f32 v18, v8;
	v4 =	vmul.f32 v47, v47;
	v16 =	vadd.f32 v58, v16  }
0x1ac: {  	v23 =	vld [tilespmem:s0+$0x370];
	v0 =	vadd.f32 v0, v25  }
0x1ad: {  	v56 =	vld [tilespmem:s0+$0x350];
	v9 =	vmul.f32 v60, v60;
	v24 =	vmul.f32 v18, v24;
	v16 =	vadd.f32 v16, v4  }
0x1ae: {  	v28 =	vor.u32 v11, v20;
	v29 =	vmul.f32 v1, v44;
	v57 =	vld [tilespmem:s0+$0x360];
	v26 =	vperm.xlane v0, v10  }
0x1af: {  	v27 =	vmul.f32 v61, v61;
	v58 =	vld [tilespmem:s0+$0x390];
	v24 =	vsub.f32 $1.500000000e+00, v24;
	v16 =	vadd.f32 v16, v9  }
0x1b0: {  	v2 =	vmul.f32 v1, v43;
	v25 =	vmul.f32 v1, v45;
	v45 =	vld [tilespmem:s0+$0x380];
	v0 =	vadd.f32 v0, v26  }
0x1b1: {  	v43 =	vld [tilespmem:s0+$0x3B0];
	v1 =	vmul.f32 v1, v42;
	v24 =	vmul.f32 v18, v24;
	v16 =	vadd.f32 v16, v27  }
0x1b2: {  	v42 =	vld [tilespmem:$0x1FFC0];
	v26 =	vmul.f32 v56, v56;
	v27 =	vor.u32 v13, v20;
	v44 =	vperm.xlane v0, v30  }
0x1b3: {  	v3 =	vor.u32 v14, v20;
	v62 =	vmul.f32 v57, v57;
	v18 =	vld [tilespmem:s0+$0x3A0]  }
0x1b4: {  	v8 =	vmul.f32 v24, v8;
	v16 =	vadd.f32 v16, v26;
	v26 =	vld [tilespmem:s30+$0x0];
	v0 =	vadd.f32 v0, v44  }
0x1b5: {  	[tilespmem:v28+s25+$0x0] =	vst.idx.add.f32.msk $0xffff, v25;
	v9 =	vmul.f32 v58, v58;
	v4 =	vmul.f32 v45, v45  }
0x1b6: {  	v10 =	vor.u32 v15, v20;
	v8 =	vmul.f32 v8, v24;
	v44 =	vld [tilespmem:s0+$0x3C0];
	v20 =	vperm.xlane v0, v31  }
0x1b7: {  	v11 =	vimm.s32 $0xC;
	v16 =	vadd.f32 v16, v62;
	v62 =	vmul.f32 v23, v23;
	[tilespmem:v27+s25+$0x0] =	vst.idx.add.f32.msk $0xffff, v29  }
0x1b8: {  	v4 =	vadd.f32 v9, v4;
	v9 =	vmul.f32 v18, v18;
	v0 =	vadd.f32 v0, v20;
	v20 =	vld [tilespmem:$0x1FFA0]  }
0x1b9: {  	v8 =	vsub.f32 $1.500000000e+00, v8;
	v16 =	vadd.f32 v16, v62;
	v62 =	vld [tilespmem:s0+$0x3D0];
	v25 =	vperm.xlane v26, v11  }
0x1ba: {  	[tilespmem:v3+s25+$0x0] =	vst.idx.add.f32.msk $0xffff, v2  }
0x1bb: {  	v4 =	vadd.f32 v4, v9;
	v8 =	vmul.f32 v8, v24;
	v3 =	vld [tilespmem:$0x1FFB0];
	v11 =	vshll.u32 v25, $0x7  }
0x1bc: {  	v9 =	vmul.f32 v43, v43;
	[tilespmem:v10+s25+$0x0] =	vst.idx.add.f32.msk $0xffff, v1;
	v2 =	vor.u32 v32, v11  }
0x1bd: {  	v1 =	vmul.f32 v8, v54;
	v28 =	vperm.xlane v16, v20;
	v20 =	vld [tilespmem:s0+$0x3E0]  }
0x1be: {  	v4 =	vadd.f32 v4, v9;
	v9 =	vmul.f32 v44, v44;
	v12 =	vmul.f32 $5.000000000e-01, v0  }
0x1bf: {  	v24 =	vld [tilespmem:s0+$0x3F0];
	v0 =	vshrl.u32 v0, $0x1;
	v16 =	vadd.f32 v16, v28;
	v28 =	vmul.f32 v8, v63  }
0x1c0: {  	v54 =	vld [tilespmem:$0x1FFE0];
	v4 =	vadd.f32 v4, v9;
	v9 =	vmul.f32 v62, v62;
	v0 =	vsub.s32 $0x5F3759DF, v0  }
0x1c1: {  	v27 =	vmul.f32 v0, v12;
	v3 =	vperm.xlane v16, v3;
	[tilespmem:v2+s25+$0x0] =	vst.idx.add.f32.msk $0xffff, v28  }
0x1c2: {  	v4 =	vadd.f32 v4, v9;
	v2 =	vor.u32 v42, v11;
	v42 =	vld [tilespmem:$0x1FFD0];
	v9 =	vmul.f32 v20, v20  }
0x1c3: {  	v63 =	vld [tilespmem:$0x1FFA0];
	v3 =	vadd.f32 v16, v3  }
0x1c4: {  	v29 =	vld [tilespmem:$0x1FFF0];
	v16 =	vmul.f32 v0, v27;
	v4 =	vadd.f32 v4, v9;
	v9 =	vmul.f32 v24, v24  }
0x1c5: {  	v10 =	vperm.xlane v3, v30  }
0x1c6: {  	v16 =	vsub.f32 $1.500000000e+00, v16;
	v4 =	vadd.f32 v4, v9  }
0x1c7: {  	v7 =	vmul.f32 v8, v7;
	v3 =	vadd.f32 v3, v10;
	v10 =	vor.u32 v42, v11  }
0x1c8: {  	v27 =	vor.u32 v54, v11;
	v0 =	vmul.f32 v0, v16;
	v16 =	vperm.xlane v4, v63  }
0x1c9: {  	v29 =	vor.u32 v29, v11;
	v9 =	vmul.f32 v8, v51;
	v42 =	vld [tilespmem:$0x1FFB0];
	v28 =	vperm.xlane v3, v31  }
0x1ca: {  	[tilespmem:v2+s25+$0x0] =	vst.idx.add.f32.msk $0xffff, v1;
	v4 =	vadd.f32 v4, v16;
	v16 =	vor.u32 v13, v11  }
0x1cb: {  	v51 =	vld [tilespmem:$0x1FFC0];
	v12 =	vmul.f32 v0, v12;
	v3 =	vadd.f32 v3, v28;
	v28 =	vor.u32 v14, v11  }
0x1cc: {  	v5 =	vmul.f32 v8, v5;
	v6 =	vmul.f32 v8, v6;
	[tilespmem:v10+s25+$0x0] =	vst.idx.add.f32.msk $0xffff, v9  }
0x1cd: {  	v46 =	vmul.f32 v8, v46;
	v12 =	vmul.f32 v12, v0;
	[tilespmem:v27+s25+$0x0] =	vst.idx.add.f32.msk $0xffff, v7  }
0x1ce: {  	v1 =	vimm.s32 $0xD;
	v42 =	vperm.xlane v4, v42;
	v7 =	vor.u32 v15, v11;
	[tilespmem:v29+s25+$0x0] =	vst.idx.add.f32.msk $0xffff, v5  }
0x1cf: {  	v1 =	vperm.xlane v26, v1;
	v2 =	vmul.f32 $5.000000000e-01, v3;
	v3 =	vshrl.u32 v3, $0x1;
	[tilespmem:v16+s25+$0x0] =	vst.idx.add.f32.msk $0xffff, v6  }
0x1d0: {  	v9 =	vsub.f32 $1.500000000e+00, v12;
	v3 =	vsub.s32 $0x5F3759DF, v3;
	v4 =	vadd.f32 v4, v42;
	[tilespmem:v28+s25+$0x0] =	vst.idx.add.f32.msk $0xffff, v46  }
0x1d1: {  	v48 =	vmul.f32 v8, v48;
	v10 =	vshll.u32 v1, $0x7;
	v11 =	vmul.f32 v3, v2;
	v46 =	vld [tilespmem:$0x1FFD0]  }
0x1d2: {  	v0 =	vmul.f32 v9, v0;
	v9 =	vor.u32 v32, v10;
	v12 =	vperm.xlane v4, v30  }
0x1d3: {  	v11 =	vmul.f32 v3, v11;
	[tilespmem:v7+s25+$0x0] =	vst.idx.add.f32.msk $0xffff, v48  }
0x1d4: {  	v4 =	vadd.f32 v4, v12;
	v7 =	vmul.f32 v0, v22;
	v22 =	vld [tilespmem:$0x1FFF0]  }
0x1d5: {  	v8 =	vor.u32 v51, v10;
	v32 =	vmul.f32 v0, v21;
	v11 =	vsub.f32 $1.500000000e+00, v11  }
0x1d6: {  	v48 =	vperm.xlane v4, v31;
	v6 =	vor.u32 v46, v10  }
0x1d7: {  	[tilespmem:v9+s25+$0x0] =	vst.idx.add.f32.msk $0xffff, v32;
	v3 =	vmul.f32 v3, v11  }
0x1d8: {  	v32 =	vmul.f32 v0, v17;
	v4 =	vadd.f32 v4, v48;
	v48 =	vor.u32 v54, v10  }
0x1d9: {  	v46 =	vmul.f32 v0, v19;
	v2 =	vmul.f32 v3, v2;
	v5 =	vor.u32 v22, v10  }
0x1da: {  	v9 =	vor.u32 v14, v10;
	[tilespmem:v8+s25+$0x0] =	vst.idx.add.f32.msk $0xffff, v32;
	v32 =	vor.u32 v13, v10  }
0x1db: {  	v17 =	vmul.f32 v0, v52;
	v2 =	vmul.f32 v2, v3;
	[tilespmem:v6+s25+$0x0] =	vst.idx.add.f32.msk $0xffff, v46  }
0x1dc: {  	v46 =	vmul.f32 v0, v59;
	v59 =	vmul.f32 v0, v53;
	v53 =	vld [tilespmem:$0x1FFD0]  }
0x1dd: {  	v10 =	vor.u32 v15, v10;
	[tilespmem:v48+s25+$0x0] =	vst.idx.add.f32.msk $0xffff, v7;
	v2 =	vsub.f32 $1.500000000e+00, v2  }
0x1de: {  	[tilespmem:v5+s25+$0x0] =	vst.idx.add.f32.msk $0xffff, v17  }
0x1df: {  	[tilespmem:v32+s25+$0x0] =	vst.idx.add.f32.msk $0xffff, v46;
	v2 =	vmul.f32 v2, v3  }
0x1e0: {  	v42 =	vimm.s32 $0xE;
	v0 =	vmul.f32 v0, v49;
	[tilespmem:v9+s25+$0x0] =	vst.idx.add.f32.msk $0xffff, v59  }
0x1e1: {  	v12 =	vperm.xlane v26, v42;
	v42 =	vmul.f32 v2, v55;
	v55 =	vld [tilespmem:$0x1FFF0]  }
0x1e2: {  	[tilespmem:v10+s25+$0x0] =	vst.idx.add.f32.msk $0xffff, v0  }
0x1e3: {  	v9 =	vimm.f32 $1.000000000e+00;
	v59 =	vmul.f32 v2, v60;
	v60 =	vld [tilespmem:$0x1FFB0]  }
0x1e4: {  	[tilespmem:v33+s26+$0x0] =	vst.idx.add.f32.msk $0x1, v9  }
0x1e5: {  	[tilespmem:v35+s26+$0x0] =	vst.idx.add.f32.msk $0x1, v9  }
0x1e6: {  	v8 =	vmul.f32 $5.000000000e-01, v4;
	v4 =	vshrl.u32 v4, $0x1;
	[tilespmem:v36+s26+$0x0] =	vst.idx.add.f32.msk $0x1, v9  }
0x1e7: {  	v4 =	vsub.s32 $0x5F3759DF, v4;
	[tilespmem:v37+s26+$0x0] =	vst.idx.add.f32.msk $0x1, v9  }
0x1e8: {  	v16 =	vmul.f32 v4, v8;
	[tilespmem:v38+s26+$0x0] =	vst.idx.add.f32.msk $0x1, v9  }
0x1e9: {  	v28 =	vlaneseq.u32;
	v7 =	vshll.u32 v12, $0x7;
	[tilespmem:v39+s26+$0x0] =	vst.idx.add.f32.msk $0x1, v9  }
0x1ea: {  	v48 =	vmul.f32 v4, v16;
	v16 =	vor.u32 v28, v7;
	[tilespmem:v40+s26+$0x0] =	vst.idx.add.f32.msk $0x1, v9  }
0x1eb: {  	v22 =	vor.u32 v51, v7;
	[tilespmem:v41+s26+$0x0] =	vst.idx.add.f32.msk $0x1, v9  }
0x1ec: {  	v32 =	vsub.f32 $1.500000000e+00, v48;
	v46 =	vor.u32 v53, v7;
	[tilespmem:v34+s26+$0x0] =	vst.idx.add.f32.msk $0x1, v9  }
0x1ed: {  	v49 =	vor.u32 v54, v7;
	[tilespmem:v25+s26+$0x0] =	vst.idx.add.f32.msk $0x1, v9  }
0x1ee: {  	v48 =	vmul.f32 v2, v50;
	v4 =	vmul.f32 v4, v32;
	[tilespmem:v1+s26+$0x0] =	vst.idx.add.f32.msk $0x1, v9  }
0x1ef: {  	v21 =	vimm.s32 $0xF;
	v52 =	vmul.f32 v2, v47;
	[tilespmem:v16+s25+$0x0] =	vst.idx.add.f32.msk $0xffff, v42;
	v50 =	vor.u32 v55, v7  }
0x1f0: {  	v11 =	vperm.xlane v26, v21;
	v8 =	vmul.f32 v4, v8;
	[tilespmem:v22+s25+$0x0] =	vst.idx.add.f32.msk $0xffff, v48  }
0x1f1: {  	v19 =	vor.u32 v13, v7;
	v22 =	vmul.f32 v2, v61;
	[tilespmem:v46+s25+$0x0] =	vst.idx.add.f32.msk $0xffff, v52  }
0x1f2: {  	v32 =	vor.u32 v14, v7;
	v8 =	vmul.f32 v8, v4;
	v52 =	vmul.f32 v2, v23;
	v23 =	vld [tilespmem:$0x1FF80]  }
0x1f3: {  	v47 =	vmul.f32 v2, v56;
	[tilespmem:v49+s25+$0x0] =	vst.idx.add.f32.msk $0xffff, v59  }
0x1f4: {  	v42 =	vor.u32 v15, v7;
	v46 =	vsub.f32 $1.500000000e+00, v8;
	v8 =	vshll.u32 v11, $0x7;
	[tilespmem:v50+s25+$0x0] =	vst.idx.add.f32.msk $0xffff, v22  }
0x1f5: {  	v49 =	vmul.f32 v2, v57;
	v48 =	vor.u32 v28, v8;
	v22 =	vld [tilespmem:$0x1FF70]  }
0x1f6: {  	v4 =	vmul.f32 v46, v4;
	[tilespmem:v19+s25+$0x0] =	vst.idx.add.f32.msk $0xffff, v47  }
0x1f7: {  	[tilespmem:v32+s25+$0x0] =	vst.idx.add.f32.msk $0xffff, v49  }
0x1f8: {  	v50 =	vor.u32 v51, v8;
	v10 =	vmul.f32 v4, v45;
	v32 =	vld [tilespmem:$0x1FF90]  }
0x1f9: {  	v59 =	vor.u32 v53, v8;
	[tilespmem:v42+s25+$0x0] =	vst.idx.add.f32.msk $0xffff, v52  }
0x1fa: {  	[tilespmem:v48+s25+$0x0] =	vst.idx.add.f32.msk $0xffff, v10  }
0x1fb: {  	v19 =	vmul.f32 v4, v58;
	[tilespmem:v23+s26+$0x0] =	vst.idx.add.f32.msk $0x1, v9;
	v42 =	vor.u32 v54, v8  }
0x1fc: {  	v21 =	vmul.f32 v4, v18;
	v45 =	vor.u32 v55, v8;
	[tilespmem:v12+s26+$0x0] =	vst.idx.add.f32.msk $0x1, v9  }
0x1fd: {  	[tilespmem:v50+s25+$0x0] =	vst.idx.add.f32.msk $0xffff, v19  }
0x1fe: {  	v46 =	vor.u32 v13, v8;
	v47 =	vmul.f32 v4, v43;
	[tilespmem:v59+s25+$0x0] =	vst.idx.add.f32.msk $0xffff, v21  }
0x1ff: {  	v49 =	vmul.f32 v4, v44;
	v48 =	vor.u32 v14, v8;
	[tilespmem:v22+s26+$0x0] =	vst.idx.add.f32.msk $0x1, v9  }
0x200: {  	s31 =	sadd.s32 $0x10, s31;
	v50 =	vor.u32 v15, v8;
	[tilespmem:v42+s25+$0x0] =	vst.idx.add.f32.msk $0xffff, v47  }
0x201: {  	p1 =	slt.u32 s31, $0x70;
	v52 =	vmul.f32 v4, v62;
	[tilespmem:v45+s25+$0x0] =	vst.idx.add.f32.msk $0xffff, v49  }
.Ltmp2:
0x202: {  	v58 =	vmul.f32 v4, v20;
	[tilespmem:v32+s26+$0x0] =	vst.idx.add.f32.msk $0x1, v9;
	(pc) =	sbr.rel @p1 .LBB2_7-.Ltmp2, $4  }
0x203: {  	v59 =	vmul.f32 v4, v24;
	[tilespmem:v46+s25+$0x0] =	vst.idx.add.f32.msk $0xffff, v52  }
0x204: {  	[tilespmem:v48+s25+$0x0] =	vst.idx.add.f32.msk $0xffff, v58  }
0x205: {  	v27 =	vimm.s32 $0x0;
	[tilespmem:v50+s25+$0x0] =	vst.idx.add.f32.msk $0xffff, v59  }
0x206: {  	s30 =	sadd.s32 $0x10, s30;
	s0 =	sadd.s32 $0x800, s0;
	v29 =	vimm.s32 $0x1;
	v56 =	vimm.s32 $0x2;
	v61 =	vmovc v30;
	v57 =	vimm.s32 $0x3;
	v62 =	vmovc v31;
	[tilespmem:v11+s26+$0x0] =	vst.idx.add.f32.msk $0x1, v9  }
0x207: {  	s0 =	simm.s32 @p0 $0x0;
	s30 =	simm.s32 @p0 $0x200  }
0x208: {  	[tilespmem:s30], [sflag:$0x1] =	stream.linear.gather @p0 [hbm4b:s6+s0], $0x4000, $0x38;
	[tilespmem:$0x18400] =	vst v63  }
0x209: {  	_ =	swait.ge [sflag:s28], $0x4000  }
0x20a: {  	s30 =	sadd.s32 $0x80, s1;
	[sflag:s28] =	ssyncset.done $0x0  }
0x20b: {  	s0 =	simm.s32 $0xFFFFFFF0;
	s1 =	simm.s32 $0x4600;
	[sflag:s28] =	ssyncadd.s32 $0xFFFFC000  }
.LBB2_9:
0x20c: {  	v0 =	vld [tilespmem:s1+$0xFFFFFC00]  }
0x20d: {  	v1 =	vld [tilespmem:s1+$0xFFFFFC10];
	_ =	sdelay $0x1  }
0x20e: {  	v2 =	vld [tilespmem:s1+$0xFFFFFC20];
	_ =	sdelay $0x1  }
0x20f: {  	v3 =	vld [tilespmem:s1+$0xFFFFFC30]  }
0x210: {  	v4 =	vmul.f32 v0, v0;
	v5 =	vmul.f32 v1, v1  }
0x211: {  	v7 =	vld [tilespmem:s1+$0xFFFFFC40]  }
0x212: {  	v8 =	vld [tilespmem:s1+$0xFFFFFC50];
	v23 =	vmul.f32 v2, v2;
	v4 =	vadd.f32 v5, v4  }
0x213: {  	v9 =	vld [tilespmem:s1+$0xFFFFFC60]  }
0x214: {  	v26 =	vld [tilespmem:s1+$0xFFFFFC80];
	v32 =	vmul.f32 v3, v3;
	v4 =	vadd.f32 v4, v23  }
0x215: {  	v43 =	vld [tilespmem:s1+$0xFFFFFC90]  }
0x216: {  	v36 =	vld [tilespmem:s1+$0xFFFFFC70];
	v33 =	vmul.f32 v7, v7;
	v4 =	vadd.f32 v4, v32  }
0x217: {  	v24 =	vld [tilespmem:s1+$0xFFFFFCA0]  }
0x218: {  	v34 =	vmul.f32 v8, v8;
	v4 =	vadd.f32 v4, v33  }
0x219: {  	v35 =	vmul.f32 v9, v9;
	v32 =	vld [tilespmem:s1+$0xFFFFFCB0]  }
0x21a: {  	v38 =	vmul.f32 v26, v26;
	v6 =	vmul.f32 v43, v43;
	v4 =	vadd.f32 v4, v34  }
0x21b: {  	v37 =	vmul.f32 v36, v36;
	v23 =	vld [tilespmem:s1+$0xFFFFFCC0]  }
0x21c: {  	v39 =	vmul.f32 v24, v24;
	v5 =	vadd.f32 v6, v38;
	v4 =	vadd.f32 v4, v35  }
0x21d: {  	v42 =	vld [tilespmem:s1+$0xFFFFFCD0]  }
0x21e: {  	v5 =	vadd.f32 v5, v39;
	v44 =	vmul.f32 v32, v32;
	v4 =	vadd.f32 v4, v37  }
0x21f: {  	v20 =	vld [tilespmem:s1+$0xFFFFFCE0]  }
0x220: {  	v45 =	vmul.f32 v23, v23;
	v5 =	vadd.f32 v5, v44;
	v10 =	vperm.xlane v4, v63  }
0x221: {  	v21 =	vld [tilespmem:s1+$0xFFFFFCF0]  }
0x222: {  	v46 =	vmul.f32 v42, v42;
	v5 =	vadd.f32 v5, v45;
	v4 =	vadd.f32 v4, v10;
	_ =	sdelay $0x1  }
0x223: {  	v47 =	vmul.f32 v20, v20;
	v5 =	vadd.f32 v5, v46;
	v10 =	vperm.xlane v4, v60;
	_ =	sdelay $0x1  }
0x224: {  	v48 =	vmul.f32 v21, v21;
	v5 =	vadd.f32 v5, v47;
	v4 =	vadd.f32 v4, v10;
	_ =	sdelay $0x1  }
0x225: {  	v5 =	vadd.f32 v5, v48;
	v10 =	vperm.xlane v4, v61  }
0x226: {  	v25 =	vld [tilespmem:s1+$0xFFFFFD00]  }
0x227: {  	v41 =	vld [tilespmem:s1+$0xFFFFFD10];
	v6 =	vperm.xlane v5, v63;
	v4 =	vadd.f32 v4, v10;
	_ =	sdelay $0x1  }
0x228: {  	v22 =	vld [tilespmem:s1+$0xFFFFFD20];
	v5 =	vadd.f32 v5, v6;
	v10 =	vperm.xlane v4, v62;
	_ =	sdelay $0x1  }
0x229: {  	v6 =	vld [tilespmem:s1+$0xFFFFFD30];
	v12 =	vperm.xlane v5, v60;
	v4 =	vadd.f32 v4, v10  }
0x22a: {  	v16 =	vmul.f32 v25, v25;
	v17 =	vmul.f32 v41, v41  }
0x22b: {  	v12 =	vadd.f32 v5, v12;
	v5 =	vld [tilespmem:s1+$0xFFFFFD40];
	v10 =	vmul.f32 $5.000000000e-01, v4;
	v4 =	vshrl.u32 v4, $0x1  }
0x22c: {  	v16 =	vadd.f32 v17, v16;
	v17 =	vmul.f32 v22, v22;
	v39 =	vld [tilespmem:s1+$0xFFFFFD50];
	v4 =	vsub.s32 $0x5F3759DF, v4  }
0x22d: {  	v34 =	vld [tilespmem:s30+$0x0];
	v11 =	vmul.f32 v4, v10  }
0x22e: {  	v16 =	vadd.f32 v16, v17;
	v17 =	vmul.f32 v6, v6;
	v18 =	vperm.xlane v12, v61  }
0x22f: {  	v40 =	vld [tilespmem:s1+$0xFFFFFD60];
	v11 =	vmul.f32 v4, v11  }
0x230: {  	v49 =	vadd.f32 v12, v18;
	v12 =	vadd.f32 v16, v17;
	v16 =	vmul.f32 v5, v5  }
0x231: {  	v33 =	vld [tilespmem:s1+$0xFFFFFD70];
	v11 =	vsub.f32 $1.500000000e+00, v11  }
0x232: {  	v50 =	vperm.xlane v34, v27;
	v12 =	vadd.f32 v12, v16;
	v16 =	vmul.f32 v39, v39  }
0x233: {  	v17 =	vperm.xlane v49, v62;
	v4 =	vmul.f32 v4, v11  }
0x234: {  	v12 =	vadd.f32 v12, v16;
	v16 =	vmul.f32 v40, v40  }
0x235: {  	v27 =	vshll.u32 v50, $0x7;
	v11 =	vadd.f32 v49, v17;
	v10 =	vmul.f32 v4, v10  }
0x236: {  	v17 =	vor.u32 v28, v27;
	v12 =	vadd.f32 v12, v16;
	v16 =	vmul.f32 v33, v33  }
0x237: {  	v28 =	vmul.f32 $5.000000000e-01, v11;
	v11 =	vshrl.u32 v11, $0x1;
	v10 =	vmul.f32 v10, v4  }
0x238: {  	v12 =	vadd.f32 v12, v16;
	v11 =	vsub.s32 $0x5F3759DF, v11  }
0x239: {  	v58 =	vmul.f32 v11, v28;
	v10 =	vsub.f32 $1.500000000e+00, v10  }
0x23a: {  	v19 =	vperm.xlane v12, v63  }
0x23b: {  	v18 =	vmul.f32 v11, v58;
	v4 =	vmul.f32 v10, v4  }
0x23c: {  	v52 =	vor.u32 v51, v27;
	v37 =	vadd.f32 v12, v19;
	v19 =	vld [tilespmem:s1+$0xFFFFFD90]  }
0x23d: {  	v16 =	vor.u32 v53, v27;
	v35 =	vsub.f32 $1.500000000e+00, v18;
	v18 =	vld [tilespmem:s1+$0xFFFFFD80];
	v0 =	vmul.f32 v4, v0  }
0x23e: {  	v59 =	vor.u32 v54, v27;
	v12 =	vor.u32 v55, v27;
	v45 =	vmul.f32 v4, v7;
	v7 =	vld [tilespmem:s1+$0xFFFFFDA0]  }
0x23f: {  	v38 =	vperm.xlane v37, v60;
	v1 =	vmul.f32 v4, v1;
	[tilespmem:v17+s25+$0x0] =	vst.idx.add.f32.msk $0xffff, v0  }
0x240: {  	[tilespmem:$0x1FF50] =	vst v50;
	v48 =	vor.u32 v13, v27;
	v2 =	vmul.f32 v4, v2;
	v44 =	vmul.f32 v4, v3;
	v17 =	vld [tilespmem:s1+$0xFFFFFDB0]  }
0x241: {  	v10 =	vadd.f32 v37, v38;
	[tilespmem:v52+s25+$0x0] =	vst.idx.add.f32.msk $0xffff, v1;
	v1 =	vmul.f32 v11, v35  }
0x242: {  	v46 =	vmul.f32 v4, v8;
	v47 =	vmul.f32 v4, v9;
	[tilespmem:v16+s25+$0x0] =	vst.idx.add.f32.msk $0xffff, v2  }
0x243: {  	v11 =	vperm.xlane v10, v61;
	v16 =	vmul.f32 v1, v28;
	[tilespmem:v59+s25+$0x0] =	vst.idx.add.f32.msk $0xffff, v44  }
0x244: {  	v50 =	vmul.f32 v18, v18;
	[tilespmem:v12+s25+$0x0] =	vst.idx.add.f32.msk $0xffff, v45;
	v12 =	vmul.f32 v19, v19  }
0x245: {  	v4 =	vmul.f32 v4, v36;
	v35 =	vld [tilespmem:s1+$0xFFFFFDC0];
	v10 =	vadd.f32 v10, v11;
	v49 =	vmul.f32 v16, v1  }
0x246: {  	v38 =	vld [tilespmem:s1+$0xFFFFFDD0];
	v28 =	vperm.xlane v34, v29;
	v52 =	vmul.f32 v7, v7;
	v3 =	vadd.f32 v12, v50  }
0x247: {  	v16 =	vor.u32 v14, v27;
	v58 =	vperm.xlane v10, v62;
	v9 =	vsub.f32 $1.500000000e+00, v49  }
0x248: {  	v36 =	vld [tilespmem:s1+$0xFFFFFDE0];
	v44 =	vlaneseq.u32;
	v59 =	vmul.f32 v17, v17;
	v3 =	vadd.f32 v3, v52  }
0x249: {  	[tilespmem:v48+s25+$0x0] =	vst.idx.add.f32.msk $0xffff, v46;
	v0 =	vshll.u32 v28, $0x7;
	v1 =	vmul.f32 v9, v1;
	v9 =	vadd.f32 v10, v58  }
0x24a: {  	v12 =	vor.u32 v15, v27;
	v46 =	vmul.f32 v35, v35;
	v3 =	vadd.f32 v3, v59  }
0x24b: {  	v37 =	vld [tilespmem:s1+$0xFFFFFDF0];
	v48 =	vmul.f32 v38, v38;
	v27 =	vmul.f32 $5.000000000e-01, v9;
	v9 =	vshrl.u32 v9, $0x1  }
0x24c: {  	v11 =	vor.u32 v44, v0;
	[tilespmem:v16+s25+$0x0] =	vst.idx.add.f32.msk $0xffff, v47;
	v47 =	vsub.s32 $0x5F3759DF, v9;
	v3 =	vadd.f32 v3, v46  }
0x24d: {  	v45 =	vmul.f32 v1, v26;
	v26 =	vor.u32 v51, v0;
	v49 =	vmul.f32 v47, v27  }
0x24e: {  	v50 =	vmul.f32 v36, v36;
	v58 =	vor.u32 v53, v0;
	v3 =	vadd.f32 v3, v48  }
0x24f: {  	v59 =	vor.u32 v54, v0;
	[tilespmem:v12+s25+$0x0] =	vst.idx.add.f32.msk $0xffff, v4;
	v4 =	vmul.f32 v47, v49  }
0x250: {  	v52 =	vmul.f32 v1, v43;
	v43 =	vmul.f32 v37, v37;
	v3 =	vadd.f32 v3, v50  }
0x251: {  	v16 =	vor.u32 v13, v0;
	v44 =	vmul.f32 v1, v24;
	[tilespmem:v11+s25+$0x0] =	vst.idx.add.f32.msk $0xffff, v45;
	v4 =	vsub.f32 $1.500000000e+00, v4  }
0x252: {  	v45 =	vmul.f32 v1, v32;
	[tilespmem:v26+s25+$0x0] =	vst.idx.add.f32.msk $0xffff, v52;
	v3 =	vadd.f32 v3, v43  }
0x253: {  	v12 =	vor.u32 v55, v0;
	[tilespmem:v58+s25+$0x0] =	vst.idx.add.f32.msk $0xffff, v44;
	v2 =	vmul.f32 v47, v4  }
0x254: {  	v32 =	vperm.xlane v34, v56;
	[tilespmem:v59+s25+$0x0] =	vst.idx.add.f32.msk $0xffff, v45;
	v46 =	vperm.xlane v3, v63  }
0x255: {  	v59 =	vmul.f32 v1, v20;
	v20 =	vld [tilespmem:s1+$0xFFFFFE10];
	v48 =	vmul.f32 v2, v27  }
0x256: {  	v49 =	vmul.f32 v1, v42;
	v47 =	vmul.f32 v1, v23;
	v23 =	vld [tilespmem:s1+$0xFFFFFE00];
	v3 =	vadd.f32 v3, v46  }
0x257: {  	v24 =	vld [tilespmem:s1+$0xFFFFFE20];
	v50 =	vor.u32 v14, v0;
	v0 =	vor.u32 v15, v0;
	v52 =	vmul.f32 v48, v2  }
0x258: {  	v10 =	vshll.u32 v32, $0x7;
	v1 =	vmul.f32 v1, v21;
	[tilespmem:v12+s25+$0x0] =	vst.idx.add.f32.msk $0xffff, v47;
	v58 =	vperm.xlane v3, v60  }
0x259: {  	v21 =	vor.u32 v51, v10;
	v12 =	vlaneseq.u32;
	[tilespmem:v16+s25+$0x0] =	vst.idx.add.f32.msk $0xffff, v49;
	v4 =	vsub.f32 $1.500000000e+00, v52  }
0x25a: {  	v43 =	vld [tilespmem:s1+$0xFFFFFE30];
	v12 =	vor.u32 v12, v10;
	v48 =	vmul.f32 v20, v20;
	v3 =	vadd.f32 v3, v58  }
0x25b: {  	v49 =	vor.u32 v53, v10;
	v53 =	vld [tilespmem:s1+$0xFFFFFE40];
	v47 =	vmul.f32 v23, v23;
	v2 =	vmul.f32 v4, v2  }
0x25c: {  	v56 =	vmul.f32 v24, v24;
	[tilespmem:v50+s25+$0x0] =	vst.idx.add.f32.msk $0xffff, v59;
	v8 =	vperm.xlane v3, v61  }
0x25d: {  	[tilespmem:v0+s25+$0x0] =	vst.idx.add.f32.msk $0xffff, v1;
	v0 =	vadd.f32 v48, v47;
	v45 =	vmul.f32 v2, v25  }
0x25e: {  	v46 =	vmul.f32 v2, v41;
	v25 =	vld [tilespmem:s1+$0xFFFFFE50];
	v3 =	vadd.f32 v3, v8  }
0x25f: {  	v0 =	vadd.f32 v0, v56;
	v41 =	vmul.f32 v43, v43;
	[tilespmem:v12+s25+$0x0] =	vst.idx.add.f32.msk $0xffff, v45  }
0x260: {  	v50 =	vperm.xlane v3, v62;
	[tilespmem:v21+s25+$0x0] =	vst.idx.add.f32.msk $0xffff, v46  }
0x261: {  	v42 =	vmul.f32 v53, v53;
	v0 =	vadd.f32 v0, v41;
	v21 =	vld [tilespmem:s1+$0xFFFFFE60]  }
0x262: {  	v59 =	vor.u32 v54, v10;
	v3 =	vadd.f32 v3, v50  }
0x263: {  	v52 =	vor.u32 v13, v10;
	v58 =	vmul.f32 v2, v22;
	v45 =	vld [tilespmem:s1+$0xFFFFFE70];
	v0 =	vadd.f32 v0, v42  }
0x264: {  	v16 =	vld [tilespmem:$0x1FFD0];
	v51 =	vmul.f32 v25, v25;
	v11 =	vmul.f32 $5.000000000e-01, v3;
	v3 =	vshrl.u32 v3, $0x1  }
0x265: {  	v48 =	vmul.f32 v2, v6;
	[tilespmem:v49+s25+$0x0] =	vst.idx.add.f32.msk $0xffff, v58;
	v49 =	vor.u32 v55, v10;
	v3 =	vsub.s32 $0x5F3759DF, v3  }
0x266: {  	v42 =	vld [tilespmem:s1+$0xFFFFFE80];
	v0 =	vadd.f32 v0, v51;
	v58 =	vmul.f32 v21, v21;
	v50 =	vmul.f32 v3, v11  }
0x267: {  	[tilespmem:v59+s25+$0x0] =	vst.idx.add.f32.msk $0xffff, v48;
	v59 =	vmul.f32 v2, v5  }
0x268: {  	v5 =	vld [tilespmem:s1+$0xFFFFFE90];
	v22 =	vmul.f32 v45, v45;
	v0 =	vadd.f32 v0, v58;
	v56 =	vmul.f32 v3, v50  }
0x269: {  	v47 =	vld [tilespmem:s1+$0xFFFFFEA0];
	v12 =	vor.u32 v14, v10;
	v41 =	vmul.f32 v2, v39  }
0x26a: {  	[tilespmem:v49+s25+$0x0] =	vst.idx.add.f32.msk $0xffff, v59;
	v0 =	vadd.f32 v0, v22;
	v8 =	vsub.f32 $1.500000000e+00, v56  }
0x26b: {  	v44 =	vmul.f32 v2, v40;
	v2 =	vmul.f32 v2, v33;
	[tilespmem:v52+s25+$0x0] =	vst.idx.add.f32.msk $0xffff, v41  }
0x26c: {  	v46 =	vor.u32 v15, v10;
	v41 =	vld [tilespmem:s1+$0xFFFFFEB0];
	v51 =	vperm.xlane v0, v63;
	v3 =	vmul.f32 v3, v8  }
0x26d: {  	v49 =	vld [tilespmem:s1+$0xFFFFFEC0];
	v52 =	vmul.f32 v42, v42;
	v56 =	vmul.f32 v5, v5  }
0x26e: {  	[tilespmem:v12+s25+$0x0] =	vst.idx.add.f32.msk $0xffff, v44;
	v0 =	vadd.f32 v0, v51;
	v50 =	vmul.f32 v3, v11  }
0x26f: {  	v33 =	vperm.xlane v34, v57;
	v58 =	vmul.f32 v47, v47;
	v44 =	vld [tilespmem:$0x1FFC0];
	v1 =	vadd.f32 v56, v52  }
0x270: {  	v51 =	vld [tilespmem:s1+$0xFFFFFED0];
	v59 =	vperm.xlane v0, v60;
	v6 =	vmul.f32 v50, v3  }
0x271: {  	v39 =	vlaneseq.u32;
	[tilespmem:v46+s25+$0x0] =	vst.idx.add.f32.msk $0xffff, v2;
	v22 =	vmul.f32 v41, v41;
	v1 =	vadd.f32 v1, v58  }
0x272: {  	v2 =	vshll.u32 v33, $0x7;
	v52 =	vld [tilespmem:s1+$0xFFFFFEE0];
	v0 =	vadd.f32 v0, v59;
	v6 =	vsub.f32 $1.500000000e+00, v6  }
0x273: {  	v40 =	vor.u32 v39, v2;
	v48 =	vmul.f32 v49, v49;
	v1 =	vadd.f32 v1, v22  }
0x274: {  	v46 =	vor.u32 v44, v2;
	v50 =	vperm.xlane v0, v61;
	v3 =	vmul.f32 v6, v3;
	v6 =	vld [tilespmem:s1+$0xFFFFFEF0]  }
0x275: {  	v16 =	vor.u32 v16, v2;
	v1 =	vadd.f32 v1, v48;
	v57 =	vmul.f32 v51, v51  }
0x276: {  	v22 =	vld [tilespmem:s1+$0xFFFFFF00];
	v0 =	vadd.f32 v0, v50;
	v56 =	vmul.f32 v3, v18  }
0x277: {  	v58 =	vmul.f32 v52, v52;
	v1 =	vadd.f32 v1, v57;
	v12 =	vmul.f32 v3, v19;
	v18 =	vld [tilespmem:s1+$0xFFFFFF10]  }
0x278: {  	v7 =	vmul.f32 v3, v7;
	v19 =	vperm.xlane v0, v62;
	[tilespmem:v40+s25+$0x0] =	vst.idx.add.f32.msk $0xffff, v56  }
0x279: {  	v1 =	vadd.f32 v1, v58;
	[tilespmem:v46+s25+$0x0] =	vst.idx.add.f32.msk $0xffff, v12;
	v39 =	vmul.f32 v6, v6  }
0x27a: {  	v59 =	vor.u32 v54, v2;
	v0 =	vadd.f32 v0, v19;
	[tilespmem:v16+s25+$0x0] =	vst.idx.add.f32.msk $0xffff, v7  }
0x27b: {  	v7 =	vld [tilespmem:s1+$0xFFFFFF20];
	v1 =	vadd.f32 v1, v39  }
0x27c: {  	v40 =	vmul.f32 v3, v17;
	v4 =	vmul.f32 $5.000000000e-01, v0;
	v0 =	vshrl.u32 v0, $0x1  }
0x27d: {  	v50 =	vld [tilespmem:s1+$0xFFFFFF30];
	v56 =	vmul.f32 v22, v22;
	v0 =	vsub.s32 $0x5F3759DF, v0;
	v44 =	vperm.xlane v1, v63  }
0x27e: {  	v48 =	vld [tilespmem:s1+$0xFFFFFF40];
	v57 =	vmul.f32 v18, v18;
	v46 =	vmul.f32 v0, v4  }
0x27f: {  	[tilespmem:v59+s25+$0x0] =	vst.idx.add.f32.msk $0xffff, v40;
	v1 =	vadd.f32 v1, v44  }
0x280: {  	v8 =	vadd.f32 v57, v56;
	v9 =	vmul.f32 v0, v46;
	v59 =	vmul.f32 v7, v7  }
0x281: {  	v12 =	vmul.f32 v3, v35;
	v16 =	vor.u32 v55, v2;
	v46 =	vld [tilespmem:s1+$0xFFFFFF50];
	v58 =	vperm.xlane v1, v60  }
0x282: {  	v35 =	vmul.f32 v50, v50;
	v9 =	vsub.f32 $1.500000000e+00, v9;
	v8 =	vadd.f32 v8, v59  }
0x283: {  	v11 =	vmul.f32 v3, v38;
	v38 =	vld [tilespmem:s1+$0xFFFFFF60];
	v17 =	vor.u32 v13, v2;
	v1 =	vadd.f32 v1, v58  }
0x284: {  	v56 =	vmul.f32 v48, v48;
	v0 =	vmul.f32 v0, v9;
	v8 =	vadd.f32 v8, v35  }
0x285: {  	v39 =	vmul.f32 v3, v36;
	v57 =	vor.u32 v14, v2;
	v44 =	vld [tilespmem:s1+$0xFFFFFF70];
	v40 =	vperm.xlane v1, v61  }
0x286: {  	v58 =	vmul.f32 v46, v46;
	v4 =	vmul.f32 v0, v4;
	v8 =	vadd.f32 v8, v56  }
0x287: {  	v26 =	vimm.s32 $0x4;
	v2 =	vor.u32 v15, v2;
	[tilespmem:v16+s25+$0x0] =	vst.idx.add.f32.msk $0xffff, v12;
	v1 =	vadd.f32 v1, v40  }
0x288: {  	v59 =	vmul.f32 v38, v38;
	v4 =	vmul.f32 v4, v0;
	v8 =	vadd.f32 v8, v58  }
0x289: {  	v35 =	vperm.xlane v34, v26;
	v56 =	vld [tilespmem:$0x1FFC0];
	v12 =	vperm.xlane v1, v62  }
0x28a: {  	v40 =	vmul.f32 v44, v44;
	v58 =	vld [tilespmem:$0x1FFD0];
	v4 =	vsub.f32 $1.500000000e+00, v4;
	v8 =	vadd.f32 v8, v59  }
0x28b: {  	v3 =	vmul.f32 v3, v37;
	v16 =	vlaneseq.u32;
	[tilespmem:v17+s25+$0x0] =	vst.idx.add.f32.msk $0xffff, v11;
	v1 =	vadd.f32 v1, v12  }
0x28c: {  	[tilespmem:v57+s25+$0x0] =	vst.idx.add.f32.msk $0xffff, v39;
	v10 =	vshll.u32 v35, $0x7;
	v0 =	vmul.f32 v4, v0;
	v8 =	vadd.f32 v8, v40  }
0x28d: {  	[tilespmem:v2+s25+$0x0] =	vst.idx.add.f32.msk $0xffff, v3;
	v16 =	vor.u32 v16, v10;
	v59 =	vor.u32 v54, v10;
	v11 =	vmul.f32 $5.000000000e-01, v1  }
0x28e: {  	v4 =	vor.u32 v56, v10;
	v57 =	vmul.f32 v0, v23;
	v17 =	vperm.xlane v8, v63  }
0x28f: {  	v3 =	vor.u32 v58, v10;
	v23 =	vmul.f32 v0, v20;
	v36 =	vmul.f32 v0, v24  }
0x290: {  	v19 =	vld [tilespmem:s1+$0xFFFFFFA0];
	v1 =	vshrl.u32 v1, $0x1;
	v37 =	vmul.f32 v0, v43;
	v39 =	vmul.f32 v0, v53  }
0x291: {  	v53 =	vmul.f32 v0, v25;
	v24 =	vld [tilespmem:s1+$0xFFFFFF80];
	v20 =	vmul.f32 v0, v21;
	v1 =	vsub.s32 $0x5F3759DF, v1  }
0x292: {  	v0 =	vmul.f32 v0, v45;
	v45 =	vld [tilespmem:s1+$0xFFFFFFB0];
	v12 =	vmul.f32 v1, v11;
	v8 =	vadd.f32 v8, v17  }
0x293: {  	[tilespmem:v16+s25+$0x0] =	vst.idx.add.f32.msk $0xffff, v57;
	v16 =	vor.u32 v55, v10  }
0x294: {  	[tilespmem:v4+s25+$0x0] =	vst.idx.add.f32.msk $0xffff, v23;
	v12 =	vmul.f32 v1, v12;
	v17 =	vperm.xlane v8, v60  }
0x295: {  	v40 =	vor.u32 v13, v10;
	v23 =	vld [tilespmem:s1+$0xFFFFFF90]  }
0x296: {  	v56 =	vor.u32 v14, v10;
	[tilespmem:v3+s25+$0x0] =	vst.idx.add.f32.msk $0xffff, v36;
	v12 =	vsub.f32 $1.500000000e+00, v12;
	v43 =	vadd.f32 v8, v17  }
0x297: {  	[tilespmem:v59+s25+$0x0] =	vst.idx.add.f32.msk $0xffff, v37  }
0x298: {  	[tilespmem:v16+s25+$0x0] =	vst.idx.add.f32.msk $0xffff, v39;
	v1 =	vmul.f32 v1, v12;
	v58 =	vperm.xlane v43, v61  }
0x299: {  	v21 =	vor.u32 v15, v10;
	v39 =	vld [tilespmem:s1+$0xFFFFFFC0]  }
0x29a: {  	[tilespmem:v40+s25+$0x0] =	vst.idx.add.f32.msk $0xffff, v53;
	v57 =	vmul.f32 v1, v11;
	v2 =	vadd.f32 v43, v58  }
0x29b: {  	v53 =	vmul.f32 v24, v24;
	[tilespmem:v56+s25+$0x0] =	vst.idx.add.f32.msk $0xffff, v20;
	v56 =	vmul.f32 v23, v23  }
0x29c: {  	v16 =	vld [tilespmem:$0x1FFD0];
	v40 =	vimm.s32 $0x5;
	v59 =	vmul.f32 v57, v1;
	v43 =	vperm.xlane v2, v62  }
0x29d: {  	v36 =	vperm.xlane v34, v40;
	v40 =	vld [tilespmem:s1+$0xFFFFFFE0];
	v58 =	vmul.f32 v19, v19;
	v4 =	vadd.f32 v56, v53  }
0x29e: {  	v3 =	vsub.f32 $1.500000000e+00, v59;
	v2 =	vadd.f32 v2, v43;
	v43 =	vld [tilespmem:s1+$0xFFFFFFD0]  }
0x29f: {  	[tilespmem:v21+s25+$0x0] =	vst.idx.add.f32.msk $0xffff, v0;
	v21 =	vmul.f32 v45, v45;
	v57 =	vlaneseq.u32;
	v20 =	vadd.f32 v4, v58  }
0x2a0: {  	v59 =	vld [tilespmem:$0x1FFC0];
	v1 =	vmul.f32 v3, v1;
	v12 =	vmul.f32 $5.000000000e-01, v2;
	v2 =	vshrl.u32 v2, $0x1  }
0x2a1: {  	v56 =	vmul.f32 v39, v39;
	v0 =	vsub.s32 $0x5F3759DF, v2;
	v2 =	vadd.f32 v20, v21  }
0x2a2: {  	v3 =	vshll.u32 v36, $0x7;
	v37 =	vmul.f32 v1, v42;
	v53 =	vmul.f32 v0, v12;
	v42 =	vld [tilespmem:s1+$0xFFFFFFF0]  }
0x2a3: {  	v10 =	vor.u32 v57, v3;
	v2 =	vadd.f32 v2, v56;
	v57 =	vmul.f32 v43, v43  }
0x2a4: {  	v16 =	vor.u32 v16, v3;
	v9 =	vmul.f32 v0, v53  }
0x2a5: {  	v21 =	vmul.f32 v40, v40;
	v11 =	vor.u32 v59, v3;
	v2 =	vadd.f32 v2, v57  }
0x2a6: {  	v25 =	vld [tilespmem:s1+$0x0];
	v5 =	vmul.f32 v1, v5;
	v58 =	vmul.f32 v1, v47;
	v9 =	vsub.f32 $1.500000000e+00, v9  }
0x2a7: {  	v8 =	vld [tilespmem:$0x1FFC0];
	v59 =	vor.u32 v54, v3;
	v2 =	vadd.f32 v2, v21;
	v47 =	vmul.f32 v42, v42  }
0x2a8: {  	v17 =	vld [tilespmem:s1+$0x10];
	v20 =	vor.u32 v55, v3;
	v49 =	vmul.f32 v1, v49;
	v0 =	vmul.f32 v0, v9  }
0x2a9: {  	v51 =	vmul.f32 v1, v51;
	[tilespmem:v10+s25+$0x0] =	vst.idx.add.f32.msk $0xffff, v37;
	v2 =	vadd.f32 v2, v47  }
0x2aa: {  	v37 =	vmul.f32 v1, v41;
	[tilespmem:v11+s25+$0x0] =	vst.idx.add.f32.msk $0xffff, v5;
	v12 =	vmul.f32 v0, v12  }
0x2ab: {  	v56 =	vimm.s32 $0x6;
	v41 =	vor.u32 v13, v3;
	[tilespmem:v16+s25+$0x0] =	vst.idx.add.f32.msk $0xffff, v58;
	v58 =	vperm.xlane v2, v63  }
0x2ac: {  	[tilespmem:v59+s25+$0x0] =	vst.idx.add.f32.msk $0xffff, v37;
	v37 =	vperm.xlane v34, v56;
	v53 =	vmul.f32 v12, v0  }
0x2ad: {  	v21 =	vld [tilespmem:s1+$0x30];
	v16 =	vor.u32 v14, v3;
	v3 =	vor.u32 v15, v3;
	v2 =	vadd.f32 v2, v58  }
0x2ae: {  	v59 =	vlaneseq.u32;
	[tilespmem:v20+s25+$0x0] =	vst.idx.add.f32.msk $0xffff, v49;
	v9 =	vshll.u32 v37, $0x7;
	v4 =	vsub.f32 $1.500000000e+00, v53  }
0x2af: {  	v57 =	vmul.f32 v1, v52;
	v20 =	vld [tilespmem:s1+$0x20];
	v5 =	vor.u32 v59, v9;
	v10 =	vperm.xlane v2, v60  }
0x2b0: {  	[tilespmem:v41+s25+$0x0] =	vst.idx.add.f32.msk $0xffff, v51;
	v0 =	vmul.f32 v4, v0;
	v4 =	vor.u32 v8, v9  }
0x2b1: {  	v1 =	vmul.f32 v1, v6;
	v41 =	vld [tilespmem:$0x1FFD0];
	v2 =	vadd.f32 v2, v10  }
0x2b2: {  	[tilespmem:v16+s25+$0x0] =	vst.idx.add.f32.msk $0xffff, v57;
	v11 =	vmul.f32 v0, v22  }
0x2b3: {  	[tilespmem:v3+s25+$0x0] =	vst.idx.add.f32.msk $0xffff, v1;
	v18 =	vmul.f32 v0, v18;
	v47 =	vperm.xlane v2, v61  }
0x2b4: {  	v49 =	vmul.f32 v25, v25;
	v51 =	vmul.f32 v17, v17;
	[tilespmem:v5+s25+$0x0] =	vst.idx.add.f32.msk $0xffff, v11  }
0x2b5: {  	[tilespmem:v4+s25+$0x0] =	vst.idx.add.f32.msk $0xffff, v18;
	v2 =	vadd.f32 v2, v47  }
0x2b6: {  	v1 =	vadd.f32 v51, v49;
	v53 =	vmul.f32 v20, v20;
	v18 =	vld [tilespmem:s1+$0x40]  }
0x2b7: {  	v54 =	vor.u32 v54, v9;
	v3 =	vor.u32 v41, v9;
	v56 =	vperm.xlane v2, v62  }
0x2b8: {  	v59 =	vor.u32 v55, v9;
	v57 =	vmul.f32 v21, v21;
	v1 =	vadd.f32 v1, v53;
	v5 =	vld [tilespmem:s1+$0x50]  }
0x2b9: {  	v6 =	vld [tilespmem:s1+$0x60];
	v49 =	vor.u32 v14, v9;
	v51 =	vor.u32 v15, v9;
	v2 =	vadd.f32 v2, v56  }
0x2ba: {  	v52 =	vmul.f32 v0, v7;
	v61 =	vor.u32 v13, v9;
	v1 =	vadd.f32 v1, v57  }
0x2bb: {  	v41 =	vld [tilespmem:s1+$0x70];
	v62 =	vmul.f32 v18, v18;
	v12 =	vmul.f32 $5.000000000e-01, v2;
	v2 =	vshrl.u32 v2, $0x1  }
0x2bc: {  	v58 =	vmul.f32 v0, v50;
	v22 =	vmul.f32 v0, v48;
	[tilespmem:v3+s25+$0x0] =	vst.idx.add.f32.msk $0xffff, v52;
	v2 =	vsub.s32 $0x5F3759DF, v2  }
0x2bd: {  	v57 =	vld [tilespmem:s1+$0x80];
	v47 =	vmul.f32 v5, v5;
	v1 =	vadd.f32 v1, v62;
	v16 =	vmul.f32 v2, v12  }
0x2be: {  	v48 =	vmul.f32 v0, v46;
	v50 =	vmul.f32 v6, v6;
	[tilespmem:v54+s25+$0x0] =	vst.idx.add.f32.msk $0xffff, v58  }
0x2bf: {  	[tilespmem:v59+s25+$0x0] =	vst.idx.add.f32.msk $0xffff, v22;
	v1 =	vadd.f32 v1, v47;
	v55 =	vmul.f32 v2, v16  }
0x2c0: {  	[tilespmem:v61+s25+$0x0] =	vst.idx.add.f32.msk $0xffff, v48;
	v61 =	vmul.f32 v0, v38  }
0x2c1: {  	v54 =	vld [tilespmem:s1+$0x90];
	v62 =	vmul.f32 v41, v41;
	v1 =	vadd.f32 v1, v50;
	v8 =	vsub.f32 $1.500000000e+00, v55  }
0x2c2: {  	v59 =	vld [tilespmem:s1+$0xA0];
	v0 =	vmul.f32 v0, v44  }
0x2c3: {  	v46 =	vimm.s32 $0x7;
	[tilespmem:v49+s25+$0x0] =	vst.idx.add.f32.msk $0xffff, v61;
	v1 =	vadd.f32 v1, v62;
	v2 =	vmul.f32 v2, v8  }
0x2c4: {  	v38 =	vperm.xlane v34, v46;
	[tilespmem:v51+s25+$0x0] =	vst.idx.add.f32.msk $0xffff, v0  }
0x2c5: {  	v50 =	vld [tilespmem:s1+$0xB0];
	v22 =	vperm.xlane v1, v63;
	v44 =	vmul.f32 v2, v12  }
0x2c6: {  	v51 =	vld [tilespmem:s1+$0xC0];
	v47 =	vmul.f32 v57, v57;
	v55 =	vmul.f32 v54, v54  }
0x2c7: {  	v7 =	vshll.u32 v38, $0x7;
	v0 =	vadd.f32 v1, v22;
	v3 =	vmul.f32 v44, v2;
	v44 =	vld [tilespmem:$0x1FFC0]  }
0x2c8: {  	v58 =	vmul.f32 v59, v59;
	v62 =	vlaneseq.u32;
	v1 =	vadd.f32 v55, v47  }
0x2c9: {  	v9 =	vor.u32 v62, v7;
	v62 =	vld [tilespmem:s1+$0xD0];
	v56 =	vperm.xlane v0, v60  }
0x2ca: {  	v61 =	vld [tilespmem:s1+$0xE0];
	v22 =	vmul.f32 v50, v50;
	v1 =	vadd.f32 v1, v58;
	v3 =	vsub.f32 $1.500000000e+00, v3  }
0x2cb: {  	v46 =	vmul.f32 v51, v51;
	v0 =	vadd.f32 v0, v56;
	v56 =	vld [tilespmem:$0x1FFD0]  }
0x2cc: {  	v53 =	vld [tilespmem:s1+$0x110];
	v1 =	vadd.f32 v1, v22;
	v2 =	vmul.f32 v3, v2;
	v3 =	vor.u32 v44, v7  }
0x2cd: {  	v52 =	vld [tilespmem:s1+$0xF0];
	v8 =	vperm.xlane v0, v30  }
0x2ce: {  	v60 =	vld [tilespmem:s1+$0x100];
	v48 =	vmul.f32 v62, v62;
	v1 =	vadd.f32 v1, v46;
	v47 =	vmul.f32 v2, v24  }
0x2cf: {  	v55 =	vld [tilespmem:s1+$0x120];
	v22 =	vmul.f32 v61, v61;
	v49 =	vmul.f32 v2, v23;
	v0 =	vadd.f32 v0, v8  }
0x2d0: {  	v1 =	vadd.f32 v1, v48;
	[tilespmem:v9+s25+$0x0] =	vst.idx.add.f32.msk $0xffff, v47;
	v9 =	vor.u32 v56, v7  }
0x2d1: {  	v23 =	vmul.f32 v2, v19;
	[tilespmem:v3+s25+$0x0] =	vst.idx.add.f32.msk $0xffff, v49  }
0x2d2: {  	v48 =	vmul.f32 v52, v52;
	v58 =	vperm.xlane v0, v31;
	v1 =	vadd.f32 v1, v22;
	v49 =	vld [tilespmem:$0x1FFE0]  }
0x2d3: {  	v46 =	vld [tilespmem:s1+$0x140];
	v19 =	vmul.f32 v53, v53;
	v56 =	vmul.f32 v60, v60  }
0x2d4: {  	v0 =	vadd.f32 v0, v58;
	v58 =	vld [tilespmem:s1+$0x130];
	v1 =	vadd.f32 v1, v48  }
0x2d5: {  	v22 =	vadd.f32 v19, v56;
	[tilespmem:v9+s25+$0x0] =	vst.idx.add.f32.msk $0xffff, v23;
	v23 =	vmul.f32 v55, v55  }
0x2d6: {  	v48 =	vld [tilespmem:s1+$0x150];
	v12 =	vmul.f32 $5.000000000e-01, v0;
	v0 =	vshrl.u32 v0, $0x1;
	v47 =	vperm.xlane v1, v63  }
0x2d7: {  	v0 =	vsub.s32 $0x5F3759DF, v0;
	v8 =	vor.u32 v49, v7;
	v3 =	vadd.f32 v22, v23;
	v22 =	vld [tilespmem:$0x1FFB0]  }
0x2d8: {  	v44 =	vmul.f32 v0, v12;
	v23 =	vld [tilespmem:$0x1FFF0]  }
0x2d9: {  	v16 =	vmul.f32 v2, v43;
	v49 =	vmul.f32 v2, v45;
	v1 =	vadd.f32 v1, v47;
	v47 =	vld [tilespmem:s1+$0x160]  }
0x2da: {  	v56 =	vmul.f32 v58, v58;
	v9 =	vmul.f32 v0, v44  }
0x2db: {  	v43 =	vmul.f32 v2, v40;
	v19 =	vmul.f32 v46, v46  }
0x2dc: {  	v3 =	vadd.f32 v3, v56;
	v9 =	vsub.f32 $1.500000000e+00, v9;
	[tilespmem:v8+s25+$0x0] =	vst.idx.add.f32.msk $0xffff, v49;
	v8 =	vmul.f32 v2, v39  }
0x2dd: {  	v10 =	vperm.xlane v1, v22;
	v11 =	vor.u32 v23, v7;
	v39 =	vmul.f32 v48, v48  }
0x2de: {  	v49 =	vld [tilespmem:s1+$0x170];
	v3 =	vadd.f32 v3, v19;
	v44 =	vmul.f32 v47, v47;
	v0 =	vmul.f32 v0, v9  }
0x2df: {  	v2 =	vmul.f32 v2, v42;
	v9 =	vor.u32 v13, v7;
	v1 =	vadd.f32 v1, v10  }
0x2e0: {  	v23 =	vld [tilespmem:s1+$0x180];
	v3 =	vadd.f32 v3, v39;
	v10 =	vor.u32 v14, v7;
	v12 =	vmul.f32 v0, v12  }
0x2e1: {  	v42 =	vld [tilespmem:$0x1FFC0];
	v7 =	vor.u32 v15, v7;
	v39 =	vimm.s32 $0x8;
	v45 =	vperm.xlane v1, v30  }
0x2e2: {  	v19 =	vld [tilespmem:s1+$0x190];
	v39 =	vperm.xlane v34, v39;
	v3 =	vadd.f32 v3, v44;
	v12 =	vmul.f32 v12, v0  }
0x2e3: {  	v56 =	vmul.f32 v49, v49;
	[tilespmem:v11+s25+$0x0] =	vst.idx.add.f32.msk $0xffff, v8;
	v1 =	vadd.f32 v1, v45  }
0x2e4: {  	[tilespmem:v9+s25+$0x0] =	vst.idx.add.f32.msk $0xffff, v16;
	v9 =	vshll.u32 v39, $0x7;
	v44 =	vsub.f32 $1.500000000e+00, v12;
	v12 =	vlaneseq.u32  }
0x2e5: {  	v3 =	vadd.f32 v3, v56;
	[tilespmem:v10+s25+$0x0] =	vst.idx.add.f32.msk $0xffff, v43;
	v12 =	vor.u32 v12, v9  }
0x2e6: {  	v43 =	vld [tilespmem:$0x1FFB0];
	v45 =	vperm.xlane v1, v31;
	v0 =	vmul.f32 v44, v0  }
0x2e7: {  	[tilespmem:v7+s25+$0x0] =	vst.idx.add.f32.msk $0xffff, v2;
	v7 =	vor.u32 v42, v9;
	v16 =	vperm.xlane v3, v63  }
0x2e8: {  	v22 =	vld [tilespmem:s1+$0x1A0];
	v40 =	vmul.f32 v0, v25  }
0x2e9: {  	v1 =	vadd.f32 v1, v45;
	v56 =	vadd.f32 v3, v16;
	v16 =	vld [tilespmem:$0x1FFE0]  }
0x2ea: {  	v45 =	vmul.f32 v0, v17;
	[tilespmem:v12+s25+$0x0] =	vst.idx.add.f32.msk $0xffff, v40  }
0x2eb: {  	v42 =	vmul.f32 v23, v23;
	v4 =	vmul.f32 $5.000000000e-01, v1;
	v1 =	vshrl.u32 v1, $0x1;
	v40 =	vld [tilespmem:$0x1FFD0]  }
0x2ec: {  	v18 =	vmul.f32 v0, v18;
	v1 =	vsub.s32 $0x5F3759DF, v1;
	v8 =	vperm.xlane v56, v43;
	[tilespmem:v7+s25+$0x0] =	vst.idx.add.f32.msk $0xffff, v45  }
0x2ed: {  	v5 =	vmul.f32 v0, v5;
	v44 =	vmul.f32 v1, v4;
	v45 =	vld [tilespmem:$0x1FFF0]  }
0x2ee: {  	v6 =	vmul.f32 v0, v6;
	v43 =	vmul.f32 v19, v19;
	v2 =	vadd.f32 v56, v8  }
0x2ef: {  	v12 =	vmul.f32 v0, v21;
	v56 =	vld [tilespmem:s1+$0x1B0];
	v3 =	vmul.f32 v1, v44  }
0x2f0: {  	v21 =	vadd.f32 v43, v42;
	v43 =	vld [tilespmem:s1+$0x1E0];
	v17 =	vperm.xlane v2, v30;
	v11 =	vor.u32 v40, v9  }
0x2f1: {  	v8 =	vmul.f32 v0, v20;
	v42 =	vld [tilespmem:s1+$0x1F0];
	v16 =	vor.u32 v16, v9;
	v3 =	vsub.f32 $1.500000000e+00, v3  }
0x2f2: {  	v40 =	vmul.f32 v22, v22;
	v20 =	vor.u32 v45, v9;
	v2 =	vadd.f32 v2, v17;
	v45 =	vld [tilespmem:s1+$0x1C0]  }
0x2f3: {  	v10 =	vor.u32 v13, v9;
	v0 =	vmul.f32 v0, v41;
	v41 =	vld [tilespmem:$0x1FFD0];
	v1 =	vmul.f32 v1, v3  }
0x2f4: {  	v44 =	vld [tilespmem:s1+$0x1D0];
	v3 =	vadd.f32 v21, v40;
	v7 =	vmul.f32 v56, v56;
	v17 =	vperm.xlane v2, v31  }
0x2f5: {  	v21 =	vor.u32 v14, v9;
	v4 =	vmul.f32 v1, v4;
	[tilespmem:v11+s25+$0x0] =	vst.idx.add.f32.msk $0xffff, v8  }
0x2f6: {  	v3 =	vadd.f32 v3, v7;
	v2 =	vadd.f32 v2, v17;
	[tilespmem:v16+s25+$0x0] =	vst.idx.add.f32.msk $0xffff, v12  }
0x2f7: {  	v17 =	vimm.s32 $0x9;
	v8 =	vor.u32 v15, v9;
	v7 =	vmul.f32 v45, v45;
	v12 =	vld [tilespmem:$0x1FFC0]  }
0x2f8: {  	v4 =	vmul.f32 v4, v1;
	v40 =	vperm.xlane v34, v17;
	[tilespmem:v20+s25+$0x0] =	vst.idx.add.f32.msk $0xffff, v18  }
0x2f9: {  	v17 =	vmul.f32 $5.000000000e-01, v2;
	v3 =	vadd.f32 v3, v7;
	v7 =	vmul.f32 v44, v44;
	[tilespmem:v10+s25+$0x0] =	vst.idx.add.f32.msk $0xffff, v5  }
0x2fa: {  	v2 =	vshrl.u32 v2, $0x1;
	v20 =	vmul.f32 v43, v43;
	v4 =	vsub.f32 $1.500000000e+00, v4;
	[tilespmem:v21+s25+$0x0] =	vst.idx.add.f32.msk $0xffff, v6  }
0x2fb: {  	v18 =	vlaneseq.u32;
	v2 =	vsub.s32 $0x5F3759DF, v2;
	v21 =	vld [tilespmem:$0x1FFE0];
	v3 =	vadd.f32 v3, v7  }
0x2fc: {  	v11 =	vshll.u32 v40, $0x7;
	v9 =	vmul.f32 v2, v17;
	v1 =	vmul.f32 v4, v1  }
0x2fd: {  	v4 =	vor.u32 v18, v11;
	v3 =	vadd.f32 v3, v20;
	v20 =	vmul.f32 v42, v42  }
0x2fe: {  	v5 =	vor.u32 v41, v11;
	v9 =	vmul.f32 v2, v9;
	v10 =	vmul.f32 v1, v54;
	v54 =	vld [tilespmem:$0x1FFF0]  }
0x2ff: {  	[tilespmem:v8+s25+$0x0] =	vst.idx.add.f32.msk $0xffff, v0;
	v12 =	vor.u32 v12, v11;
	v3 =	vadd.f32 v3, v20  }
0x300: {  	v57 =	vmul.f32 v1, v57;
	v9 =	vsub.f32 $1.500000000e+00, v9;
	v0 =	vor.u32 v21, v11;
	v21 =	vld [tilespmem:$0x1FFB0]  }
0x301: {  	v18 =	vmul.f32 v1, v59;
	v59 =	vor.u32 v13, v11;
	v20 =	vperm.xlane v3, v63  }
0x302: {  	v2 =	vmul.f32 v2, v9;
	[tilespmem:v4+s25+$0x0] =	vst.idx.add.f32.msk $0xffff, v57;
	v57 =	vmul.f32 v1, v50  }
0x303: {  	v50 =	vmul.f32 v1, v51;
	v4 =	vor.u32 v54, v11;
	v3 =	vadd.f32 v3, v20  }
0x304: {  	[tilespmem:v12+s25+$0x0] =	vst.idx.add.f32.msk $0xffff, v10;
	v63 =	vor.u32 v14, v11;
	v41 =	vmul.f32 v2, v17  }
0x305: {  	v12 =	vmul.f32 v1, v62;
	[tilespmem:v5+s25+$0x0] =	vst.idx.add.f32.msk $0xffff, v18;
	v20 =	vimm.s32 $0xA;
	v9 =	vperm.xlane v3, v21  }
0x306: {  	v62 =	vld [tilespmem:$0x1FFD0];
	v11 =	vor.u32 v15, v11;
	v7 =	vmul.f32 v41, v2;
	v41 =	vperm.xlane v34, v20  }
0x307: {  	v54 =	vmul.f32 v1, v61;
	[tilespmem:v0+s25+$0x0] =	vst.idx.add.f32.msk $0xffff, v57;
	v3 =	vadd.f32 v3, v9  }
0x308: {  	v57 =	vlaneseq.u32;
	v51 =	vsub.f32 $1.500000000e+00, v7;
	v16 =	vshll.u32 v41, $0x7;
	[tilespmem:v4+s25+$0x0] =	vst.idx.add.f32.msk $0xffff, v50  }
0x309: {  	v5 =	vor.u32 v57, v16;
	[tilespmem:v59+s25+$0x0] =	vst.idx.add.f32.msk $0xffff, v12;
	v59 =	vperm.xlane v3, v30  }
0x30a: {  	v61 =	vld [tilespmem:$0x1FFC0];
	v0 =	vmul.f32 v51, v2  }
0x30b: {  	v1 =	vmul.f32 v1, v52;
	[tilespmem:v63+s25+$0x0] =	vst.idx.add.f32.msk $0xffff, v54;
	v2 =	vadd.f32 v3, v59  }
0x30c: {  	v54 =	vld [tilespmem:s1+$0x210];
	v60 =	vmul.f32 v0, v60  }
0x30d: {  	[tilespmem:v11+s25+$0x0] =	vst.idx.add.f32.msk $0xffff, v1;
	v3 =	vperm.xlane v2, v31  }
0x30e: {  	[tilespmem:v5+s25+$0x0] =	vst.idx.add.f32.msk $0xffff, v60  }
0x30f: {  	v6 =	vor.u32 v61, v16;
	v5 =	vld [tilespmem:s1+$0x200];
	v2 =	vadd.f32 v2, v3  }
0x310: {  	v11 =	vld [tilespmem:$0x1FFE0]  }
0x311: {  	v51 =	vld [tilespmem:s1+$0x220];
	v1 =	vor.u32 v62, v16;
	v4 =	vmul.f32 $5.000000000e-01, v2;
	v2 =	vshrl.u32 v2, $0x1  }
0x312: {  	v7 =	vld [tilespmem:s1+$0x230];
	v63 =	vmul.f32 v0, v53;
	v2 =	vsub.s32 $0x5F3759DF, v2  }
0x313: {  	v50 =	vld [tilespmem:$0x1FFF0];
	v20 =	vmul.f32 v0, v55;
	v52 =	vmul.f32 v2, v4  }
0x314: {  	[tilespmem:v6+s25+$0x0] =	vst.idx.add.f32.msk $0xffff, v63;
	v55 =	vmul.f32 v54, v54;
	v53 =	vmul.f32 v5, v5  }
0x315: {  	v6 =	vld [tilespmem:s1+$0x240];
	v18 =	vor.u32 v11, v16;
	v57 =	vmul.f32 v2, v52  }
0x316: {  	v59 =	vmul.f32 v51, v51;
	[tilespmem:v1+s25+$0x0] =	vst.idx.add.f32.msk $0xffff, v20;
	v1 =	vadd.f32 v55, v53  }
0x317: {  	v63 =	vld [tilespmem:s1+$0x250];
	v9 =	vsub.f32 $1.500000000e+00, v57  }
0x318: {  	v21 =	vmul.f32 v0, v58;
	v62 =	vmul.f32 v7, v7;
	v1 =	vadd.f32 v1, v59  }
0x319: {  	v58 =	vmul.f32 v0, v46;
	v46 =	vld [tilespmem:s1+$0x260];
	v3 =	vor.u32 v50, v16;
	v2 =	vmul.f32 v2, v9  }
0x31a: {  	v20 =	vmul.f32 v6, v6;
	[tilespmem:v18+s25+$0x0] =	vst.idx.add.f32.msk $0xffff, v21;
	v1 =	vadd.f32 v1, v62  }
0x31b: {  	v21 =	vmul.f32 v0, v48;
	v48 =	vld [tilespmem:s1+$0x270];
	v4 =	vmul.f32 v2, v4  }
0x31c: {  	v18 =	vor.u32 v13, v16;
	v52 =	vmul.f32 v63, v63;
	v1 =	vadd.f32 v1, v20  }
0x31d: {  	v17 =	vld [tilespmem:s1+$0x290];
	v4 =	vmul.f32 v4, v2  }
0x31e: {  	v55 =	vmul.f32 v46, v46;
	[tilespmem:v3+s25+$0x0] =	vst.idx.add.f32.msk $0xffff, v58;
	v1 =	vadd.f32 v1, v52  }
0x31f: {  	v50 =	vor.u32 v14, v16;
	v62 =	vld [tilespmem:$0x1FFA0];
	v4 =	vsub.f32 $1.500000000e+00, v4  }
0x320: {  	v53 =	vor.u32 v15, v16;
	v59 =	vld [tilespmem:$0x1FFC0];
	v58 =	vmul.f32 v48, v48;
	v1 =	vadd.f32 v1, v55  }
0x321: {  	v12 =	vimm.s32 $0xB;
	[tilespmem:v18+s25+$0x0] =	vst.idx.add.f32.msk $0xffff, v21;
	v2 =	vmul.f32 v4, v2  }
0x322: {  	v34 =	vperm.xlane v34, v12;
	v12 =	vmul.f32 v0, v47;
	v21 =	vld [tilespmem:s1+$0x280];
	v1 =	vadd.f32 v1, v58  }
0x323: {  	v0 =	vmul.f32 v0, v49;
	v18 =	vmul.f32 v2, v22;
	v22 =	vld [tilespmem:$0x1FFB0]  }
0x324: {  	v8 =	vshll.u32 v34, $0x7;
	v57 =	vlaneseq.u32;
	[tilespmem:v50+s25+$0x0] =	vst.idx.add.f32.msk $0xffff, v12;
	v10 =	vperm.xlane v1, v62  }
0x325: {  	v9 =	vor.u32 v57, v8;
	[tilespmem:v53+s25+$0x0] =	vst.idx.add.f32.msk $0xffff, v0  }
0x326: {  	v0 =	vor.u32 v59, v8;
	v11 =	vmul.f32 v2, v19;
	v1 =	vadd.f32 v1, v10;
	v19 =	vld [tilespmem:s1+$0x2A0]  }
0x327: {  	v61 =	vld [tilespmem:$0x1FFD0]  }
0x328: {  	v60 =	vmul.f32 v2, v23;
	v3 =	vperm.xlane v1, v22;
	v22 =	vld [tilespmem:s1+$0x2B0]  }
0x329: {  	v47 =	vmul.f32 v17, v17;
	v52 =	vld [tilespmem:s1+$0x2C0];
	v23 =	vmul.f32 v21, v21  }
0x32a: {  	[tilespmem:v9+s25+$0x0] =	vst.idx.add.f32.msk $0xffff, v60  }
0x32b: {  	[tilespmem:v0+s25+$0x0] =	vst.idx.add.f32.msk $0xffff, v11;
	v0 =	vadd.f32 v47, v23;
	v49 =	vmul.f32 v19, v19  }
0x32c: {  	v59 =	vld [tilespmem:s1+$0x2D0];
	v1 =	vadd.f32 v1, v3  }
0x32d: {  	v4 =	vor.u32 v61, v8;
	v60 =	vld [tilespmem:$0x1FFE0];
	v0 =	vadd.f32 v0, v49;
	v57 =	vmul.f32 v22, v22  }
0x32e: {  	v53 =	vld [tilespmem:s1+$0x2E0];
	v50 =	vperm.xlane v1, v30  }
0x32f: {  	v55 =	vld [tilespmem:s1+$0x300];
	v58 =	vmul.f32 v52, v52;
	v0 =	vadd.f32 v0, v57  }
0x330: {  	v49 =	vld [tilespmem:s1+$0x2F0];
	v1 =	vadd.f32 v1, v50  }
0x331: {  	v62 =	vmul.f32 v59, v59;
	v50 =	vld [tilespmem:s1+$0x310];
	v0 =	vadd.f32 v0, v58  }
0x332: {  	[tilespmem:v4+s25+$0x0] =	vst.idx.add.f32.msk $0xffff, v18;
	v4 =	vor.u32 v60, v8;
	v61 =	vperm.xlane v1, v31  }
0x333: {  	v20 =	vmul.f32 v53, v53;
	v47 =	vld [tilespmem:s1+$0x320];
	v0 =	vadd.f32 v0, v62  }
0x334: {  	v60 =	vld [tilespmem:s1+$0x330];
	v1 =	vadd.f32 v1, v61  }
0x335: {  	v18 =	vmul.f32 v2, v56;
	v56 =	vmul.f32 v49, v49;
	v0 =	vadd.f32 v0, v20;
	v20 =	vld [tilespmem:$0x1FFA0]  }
0x336: {  	v16 =	vld [tilespmem:$0x1FFF0];
	v57 =	vmul.f32 v55, v55;
	v58 =	vmul.f32 v50, v50;
	v23 =	vshrl.u32 v1, $0x1  }
0x337: {  	[tilespmem:v4+s25+$0x0] =	vst.idx.add.f32.msk $0xffff, v18;
	v1 =	vmul.f32 $5.000000000e-01, v1;
	v4 =	vsub.s32 $0x5F3759DF, v23  }
0x338: {  	v12 =	vld [tilespmem:$0x1FFB0];
	v3 =	vadd.f32 v58, v57;
	v23 =	vmul.f32 v47, v47;
	v0 =	vadd.f32 v0, v56  }
0x339: {  	v61 =	vld [tilespmem:s1+$0x340];
	v58 =	vmul.f32 v60, v60  }
0x33a: {  	v18 =	vmul.f32 v4, v1;
	v3 =	vadd.f32 v3, v23;
	v11 =	vperm.xlane v0, v20  }
0x33b: {  	v56 =	vld [tilespmem:s1+$0x350]  }
0x33c: {  	v10 =	vmul.f32 v4, v18;
	v3 =	vadd.f32 v3, v58;
	v58 =	vld [tilespmem:s1+$0x390];
	v0 =	vadd.f32 v0, v11  }
0x33d: {  	v16 =	vor.u32 v16, v8;
	v11 =	vmul.f32 v2, v45;
	v45 =	vld [tilespmem:s1+$0x380]  }
0x33e: {  	v57 =	vld [tilespmem:s1+$0x360];
	v62 =	vmul.f32 v61, v61;
	v10 =	vsub.f32 $1.500000000e+00, v10;
	v12 =	vperm.xlane v0, v12  }
0x33f: {  	v26 =	vld [tilespmem:s30+$0x0];
	v27 =	vmul.f32 v2, v44  }
0x340: {  	v23 =	vld [tilespmem:s1+$0x370];
	v3 =	vadd.f32 v3, v62;
	v4 =	vmul.f32 v4, v10;
	v0 =	vadd.f32 v0, v12  }
0x341: {  	v44 =	vmul.f32 v56, v56;
	v10 =	vor.u32 v13, v8;
	v25 =	vmul.f32 v58, v58  }
0x342: {  	[tilespmem:$0x1FF60] =	vst v28;
	v28 =	vor.u32 v14, v8;
	v18 =	vld [tilespmem:s1+$0x3A0];
	v24 =	vmul.f32 v45, v45;
	v20 =	vperm.xlane v0, v30  }
0x343: {  	v62 =	vmul.f32 v57, v57;
	v3 =	vadd.f32 v3, v44;
	[tilespmem:v16+s25+$0x0] =	vst.idx.add.f32.msk $0xffff, v11;
	v16 =	vimm.s32 $0xC  }
0x344: {  	v0 =	vadd.f32 v0, v20;
	v20 =	vadd.f32 v25, v24;
	v25 =	vperm.xlane v26, v16;
	v16 =	vld [tilespmem:$0x1FFA0]  }
0x345: {  	v12 =	vmul.f32 v2, v43;
	v43 =	vld [tilespmem:s1+$0x3B0];
	v3 =	vadd.f32 v3, v62;
	v62 =	vmul.f32 v23, v23  }
0x346: {  	v1 =	vmul.f32 v4, v1;
	[tilespmem:v10+s25+$0x0] =	vst.idx.add.f32.msk $0xffff, v27  }
0x347: {  	v3 =	vadd.f32 v3, v62;
	[tilespmem:v28+s25+$0x0] =	vst.idx.add.f32.msk $0xffff, v12  }
0x348: {  	v1 =	vmul.f32 v1, v4;
	v12 =	vld [tilespmem:$0x1FFB0];
	v24 =	vmul.f32 v18, v18  }
0x349: {  	v16 =	vperm.xlane v3, v16  }
0x34a: {  	v1 =	vsub.f32 $1.500000000e+00, v1;
	v11 =	vmul.f32 v43, v43;
	v9 =	vadd.f32 v20, v24  }
0x34b: {  	v10 =	vlaneseq.u32;
	v3 =	vadd.f32 v3, v16  }
0x34c: {  	v1 =	vmul.f32 v1, v4;
	v4 =	vadd.f32 v9, v11;
	v11 =	vshll.u32 v25, $0x7  }
0x34d: {  	v44 =	vld [tilespmem:s1+$0x3C0];
	v10 =	vor.u32 v10, v11;
	v12 =	vperm.xlane v3, v12;
	_ =	sdelay $0x1  }
0x34e: {  	v62 =	vld [tilespmem:s1+$0x3D0];
	v29 =	vperm.xlane v0, v31;
	v3 =	vadd.f32 v3, v12  }
0x34f: {  	v8 =	vor.u32 v15, v8;
	v20 =	vld [tilespmem:s1+$0x3E0];
	v5 =	vmul.f32 v1, v5  }
0x350: {  	v2 =	vmul.f32 v2, v42;
	v24 =	vld [tilespmem:s1+$0x3F0];
	v0 =	vadd.f32 v0, v29;
	v42 =	vperm.xlane v3, v30  }
0x351: {  	v9 =	vmul.f32 v44, v44;
	[tilespmem:v10+s25+$0x0] =	vst.idx.add.f32.msk $0xffff, v5  }
0x352: {  	v29 =	vmul.f32 $5.000000000e-01, v0;
	v0 =	vshrl.u32 v0, $0x1;
	v3 =	vadd.f32 v3, v42;
	v42 =	vld [tilespmem:$0x1FFD0]  }
0x353: {  	v4 =	vadd.f32 v4, v9;
	v9 =	vmul.f32 v62, v62;
	v0 =	vsub.s32 $0x5F3759DF, v0;
	v10 =	vld [tilespmem:$0x1FFC0]  }
0x354: {  	v16 =	vmul.f32 v0, v29  }
0x355: {  	[tilespmem:v8+s25+$0x0] =	vst.idx.add.f32.msk $0xffff, v2;
	v4 =	vadd.f32 v4, v9;
	v9 =	vmul.f32 v20, v20  }
0x356: {  	v2 =	vmul.f32 v1, v54;
	v54 =	vld [tilespmem:$0x1FFE0];
	v12 =	vmul.f32 v0, v16  }
0x357: {  	v4 =	vadd.f32 v4, v9;
	v8 =	vor.u32 v42, v11;
	v42 =	vld [tilespmem:$0x1FFA0]  }
0x358: {  	v27 =	vld [tilespmem:$0x1FFF0];
	v9 =	vmul.f32 v24, v24;
	v5 =	vor.u32 v10, v11;
	v10 =	vsub.f32 $1.500000000e+00, v12;
	_ =	sdelay $0x1  }
0x359: {  	v7 =	vmul.f32 v1, v7;
	v4 =	vadd.f32 v4, v9;
	v0 =	vmul.f32 v0, v10  }
0x35a: {  	v6 =	vmul.f32 v1, v6;
	v16 =	vperm.xlane v3, v31  }
0x35b: {  	v12 =	vor.u32 v54, v11;
	v28 =	vmul.f32 v0, v29;
	v10 =	vperm.xlane v4, v42;
	v42 =	vld [tilespmem:$0x1FFB0]  }
0x35c: {  	v46 =	vmul.f32 v1, v46;
	v27 =	vor.u32 v27, v11;
	v9 =	vmul.f32 v1, v51  }
0x35d: {  	v51 =	vld [tilespmem:$0x1FFC0];
	v29 =	vor.u32 v13, v11;
	v3 =	vadd.f32 v3, v16;
	v28 =	vmul.f32 v28, v0  }
0x35e: {  	v16 =	vor.u32 v14, v11;
	[tilespmem:v5+s25+$0x0] =	vst.idx.add.f32.msk $0xffff, v2;
	v5 =	vimm.s32 $0xD;
	v4 =	vadd.f32 v4, v10  }
0x35f: {  	v2 =	vperm.xlane v26, v5;
	v5 =	vmul.f32 $5.000000000e-01, v3;
	[tilespmem:v8+s25+$0x0] =	vst.idx.add.f32.msk $0xffff, v9;
	v8 =	vsub.f32 $1.500000000e+00, v28  }
0x360: {  	v3 =	vshrl.u32 v3, $0x1;
	[tilespmem:v12+s25+$0x0] =	vst.idx.add.f32.msk $0xffff, v7;
	v10 =	vmul.f32 v1, v63;
	v42 =	vperm.xlane v4, v42  }
0x361: {  	v28 =	vlaneseq.u32;
	v9 =	vshll.u32 v2, $0x7;
	v0 =	vmul.f32 v8, v0;
	[tilespmem:v27+s25+$0x0] =	vst.idx.add.f32.msk $0xffff, v6  }
0x362: {  	v3 =	vsub.s32 $0x5F3759DF, v3;
	v8 =	vor.u32 v28, v9;
	[tilespmem:v29+s25+$0x0] =	vst.idx.add.f32.msk $0xffff, v10;
	v4 =	vadd.f32 v4, v42  }
0x363: {  	v7 =	vor.u32 v15, v11;
	v11 =	vmul.f32 v3, v5;
	[tilespmem:v16+s25+$0x0] =	vst.idx.add.f32.msk $0xffff, v46  }
0x364: {  	v46 =	vld [tilespmem:$0x1FFD0];
	v12 =	vperm.xlane v4, v30  }
0x365: {  	v11 =	vmul.f32 v3, v11;
	v6 =	vmul.f32 v0, v21  }
0x366: {  	v4 =	vadd.f32 v4, v12  }
0x367: {  	v1 =	vmul.f32 v1, v48;
	v10 =	vor.u32 v51, v9;
	v11 =	vsub.f32 $1.500000000e+00, v11;
	[tilespmem:v8+s25+$0x0] =	vst.idx.add.f32.msk $0xffff, v6  }
0x368: {  	v8 =	vmul.f32 v0, v19;
	v19 =	vld [tilespmem:$0x1FFF0];
	v48 =	vperm.xlane v4, v31  }
0x369: {  	[tilespmem:v7+s25+$0x0] =	vst.idx.add.f32.msk $0xffff, v1;
	v3 =	vmul.f32 v3, v11;
	v1 =	vor.u32 v46, v9  }
0x36a: {  	v6 =	vmul.f32 v0, v17;
	v4 =	vadd.f32 v4, v48;
	v48 =	vor.u32 v54, v9  }
0x36b: {  	v5 =	vmul.f32 v3, v5  }
0x36c: {  	v42 =	vimm.s32 $0xE;
	v17 =	vmul.f32 v0, v52;
	[tilespmem:v10+s25+$0x0] =	vst.idx.add.f32.msk $0xffff, v6;
	v46 =	vmul.f32 v0, v22  }
0x36d: {  	v22 =	vor.u32 v14, v9;
	v5 =	vmul.f32 v5, v3;
	v6 =	vor.u32 v19, v9  }
0x36e: {  	[tilespmem:v1+s25+$0x0] =	vst.idx.add.f32.msk $0xffff, v8;
	v1 =	vor.u32 v13, v9;
	v10 =	vmul.f32 $5.000000000e-01, v4;
	v4 =	vshrl.u32 v4, $0x1  }
0x36f: {  	v12 =	vperm.xlane v26, v42;
	v42 =	vmul.f32 v0, v59;
	v4 =	vsub.s32 $0x5F3759DF, v4;
	[tilespmem:v48+s25+$0x0] =	vst.idx.add.f32.msk $0xffff, v46  }
0x370: {  	v16 =	vmul.f32 v4, v10;
	v48 =	vmul.f32 v0, v53;
	v53 =	vld [tilespmem:$0x1FFD0]  }
0x371: {  	v63 =	vld [tilespmem:$0x1FFA0];
	v5 =	vsub.f32 $1.500000000e+00, v5;
	v7 =	vshll.u32 v12, $0x7;
	v9 =	vor.u32 v15, v9  }
0x372: {  	v46 =	vmul.f32 v4, v16;
	[tilespmem:v6+s25+$0x0] =	vst.idx.add.f32.msk $0xffff, v17;
	v16 =	vor.u32 v28, v7  }
0x373: {  	v59 =	vor.u32 v51, v7;
	[tilespmem:v1+s25+$0x0] =	vst.idx.add.f32.msk $0xffff, v42;
	v1 =	vmul.f32 v5, v3  }
0x374: {  	v0 =	vmul.f32 v0, v49;
	v19 =	vsub.f32 $1.500000000e+00, v46;
	[tilespmem:v22+s25+$0x0] =	vst.idx.add.f32.msk $0xffff, v48  }
0x375: {  	v22 =	vmul.f32 v1, v55;
	v55 =	vld [tilespmem:$0x1FFF0];
	v42 =	vor.u32 v53, v7  }
0x376: {  	[tilespmem:v9+s25+$0x0] =	vst.idx.add.f32.msk $0xffff, v0;
	v46 =	vmul.f32 v1, v50;
	v4 =	vmul.f32 v4, v19  }
0x377: {  	v48 =	vor.u32 v54, v7;
	[tilespmem:v16+s25+$0x0] =	vst.idx.add.f32.msk $0xffff, v22  }
0x378: {  	v52 =	vmul.f32 v1, v47;
	v50 =	vmul.f32 v4, v10;
	[tilespmem:v59+s25+$0x0] =	vst.idx.add.f32.msk $0xffff, v46  }
0x379: {  	v59 =	vmul.f32 v1, v60;
	v60 =	vld [tilespmem:$0x1FFB0]  }
0x37a: {  	v9 =	vmul.f32 v50, v4;
	[tilespmem:v42+s25+$0x0] =	vst.idx.add.f32.msk $0xffff, v52  }
0x37b: {  	v52 =	vmul.f32 v1, v23;
	v23 =	vld [tilespmem:$0x1FF60]  }
0x37c: {  	[tilespmem:v48+s25+$0x0] =	vst.idx.add.f32.msk $0xffff, v59;
	v46 =	vsub.f32 $1.500000000e+00, v9;
	v9 =	vimm.f32 $1.000000000e+00  }
0x37d: {  	[tilespmem:v32+s26+$0x0] =	vst.idx.add.f32.msk $0x1, v9  }
0x37e: {  	[tilespmem:v33+s26+$0x0] =	vst.idx.add.f32.msk $0x1, v9  }
0x37f: {  	[tilespmem:v35+s26+$0x0] =	vst.idx.add.f32.msk $0x1, v9  }
0x380: {  	[tilespmem:v36+s26+$0x0] =	vst.idx.add.f32.msk $0x1, v9  }
0x381: {  	[tilespmem:v37+s26+$0x0] =	vst.idx.add.f32.msk $0x1, v9  }
0x382: {  	[tilespmem:v38+s26+$0x0] =	vst.idx.add.f32.msk $0x1, v9  }
0x383: {  	[tilespmem:v39+s26+$0x0] =	vst.idx.add.f32.msk $0x1, v9  }
0x384: {  	v49 =	vor.u32 v55, v7;
	[tilespmem:v40+s26+$0x0] =	vst.idx.add.f32.msk $0x1, v9  }
0x385: {  	v21 =	vimm.s32 $0xF;
	v19 =	vor.u32 v13, v7;
	[tilespmem:v41+s26+$0x0] =	vst.idx.add.f32.msk $0x1, v9  }
0x386: {  	v11 =	vperm.xlane v26, v21;
	v22 =	vor.u32 v14, v7;
	[tilespmem:v34+s26+$0x0] =	vst.idx.add.f32.msk $0x1, v9  }
0x387: {  	v21 =	vmul.f32 v1, v61;
	[tilespmem:v25+s26+$0x0] =	vst.idx.add.f32.msk $0x1, v9  }
0x388: {  	v8 =	vshll.u32 v11, $0x7;
	v47 =	vmul.f32 v1, v56;
	v42 =	vor.u32 v15, v7;
	[tilespmem:v2+s26+$0x0] =	vst.idx.add.f32.msk $0x1, v9  }
0x389: {  	v48 =	vor.u32 v28, v8;
	[tilespmem:v49+s25+$0x0] =	vst.idx.add.f32.msk $0xffff, v21;
	v49 =	vmul.f32 v1, v57  }
0x38a: {  	v50 =	vor.u32 v51, v8;
	v4 =	vmul.f32 v46, v4;
	[tilespmem:v19+s25+$0x0] =	vst.idx.add.f32.msk $0xffff, v47  }
0x38b: {  	[tilespmem:v22+s25+$0x0] =	vst.idx.add.f32.msk $0xffff, v49  }
0x38c: {  	v10 =	vmul.f32 v4, v45;
	v22 =	vld [tilespmem:$0x1FF50]  }
0x38d: {  	v59 =	vor.u32 v53, v8;
	v19 =	vmul.f32 v4, v58;
	[tilespmem:v42+s25+$0x0] =	vst.idx.add.f32.msk $0xffff, v52  }
0x38e: {  	[tilespmem:v48+s25+$0x0] =	vst.idx.add.f32.msk $0xffff, v10;
	v42 =	vor.u32 v54, v8  }
0x38f: {  	v45 =	vor.u32 v55, v8;
	[tilespmem:v50+s25+$0x0] =	vst.idx.add.f32.msk $0xffff, v19  }
0x390: {  	v21 =	vmul.f32 v4, v18;
	[tilespmem:v23+s26+$0x0] =	vst.idx.add.f32.msk $0x1, v9  }
0x391: {  	v46 =	vor.u32 v13, v8;
	v47 =	vmul.f32 v4, v43;
	[tilespmem:v12+s26+$0x0] =	vst.idx.add.f32.msk $0x1, v9  }
0x392: {  	v49 =	vmul.f32 v4, v44;
	v48 =	vor.u32 v14, v8;
	[tilespmem:v59+s25+$0x0] =	vst.idx.add.f32.msk $0xffff, v21  }
0x393: {  	s0 =	sadd.s32 $0x10, s0;
	v50 =	vor.u32 v15, v8;
	[tilespmem:v42+s25+$0x0] =	vst.idx.add.f32.msk $0xffff, v47  }
0x394: {  	p1 =	slt.u32 s0, $0x70;
	v52 =	vmul.f32 v4, v62;
	[tilespmem:v45+s25+$0x0] =	vst.idx.add.f32.msk $0xffff, v49  }
.Ltmp3:
0x395: {  	v58 =	vmul.f32 v4, v20;
	[tilespmem:v22+s26+$0x0] =	vst.idx.add.f32.msk $0x1, v9;
	(pc) =	sbr.rel @p1 .LBB2_9-.Ltmp3, $4  }
0x396: {  	v59 =	vmul.f32 v4, v24;
	[tilespmem:v46+s25+$0x0] =	vst.idx.add.f32.msk $0xffff, v52  }
0x397: {  	[tilespmem:v48+s25+$0x0] =	vst.idx.add.f32.msk $0xffff, v58  }
0x398: {  	v27 =	vimm.s32 $0x0;
	[tilespmem:v50+s25+$0x0] =	vst.idx.add.f32.msk $0xffff, v59  }
0x399: {  	s30 =	sadd.s32 $0x10, s30;
	s1 =	sadd.s32 $0x800, s1;
	v29 =	vimm.s32 $0x1;
	v61 =	vmovc v30;
	v56 =	vimm.s32 $0x2;
	v57 =	vimm.s32 $0x3;
	v62 =	vmovc v31;
	[tilespmem:v11+s26+$0x0] =	vst.idx.add.f32.msk $0x1, v9  }
.Ltmp4:
0x39a: {  	(pc) =	sbr.rel @p0 .LBB2_6-.Ltmp4, $2  }
0x39b: {  	_ =	sdelay $0x2  }
0x39c: {  	s0 =	simm.s32 $0x400;
	p1 =	por $0x0, $0x0;
	s1 =	smov.u32 s7  }
0x39d: {  	[hbm4b:s8+s2] =	stream.linear.scatter [tilespmem:s25], [sflag:$0x3], $0x10000, $0x38;
	[tilespmem:$0x18400] =	vst v63  }
0x39e: {  	_ =	swait.ge [sflag:s21], $0x10000  }
0x39f: {  	[sflag:s21] =	ssyncset.done $0x0  }
0x3a0: {  	[sflag:s21] =	ssyncadd.s32 $0xFFFF0000  }
0x3a1: {  	[hbm4b:s9+s2] =	stream.linear.scatter [tilespmem:s26], [sflag:$0x3], $0x200, $0x38;
	[tilespmem:$0x18400] =	vst v63  }
0x3a2: {  	_ =	swait.ge [sflag:s21], $0x200  }
0x3a3: {  	[sflag:s21] =	ssyncset.done $0x0  }
0x3a4: {  	s0 =	simm.s32 $0x8300;
	v59 =	vimm.f32 $0.0e+00;
	[sflag:s21] =	ssyncadd.s32 $0xFFFFFE00  }
0x3a5: {  	[tilespmem:s0+$0xFFFFFF00] =	vst v59  }
0x3a6: {  	[tilespmem:s0+$0xF0] =	vst v59  }
0x3a7: {  	[tilespmem:s0+$0xE0] =	vst v59  }
0x3a8: {  	[tilespmem:s0+$0xD0] =	vst v59  }
0x3a9: {  	[tilespmem:s0+$0xC0] =	vst v59  }
0x3aa: {  	[tilespmem:s0+$0xB0] =	vst v59  }
0x3ab: {  	[tilespmem:s0+$0xA0] =	vst v59  }
0x3ac: {  	[tilespmem:s0+$0x90] =	vst v59  }
0x3ad: {  	[tilespmem:s0+$0x80] =	vst v59  }
0x3ae: {  	[tilespmem:s0+$0x70] =	vst v59  }
0x3af: {  	[tilespmem:s0+$0x60] =	vst v59  }
0x3b0: {  	[tilespmem:s0+$0x50] =	vst v59  }
0x3b1: {  	[tilespmem:s0+$0x40] =	vst v59  }
0x3b2: {  	[tilespmem:s0+$0x30] =	vst v59  }
0x3b3: {  	[tilespmem:s0+$0x20] =	vst v59  }
0x3b4: {  	[tilespmem:s0+$0x10] =	vst v59  }
0x3b5: {  	[tilespmem:s0+$0x0] =	vst v59  }
0x3b6: {  	[tilespmem:s0+$0xFFFFFFF0] =	vst v59  }
0x3b7: {  	[tilespmem:s0+$0xFFFFFFE0] =	vst v59  }
0x3b8: {  	[tilespmem:s0+$0xFFFFFFD0] =	vst v59  }
0x3b9: {  	[tilespmem:s0+$0xFFFFFFC0] =	vst v59  }
0x3ba: {  	[tilespmem:s0+$0xFFFFFFB0] =	vst v59  }
0x3bb: {  	[tilespmem:s0+$0xFFFFFFA0] =	vst v59  }
0x3bc: {  	[tilespmem:s0+$0xFFFFFF90] =	vst v59  }
0x3bd: {  	[tilespmem:s0+$0xFFFFFF80] =	vst v59  }
0x3be: {  	[tilespmem:s0+$0xFFFFFF70] =	vst v59  }
0x3bf: {  	[tilespmem:s0+$0xFFFFFF60] =	vst v59  }
0x3c0: {  	[tilespmem:s0+$0xFFFFFF50] =	vst v59  }
0x3c1: {  	[tilespmem:s0+$0xFFFFFF40] =	vst v59  }
0x3c2: {  	[tilespmem:s0+$0xFFFFFF30] =	vst v59  }
0x3c3: {  	s1 =	simm.s32 $0x0;
	[tilespmem:s0+$0xFFFFFF20] =	vst v59  }
.LBB2_12:
0x3c4: {  	s1 =	sadd.s32 $0x4, s1;
	[tilespmem:s0+$0xFFFFFF10] =	vst v59;
	s0 =	sadd.s32 $0x200, s0  }
0x3c5: {  	[tilespmem:s0+$0xFFFFFF00] =	vst v59;
	p0 =	slt.u32 s1, $0x1FC  }
0x3c6: {  	[tilespmem:s0+$0xF0] =	vst v59  }
0x3c7: {  	[tilespmem:s0+$0xE0] =	vst v59  }
0x3c8: {  	[tilespmem:s0+$0xD0] =	vst v59  }
0x3c9: {  	[tilespmem:s0+$0xC0] =	vst v59  }
0x3ca: {  	[tilespmem:s0+$0xB0] =	vst v59  }
0x3cb: {  	[tilespmem:s0+$0xA0] =	vst v59  }
0x3cc: {  	[tilespmem:s0+$0x90] =	vst v59  }
0x3cd: {  	[tilespmem:s0+$0x80] =	vst v59  }
0x3ce: {  	[tilespmem:s0+$0x70] =	vst v59  }
0x3cf: {  	[tilespmem:s0+$0x60] =	vst v59  }
0x3d0: {  	[tilespmem:s0+$0x50] =	vst v59  }
0x3d1: {  	[tilespmem:s0+$0x40] =	vst v59  }
0x3d2: {  	[tilespmem:s0+$0x30] =	vst v59  }
0x3d3: {  	[tilespmem:s0+$0x20] =	vst v59  }
0x3d4: {  	[tilespmem:s0+$0x10] =	vst v59  }
0x3d5: {  	[tilespmem:s0+$0x0] =	vst v59  }
0x3d6: {  	[tilespmem:s0+$0xFFFFFFF0] =	vst v59  }
0x3d7: {  	[tilespmem:s0+$0xFFFFFFE0] =	vst v59  }
0x3d8: {  	[tilespmem:s0+$0xFFFFFFD0] =	vst v59  }
0x3d9: {  	[tilespmem:s0+$0xFFFFFFC0] =	vst v59  }
0x3da: {  	[tilespmem:s0+$0xFFFFFFB0] =	vst v59  }
0x3db: {  	[tilespmem:s0+$0xFFFFFFA0] =	vst v59  }
0x3dc: {  	[tilespmem:s0+$0xFFFFFF90] =	vst v59  }
0x3dd: {  	[tilespmem:s0+$0xFFFFFF80] =	vst v59  }
0x3de: {  	[tilespmem:s0+$0xFFFFFF70] =	vst v59  }
.Ltmp5:
0x3df: {  	[tilespmem:s0+$0xFFFFFF60] =	vst v59;
	(pc) =	sbr.rel @p0 .LBB2_12-.Ltmp5, $4  }
0x3e0: {  	[tilespmem:s0+$0xFFFFFF50] =	vst v59  }
0x3e1: {  	[tilespmem:s0+$0xFFFFFF40] =	vst v59  }
0x3e2: {  	[tilespmem:s0+$0xFFFFFF30] =	vst v59  }
0x3e3: {  	[tilespmem:s0+$0xFFFFFF20] =	vst v59  }
0x3e4: {  	[tilespmem:s0+$0xFFFFFF10] =	vst v59;
	s0 =	simm.s32 $0x0;
	p1 =	por $0x1, $0x1;
	s1 =	smov.u32 s11  }
0x3e5: {  	[tilespmem:s22], [sflag:$0x1] =	stream.linear.gather [hbm4b:s10+s0], $0x4000, $0x38;
	[tilespmem:$0x18400] =	vst v63  }
.LBB2_14:
0x3e6: {  	[tilespmem:s23], [sflag:$0x2] =	stream.linear.gather [hbm4b:s1+s2], $0x4000, $0x38;
	[tilespmem:$0x18400] =	vst v63  }
0x3e7: {  	s0 =	sshra.s32 s0, $0x2;
	_ =	swait.ge [sflag:s24], $0x4000  }
0x3e8: {  	p0 =	por p1, p1;
	s1 =	simm.s32 $0xFFFFFFF0;
	[sflag:s24] =	ssyncset.done $0x0  }
0x3e9: {  	s30 =	simm.s32 $0x600;
	v58 =	vimm.s32 $0x7;
	s31 =	smov.u32 s0;
	[sflag:s24] =	ssyncadd.s32 $0xFFFFC000  }
.LBB2_15:
0x3ea: {  	v0 =	vld [tilespmem:s30+$0xFFFFFC00]  }
0x3eb: {  	v1 =	vld [tilespmem:s30+$0xFFFFFC10];
	_ =	sdelay $0x1  }
0x3ec: {  	v2 =	vld [tilespmem:s30+$0xFFFFFC20];
	_ =	sdelay $0x1  }
0x3ed: {  	v3 =	vld [tilespmem:s30+$0xFFFFFC30]  }
0x3ee: {  	v4 =	vmul.f32 v0, v0;
	v5 =	vmul.f32 v1, v1  }
0x3ef: {  	v8 =	vld [tilespmem:s30+$0xFFFFFC40]  }
0x3f0: {  	v38 =	vmul.f32 v2, v2;
	v4 =	vadd.f32 v5, v4  }
0x3f1: {  	v9 =	vld [tilespmem:s30+$0xFFFFFC50]  }
0x3f2: {  	v39 =	vmul.f32 v3, v3;
	v4 =	vadd.f32 v4, v38  }
0x3f3: {  	v10 =	vld [tilespmem:s30+$0xFFFFFC60]  }
0x3f4: {  	v40 =	vmul.f32 v8, v8;
	v4 =	vadd.f32 v4, v39  }
0x3f5: {  	v20 =	vld [tilespmem:s30+$0xFFFFFC70]  }
0x3f6: {  	v41 =	vmul.f32 v9, v9;
	v4 =	vadd.f32 v4, v40;
	_ =	sdelay $0x1  }
0x3f7: {  	v42 =	vmul.f32 v10, v10;
	v4 =	vadd.f32 v4, v41;
	_ =	sdelay $0x1  }
0x3f8: {  	v43 =	vmul.f32 v20, v20;
	v4 =	vadd.f32 v4, v42;
	_ =	sdelay $0x1  }
0x3f9: {  	v4 =	vadd.f32 v4, v43  }
0x3fa: {  	v24 =	vld [tilespmem:s30+$0xFFFFFC80]  }
0x3fb: {  	v22 =	vld [tilespmem:s30+$0xFFFFFC90];
	v5 =	vperm.xlane v4, v63;
	_ =	sdelay $0x1  }
0x3fc: {  	v23 =	vld [tilespmem:s30+$0xFFFFFCA0];
	v4 =	vadd.f32 v4, v5;
	_ =	sdelay $0x1  }
0x3fd: {  	v21 =	vld [tilespmem:s30+$0xFFFFFCB0];
	v5 =	vperm.xlane v4, v60  }
0x3fe: {  	v6 =	vmul.f32 v24, v24;
	v7 =	vmul.f32 v22, v22  }
0x3ff: {  	v19 =	vld [tilespmem:s30+$0xFFFFFCC0];
	v4 =	vadd.f32 v4, v5  }
0x400: {  	v45 =	vmul.f32 v23, v23;
	v44 =	vadd.f32 v7, v6  }
0x401: {  	v18 =	vld [tilespmem:s30+$0xFFFFFCD0];
	v46 =	vperm.xlane v4, v61  }
0x402: {  	v47 =	vmul.f32 v21, v21;
	v5 =	vadd.f32 v44, v45  }
0x403: {  	v17 =	vld [tilespmem:s30+$0xFFFFFCE0];
	v4 =	vadd.f32 v4, v46  }
0x404: {  	v48 =	vmul.f32 v19, v19;
	v6 =	vadd.f32 v5, v47  }
0x405: {  	v5 =	vld [tilespmem:s30+$0xFFFFFCF0];
	v11 =	vperm.xlane v4, v62  }
0x406: {  	v12 =	vmul.f32 v18, v18;
	v7 =	vld [tilespmem:s30+$0xFFFFFD00];
	v6 =	vadd.f32 v6, v48  }
0x407: {  	v44 =	vld [tilespmem:s30+$0xFFFFFD10];
	v4 =	vadd.f32 v4, v11  }
0x408: {  	v49 =	vmul.f32 v17, v17;
	v6 =	vadd.f32 v6, v12  }
0x409: {  	v42 =	vld [tilespmem:s30+$0xFFFFFD20];
	v12 =	vmul.f32 $5.000000000e-01, v4;
	v4 =	vshrl.u32 v4, $0x1  }
0x40a: {  	v50 =	vmul.f32 v5, v5;
	v6 =	vadd.f32 v6, v49;
	v4 =	vsub.s32 $0x5F3759DF, v4  }
0x40b: {  	v40 =	vld [tilespmem:s30+$0xFFFFFD30];
	v16 =	vmul.f32 v4, v12  }
0x40c: {  	v52 =	vmul.f32 v7, v7;
	v25 =	vmul.f32 v44, v44;
	v6 =	vadd.f32 v6, v50  }
0x40d: {  	v41 =	vld [tilespmem:s30+$0xFFFFFD40];
	v16 =	vmul.f32 v4, v16  }
0x40e: {  	v30 =	vld [tilespmem:s31+$0x0];
	v11 =	vadd.f32 v25, v52;
	v25 =	vmul.f32 v42, v42;
	v26 =	vperm.xlane v6, v63  }
0x40f: {  	v38 =	vld [tilespmem:s30+$0xFFFFFD50];
	v16 =	vsub.f32 $1.500000000e+00, v16  }
0x410: {  	v11 =	vadd.f32 v11, v25;
	v25 =	vmul.f32 v40, v40;
	v6 =	vadd.f32 v6, v26  }
0x411: {  	v36 =	vld [tilespmem:s30+$0xFFFFFD60];
	v4 =	vmul.f32 v4, v16  }
0x412: {  	v11 =	vadd.f32 v11, v25;
	v25 =	vmul.f32 v41, v41;
	v16 =	vperm.xlane v6, v60  }
0x413: {  	v34 =	vld [tilespmem:s30+$0xFFFFFD70];
	v26 =	vperm.xlane v30, v27;
	v12 =	vmul.f32 v4, v12  }
0x414: {  	v11 =	vadd.f32 v11, v25;
	v6 =	vadd.f32 v6, v16;
	v16 =	vmul.f32 v38, v38  }
0x415: {  	v25 =	vshll.u32 v26, $0x7;
	v12 =	vmul.f32 v12, v4  }
0x416: {  	v39 =	vld [tilespmem:s30+$0xFFFFFDA0];
	v26 =	vperm.xlane v6, v61;
	v11 =	vadd.f32 v11, v16;
	v16 =	vmul.f32 v36, v36  }
0x417: {  	v12 =	vsub.f32 $1.500000000e+00, v12  }
0x418: {  	v33 =	vmul.f32 v34, v34;
	v26 =	vadd.f32 v6, v26;
	v32 =	vadd.f32 v11, v16  }
0x419: {  	v27 =	vor.u32 v28, v25  }
0x41a: {  	v6 =	vld [tilespmem:s30+$0xFFFFFD80];
	v4 =	vmul.f32 v12, v4;
	v16 =	vperm.xlane v26, v62;
	v11 =	vadd.f32 v32, v33  }
0x41b: {  	v43 =	vld [tilespmem:s30+$0xFFFFFD90];
	v50 =	vmul.f32 v39, v39;
	v28 =	vor.u32 v53, v25;
	v12 =	vor.u32 v51, v25  }
0x41c: {  	v0 =	vmul.f32 v4, v0;
	v16 =	vadd.f32 v26, v16;
	v26 =	vperm.xlane v11, v63  }
0x41d: {  	v37 =	vld [tilespmem:s30+$0xFFFFFDB0];
	v45 =	vor.u32 v54, v25;
	v35 =	vmul.f32 v4, v1;
	v46 =	vmul.f32 v4, v2  }
0x41e: {  	v47 =	vmul.f32 v4, v3;
	[tilespmem:v27+s25+$0x0] =	vst.idx.add.f32.msk $0xffff, v0;
	v27 =	vmul.f32 $5.000000000e-01, v16;
	v16 =	vshrl.u32 v16, $0x1  }
0x41f: {  	v33 =	vld [tilespmem:s30+$0xFFFFFDC0];
	v49 =	vmul.f32 v6, v6;
	v11 =	vadd.f32 v11, v26;
	v48 =	vsub.s32 $0x5F3759DF, v16  }
0x420: {  	v26 =	vmul.f32 v43, v43;
	[tilespmem:v12+s25+$0x0] =	vst.idx.add.f32.msk $0xffff, v35;
	v12 =	vmul.f32 v48, v27  }
0x421: {  	v32 =	vld [tilespmem:s30+$0xFFFFFDE0];
	v2 =	vmul.f32 v4, v8;
	v16 =	vperm.xlane v11, v60  }
0x422: {  	v9 =	vmul.f32 v4, v9;
	v35 =	vld [tilespmem:s30+$0xFFFFFDD0];
	v0 =	vadd.f32 v26, v49;
	v12 =	vmul.f32 v48, v12  }
0x423: {  	[tilespmem:v28+s25+$0x0] =	vst.idx.add.f32.msk $0xffff, v46;
	v11 =	vadd.f32 v11, v16;
	v16 =	vor.u32 v55, v25  }
0x424: {  	v46 =	vmul.f32 v37, v37;
	[tilespmem:v45+s25+$0x0] =	vst.idx.add.f32.msk $0xffff, v47;
	v0 =	vadd.f32 v0, v50;
	v45 =	vsub.f32 $1.500000000e+00, v12  }
0x425: {  	v10 =	vmul.f32 v4, v10;
	v49 =	vor.u32 v13, v25;
	v12 =	vperm.xlane v11, v61  }
0x426: {  	v28 =	vperm.xlane v30, v29;
	v0 =	vadd.f32 v0, v46;
	v3 =	vmul.f32 v48, v45  }
0x427: {  	v31 =	vld [tilespmem:s30+$0xFFFFFDF0];
	v50 =	vmul.f32 v35, v35;
	v47 =	vadd.f32 v11, v12;
	v48 =	vmul.f32 v33, v33  }
0x428: {  	v45 =	vmul.f32 v32, v32;
	[tilespmem:v16+s25+$0x0] =	vst.idx.add.f32.msk $0xffff, v2;
	v12 =	vmul.f32 v3, v27  }
0x429: {  	v26 =	vperm.xlane v47, v62;
	v27 =	vor.u32 v14, v25;
	v0 =	vadd.f32 v0, v48  }
0x42a: {  	v52 =	vlaneseq.u32;
	v25 =	vor.u32 v15, v25;
	[tilespmem:v49+s25+$0x0] =	vst.idx.add.f32.msk $0xffff, v9;
	v12 =	vmul.f32 v12, v3  }
0x42b: {  	v49 =	vmul.f32 v4, v20;
	v8 =	vadd.f32 v47, v26;
	v0 =	vadd.f32 v0, v50  }
0x42c: {  	v47 =	vmul.f32 v31, v31;
	v46 =	vsub.f32 $1.500000000e+00, v12;
	v12 =	vshll.u32 v28, $0x7  }
0x42d: {  	v16 =	vmul.f32 $5.000000000e-01, v8;
	v8 =	vshrl.u32 v8, $0x1;
	v0 =	vadd.f32 v0, v45  }
0x42e: {  	v8 =	vsub.s32 $0x5F3759DF, v8;
	v2 =	vmul.f32 v46, v3;
	v3 =	vor.u32 v52, v12  }
0x42f: {  	v9 =	vor.u32 v51, v12;
	v48 =	vmul.f32 v8, v16;
	v0 =	vadd.f32 v0, v47  }
0x430: {  	[tilespmem:v27+s25+$0x0] =	vst.idx.add.f32.msk $0xffff, v10;
	v11 =	vor.u32 v53, v12;
	v50 =	vmul.f32 v2, v24  }
0x431: {  	v45 =	vor.u32 v54, v12;
	v10 =	vmul.f32 v8, v48;
	v24 =	vperm.xlane v0, v63  }
0x432: {  	[tilespmem:v25+s25+$0x0] =	vst.idx.add.f32.msk $0xffff, v49;
	v46 =	vmul.f32 v2, v22;
	v47 =	vmul.f32 v2, v23  }
0x433: {  	v48 =	vor.u32 v55, v12;
	v49 =	vsub.f32 $1.500000000e+00, v10;
	v0 =	vadd.f32 v0, v24;
	[tilespmem:v3+s25+$0x0] =	vst.idx.add.f32.msk $0xffff, v50  }
0x434: {  	v23 =	vor.u32 v13, v12;
	v50 =	vmul.f32 v2, v21;
	[tilespmem:v9+s25+$0x0] =	vst.idx.add.f32.msk $0xffff, v46  }
0x435: {  	v4 =	vmul.f32 v8, v49;
	v21 =	vperm.xlane v0, v60;
	[tilespmem:v11+s25+$0x0] =	vst.idx.add.f32.msk $0xffff, v47  }
0x436: {  	v22 =	vmul.f32 v2, v19;
	v19 =	vor.u32 v14, v12;
	v47 =	vld [tilespmem:s30+$0xFFFFFE10]  }
0x437: {  	[tilespmem:v45+s25+$0x0] =	vst.idx.add.f32.msk $0xffff, v50;
	v50 =	vmul.f32 v4, v16;
	v0 =	vadd.f32 v0, v21  }
0x438: {  	v21 =	vmul.f32 v2, v18;
	[tilespmem:v48+s25+$0x0] =	vst.idx.add.f32.msk $0xffff, v22;
	v22 =	vperm.xlane v30, v56  }
0x439: {  	v48 =	vld [tilespmem:s30+$0xFFFFFE00];
	v20 =	vmul.f32 v50, v4;
	v8 =	vperm.xlane v0, v61  }
0x43a: {  	v12 =	vor.u32 v15, v12;
	[tilespmem:v23+s25+$0x0] =	vst.idx.add.f32.msk $0xffff, v21;
	v23 =	vmul.f32 v2, v17  }
0x43b: {  	v49 =	vld [tilespmem:s30+$0xFFFFFE20];
	v9 =	vshll.u32 v22, $0x7;
	v3 =	vsub.f32 $1.500000000e+00, v20;
	v0 =	vadd.f32 v0, v8  }
0x43c: {  	v45 =	vor.u32 v52, v9  }
0x43d: {  	[tilespmem:v19+s25+$0x0] =	vst.idx.add.f32.msk $0xffff, v23;
	v3 =	vmul.f32 v3, v4;
	v46 =	vperm.xlane v0, v62  }
0x43e: {  	v50 =	vmul.f32 v2, v5;
	v20 =	vld [tilespmem:s30+$0xFFFFFE30];
	v21 =	vmul.f32 v47, v47  }
0x43f: {  	v19 =	vld [tilespmem:s30+$0xFFFFFE40];
	v11 =	vmul.f32 v48, v48;
	v56 =	vmul.f32 v3, v7;
	v0 =	vadd.f32 v0, v46  }
0x440: {  	v22 =	vmul.f32 v49, v49;
	[tilespmem:v12+s25+$0x0] =	vst.idx.add.f32.msk $0xffff, v50  }
0x441: {  	v1 =	vadd.f32 v21, v11;
	v7 =	vmul.f32 $5.000000000e-01, v0;
	[tilespmem:v45+s25+$0x0] =	vst.idx.add.f32.msk $0xffff, v56;
	v0 =	vshrl.u32 v0, $0x1  }
0x442: {  	v23 =	vor.u32 v51, v9;
	v45 =	vld [tilespmem:s30+$0xFFFFFE50];
	v0 =	vsub.s32 $0x5F3759DF, v0  }
0x443: {  	v1 =	vadd.f32 v1, v22;
	v56 =	vmul.f32 v20, v20;
	v50 =	vmul.f32 v0, v7  }
0x444: {  	v18 =	vld [tilespmem:s30+$0xFFFFFE60];
	v21 =	vmul.f32 v3, v44  }
0x445: {  	v22 =	vmul.f32 v19, v19;
	v1 =	vadd.f32 v1, v56;
	v8 =	vmul.f32 v0, v50  }
0x446: {  	v17 =	vld [tilespmem:s30+$0xFFFFFE70];
	v5 =	vor.u32 v53, v9;
	v12 =	vmul.f32 v3, v42  }
0x447: {  	[tilespmem:v23+s25+$0x0] =	vst.idx.add.f32.msk $0xffff, v21;
	v1 =	vadd.f32 v1, v22;
	v42 =	vmul.f32 v45, v45;
	v23 =	vsub.f32 $1.500000000e+00, v8  }
0x448: {  	v16 =	vor.u32 v55, v9;
	v11 =	vor.u32 v54, v9  }
0x449: {  	v46 =	vmul.f32 v18, v18;
	v1 =	vadd.f32 v1, v42;
	v0 =	vmul.f32 v0, v23  }
0x44a: {  	v44 =	vmul.f32 v3, v40;
	v56 =	vor.u32 v13, v9  }
0x44b: {  	v40 =	vld [tilespmem:s30+$0xFFFFFE80];
	v22 =	vmul.f32 v17, v17;
	v1 =	vadd.f32 v1, v46;
	v21 =	vmul.f32 v0, v7  }
0x44c: {  	v38 =	vmul.f32 v3, v38;
	[tilespmem:v5+s25+$0x0] =	vst.idx.add.f32.msk $0xffff, v12;
	v50 =	vmul.f32 v3, v41  }
0x44d: {  	[tilespmem:v11+s25+$0x0] =	vst.idx.add.f32.msk $0xffff, v44;
	v1 =	vadd.f32 v1, v22;
	v5 =	vmul.f32 v21, v0  }
0x44e: {  	v44 =	vperm.xlane v30, v57;
	[tilespmem:v16+s25+$0x0] =	vst.idx.add.f32.msk $0xffff, v50;
	v23 =	vor.u32 v14, v9  }
0x44f: {  	v50 =	vperm.xlane v1, v63;
	v46 =	vsub.f32 $1.500000000e+00, v5;
	v5 =	vld [tilespmem:s30+$0xFFFFFE90]  }
0x450: {  	v8 =	vshll.u32 v44, $0x7;
	[tilespmem:v56+s25+$0x0] =	vst.idx.add.f32.msk $0xffff, v38  }
0x451: {  	v56 =	vmul.f32 v3, v36;
	v57 =	vor.u32 v52, v8;
	v7 =	vld [tilespmem:s30+$0xFFFFFEA0];
	v1 =	vadd.f32 v1, v50  }
0x452: {  	v44 =	vld [tilespmem:s30+$0xFFFFFEB0];
	v9 =	vor.u32 v15, v9;
	v21 =	vmul.f32 v3, v34;
	v0 =	vmul.f32 v46, v0  }
0x453: {  	v34 =	vmul.f32 v40, v40;
	[tilespmem:v23+s25+$0x0] =	vst.idx.add.f32.msk $0xffff, v56;
	v23 =	vperm.xlane v1, v60  }
0x454: {  	v22 =	vmul.f32 v0, v6;
	v36 =	vmul.f32 v5, v5  }
0x455: {  	v38 =	vor.u32 v51, v8;
	v42 =	vld [tilespmem:s30+$0xFFFFFEC0];
	v1 =	vadd.f32 v1, v23  }
0x456: {  	v46 =	vmul.f32 v7, v7;
	[tilespmem:v57+s25+$0x0] =	vst.idx.add.f32.msk $0xffff, v22;
	v2 =	vadd.f32 v36, v34  }
0x457: {  	v22 =	vld [tilespmem:s30+$0xFFFFFED0];
	v56 =	vperm.xlane v1, v61  }
0x458: {  	[tilespmem:v9+s25+$0x0] =	vst.idx.add.f32.msk $0xffff, v21;
	v23 =	vmul.f32 v44, v44;
	v2 =	vadd.f32 v2, v46  }
0x459: {  	v50 =	vmul.f32 v0, v43;
	v43 =	vld [tilespmem:s30+$0xFFFFFEE0];
	v57 =	vor.u32 v53, v8;
	v1 =	vadd.f32 v1, v56  }
0x45a: {  	v21 =	vld [tilespmem:s30+$0xFFFFFEF0];
	v34 =	vmul.f32 v42, v42;
	v2 =	vadd.f32 v2, v23  }
0x45b: {  	[tilespmem:v38+s25+$0x0] =	vst.idx.add.f32.msk $0xffff, v50;
	v38 =	vor.u32 v54, v8;
	v6 =	vperm.xlane v1, v62  }
0x45c: {  	v36 =	vmul.f32 v0, v39;
	v39 =	vmul.f32 v22, v22;
	v2 =	vadd.f32 v2, v34  }
0x45d: {  	v24 =	vld [tilespmem:s30+$0xFFFFFF00];
	v41 =	vor.u32 v55, v8;
	v50 =	vmul.f32 v0, v37;
	v1 =	vadd.f32 v1, v6  }
0x45e: {  	v46 =	vmul.f32 v43, v43;
	[tilespmem:v57+s25+$0x0] =	vst.idx.add.f32.msk $0xffff, v36;
	v2 =	vadd.f32 v2, v39  }
0x45f: {  	v56 =	vor.u32 v13, v8;
	v23 =	vld [tilespmem:s30+$0xFFFFFF10];
	v11 =	vmul.f32 $5.000000000e-01, v1;
	v1 =	vshrl.u32 v1, $0x1  }
0x460: {  	v57 =	vmul.f32 v21, v21;
	[tilespmem:v38+s25+$0x0] =	vst.idx.add.f32.msk $0xffff, v50;
	v1 =	vsub.s32 $0x5F3759DF, v1;
	v2 =	vadd.f32 v2, v46  }
0x461: {  	v33 =	vmul.f32 v0, v33;
	v34 =	vmul.f32 v1, v11;
	v46 =	vld [tilespmem:s30+$0xFFFFFF20]  }
0x462: {  	v36 =	vmul.f32 v0, v35;
	v50 =	vld [tilespmem:s30+$0xFFFFFF30];
	v2 =	vadd.f32 v2, v57  }
0x463: {  	[tilespmem:v41+s25+$0x0] =	vst.idx.add.f32.msk $0xffff, v33;
	v39 =	vmul.f32 v24, v24;
	v37 =	vmul.f32 v1, v34  }
0x464: {  	v6 =	vld [tilespmem:s30+$0xFFFFFF40];
	v41 =	vmul.f32 v23, v23;
	v38 =	vperm.xlane v2, v63  }
0x465: {  	[tilespmem:v56+s25+$0x0] =	vst.idx.add.f32.msk $0xffff, v36;
	v4 =	vsub.f32 $1.500000000e+00, v37  }
0x466: {  	v3 =	vadd.f32 v41, v39;
	v56 =	vmul.f32 v46, v46;
	v2 =	vadd.f32 v2, v38  }
0x467: {  	v12 =	vimm.s32 $0x4;
	v10 =	vor.u32 v14, v8;
	v39 =	vld [tilespmem:s30+$0xFFFFFF50];
	v1 =	vmul.f32 v1, v4  }
0x468: {  	v33 =	vmul.f32 v50, v50;
	v3 =	vadd.f32 v3, v56;
	v57 =	vperm.xlane v2, v60  }
0x469: {  	v12 =	vperm.xlane v30, v12;
	v8 =	vor.u32 v15, v8;
	v41 =	vld [tilespmem:s30+$0xFFFFFF60];
	v11 =	vmul.f32 v1, v11  }
0x46a: {  	v34 =	vmul.f32 v6, v6;
	v3 =	vadd.f32 v3, v33;
	v2 =	vadd.f32 v2, v57  }
0x46b: {  	v12 =	vshll.u32 v12, $0x7;
	v35 =	vmul.f32 v0, v32;
	v11 =	vmul.f32 v11, v1  }
0x46c: {  	v38 =	vld [tilespmem:s30+$0xFFFFFF70];
	v56 =	vmul.f32 v39, v39;
	v3 =	vadd.f32 v3, v34;
	v16 =	vperm.xlane v2, v61  }
0x46d: {  	v0 =	vmul.f32 v0, v31;
	v32 =	vor.u32 v52, v12;
	[tilespmem:v10+s25+$0x0] =	vst.idx.add.f32.msk $0xffff, v35;
	v57 =	vsub.f32 $1.500000000e+00, v11  }
0x46e: {  	v36 =	vld [tilespmem:s30+$0xFFFFFFA0];
	v33 =	vmul.f32 v41, v41;
	v3 =	vadd.f32 v3, v56;
	v2 =	vadd.f32 v2, v16  }
0x46f: {  	[tilespmem:v8+s25+$0x0] =	vst.idx.add.f32.msk $0xffff, v0;
	v34 =	vor.u32 v51, v12;
	v0 =	vmul.f32 v57, v1  }
0x470: {  	v3 =	vadd.f32 v3, v33;
	v33 =	vld [tilespmem:s30+$0xFFFFFFD0];
	v37 =	vperm.xlane v2, v62  }
0x471: {  	v56 =	vmul.f32 v38, v38;
	v57 =	vor.u32 v53, v12;
	v9 =	vmul.f32 v0, v48;
	v48 =	vld [tilespmem:s30+$0xFFFFFF80]  }
0x472: {  	v35 =	vmul.f32 v0, v47;
	v2 =	vadd.f32 v2, v37;
	v37 =	vld [tilespmem:s30+$0xFFFFFF90]  }
0x473: {  	v4 =	vor.u32 v54, v12;
	v3 =	vadd.f32 v3, v56;
	[tilespmem:v32+s25+$0x0] =	vst.idx.add.f32.msk $0xffff, v9  }
0x474: {  	v49 =	vmul.f32 v0, v49;
	v19 =	vmul.f32 v0, v19;
	[tilespmem:v34+s25+$0x0] =	vst.idx.add.f32.msk $0xffff, v35  }
0x475: {  	v47 =	vperm.xlane v3, v63;
	v34 =	vld [tilespmem:s30+$0xFFFFFFB0];
	v8 =	vmul.f32 $5.000000000e-01, v2;
	v2 =	vshrl.u32 v2, $0x1  }
0x476: {  	v11 =	vmul.f32 v0, v45;
	v18 =	vmul.f32 v0, v18;
	[tilespmem:v57+s25+$0x0] =	vst.idx.add.f32.msk $0xffff, v49;
	v2 =	vsub.s32 $0x5F3759DF, v2  }
0x477: {  	v35 =	vld [tilespmem:s30+$0xFFFFFFC0];
	v49 =	vmul.f32 v0, v20;
	v3 =	vadd.f32 v3, v47;
	v56 =	vmul.f32 v2, v8  }
0x478: {  	v57 =	vmul.f32 v48, v48;
	v47 =	vmul.f32 v37, v37  }
0x479: {  	v31 =	vld [tilespmem:s30+$0xFFFFFFE0];
	v16 =	vperm.xlane v3, v60;
	v10 =	vmul.f32 v2, v56  }
0x47a: {  	v0 =	vmul.f32 v0, v17;
	v56 =	vmul.f32 v36, v36;
	v1 =	vadd.f32 v47, v57  }
0x47b: {  	[tilespmem:v4+s25+$0x0] =	vst.idx.add.f32.msk $0xffff, v49;
	v49 =	vmul.f32 v33, v33;
	v3 =	vadd.f32 v3, v16;
	v57 =	vsub.f32 $1.500000000e+00, v10  }
0x47c: {  	v20 =	vmul.f32 v34, v34;
	v45 =	vmul.f32 v35, v35;
	v1 =	vadd.f32 v1, v56  }
0x47d: {  	v32 =	vld [tilespmem:s30+$0xFFFFFFF0];
	v10 =	vor.u32 v55, v12;
	v16 =	vperm.xlane v3, v61;
	v2 =	vmul.f32 v2, v57  }
0x47e: {  	v47 =	vor.u32 v13, v12;
	v56 =	vmul.f32 v31, v31;
	v1 =	vadd.f32 v1, v20  }
0x47f: {  	v57 =	vimm.s32 $0x5;
	v3 =	vadd.f32 v3, v16;
	v8 =	vmul.f32 v2, v8  }
0x480: {  	v16 =	vor.u32 v14, v12;
	v20 =	vperm.xlane v30, v57;
	v1 =	vadd.f32 v1, v45  }
0x481: {  	v12 =	vor.u32 v15, v12;
	v17 =	vperm.xlane v3, v62;
	v8 =	vmul.f32 v8, v2  }
0x482: {  	[tilespmem:v10+s25+$0x0] =	vst.idx.add.f32.msk $0xffff, v19;
	v19 =	vmul.f32 v32, v32;
	v1 =	vadd.f32 v1, v49  }
0x483: {  	v9 =	vshll.u32 v20, $0x7;
	v3 =	vadd.f32 v3, v17;
	v8 =	vsub.f32 $1.500000000e+00, v8  }
0x484: {  	[tilespmem:v47+s25+$0x0] =	vst.idx.add.f32.msk $0xffff, v11;
	v20 =	vor.u32 v52, v9;
	v1 =	vadd.f32 v1, v56  }
0x485: {  	[tilespmem:v16+s25+$0x0] =	vst.idx.add.f32.msk $0xffff, v18;
	v10 =	vmul.f32 $5.000000000e-01, v3;
	v3 =	vshrl.u32 v3, $0x1;
	v2 =	vmul.f32 v8, v2  }
0x486: {  	v45 =	vor.u32 v51, v9;
	[tilespmem:v12+s25+$0x0] =	vst.idx.add.f32.msk $0xffff, v0;
	v3 =	vsub.s32 $0x5F3759DF, v3  }
0x487: {  	v1 =	vadd.f32 v1, v19;
	v47 =	vmul.f32 v3, v10;
	v12 =	vmul.f32 v2, v40  }
0x488: {  	v16 =	vor.u32 v53, v9;
	v5 =	vmul.f32 v2, v5;
	v57 =	vmul.f32 v2, v7  }
0x489: {  	v17 =	vor.u32 v54, v9;
	v49 =	vperm.xlane v1, v63;
	v8 =	vmul.f32 v3, v47  }
0x48a: {  	v19 =	vmul.f32 v2, v44;
	[tilespmem:v20+s25+$0x0] =	vst.idx.add.f32.msk $0xffff, v12;
	v20 =	vor.u32 v55, v9  }
0x48b: {  	v40 =	vor.u32 v13, v9;
	v0 =	vadd.f32 v1, v49;
	v56 =	vsub.f32 $1.500000000e+00, v8  }
0x48c: {  	v42 =	vmul.f32 v2, v42;
	v47 =	vor.u32 v14, v9;
	[tilespmem:v45+s25+$0x0] =	vst.idx.add.f32.msk $0xffff, v5  }
0x48d: {  	[tilespmem:v16+s25+$0x0] =	vst.idx.add.f32.msk $0xffff, v57;
	v18 =	vperm.xlane v0, v60;
	v1 =	vmul.f32 v3, v56  }
0x48e: {  	v45 =	vmul.f32 v2, v22;
	[tilespmem:v17+s25+$0x0] =	vst.idx.add.f32.msk $0xffff, v19;
	v56 =	vmul.f32 v2, v43  }
0x48f: {  	v12 =	vimm.s32 $0x6;
	v0 =	vadd.f32 v0, v18;
	v44 =	vmul.f32 v1, v10;
	[tilespmem:v20+s25+$0x0] =	vst.idx.add.f32.msk $0xffff, v42  }
0x490: {  	v12 =	vperm.xlane v30, v12;
	[tilespmem:v40+s25+$0x0] =	vst.idx.add.f32.msk $0xffff, v45  }
0x491: {  	v49 =	vperm.xlane v0, v61;
	v5 =	vmul.f32 v44, v1;
	[tilespmem:v47+s25+$0x0] =	vst.idx.add.f32.msk $0xffff, v56  }
0x492: {  	v47 =	vld [tilespmem:s30+$0x10]  }
0x493: {  	v0 =	vadd.f32 v0, v49;
	v57 =	vsub.f32 $1.500000000e+00, v5;
	v5 =	vshll.u32 v12, $0x7  }
0x494: {  	v9 =	vor.u32 v15, v9;
	v20 =	vor.u32 v51, v5;
	v51 =	vld [tilespmem:s30+$0x0]  }
0x495: {  	v18 =	vor.u32 v52, v5;
	v19 =	vperm.xlane v0, v62  }
0x496: {  	v2 =	vmul.f32 v2, v21;
	v49 =	vld [tilespmem:s30+$0x20];
	v1 =	vmul.f32 v57, v1  }
0x497: {  	v44 =	vld [tilespmem:s30+$0x40];
	v22 =	vor.u32 v53, v5;
	v57 =	vmul.f32 v47, v47;
	v0 =	vadd.f32 v0, v19  }
0x498: {  	v40 =	vor.u32 v54, v5;
	v21 =	vmul.f32 v1, v24;
	v43 =	vmul.f32 v1, v46;
	v46 =	vld [tilespmem:s30+$0x30]  }
0x499: {  	[tilespmem:v9+s25+$0x0] =	vst.idx.add.f32.msk $0xffff, v2;
	v8 =	vmul.f32 $5.000000000e-01, v0;
	v0 =	vshrl.u32 v0, $0x1;
	v56 =	vmul.f32 v51, v51  }
0x49a: {  	v23 =	vmul.f32 v1, v23;
	v50 =	vmul.f32 v1, v50;
	[tilespmem:v18+s25+$0x0] =	vst.idx.add.f32.msk $0xffff, v21;
	v0 =	vsub.s32 $0x5F3759DF, v0  }
0x49b: {  	v24 =	vld [tilespmem:s30+$0x50];
	v18 =	vmul.f32 v49, v49;
	v42 =	vmul.f32 v0, v8;
	v2 =	vadd.f32 v57, v56  }
0x49c: {  	v19 =	vor.u32 v55, v5;
	v21 =	vor.u32 v13, v5;
	[tilespmem:v20+s25+$0x0] =	vst.idx.add.f32.msk $0xffff, v23  }
0x49d: {  	v25 =	vld [tilespmem:s30+$0x60];
	v20 =	vmul.f32 v46, v46;
	v9 =	vmul.f32 v0, v42;
	v2 =	vadd.f32 v2, v18  }
0x49e: {  	v6 =	vmul.f32 v1, v6;
	v23 =	vmul.f32 v44, v44;
	[tilespmem:v22+s25+$0x0] =	vst.idx.add.f32.msk $0xffff, v43  }
0x49f: {  	v22 =	vor.u32 v14, v5;
	[tilespmem:v40+s25+$0x0] =	vst.idx.add.f32.msk $0xffff, v50;
	v9 =	vsub.f32 $1.500000000e+00, v9;
	v2 =	vadd.f32 v2, v20  }
0x4a0: {  	v39 =	vmul.f32 v1, v39;
	v50 =	vmul.f32 v24, v24;
	v42 =	vld [tilespmem:s30+$0x70]  }
0x4a1: {  	[tilespmem:v19+s25+$0x0] =	vst.idx.add.f32.msk $0xffff, v6;
	v0 =	vmul.f32 v0, v9;
	v2 =	vadd.f32 v2, v23  }
0x4a2: {  	v45 =	vperm.xlane v30, v58;
	v56 =	vmul.f32 v1, v41;
	[tilespmem:v21+s25+$0x0] =	vst.idx.add.f32.msk $0xffff, v39  }
0x4a3: {  	v58 =	vmul.f32 v25, v25;
	v20 =	vld [tilespmem:s30+$0x90];
	v8 =	vmul.f32 v0, v8;
	v2 =	vadd.f32 v2, v50  }
0x4a4: {  	v5 =	vor.u32 v15, v5;
	[tilespmem:v22+s25+$0x0] =	vst.idx.add.f32.msk $0xffff, v56  }
0x4a5: {  	v22 =	vld [tilespmem:s30+$0x80];
	v11 =	vmul.f32 v42, v42;
	v8 =	vmul.f32 v8, v0;
	v2 =	vadd.f32 v2, v58  }
0x4a6: {  	v7 =	vld [tilespmem:s30+$0xC0]  }
0x4a7: {  	v21 =	vld [tilespmem:s30+$0xA0];
	v57 =	vsub.f32 $1.500000000e+00, v8;
	v2 =	vadd.f32 v2, v11  }
0x4a8: {  	v1 =	vmul.f32 v1, v38;
	v6 =	vld [tilespmem:s30+$0xB0]  }
0x4a9: {  	v18 =	vld [tilespmem:s30+$0xD0];
	v0 =	vmul.f32 v57, v0;
	v39 =	vperm.xlane v2, v63  }
0x4aa: {  	[tilespmem:v5+s25+$0x0] =	vst.idx.add.f32.msk $0xffff, v1;
	v41 =	vmul.f32 v20, v20;
	v40 =	vmul.f32 v22, v22  }
0x4ab: {  	v38 =	vmul.f32 v0, v48;
	v1 =	vadd.f32 v2, v39;
	v48 =	vld [tilespmem:$0x1FFC0]  }
0x4ac: {  	v8 =	vshll.u32 v45, $0x7;
	v45 =	vmul.f32 v21, v21;
	v2 =	vadd.f32 v41, v40  }
0x4ad: {  	v10 =	vor.u32 v52, v8;
	v43 =	vperm.xlane v1, v60  }
0x4ae: {  	v56 =	vmul.f32 v6, v6;
	v2 =	vadd.f32 v2, v45  }
0x4af: {  	v17 =	vld [tilespmem:s30+$0xE0];
	v19 =	vmul.f32 v18, v18;
	v1 =	vadd.f32 v1, v43  }
0x4b0: {  	v5 =	vld [tilespmem:s30+$0xF0];
	v57 =	vmul.f32 v7, v7;
	v2 =	vadd.f32 v2, v56;
	v50 =	vor.u32 v48, v8  }
0x4b1: {  	v11 =	vor.u32 v53, v8;
	v39 =	vmul.f32 v0, v36;
	v36 =	vld [tilespmem:s30+$0x120];
	v4 =	vperm.xlane v1, v61  }
0x4b2: {  	v23 =	vor.u32 v54, v8;
	[tilespmem:v10+s25+$0x0] =	vst.idx.add.f32.msk $0xffff, v38;
	v2 =	vadd.f32 v2, v57  }
0x4b3: {  	v58 =	vmul.f32 v0, v37;
	v43 =	vld [tilespmem:s30+$0x110];
	v1 =	vadd.f32 v1, v4  }
0x4b4: {  	v38 =	vmul.f32 v17, v17;
	v2 =	vadd.f32 v2, v19;
	v19 =	vld [tilespmem:s30+$0x100]  }
0x4b5: {  	v48 =	vmul.f32 v0, v34;
	[tilespmem:v50+s25+$0x0] =	vst.idx.add.f32.msk $0xffff, v58;
	v37 =	vperm.xlane v1, v62  }
0x4b6: {  	v45 =	vmul.f32 v5, v5;
	v2 =	vadd.f32 v2, v38;
	[tilespmem:v11+s25+$0x0] =	vst.idx.add.f32.msk $0xffff, v39  }
0x4b7: {  	v1 =	vadd.f32 v1, v37;
	[tilespmem:v23+s25+$0x0] =	vst.idx.add.f32.msk $0xffff, v48  }
0x4b8: {  	v12 =	vor.u32 v55, v8;
	v2 =	vadd.f32 v2, v45;
	v37 =	vld [tilespmem:s30+$0x130];
	v23 =	vmul.f32 v43, v43  }
0x4b9: {  	v58 =	vmul.f32 v19, v19;
	v10 =	vmul.f32 $5.000000000e-01, v1;
	v1 =	vshrl.u32 v1, $0x1  }
0x4ba: {  	v45 =	vld [tilespmem:s30+$0x140];
	v57 =	vperm.xlane v2, v63;
	v1 =	vsub.s32 $0x5F3759DF, v1  }
0x4bb: {  	v34 =	vmul.f32 v36, v36;
	v3 =	vadd.f32 v23, v58;
	v56 =	vmul.f32 v1, v10  }
0x4bc: {  	v40 =	vld [tilespmem:s30+$0x150];
	v16 =	vmul.f32 v0, v33;
	v50 =	vmul.f32 v0, v35;
	v2 =	vadd.f32 v2, v57  }
0x4bd: {  	v38 =	vld [tilespmem:s30+$0x160];
	v3 =	vadd.f32 v3, v34;
	v41 =	vmul.f32 v37, v37;
	v4 =	vmul.f32 v1, v56  }
0x4be: {  	v35 =	vor.u32 v13, v8;
	[tilespmem:v12+s25+$0x0] =	vst.idx.add.f32.msk $0xffff, v50;
	v12 =	vperm.xlane v2, v60  }
0x4bf: {  	v50 =	vmul.f32 v45, v45;
	v3 =	vadd.f32 v3, v41;
	v4 =	vsub.f32 $1.500000000e+00, v4  }
0x4c0: {  	v33 =	vmul.f32 v0, v31;
	v48 =	vor.u32 v14, v8;
	v2 =	vadd.f32 v2, v12  }
0x4c1: {  	v39 =	vld [tilespmem:s30+$0x170];
	v58 =	vmul.f32 v40, v40;
	v3 =	vadd.f32 v3, v50;
	v1 =	vmul.f32 v1, v4  }
0x4c2: {  	v57 =	vimm.s32 $0x8;
	v34 =	vmul.f32 v38, v38;
	v12 =	vperm.xlane v2, v61  }
0x4c3: {  	v3 =	vadd.f32 v3, v58;
	v56 =	vmul.f32 v1, v10;
	v10 =	vperm.xlane v30, v57  }
0x4c4: {  	v8 =	vor.u32 v15, v8;
	[tilespmem:v35+s25+$0x0] =	vst.idx.add.f32.msk $0xffff, v16;
	v2 =	vadd.f32 v2, v12  }
0x4c5: {  	[tilespmem:v48+s25+$0x0] =	vst.idx.add.f32.msk $0xffff, v33;
	v3 =	vadd.f32 v3, v34;
	v9 =	vmul.f32 v56, v1;
	v10 =	vshll.u32 v10, $0x7  }
0x4c6: {  	v23 =	vld [tilespmem:s30+$0x180];
	v12 =	vperm.xlane v2, v62;
	v35 =	vor.u32 v52, v10;
	v52 =	vmul.f32 v39, v39  }
0x4c7: {  	v0 =	vmul.f32 v0, v32;
	v48 =	vld [tilespmem:s30+$0x190];
	v9 =	vsub.f32 $1.500000000e+00, v9  }
0x4c8: {  	v56 =	vld [tilespmem:$0x1FFC0];
	v2 =	vadd.f32 v2, v12;
	v3 =	vadd.f32 v3, v52  }
0x4c9: {  	[tilespmem:v8+s25+$0x0] =	vst.idx.add.f32.msk $0xffff, v0;
	v0 =	vmul.f32 v9, v1  }
0x4ca: {  	v58 =	vmul.f32 $5.000000000e-01, v2;
	v2 =	vshrl.u32 v2, $0x1;
	v41 =	vperm.xlane v3, v63  }
0x4cb: {  	v2 =	vsub.s32 $0x5F3759DF, v2;
	v57 =	vmul.f32 v0, v51  }
0x4cc: {  	v16 =	vmul.f32 v23, v23;
	v50 =	vmul.f32 v2, v58;
	v3 =	vadd.f32 v3, v41;
	v41 =	vld [tilespmem:s30+$0x1A0]  }
0x4cd: {  	v26 =	vmul.f32 v48, v48;
	v1 =	vor.u32 v56, v10;
	[tilespmem:v35+s25+$0x0] =	vst.idx.add.f32.msk $0xffff, v57  }
0x4ce: {  	v51 =	vmul.f32 v2, v50;
	v35 =	vld [tilespmem:s30+$0x1B0]  }
0x4cf: {  	v16 =	vadd.f32 v26, v16;
	v27 =	vor.u32 v54, v10;
	v28 =	vor.u32 v55, v10  }
0x4d0: {  	v34 =	vld [tilespmem:s30+$0x1C0];
	v47 =	vmul.f32 v0, v47;
	v52 =	vperm.xlane v3, v60;
	v9 =	vsub.f32 $1.500000000e+00, v51  }
0x4d1: {  	v33 =	vld [tilespmem:s30+$0x1D0];
	v12 =	vor.u32 v53, v10;
	v4 =	vmul.f32 v0, v46;
	v26 =	vmul.f32 v41, v41  }
0x4d2: {  	[tilespmem:v1+s25+$0x0] =	vst.idx.add.f32.msk $0xffff, v47;
	v3 =	vadd.f32 v3, v52;
	v2 =	vmul.f32 v2, v9  }
0x4d3: {  	v32 =	vld [tilespmem:s30+$0x1E0];
	v1 =	vmul.f32 v0, v49;
	v16 =	vadd.f32 v16, v26;
	v26 =	vmul.f32 v35, v35  }
0x4d4: {  	v29 =	vor.u32 v13, v10;
	v57 =	vperm.xlane v3, v61;
	v8 =	vmul.f32 v2, v58  }
0x4d5: {  	v31 =	vld [tilespmem:s30+$0x1F0];
	v58 =	vmul.f32 v0, v25;
	v25 =	vmul.f32 v34, v34;
	v16 =	vadd.f32 v16, v26  }
0x4d6: {  	v56 =	vmul.f32 v0, v44;
	v24 =	vmul.f32 v0, v24;
	[tilespmem:v12+s25+$0x0] =	vst.idx.add.f32.msk $0xffff, v1  }
0x4d7: {  	v3 =	vadd.f32 v3, v57;
	v16 =	vadd.f32 v16, v25;
	v25 =	vmul.f32 v33, v33  }
0x4d8: {  	v50 =	vimm.s32 $0x9;
	v12 =	vmul.f32 v32, v32;
	[tilespmem:v27+s25+$0x0] =	vst.idx.add.f32.msk $0xffff, v4;
	v8 =	vmul.f32 v8, v2  }
0x4d9: {  	v26 =	vor.u32 v14, v10;
	v49 =	vperm.xlane v3, v62;
	v52 =	vadd.f32 v16, v25  }
0x4da: {  	v46 =	vperm.xlane v30, v50;
	v51 =	vor.u32 v15, v10;
	v57 =	vld [tilespmem:$0x1FFC0];
	v8 =	vsub.f32 $1.500000000e+00, v8  }
0x4db: {  	v3 =	vadd.f32 v3, v49;
	v10 =	vadd.f32 v52, v12;
	v12 =	vmul.f32 v31, v31  }
0x4dc: {  	v4 =	vshll.u32 v46, $0x7;
	[tilespmem:v28+s25+$0x0] =	vst.idx.add.f32.msk $0xffff, v56;
	v28 =	vlaneseq.u32;
	v2 =	vmul.f32 v8, v2  }
0x4dd: {  	[tilespmem:v29+s25+$0x0] =	vst.idx.add.f32.msk $0xffff, v24;
	v16 =	vmul.f32 $5.000000000e-01, v3;
	v3 =	vshrl.u32 v3, $0x1;
	v10 =	vadd.f32 v10, v12  }
0x4de: {  	v56 =	vor.u32 v28, v4;
	[tilespmem:v26+s25+$0x0] =	vst.idx.add.f32.msk $0xffff, v58;
	v3 =	vsub.s32 $0x5F3759DF, v3;
	v58 =	vmul.f32 v2, v22  }
0x4df: {  	v8 =	vor.u32 v57, v4;
	v24 =	vmul.f32 v3, v16;
	v22 =	vperm.xlane v10, v63  }
0x4e0: {  	v0 =	vmul.f32 v0, v42;
	v25 =	vor.u32 v53, v4  }
0x4e1: {  	v9 =	vld [tilespmem:$0x1FFC0];
	v44 =	vor.u32 v54, v4;
	v12 =	vmul.f32 v3, v24;
	v1 =	vadd.f32 v10, v22  }
0x4e2: {  	v46 =	vor.u32 v55, v4;
	[tilespmem:v51+s25+$0x0] =	vst.idx.add.f32.msk $0xffff, v0;
	v20 =	vmul.f32 v2, v20  }
0x4e3: {  	v42 =	vmul.f32 v2, v21;
	[tilespmem:v56+s25+$0x0] =	vst.idx.add.f32.msk $0xffff, v58;
	v12 =	vsub.f32 $1.500000000e+00, v12;
	v49 =	vperm.xlane v1, v60  }
0x4e4: {  	v47 =	vor.u32 v13, v4;
	v6 =	vmul.f32 v2, v6;
	[tilespmem:v8+s25+$0x0] =	vst.idx.add.f32.msk $0xffff, v20  }
0x4e5: {  	[tilespmem:v25+s25+$0x0] =	vst.idx.add.f32.msk $0xffff, v42;
	v3 =	vmul.f32 v3, v12;
	v1 =	vadd.f32 v1, v49  }
0x4e6: {  	v50 =	vor.u32 v14, v4;
	v7 =	vmul.f32 v2, v7;
	v42 =	vld [tilespmem:s30+$0x210]  }
0x4e7: {  	[tilespmem:v44+s25+$0x0] =	vst.idx.add.f32.msk $0xffff, v6;
	v12 =	vmul.f32 v3, v16;
	v58 =	vperm.xlane v1, v61  }
0x4e8: {  	v4 =	vor.u32 v15, v4;
	v51 =	vmul.f32 v2, v18;
	v44 =	vld [tilespmem:s30+$0x220]  }
0x4e9: {  	v56 =	vimm.s32 $0xA;
	[tilespmem:v46+s25+$0x0] =	vst.idx.add.f32.msk $0xffff, v7;
	v52 =	vmul.f32 v12, v3;
	v1 =	vadd.f32 v1, v58  }
0x4ea: {  	v57 =	vmul.f32 v2, v17;
	v7 =	vperm.xlane v30, v56;
	[tilespmem:v47+s25+$0x0] =	vst.idx.add.f32.msk $0xffff, v51  }
0x4eb: {  	v47 =	vld [tilespmem:s30+$0x200];
	v0 =	vsub.f32 $1.500000000e+00, v52;
	v10 =	vperm.xlane v1, v62  }
0x4ec: {  	v2 =	vmul.f32 v2, v5;
	v6 =	vshll.u32 v7, $0x7;
	[tilespmem:v50+s25+$0x0] =	vst.idx.add.f32.msk $0xffff, v57  }
0x4ed: {  	v46 =	vld [tilespmem:s30+$0x240];
	v7 =	vor.u32 v28, v6;
	v0 =	vmul.f32 v0, v3;
	v1 =	vadd.f32 v1, v10  }
0x4ee: {  	[tilespmem:v4+s25+$0x0] =	vst.idx.add.f32.msk $0xffff, v2;
	v20 =	vmul.f32 v42, v42;
	v3 =	vor.u32 v9, v6  }
0x4ef: {  	v18 =	vmul.f32 v0, v43;
	v43 =	vld [tilespmem:s30+$0x230];
	v4 =	vmul.f32 $5.000000000e-01, v1;
	v1 =	vshrl.u32 v1, $0x1  }
0x4f0: {  	v50 =	vld [tilespmem:s30+$0x250];
	v11 =	vmul.f32 v0, v19;
	v19 =	vmul.f32 v47, v47;
	v1 =	vsub.s32 $0x5F3759DF, v1  }
0x4f1: {  	v21 =	vor.u32 v53, v6;
	v54 =	vor.u32 v54, v6;
	v22 =	vmul.f32 v1, v4  }
0x4f2: {  	v51 =	vld [tilespmem:s30+$0x280];
	v57 =	vor.u32 v55, v6;
	v52 =	vmul.f32 v44, v44;
	v2 =	vadd.f32 v20, v19  }
0x4f3: {  	v53 =	vmul.f32 v0, v36;
	[tilespmem:v7+s25+$0x0] =	vst.idx.add.f32.msk $0xffff, v11;
	v7 =	vmul.f32 v1, v22  }
0x4f4: {  	v36 =	vld [tilespmem:s30+$0x260];
	v11 =	vmul.f32 v46, v46;
	v2 =	vadd.f32 v2, v52;
	v56 =	vmul.f32 v43, v43  }
0x4f5: {  	v19 =	vmul.f32 v50, v50;
	v20 =	vmul.f32 v0, v45;
	[tilespmem:v3+s25+$0x0] =	vst.idx.add.f32.msk $0xffff, v18;
	v58 =	vsub.f32 $1.500000000e+00, v7  }
0x4f6: {  	v45 =	vor.u32 v14, v6;
	v18 =	vmul.f32 v0, v37;
	v37 =	vld [tilespmem:s30+$0x270];
	v2 =	vadd.f32 v2, v56  }
0x4f7: {  	[tilespmem:v21+s25+$0x0] =	vst.idx.add.f32.msk $0xffff, v53;
	v21 =	vor.u32 v13, v6;
	v1 =	vmul.f32 v1, v58  }
0x4f8: {  	v6 =	vor.u32 v15, v6;
	[tilespmem:v54+s25+$0x0] =	vst.idx.add.f32.msk $0xffff, v18;
	v2 =	vadd.f32 v2, v11  }
0x4f9: {  	v18 =	vmul.f32 v0, v38;
	[tilespmem:v57+s25+$0x0] =	vst.idx.add.f32.msk $0xffff, v20;
	v4 =	vmul.f32 v1, v4  }
0x4fa: {  	v38 =	vld [tilespmem:$0x1FFC0];
	v57 =	vmul.f32 v0, v40;
	v22 =	vmul.f32 v36, v36;
	v2 =	vadd.f32 v2, v19  }
0x4fb: {  	v40 =	vld [tilespmem:s30+$0x290];
	v4 =	vmul.f32 v4, v1  }
0x4fc: {  	v56 =	vmul.f32 v37, v37;
	[tilespmem:v21+s25+$0x0] =	vst.idx.add.f32.msk $0xffff, v57;
	v2 =	vadd.f32 v2, v22  }
0x4fd: {  	v0 =	vmul.f32 v0, v39;
	[tilespmem:v45+s25+$0x0] =	vst.idx.add.f32.msk $0xffff, v18;
	v58 =	vimm.s32 $0xB;
	v4 =	vsub.f32 $1.500000000e+00, v4  }
0x4fe: {  	v9 =	vperm.xlane v30, v58;
	v2 =	vadd.f32 v2, v56;
	v56 =	vld [tilespmem:s30+$0x2A0]  }
0x4ff: {  	[tilespmem:v6+s25+$0x0] =	vst.idx.add.f32.msk $0xffff, v0;
	v1 =	vmul.f32 v4, v1  }
0x500: {  	v58 =	vld [tilespmem:s30+$0x2B0];
	v22 =	vmul.f32 v51, v51;
	v8 =	vshll.u32 v9, $0x7;
	v20 =	vperm.xlane v2, v63  }
0x501: {  	v49 =	vld [tilespmem:s30+$0x2E0];
	v19 =	vor.u32 v28, v8;
	v21 =	vmul.f32 v1, v23;
	v23 =	vmul.f32 v40, v40  }
0x502: {  	v6 =	vor.u32 v38, v8;
	v38 =	vld [tilespmem:s30+$0x2C0];
	v2 =	vadd.f32 v2, v20  }
0x503: {  	v53 =	vld [tilespmem:s30+$0x2D0];
	v39 =	vmul.f32 v56, v56;
	v0 =	vadd.f32 v23, v22  }
0x504: {  	v57 =	vld [tilespmem:$0x1FFD0];
	v7 =	vperm.xlane v2, v60  }
0x505: {  	v52 =	vmul.f32 v58, v58;
	v45 =	vmul.f32 v1, v48;
	v48 =	vld [tilespmem:s30+$0x310];
	v0 =	vadd.f32 v0, v39  }
0x506: {  	[tilespmem:v19+s25+$0x0] =	vst.idx.add.f32.msk $0xffff, v21;
	v2 =	vadd.f32 v2, v7  }
0x507: {  	v55 =	vmul.f32 v38, v38;
	[tilespmem:v6+s25+$0x0] =	vst.idx.add.f32.msk $0xffff, v45;
	v0 =	vadd.f32 v0, v52  }
0x508: {  	v45 =	vld [tilespmem:s30+$0x2F0];
	v54 =	vperm.xlane v2, v61  }
0x509: {  	v9 =	vmul.f32 v53, v53;
	v39 =	vld [tilespmem:s30+$0x320];
	v0 =	vadd.f32 v0, v55  }
0x50a: {  	v2 =	vadd.f32 v2, v54;
	v52 =	vld [tilespmem:s30+$0x300]  }
0x50b: {  	v11 =	vmul.f32 v49, v49;
	v4 =	vor.u32 v57, v8;
	v0 =	vadd.f32 v0, v9  }
0x50c: {  	v25 =	vimm.s32 $0xC;
	v12 =	vld [tilespmem:$0x1FFF0];
	v5 =	vperm.xlane v2, v62  }
0x50d: {  	v57 =	vld [tilespmem:s30+$0x340];
	v10 =	vmul.f32 v1, v41;
	v18 =	vmul.f32 v45, v45;
	v0 =	vadd.f32 v0, v11  }
0x50e: {  	v41 =	vld [tilespmem:s30+$0x330];
	v16 =	vmul.f32 v1, v33;
	v21 =	vmul.f32 v48, v48;
	v2 =	vadd.f32 v2, v5  }
0x50f: {  	v33 =	vld [tilespmem:s30+$0x3A0];
	v23 =	vmul.f32 v39, v39;
	v20 =	vmul.f32 v52, v52;
	v0 =	vadd.f32 v0, v18  }
0x510: {  	[tilespmem:v4+s25+$0x0] =	vst.idx.add.f32.msk $0xffff, v10;
	v9 =	vmul.f32 v1, v35;
	v19 =	vshrl.u32 v2, $0x1;
	v2 =	vmul.f32 $5.000000000e-01, v2  }
0x511: {  	v35 =	vld [tilespmem:s30+$0x350];
	v4 =	vsub.s32 $0x5F3759DF, v19;
	v3 =	vadd.f32 v21, v20;
	v22 =	vperm.xlane v0, v63  }
0x512: {  	v25 =	vperm.xlane v30, v25;
	v54 =	vld [tilespmem:s30+$0x360];
	v18 =	vmul.f32 v4, v2  }
0x513: {  	v19 =	vmul.f32 v41, v41;
	v20 =	vld [tilespmem:$0x1FFE0];
	v3 =	vadd.f32 v3, v23;
	v0 =	vadd.f32 v0, v22  }
0x514: {  	v55 =	vld [tilespmem:s30+$0x390];
	v11 =	vmul.f32 v1, v34;
	v21 =	vmul.f32 v4, v18  }
0x515: {  	v34 =	vld [tilespmem:s30+$0x380];
	v23 =	vmul.f32 v57, v57;
	v3 =	vadd.f32 v3, v19;
	v22 =	vperm.xlane v0, v60  }
0x516: {  	v12 =	vor.u32 v12, v8;
	v6 =	vld [tilespmem:s30+$0x370];
	v5 =	vmul.f32 v35, v35;
	v17 =	vsub.f32 $1.500000000e+00, v21  }
0x517: {  	v19 =	vmul.f32 v33, v33;
	v3 =	vadd.f32 v3, v23;
	v0 =	vadd.f32 v0, v22  }
0x518: {  	v10 =	vor.u32 v20, v8;
	v21 =	vmul.f32 v1, v32;
	v4 =	vmul.f32 v4, v17  }
0x519: {  	v17 =	vmul.f32 v54, v54;
	v3 =	vadd.f32 v3, v5;
	v5 =	vld [tilespmem:s30+$0x3B0];
	v7 =	vperm.xlane v0, v61  }
0x51a: {  	v20 =	vor.u32 v13, v8;
	v32 =	vmul.f32 v34, v34;
	v23 =	vmul.f32 v55, v55  }
0x51b: {  	v3 =	vadd.f32 v3, v17;
	v17 =	vmul.f32 v6, v6;
	v0 =	vadd.f32 v0, v7;
	v7 =	vld [tilespmem:s30+$0x3C0]  }
0x51c: {  	v1 =	vmul.f32 v1, v31;
	v18 =	vadd.f32 v23, v32;
	v22 =	vor.u32 v14, v8  }
0x51d: {  	v2 =	vmul.f32 v4, v2;
	v3 =	vadd.f32 v3, v17;
	v17 =	vld [tilespmem:s30+$0x3D0];
	v32 =	vperm.xlane v0, v62  }
0x51e: {  	v8 =	vor.u32 v15, v8;
	v19 =	vadd.f32 v18, v19;
	v18 =	vld [tilespmem:s30+$0x3E0];
	v24 =	vmul.f32 v5, v5  }
0x51f: {  	[tilespmem:v10+s25+$0x0] =	vst.idx.add.f32.msk $0xffff, v9;
	v0 =	vadd.f32 v0, v32;
	v32 =	vperm.xlane v3, v63  }
0x520: {  	[tilespmem:v12+s25+$0x0] =	vst.idx.add.f32.msk $0xffff, v11;
	v24 =	vadd.f32 v19, v24;
	v26 =	vmul.f32 v7, v7  }
0x521: {  	v2 =	vmul.f32 v2, v4;
	v19 =	vld [tilespmem:s30+$0x3F0];
	v3 =	vadd.f32 v3, v32;
	v9 =	vshrl.u32 v0, $0x1  }
0x522: {  	[tilespmem:v20+s25+$0x0] =	vst.idx.add.f32.msk $0xffff, v16;
	v32 =	vmul.f32 v17, v17;
	v0 =	vmul.f32 $5.000000000e-01, v0;
	v10 =	vadd.f32 v24, v26  }
0x523: {  	v2 =	vsub.f32 $1.500000000e+00, v2;
	[tilespmem:v22+s25+$0x0] =	vst.idx.add.f32.msk $0xffff, v21;
	v9 =	vsub.s32 $0x5F3759DF, v9;
	v12 =	vperm.xlane v3, v60  }
0x524: {  	v20 =	vmul.f32 v9, v0;
	v10 =	vadd.f32 v10, v32;
	v32 =	vmul.f32 v18, v18  }
0x525: {  	v25 =	vshll.u32 v25, $0x7;
	v2 =	vmul.f32 v2, v4;
	[tilespmem:v8+s25+$0x0] =	vst.idx.add.f32.msk $0xffff, v1;
	v3 =	vadd.f32 v3, v12  }
0x526: {  	v12 =	vmul.f32 v19, v19;
	v4 =	vmul.f32 v9, v20;
	v10 =	vadd.f32 v10, v32  }
0x527: {  	v11 =	vor.u32 v28, v25;
	v32 =	vld [tilespmem:$0x1FFC0];
	v23 =	vperm.xlane v3, v61  }
0x528: {  	v4 =	vsub.f32 $1.500000000e+00, v4;
	v8 =	vadd.f32 v10, v12;
	v12 =	vmul.f32 v2, v44;
	v44 =	vld [tilespmem:$0x1FFD0]  }
0x529: {  	v1 =	vadd.f32 v3, v23;
	v23 =	vld [tilespmem:$0x1FFE0]  }
0x52a: {  	v16 =	vmul.f32 v2, v47;
	v4 =	vmul.f32 v9, v4  }
0x52b: {  	v47 =	vmul.f32 v2, v43;
	v43 =	vld [tilespmem:$0x1FFF0]  }
0x52c: {  	[tilespmem:v11+s25+$0x0] =	vst.idx.add.f32.msk $0xffff, v16;
	v11 =	vor.u32 v32, v25;
	v0 =	vmul.f32 v4, v0  }
0x52d: {  	v20 =	vor.u32 v44, v25  }
0x52e: {  	v0 =	vmul.f32 v0, v4;
	v9 =	vor.u32 v23, v25  }
0x52f: {  	v26 =	vor.u32 v13, v25;
	v10 =	vmul.f32 v2, v42;
	v42 =	vperm.xlane v8, v63  }
0x530: {  	v16 =	vld [tilespmem:s31+$0x0];
	v32 =	vperm.xlane v1, v62;
	v23 =	vor.u32 v43, v25;
	v0 =	vsub.f32 $1.500000000e+00, v0  }
0x531: {  	v3 =	vadd.f32 v8, v42;
	v42 =	vmul.f32 v2, v46;
	[tilespmem:v11+s25+$0x0] =	vst.idx.add.f32.msk $0xffff, v10  }
0x532: {  	v46 =	vor.u32 v14, v25;
	v0 =	vmul.f32 v0, v4;
	[tilespmem:v20+s25+$0x0] =	vst.idx.add.f32.msk $0xffff, v12  }
0x533: {  	v1 =	vadd.f32 v1, v32;
	v44 =	vperm.xlane v3, v60;
	[tilespmem:v9+s25+$0x0] =	vst.idx.add.f32.msk $0xffff, v47  }
0x534: {  	v24 =	vmul.f32 v2, v50;
	v43 =	vmul.f32 v0, v51;
	v51 =	vld [tilespmem:$0x1FFC0]  }
0x535: {  	v3 =	vadd.f32 v3, v44;
	v10 =	vmul.f32 $5.000000000e-01, v1;
	v1 =	vshrl.u32 v1, $0x1;
	[tilespmem:v23+s25+$0x0] =	vst.idx.add.f32.msk $0xffff, v42  }
0x536: {  	v47 =	vor.u32 v15, v25;
	v42 =	vmul.f32 v2, v36;
	v2 =	vmul.f32 v2, v37;
	v37 =	vld [tilespmem:$0x1FFE0]  }
0x537: {  	v27 =	vimm.s32 $0xD;
	v1 =	vsub.s32 $0x5F3759DF, v1;
	v32 =	vperm.xlane v3, v61;
	[tilespmem:v26+s25+$0x0] =	vst.idx.add.f32.msk $0xffff, v24  }
0x538: {  	v27 =	vperm.xlane v16, v27;
	v50 =	vmul.f32 v1, v10;
	[tilespmem:v46+s25+$0x0] =	vst.idx.add.f32.msk $0xffff, v42  }
0x539: {  	v3 =	vadd.f32 v3, v32;
	v46 =	vld [tilespmem:$0x1FFD0]  }
0x53a: {  	v12 =	vshll.u32 v27, $0x7;
	v20 =	vmul.f32 v1, v50;
	v50 =	vmul.f32 v0, v40;
	v40 =	vld [tilespmem:$0x1FFF0]  }
0x53b: {  	v4 =	vor.u32 v28, v12;
	[tilespmem:v47+s25+$0x0] =	vst.idx.add.f32.msk $0xffff, v2;
	v47 =	vperm.xlane v3, v62  }
0x53c: {  	v20 =	vsub.f32 $1.500000000e+00, v20  }
0x53d: {  	v44 =	vor.u32 v51, v12;
	v3 =	vadd.f32 v3, v47  }
0x53e: {  	v32 =	vmul.f32 v0, v56;
	v1 =	vmul.f32 v1, v20;
	v2 =	vor.u32 v46, v12  }
0x53f: {  	v20 =	vor.u32 v37, v12;
	v11 =	vmul.f32 $5.000000000e-01, v3;
	v3 =	vshrl.u32 v3, $0x1  }
0x540: {  	v36 =	vmul.f32 v0, v58;
	[tilespmem:v4+s25+$0x0] =	vst.idx.add.f32.msk $0xffff, v43;
	v4 =	vor.u32 v40, v12;
	v3 =	vsub.s32 $0x5F3759DF, v3  }
0x541: {  	v24 =	vmul.f32 v0, v53;
	v53 =	vld [tilespmem:$0x1FFD0];
	v42 =	vor.u32 v13, v12;
	v47 =	vmul.f32 v3, v11  }
0x542: {  	v10 =	vmul.f32 v1, v10;
	[tilespmem:v44+s25+$0x0] =	vst.idx.add.f32.msk $0xffff, v50;
	v44 =	vor.u32 v14, v12  }
0x543: {  	v50 =	vmul.f32 v0, v38;
	[tilespmem:v2+s25+$0x0] =	vst.idx.add.f32.msk $0xffff, v32;
	v32 =	vmul.f32 v3, v47  }
0x544: {  	v30 =	vimm.s32 $0xE;
	v43 =	vmul.f32 v10, v1;
	[tilespmem:v20+s25+$0x0] =	vst.idx.add.f32.msk $0xffff, v36  }
0x545: {  	v46 =	vperm.xlane v16, v30;
	v36 =	vmul.f32 v0, v49;
	[tilespmem:v4+s25+$0x0] =	vst.idx.add.f32.msk $0xffff, v50;
	v38 =	vsub.f32 $1.500000000e+00, v32  }
0x546: {  	v8 =	vsub.f32 $1.500000000e+00, v43;
	[tilespmem:v42+s25+$0x0] =	vst.idx.add.f32.msk $0xffff, v24  }
0x547: {  	v9 =	vshll.u32 v46, $0x7;
	[tilespmem:v44+s25+$0x0] =	vst.idx.add.f32.msk $0xffff, v36;
	v3 =	vmul.f32 v3, v38  }
0x548: {  	v21 =	vor.u32 v28, v9;
	v1 =	vmul.f32 v8, v1;
	v44 =	vld [tilespmem:$0x1FFE0]  }
0x549: {  	v12 =	vor.u32 v15, v12;
	v46 =	vld [tilespmem:$0x1FFF0];
	v11 =	vmul.f32 v3, v11  }
0x54a: {  	v37 =	vor.u32 v51, v9;
	v0 =	vmul.f32 v0, v45;
	v40 =	vmul.f32 v1, v52  }
0x54b: {  	v43 =	vmul.f32 v1, v48;
	v42 =	vor.u32 v53, v9;
	v11 =	vmul.f32 v11, v3  }
0x54c: {  	v45 =	vimm.s32 $0xF;
	v23 =	vmul.f32 v1, v35;
	v35 =	vmul.f32 v1, v54;
	v54 =	vld [tilespmem:$0x1FFE0]  }
0x54d: {  	v16 =	vperm.xlane v16, v45;
	[tilespmem:v21+s25+$0x0] =	vst.idx.add.f32.msk $0xffff, v40;
	v10 =	vor.u32 v44, v9;
	v21 =	vsub.f32 $1.500000000e+00, v11  }
0x54e: {  	v4 =	vor.u32 v46, v9;
	v47 =	vmul.f32 v1, v39;
	[tilespmem:v12+s25+$0x0] =	vst.idx.add.f32.msk $0xffff, v0  }
0x54f: {  	v22 =	vshll.u32 v16, $0x7;
	[tilespmem:v37+s25+$0x0] =	vst.idx.add.f32.msk $0xffff, v43;
	v12 =	vor.u32 v13, v9;
	v3 =	vmul.f32 v21, v3  }
0x550: {  	v48 =	vmul.f32 v1, v41;
	v32 =	vor.u32 v28, v22;
	[tilespmem:v42+s25+$0x0] =	vst.idx.add.f32.msk $0xffff, v47  }
0x551: {  	v49 =	vmul.f32 v1, v57;
	v50 =	vor.u32 v14, v9;
	v41 =	vmul.f32 v3, v55;
	v55 =	vld [tilespmem:$0x1FFF0]  }
0x552: {  	v36 =	vor.u32 v51, v22;
	[tilespmem:v10+s25+$0x0] =	vst.idx.add.f32.msk $0xffff, v48  }
0x553: {  	v20 =	vor.u32 v15, v9;
	v39 =	vmul.f32 v3, v34;
	[tilespmem:v4+s25+$0x0] =	vst.idx.add.f32.msk $0xffff, v49  }
0x554: {  	v38 =	vor.u32 v53, v22;
	[tilespmem:v12+s25+$0x0] =	vst.idx.add.f32.msk $0xffff, v23  }
0x555: {  	v40 =	vor.u32 v54, v22;
	[tilespmem:v32+s25+$0x0] =	vst.idx.add.f32.msk $0xffff, v39  }
0x556: {  	v37 =	vmul.f32 v1, v6;
	[tilespmem:v50+s25+$0x0] =	vst.idx.add.f32.msk $0xffff, v35;
	v42 =	vor.u32 v55, v22  }
0x557: {  	v44 =	vor.u32 v13, v22;
	v43 =	vmul.f32 v3, v33;
	[tilespmem:v36+s25+$0x0] =	vst.idx.add.f32.msk $0xffff, v41  }
0x558: {  	s1 =	sadd.s32 $0x10, s1;
	v46 =	vor.u32 v14, v22;
	v45 =	vmul.f32 v3, v5;
	[tilespmem:v20+s25+$0x0] =	vst.idx.add.f32.msk $0xffff, v37  }
0x559: {  	p1 =	slt.u32 s1, $0x70;
	v47 =	vmul.f32 v3, v7;
	v48 =	vor.u32 v15, v22;
	[tilespmem:v38+s25+$0x0] =	vst.idx.add.f32.msk $0xffff, v43  }
.Ltmp6:
0x55a: {  	v49 =	vmul.f32 v3, v17;
	[tilespmem:v40+s25+$0x0] =	vst.idx.add.f32.msk $0xffff, v45;
	(pc) =	sbr.rel @p1 .LBB2_15-.Ltmp6, $4  }
0x55b: {  	v50 =	vmul.f32 v3, v18;
	[tilespmem:v42+s25+$0x0] =	vst.idx.add.f32.msk $0xffff, v47  }
0x55c: {  	v52 =	vmul.f32 v3, v19;
	[tilespmem:v44+s25+$0x0] =	vst.idx.add.f32.msk $0xffff, v49  }
0x55d: {  	v29 =	vimm.s32 $0x1;
	v27 =	vimm.s32 $0x0;
	[tilespmem:v46+s25+$0x0] =	vst.idx.add.f32.msk $0xffff, v50  }
0x55e: {  	s30 =	sadd.s32 $0x800, s30;
	s31 =	sadd.s32 $0x10, s31;
	v56 =	vimm.s32 $0x2;
	v58 =	vimm.s32 $0x7;
	v57 =	vimm.s32 $0x3;
	[tilespmem:v48+s25+$0x0] =	vst.idx.add.f32.msk $0xffff, v52  }
0x55f: {  	s1 =	simm.s32 @p0 $0x0;
	s30 =	simm.s32 @p0 $0x200  }
0x560: {  	[tilespmem:s30], [sflag:$0x1] =	stream.linear.gather @p0 [hbm4b:s12+s1], $0x4000, $0x38;
	[tilespmem:$0x18400] =	vst v63  }
0x561: {  	_ =	swait.ge [sflag:s28], $0x4000  }
0x562: {  	s0 =	sadd.s32 $0x80, s0;
	[sflag:s28] =	ssyncset.done $0x0  }
0x563: {  	s1 =	simm.s32 $0xFFFFFFF0;
	s30 =	simm.s32 $0x4600;
	[sflag:s28] =	ssyncadd.s32 $0xFFFFC000  }
.LBB2_17:
0x564: {  	v0 =	vld [tilespmem:s30+$0xFFFFFC00]  }
0x565: {  	v1 =	vld [tilespmem:s30+$0xFFFFFC10];
	_ =	sdelay $0x1  }
0x566: {  	v2 =	vld [tilespmem:s30+$0xFFFFFC20];
	_ =	sdelay $0x1  }
0x567: {  	v3 =	vld [tilespmem:s30+$0xFFFFFC30]  }
0x568: {  	v4 =	vmul.f32 v0, v0;
	v5 =	vmul.f32 v1, v1  }
0x569: {  	v8 =	vld [tilespmem:s30+$0xFFFFFC40]  }
0x56a: {  	v38 =	vmul.f32 v2, v2;
	v4 =	vadd.f32 v5, v4  }
0x56b: {  	v9 =	vld [tilespmem:s30+$0xFFFFFC50]  }
0x56c: {  	v39 =	vmul.f32 v3, v3;
	v4 =	vadd.f32 v4, v38  }
0x56d: {  	v10 =	vld [tilespmem:s30+$0xFFFFFC60]  }
0x56e: {  	v40 =	vmul.f32 v8, v8;
	v4 =	vadd.f32 v4, v39  }
0x56f: {  	v20 =	vld [tilespmem:s30+$0xFFFFFC70]  }
0x570: {  	v41 =	vmul.f32 v9, v9;
	v4 =	vadd.f32 v4, v40;
	_ =	sdelay $0x1  }
0x571: {  	v42 =	vmul.f32 v10, v10;
	v4 =	vadd.f32 v4, v41;
	_ =	sdelay $0x1  }
0x572: {  	v43 =	vmul.f32 v20, v20;
	v4 =	vadd.f32 v4, v42;
	_ =	sdelay $0x1  }
0x573: {  	v4 =	vadd.f32 v4, v43  }
0x574: {  	v24 =	vld [tilespmem:s30+$0xFFFFFC80]  }
0x575: {  	v22 =	vld [tilespmem:s30+$0xFFFFFC90];
	v5 =	vperm.xlane v4, v63;
	_ =	sdelay $0x1  }
0x576: {  	v23 =	vld [tilespmem:s30+$0xFFFFFCA0];
	v4 =	vadd.f32 v4, v5;
	_ =	sdelay $0x1  }
0x577: {  	v21 =	vld [tilespmem:s30+$0xFFFFFCB0];
	v5 =	vperm.xlane v4, v60  }
0x578: {  	v6 =	vmul.f32 v24, v24;
	v7 =	vmul.f32 v22, v22  }
0x579: {  	v19 =	vld [tilespmem:s30+$0xFFFFFCC0];
	v4 =	vadd.f32 v4, v5  }
0x57a: {  	v45 =	vmul.f32 v23, v23;
	v44 =	vadd.f32 v7, v6  }
0x57b: {  	v18 =	vld [tilespmem:s30+$0xFFFFFCD0];
	v46 =	vperm.xlane v4, v61  }
0x57c: {  	v47 =	vmul.f32 v21, v21;
	v5 =	vadd.f32 v44, v45  }
0x57d: {  	v17 =	vld [tilespmem:s30+$0xFFFFFCE0];
	v4 =	vadd.f32 v4, v46  }
0x57e: {  	v48 =	vmul.f32 v19, v19;
	v6 =	vadd.f32 v5, v47  }
0x57f: {  	v5 =	vld [tilespmem:s30+$0xFFFFFCF0];
	v11 =	vperm.xlane v4, v62  }
0x580: {  	v12 =	vmul.f32 v18, v18;
	v7 =	vld [tilespmem:s30+$0xFFFFFD00];
	v6 =	vadd.f32 v6, v48  }
0x581: {  	v44 =	vld [tilespmem:s30+$0xFFFFFD10];
	v4 =	vadd.f32 v4, v11  }
0x582: {  	v49 =	vmul.f32 v17, v17;
	v6 =	vadd.f32 v6, v12  }
0x583: {  	v42 =	vld [tilespmem:s30+$0xFFFFFD20];
	v12 =	vmul.f32 $5.000000000e-01, v4;
	v4 =	vshrl.u32 v4, $0x1  }
0x584: {  	v50 =	vmul.f32 v5, v5;
	v6 =	vadd.f32 v6, v49;
	v4 =	vsub.s32 $0x5F3759DF, v4  }
0x585: {  	v40 =	vld [tilespmem:s30+$0xFFFFFD30];
	v16 =	vmul.f32 v4, v12  }
0x586: {  	v52 =	vmul.f32 v7, v7;
	v25 =	vmul.f32 v44, v44;
	v6 =	vadd.f32 v6, v50  }
0x587: {  	v41 =	vld [tilespmem:s30+$0xFFFFFD40];
	v16 =	vmul.f32 v4, v16  }
0x588: {  	v30 =	vld [tilespmem:s0+$0x0];
	v11 =	vadd.f32 v25, v52;
	v25 =	vmul.f32 v42, v42;
	v26 =	vperm.xlane v6, v63  }
0x589: {  	v38 =	vld [tilespmem:s30+$0xFFFFFD50];
	v16 =	vsub.f32 $1.500000000e+00, v16  }
0x58a: {  	v11 =	vadd.f32 v11, v25;
	v25 =	vmul.f32 v40, v40;
	v6 =	vadd.f32 v6, v26  }
0x58b: {  	v36 =	vld [tilespmem:s30+$0xFFFFFD60];
	v4 =	vmul.f32 v4, v16  }
0x58c: {  	v11 =	vadd.f32 v11, v25;
	v25 =	vmul.f32 v41, v41;
	v16 =	vperm.xlane v6, v60  }
0x58d: {  	v34 =	vld [tilespmem:s30+$0xFFFFFD70];
	v26 =	vperm.xlane v30, v27;
	v12 =	vmul.f32 v4, v12  }
0x58e: {  	v11 =	vadd.f32 v11, v25;
	v6 =	vadd.f32 v6, v16;
	v16 =	vmul.f32 v38, v38  }
0x58f: {  	v25 =	vshll.u32 v26, $0x7;
	v12 =	vmul.f32 v12, v4  }
0x590: {  	v39 =	vld [tilespmem:s30+$0xFFFFFDA0];
	v26 =	vperm.xlane v6, v61;
	v11 =	vadd.f32 v11, v16;
	v16 =	vmul.f32 v36, v36  }
0x591: {  	v12 =	vsub.f32 $1.500000000e+00, v12  }
0x592: {  	v33 =	vmul.f32 v34, v34;
	v26 =	vadd.f32 v6, v26;
	v32 =	vadd.f32 v11, v16  }
0x593: {  	v27 =	vor.u32 v28, v25  }
0x594: {  	v6 =	vld [tilespmem:s30+$0xFFFFFD80];
	v4 =	vmul.f32 v12, v4;
	v16 =	vperm.xlane v26, v62;
	v11 =	vadd.f32 v32, v33  }
0x595: {  	v43 =	vld [tilespmem:s30+$0xFFFFFD90];
	v50 =	vmul.f32 v39, v39;
	v28 =	vor.u32 v53, v25;
	v12 =	vor.u32 v51, v25  }
0x596: {  	v0 =	vmul.f32 v4, v0;
	v16 =	vadd.f32 v26, v16;
	v26 =	vperm.xlane v11, v63  }
0x597: {  	v37 =	vld [tilespmem:s30+$0xFFFFFDB0];
	v45 =	vor.u32 v54, v25;
	v35 =	vmul.f32 v4, v1;
	v46 =	vmul.f32 v4, v2  }
0x598: {  	v47 =	vmul.f32 v4, v3;
	[tilespmem:v27+s25+$0x0] =	vst.idx.add.f32.msk $0xffff, v0;
	v27 =	vmul.f32 $5.000000000e-01, v16;
	v16 =	vshrl.u32 v16, $0x1  }
0x599: {  	v33 =	vld [tilespmem:s30+$0xFFFFFDC0];
	v49 =	vmul.f32 v6, v6;
	v11 =	vadd.f32 v11, v26;
	v48 =	vsub.s32 $0x5F3759DF, v16  }
0x59a: {  	v26 =	vmul.f32 v43, v43;
	[tilespmem:v12+s25+$0x0] =	vst.idx.add.f32.msk $0xffff, v35;
	v12 =	vmul.f32 v48, v27  }
0x59b: {  	v32 =	vld [tilespmem:s30+$0xFFFFFDE0];
	v2 =	vmul.f32 v4, v8;
	v16 =	vperm.xlane v11, v60  }
0x59c: {  	v9 =	vmul.f32 v4, v9;
	v35 =	vld [tilespmem:s30+$0xFFFFFDD0];
	v0 =	vadd.f32 v26, v49;
	v12 =	vmul.f32 v48, v12  }
0x59d: {  	[tilespmem:v28+s25+$0x0] =	vst.idx.add.f32.msk $0xffff, v46;
	v11 =	vadd.f32 v11, v16;
	v16 =	vor.u32 v55, v25  }
0x59e: {  	v46 =	vmul.f32 v37, v37;
	[tilespmem:v45+s25+$0x0] =	vst.idx.add.f32.msk $0xffff, v47;
	v0 =	vadd.f32 v0, v50;
	v45 =	vsub.f32 $1.500000000e+00, v12  }
0x59f: {  	v10 =	vmul.f32 v4, v10;
	v49 =	vor.u32 v13, v25;
	v12 =	vperm.xlane v11, v61  }
0x5a0: {  	v28 =	vperm.xlane v30, v29;
	v0 =	vadd.f32 v0, v46;
	v3 =	vmul.f32 v48, v45  }
0x5a1: {  	v31 =	vld [tilespmem:s30+$0xFFFFFDF0];
	v50 =	vmul.f32 v35, v35;
	v47 =	vadd.f32 v11, v12;
	v48 =	vmul.f32 v33, v33  }
0x5a2: {  	v45 =	vmul.f32 v32, v32;
	[tilespmem:v16+s25+$0x0] =	vst.idx.add.f32.msk $0xffff, v2;
	v12 =	vmul.f32 v3, v27  }
0x5a3: {  	v26 =	vperm.xlane v47, v62;
	v27 =	vor.u32 v14, v25;
	v0 =	vadd.f32 v0, v48  }
0x5a4: {  	v52 =	vlaneseq.u32;
	v25 =	vor.u32 v15, v25;
	[tilespmem:v49+s25+$0x0] =	vst.idx.add.f32.msk $0xffff, v9;
	v12 =	vmul.f32 v12, v3  }
0x5a5: {  	v49 =	vmul.f32 v4, v20;
	v8 =	vadd.f32 v47, v26;
	v0 =	vadd.f32 v0, v50  }
0x5a6: {  	v47 =	vmul.f32 v31, v31;
	v46 =	vsub.f32 $1.500000000e+00, v12;
	v12 =	vshll.u32 v28, $0x7  }
0x5a7: {  	v16 =	vmul.f32 $5.000000000e-01, v8;
	v8 =	vshrl.u32 v8, $0x1;
	v0 =	vadd.f32 v0, v45  }
0x5a8: {  	v8 =	vsub.s32 $0x5F3759DF, v8;
	v2 =	vmul.f32 v46, v3;
	v3 =	vor.u32 v52, v12  }
0x5a9: {  	v9 =	vor.u32 v51, v12;
	v48 =	vmul.f32 v8, v16;
	v0 =	vadd.f32 v0, v47  }
0x5aa: {  	[tilespmem:v27+s25+$0x0] =	vst.idx.add.f32.msk $0xffff, v10;
	v11 =	vor.u32 v53, v12;
	v50 =	vmul.f32 v2, v24  }
0x5ab: {  	v45 =	vor.u32 v54, v12;
	v10 =	vmul.f32 v8, v48;
	v24 =	vperm.xlane v0, v63  }
0x5ac: {  	[tilespmem:v25+s25+$0x0] =	vst.idx.add.f32.msk $0xffff, v49;
	v46 =	vmul.f32 v2, v22;
	v47 =	vmul.f32 v2, v23  }
0x5ad: {  	v48 =	vor.u32 v55, v12;
	v49 =	vsub.f32 $1.500000000e+00, v10;
	v0 =	vadd.f32 v0, v24;
	[tilespmem:v3+s25+$0x0] =	vst.idx.add.f32.msk $0xffff, v50  }
0x5ae: {  	v23 =	vor.u32 v13, v12;
	v50 =	vmul.f32 v2, v21;
	[tilespmem:v9+s25+$0x0] =	vst.idx.add.f32.msk $0xffff, v46  }
0x5af: {  	v4 =	vmul.f32 v8, v49;
	v21 =	vperm.xlane v0, v60;
	[tilespmem:v11+s25+$0x0] =	vst.idx.add.f32.msk $0xffff, v47  }
0x5b0: {  	v22 =	vmul.f32 v2, v19;
	v19 =	vor.u32 v14, v12;
	v47 =	vld [tilespmem:s30+$0xFFFFFE10]  }
0x5b1: {  	[tilespmem:v45+s25+$0x0] =	vst.idx.add.f32.msk $0xffff, v50;
	v50 =	vmul.f32 v4, v16;
	v0 =	vadd.f32 v0, v21  }
0x5b2: {  	v21 =	vmul.f32 v2, v18;
	[tilespmem:v48+s25+$0x0] =	vst.idx.add.f32.msk $0xffff, v22;
	v22 =	vperm.xlane v30, v56  }
0x5b3: {  	v48 =	vld [tilespmem:s30+$0xFFFFFE00];
	v20 =	vmul.f32 v50, v4;
	v8 =	vperm.xlane v0, v61  }
0x5b4: {  	v12 =	vor.u32 v15, v12;
	[tilespmem:v23+s25+$0x0] =	vst.idx.add.f32.msk $0xffff, v21;
	v23 =	vmul.f32 v2, v17  }
0x5b5: {  	v49 =	vld [tilespmem:s30+$0xFFFFFE20];
	v9 =	vshll.u32 v22, $0x7;
	v3 =	vsub.f32 $1.500000000e+00, v20;
	v0 =	vadd.f32 v0, v8  }
0x5b6: {  	v45 =	vor.u32 v52, v9  }
0x5b7: {  	[tilespmem:v19+s25+$0x0] =	vst.idx.add.f32.msk $0xffff, v23;
	v3 =	vmul.f32 v3, v4;
	v46 =	vperm.xlane v0, v62  }
0x5b8: {  	v50 =	vmul.f32 v2, v5;
	v20 =	vld [tilespmem:s30+$0xFFFFFE30];
	v21 =	vmul.f32 v47, v47  }
0x5b9: {  	v19 =	vld [tilespmem:s30+$0xFFFFFE40];
	v11 =	vmul.f32 v48, v48;
	v56 =	vmul.f32 v3, v7;
	v0 =	vadd.f32 v0, v46  }
0x5ba: {  	v22 =	vmul.f32 v49, v49;
	[tilespmem:v12+s25+$0x0] =	vst.idx.add.f32.msk $0xffff, v50  }
0x5bb: {  	v1 =	vadd.f32 v21, v11;
	v7 =	vmul.f32 $5.000000000e-01, v0;
	[tilespmem:v45+s25+$0x0] =	vst.idx.add.f32.msk $0xffff, v56;
	v0 =	vshrl.u32 v0, $0x1  }
0x5bc: {  	v23 =	vor.u32 v51, v9;
	v45 =	vld [tilespmem:s30+$0xFFFFFE50];
	v0 =	vsub.s32 $0x5F3759DF, v0  }
0x5bd: {  	v1 =	vadd.f32 v1, v22;
	v56 =	vmul.f32 v20, v20;
	v50 =	vmul.f32 v0, v7  }
0x5be: {  	v18 =	vld [tilespmem:s30+$0xFFFFFE60];
	v21 =	vmul.f32 v3, v44  }
0x5bf: {  	v22 =	vmul.f32 v19, v19;
	v1 =	vadd.f32 v1, v56;
	v8 =	vmul.f32 v0, v50  }
0x5c0: {  	v17 =	vld [tilespmem:s30+$0xFFFFFE70];
	v5 =	vor.u32 v53, v9;
	v12 =	vmul.f32 v3, v42  }
0x5c1: {  	[tilespmem:v23+s25+$0x0] =	vst.idx.add.f32.msk $0xffff, v21;
	v1 =	vadd.f32 v1, v22;
	v42 =	vmul.f32 v45, v45;
	v23 =	vsub.f32 $1.500000000e+00, v8  }
0x5c2: {  	v16 =	vor.u32 v55, v9;
	v11 =	vor.u32 v54, v9  }
0x5c3: {  	v46 =	vmul.f32 v18, v18;
	v1 =	vadd.f32 v1, v42;
	v0 =	vmul.f32 v0, v23  }
0x5c4: {  	v44 =	vmul.f32 v3, v40;
	v56 =	vor.u32 v13, v9  }
0x5c5: {  	v40 =	vld [tilespmem:s30+$0xFFFFFE80];
	v22 =	vmul.f32 v17, v17;
	v1 =	vadd.f32 v1, v46;
	v21 =	vmul.f32 v0, v7  }
0x5c6: {  	v38 =	vmul.f32 v3, v38;
	[tilespmem:v5+s25+$0x0] =	vst.idx.add.f32.msk $0xffff, v12;
	v50 =	vmul.f32 v3, v41  }
0x5c7: {  	[tilespmem:v11+s25+$0x0] =	vst.idx.add.f32.msk $0xffff, v44;
	v1 =	vadd.f32 v1, v22;
	v5 =	vmul.f32 v21, v0  }
0x5c8: {  	v44 =	vperm.xlane v30, v57;
	[tilespmem:v16+s25+$0x0] =	vst.idx.add.f32.msk $0xffff, v50;
	v23 =	vor.u32 v14, v9  }
0x5c9: {  	v50 =	vperm.xlane v1, v63;
	v46 =	vsub.f32 $1.500000000e+00, v5;
	v5 =	vld [tilespmem:s30+$0xFFFFFE90]  }
0x5ca: {  	v8 =	vshll.u32 v44, $0x7;
	[tilespmem:v56+s25+$0x0] =	vst.idx.add.f32.msk $0xffff, v38  }
0x5cb: {  	v56 =	vmul.f32 v3, v36;
	v57 =	vor.u32 v52, v8;
	v7 =	vld [tilespmem:s30+$0xFFFFFEA0];
	v1 =	vadd.f32 v1, v50  }
0x5cc: {  	v44 =	vld [tilespmem:s30+$0xFFFFFEB0];
	v9 =	vor.u32 v15, v9;
	v21 =	vmul.f32 v3, v34;
	v0 =	vmul.f32 v46, v0  }
0x5cd: {  	v34 =	vmul.f32 v40, v40;
	[tilespmem:v23+s25+$0x0] =	vst.idx.add.f32.msk $0xffff, v56;
	v23 =	vperm.xlane v1, v60  }
0x5ce: {  	v22 =	vmul.f32 v0, v6;
	v36 =	vmul.f32 v5, v5  }
0x5cf: {  	v38 =	vor.u32 v51, v8;
	v42 =	vld [tilespmem:s30+$0xFFFFFEC0];
	v1 =	vadd.f32 v1, v23  }
0x5d0: {  	v46 =	vmul.f32 v7, v7;
	[tilespmem:v57+s25+$0x0] =	vst.idx.add.f32.msk $0xffff, v22;
	v2 =	vadd.f32 v36, v34  }
0x5d1: {  	v22 =	vld [tilespmem:s30+$0xFFFFFED0];
	v56 =	vperm.xlane v1, v61  }
0x5d2: {  	[tilespmem:v9+s25+$0x0] =	vst.idx.add.f32.msk $0xffff, v21;
	v23 =	vmul.f32 v44, v44;
	v2 =	vadd.f32 v2, v46  }
0x5d3: {  	v50 =	vmul.f32 v0, v43;
	v43 =	vld [tilespmem:s30+$0xFFFFFEE0];
	v57 =	vor.u32 v53, v8;
	v1 =	vadd.f32 v1, v56  }
0x5d4: {  	v21 =	vld [tilespmem:s30+$0xFFFFFEF0];
	v34 =	vmul.f32 v42, v42;
	v2 =	vadd.f32 v2, v23  }
0x5d5: {  	[tilespmem:v38+s25+$0x0] =	vst.idx.add.f32.msk $0xffff, v50;
	v38 =	vor.u32 v54, v8;
	v6 =	vperm.xlane v1, v62  }
0x5d6: {  	v36 =	vmul.f32 v0, v39;
	v39 =	vmul.f32 v22, v22;
	v2 =	vadd.f32 v2, v34  }
0x5d7: {  	v24 =	vld [tilespmem:s30+$0xFFFFFF00];
	v41 =	vor.u32 v55, v8;
	v50 =	vmul.f32 v0, v37;
	v1 =	vadd.f32 v1, v6  }
0x5d8: {  	v46 =	vmul.f32 v43, v43;
	[tilespmem:v57+s25+$0x0] =	vst.idx.add.f32.msk $0xffff, v36;
	v2 =	vadd.f32 v2, v39  }
0x5d9: {  	v56 =	vor.u32 v13, v8;
	v23 =	vld [tilespmem:s30+$0xFFFFFF10];
	v11 =	vmul.f32 $5.000000000e-01, v1;
	v1 =	vshrl.u32 v1, $0x1  }
0x5da: {  	v57 =	vmul.f32 v21, v21;
	[tilespmem:v38+s25+$0x0] =	vst.idx.add.f32.msk $0xffff, v50;
	v1 =	vsub.s32 $0x5F3759DF, v1;
	v2 =	vadd.f32 v2, v46  }
0x5db: {  	v33 =	vmul.f32 v0, v33;
	v34 =	vmul.f32 v1, v11;
	v46 =	vld [tilespmem:s30+$0xFFFFFF20]  }
0x5dc: {  	v36 =	vmul.f32 v0, v35;
	v50 =	vld [tilespmem:s30+$0xFFFFFF30];
	v2 =	vadd.f32 v2, v57  }
0x5dd: {  	[tilespmem:v41+s25+$0x0] =	vst.idx.add.f32.msk $0xffff, v33;
	v39 =	vmul.f32 v24, v24;
	v37 =	vmul.f32 v1, v34  }
0x5de: {  	v6 =	vld [tilespmem:s30+$0xFFFFFF40];
	v41 =	vmul.f32 v23, v23;
	v38 =	vperm.xlane v2, v63  }
0x5df: {  	[tilespmem:v56+s25+$0x0] =	vst.idx.add.f32.msk $0xffff, v36;
	v4 =	vsub.f32 $1.500000000e+00, v37  }
0x5e0: {  	v3 =	vadd.f32 v41, v39;
	v56 =	vmul.f32 v46, v46;
	v2 =	vadd.f32 v2, v38  }
0x5e1: {  	v12 =	vimm.s32 $0x4;
	v10 =	vor.u32 v14, v8;
	v39 =	vld [tilespmem:s30+$0xFFFFFF50];
	v1 =	vmul.f32 v1, v4  }
0x5e2: {  	v33 =	vmul.f32 v50, v50;
	v3 =	vadd.f32 v3, v56;
	v57 =	vperm.xlane v2, v60  }
0x5e3: {  	v12 =	vperm.xlane v30, v12;
	v8 =	vor.u32 v15, v8;
	v41 =	vld [tilespmem:s30+$0xFFFFFF60];
	v11 =	vmul.f32 v1, v11  }
0x5e4: {  	v34 =	vmul.f32 v6, v6;
	v3 =	vadd.f32 v3, v33;
	v2 =	vadd.f32 v2, v57  }
0x5e5: {  	v12 =	vshll.u32 v12, $0x7;
	v35 =	vmul.f32 v0, v32;
	v11 =	vmul.f32 v11, v1  }
0x5e6: {  	v38 =	vld [tilespmem:s30+$0xFFFFFF70];
	v56 =	vmul.f32 v39, v39;
	v3 =	vadd.f32 v3, v34;
	v16 =	vperm.xlane v2, v61  }
0x5e7: {  	v0 =	vmul.f32 v0, v31;
	v32 =	vor.u32 v52, v12;
	[tilespmem:v10+s25+$0x0] =	vst.idx.add.f32.msk $0xffff, v35;
	v57 =	vsub.f32 $1.500000000e+00, v11  }
0x5e8: {  	v36 =	vld [tilespmem:s30+$0xFFFFFFA0];
	v33 =	vmul.f32 v41, v41;
	v3 =	vadd.f32 v3, v56;
	v2 =	vadd.f32 v2, v16  }
0x5e9: {  	[tilespmem:v8+s25+$0x0] =	vst.idx.add.f32.msk $0xffff, v0;
	v34 =	vor.u32 v51, v12;
	v0 =	vmul.f32 v57, v1  }
0x5ea: {  	v3 =	vadd.f32 v3, v33;
	v33 =	vld [tilespmem:s30+$0xFFFFFFD0];
	v37 =	vperm.xlane v2, v62  }
0x5eb: {  	v56 =	vmul.f32 v38, v38;
	v57 =	vor.u32 v53, v12;
	v9 =	vmul.f32 v0, v48;
	v48 =	vld [tilespmem:s30+$0xFFFFFF80]  }
0x5ec: {  	v35 =	vmul.f32 v0, v47;
	v2 =	vadd.f32 v2, v37;
	v37 =	vld [tilespmem:s30+$0xFFFFFF90]  }
0x5ed: {  	v4 =	vor.u32 v54, v12;
	v3 =	vadd.f32 v3, v56;
	[tilespmem:v32+s25+$0x0] =	vst.idx.add.f32.msk $0xffff, v9  }
0x5ee: {  	v49 =	vmul.f32 v0, v49;
	v19 =	vmul.f32 v0, v19;
	[tilespmem:v34+s25+$0x0] =	vst.idx.add.f32.msk $0xffff, v35  }
0x5ef: {  	v47 =	vperm.xlane v3, v63;
	v34 =	vld [tilespmem:s30+$0xFFFFFFB0];
	v8 =	vmul.f32 $5.000000000e-01, v2;
	v2 =	vshrl.u32 v2, $0x1  }
0x5f0: {  	v11 =	vmul.f32 v0, v45;
	v18 =	vmul.f32 v0, v18;
	[tilespmem:v57+s25+$0x0] =	vst.idx.add.f32.msk $0xffff, v49;
	v2 =	vsub.s32 $0x5F3759DF, v2  }
0x5f1: {  	v35 =	vld [tilespmem:s30+$0xFFFFFFC0];
	v49 =	vmul.f32 v0, v20;
	v3 =	vadd.f32 v3, v47;
	v56 =	vmul.f32 v2, v8  }
0x5f2: {  	v57 =	vmul.f32 v48, v48;
	v47 =	vmul.f32 v37, v37  }
0x5f3: {  	v31 =	vld [tilespmem:s30+$0xFFFFFFE0];
	v16 =	vperm.xlane v3, v60;
	v10 =	vmul.f32 v2, v56  }
0x5f4: {  	v0 =	vmul.f32 v0, v17;
	v56 =	vmul.f32 v36, v36;
	v1 =	vadd.f32 v47, v57  }
0x5f5: {  	[tilespmem:v4+s25+$0x0] =	vst.idx.add.f32.msk $0xffff, v49;
	v49 =	vmul.f32 v33, v33;
	v3 =	vadd.f32 v3, v16;
	v57 =	vsub.f32 $1.500000000e+00, v10  }
0x5f6: {  	v20 =	vmul.f32 v34, v34;
	v45 =	vmul.f32 v35, v35;
	v1 =	vadd.f32 v1, v56  }
0x5f7: {  	v32 =	vld [tilespmem:s30+$0xFFFFFFF0];
	v10 =	vor.u32 v55, v12;
	v16 =	vperm.xlane v3, v61;
	v2 =	vmul.f32 v2, v57  }
0x5f8: {  	v47 =	vor.u32 v13, v12;
	v56 =	vmul.f32 v31, v31;
	v1 =	vadd.f32 v1, v20  }
0x5f9: {  	v57 =	vimm.s32 $0x5;
	v3 =	vadd.f32 v3, v16;
	v8 =	vmul.f32 v2, v8  }
0x5fa: {  	v16 =	vor.u32 v14, v12;
	v20 =	vperm.xlane v30, v57;
	v1 =	vadd.f32 v1, v45  }
0x5fb: {  	v12 =	vor.u32 v15, v12;
	v17 =	vperm.xlane v3, v62;
	v8 =	vmul.f32 v8, v2  }
0x5fc: {  	[tilespmem:v10+s25+$0x0] =	vst.idx.add.f32.msk $0xffff, v19;
	v19 =	vmul.f32 v32, v32;
	v1 =	vadd.f32 v1, v49  }
0x5fd: {  	v9 =	vshll.u32 v20, $0x7;
	v3 =	vadd.f32 v3, v17;
	v8 =	vsub.f32 $1.500000000e+00, v8  }
0x5fe: {  	[tilespmem:v47+s25+$0x0] =	vst.idx.add.f32.msk $0xffff, v11;
	v20 =	vor.u32 v52, v9;
	v1 =	vadd.f32 v1, v56  }
0x5ff: {  	[tilespmem:v16+s25+$0x0] =	vst.idx.add.f32.msk $0xffff, v18;
	v10 =	vmul.f32 $5.000000000e-01, v3;
	v3 =	vshrl.u32 v3, $0x1;
	v2 =	vmul.f32 v8, v2  }
0x600: {  	v45 =	vor.u32 v51, v9;
	[tilespmem:v12+s25+$0x0] =	vst.idx.add.f32.msk $0xffff, v0;
	v3 =	vsub.s32 $0x5F3759DF, v3  }
0x601: {  	v1 =	vadd.f32 v1, v19;
	v47 =	vmul.f32 v3, v10;
	v12 =	vmul.f32 v2, v40  }
0x602: {  	v16 =	vor.u32 v53, v9;
	v5 =	vmul.f32 v2, v5;
	v57 =	vmul.f32 v2, v7  }
0x603: {  	v17 =	vor.u32 v54, v9;
	v49 =	vperm.xlane v1, v63;
	v8 =	vmul.f32 v3, v47  }
0x604: {  	v19 =	vmul.f32 v2, v44;
	[tilespmem:v20+s25+$0x0] =	vst.idx.add.f32.msk $0xffff, v12;
	v20 =	vor.u32 v55, v9  }
0x605: {  	v40 =	vor.u32 v13, v9;
	v0 =	vadd.f32 v1, v49;
	v56 =	vsub.f32 $1.500000000e+00, v8  }
0x606: {  	v42 =	vmul.f32 v2, v42;
	v47 =	vor.u32 v14, v9;
	[tilespmem:v45+s25+$0x0] =	vst.idx.add.f32.msk $0xffff, v5  }
0x607: {  	[tilespmem:v16+s25+$0x0] =	vst.idx.add.f32.msk $0xffff, v57;
	v18 =	vperm.xlane v0, v60;
	v1 =	vmul.f32 v3, v56  }
0x608: {  	v45 =	vmul.f32 v2, v22;
	[tilespmem:v17+s25+$0x0] =	vst.idx.add.f32.msk $0xffff, v19;
	v56 =	vmul.f32 v2, v43  }
0x609: {  	v12 =	vimm.s32 $0x6;
	v0 =	vadd.f32 v0, v18;
	v44 =	vmul.f32 v1, v10;
	[tilespmem:v20+s25+$0x0] =	vst.idx.add.f32.msk $0xffff, v42  }
0x60a: {  	v12 =	vperm.xlane v30, v12;
	[tilespmem:v40+s25+$0x0] =	vst.idx.add.f32.msk $0xffff, v45  }
0x60b: {  	v49 =	vperm.xlane v0, v61;
	v5 =	vmul.f32 v44, v1;
	[tilespmem:v47+s25+$0x0] =	vst.idx.add.f32.msk $0xffff, v56  }
0x60c: {  	v47 =	vld [tilespmem:s30+$0x10]  }
0x60d: {  	v0 =	vadd.f32 v0, v49;
	v57 =	vsub.f32 $1.500000000e+00, v5;
	v5 =	vshll.u32 v12, $0x7  }
0x60e: {  	v9 =	vor.u32 v15, v9;
	v20 =	vor.u32 v51, v5;
	v51 =	vld [tilespmem:s30+$0x0]  }
0x60f: {  	v18 =	vor.u32 v52, v5;
	v19 =	vperm.xlane v0, v62  }
0x610: {  	v2 =	vmul.f32 v2, v21;
	v49 =	vld [tilespmem:s30+$0x20];
	v1 =	vmul.f32 v57, v1  }
0x611: {  	v44 =	vld [tilespmem:s30+$0x40];
	v22 =	vor.u32 v53, v5;
	v57 =	vmul.f32 v47, v47;
	v0 =	vadd.f32 v0, v19  }
0x612: {  	v40 =	vor.u32 v54, v5;
	v21 =	vmul.f32 v1, v24;
	v43 =	vmul.f32 v1, v46;
	v46 =	vld [tilespmem:s30+$0x30]  }
0x613: {  	[tilespmem:v9+s25+$0x0] =	vst.idx.add.f32.msk $0xffff, v2;
	v8 =	vmul.f32 $5.000000000e-01, v0;
	v0 =	vshrl.u32 v0, $0x1;
	v56 =	vmul.f32 v51, v51  }
0x614: {  	v23 =	vmul.f32 v1, v23;
	v50 =	vmul.f32 v1, v50;
	[tilespmem:v18+s25+$0x0] =	vst.idx.add.f32.msk $0xffff, v21;
	v0 =	vsub.s32 $0x5F3759DF, v0  }
0x615: {  	v24 =	vld [tilespmem:s30+$0x50];
	v18 =	vmul.f32 v49, v49;
	v42 =	vmul.f32 v0, v8;
	v2 =	vadd.f32 v57, v56  }
0x616: {  	v19 =	vor.u32 v55, v5;
	v21 =	vor.u32 v13, v5;
	[tilespmem:v20+s25+$0x0] =	vst.idx.add.f32.msk $0xffff, v23  }
0x617: {  	v25 =	vld [tilespmem:s30+$0x60];
	v20 =	vmul.f32 v46, v46;
	v9 =	vmul.f32 v0, v42;
	v2 =	vadd.f32 v2, v18  }
0x618: {  	v6 =	vmul.f32 v1, v6;
	v23 =	vmul.f32 v44, v44;
	[tilespmem:v22+s25+$0x0] =	vst.idx.add.f32.msk $0xffff, v43  }
0x619: {  	v22 =	vor.u32 v14, v5;
	[tilespmem:v40+s25+$0x0] =	vst.idx.add.f32.msk $0xffff, v50;
	v9 =	vsub.f32 $1.500000000e+00, v9;
	v2 =	vadd.f32 v2, v20  }
0x61a: {  	v39 =	vmul.f32 v1, v39;
	v50 =	vmul.f32 v24, v24;
	v42 =	vld [tilespmem:s30+$0x70]  }
0x61b: {  	[tilespmem:v19+s25+$0x0] =	vst.idx.add.f32.msk $0xffff, v6;
	v0 =	vmul.f32 v0, v9;
	v2 =	vadd.f32 v2, v23  }
0x61c: {  	v45 =	vperm.xlane v30, v58;
	v56 =	vmul.f32 v1, v41;
	[tilespmem:v21+s25+$0x0] =	vst.idx.add.f32.msk $0xffff, v39  }
0x61d: {  	v58 =	vmul.f32 v25, v25;
	v20 =	vld [tilespmem:s30+$0x90];
	v8 =	vmul.f32 v0, v8;
	v2 =	vadd.f32 v2, v50  }
0x61e: {  	v5 =	vor.u32 v15, v5;
	[tilespmem:v22+s25+$0x0] =	vst.idx.add.f32.msk $0xffff, v56  }
0x61f: {  	v22 =	vld [tilespmem:s30+$0x80];
	v11 =	vmul.f32 v42, v42;
	v8 =	vmul.f32 v8, v0;
	v2 =	vadd.f32 v2, v58  }
0x620: {  	v7 =	vld [tilespmem:s30+$0xC0]  }
0x621: {  	v21 =	vld [tilespmem:s30+$0xA0];
	v57 =	vsub.f32 $1.500000000e+00, v8;
	v2 =	vadd.f32 v2, v11  }
0x622: {  	v1 =	vmul.f32 v1, v38;
	v6 =	vld [tilespmem:s30+$0xB0]  }
0x623: {  	v18 =	vld [tilespmem:s30+$0xD0];
	v0 =	vmul.f32 v57, v0;
	v39 =	vperm.xlane v2, v63  }
0x624: {  	[tilespmem:v5+s25+$0x0] =	vst.idx.add.f32.msk $0xffff, v1;
	v41 =	vmul.f32 v20, v20;
	v40 =	vmul.f32 v22, v22  }
0x625: {  	v38 =	vmul.f32 v0, v48;
	v1 =	vadd.f32 v2, v39;
	v48 =	vld [tilespmem:$0x1FFC0]  }
0x626: {  	v8 =	vshll.u32 v45, $0x7;
	v45 =	vmul.f32 v21, v21;
	v2 =	vadd.f32 v41, v40  }
0x627: {  	v10 =	vor.u32 v52, v8;
	v43 =	vperm.xlane v1, v60  }
0x628: {  	v56 =	vmul.f32 v6, v6;
	v2 =	vadd.f32 v2, v45  }
0x629: {  	v17 =	vld [tilespmem:s30+$0xE0];
	v19 =	vmul.f32 v18, v18;
	v1 =	vadd.f32 v1, v43  }
0x62a: {  	v5 =	vld [tilespmem:s30+$0xF0];
	v57 =	vmul.f32 v7, v7;
	v2 =	vadd.f32 v2, v56;
	v50 =	vor.u32 v48, v8  }
0x62b: {  	v11 =	vor.u32 v53, v8;
	v39 =	vmul.f32 v0, v36;
	v36 =	vld [tilespmem:s30+$0x120];
	v4 =	vperm.xlane v1, v61  }
0x62c: {  	v23 =	vor.u32 v54, v8;
	[tilespmem:v10+s25+$0x0] =	vst.idx.add.f32.msk $0xffff, v38;
	v2 =	vadd.f32 v2, v57  }
0x62d: {  	v58 =	vmul.f32 v0, v37;
	v43 =	vld [tilespmem:s30+$0x110];
	v1 =	vadd.f32 v1, v4  }
0x62e: {  	v38 =	vmul.f32 v17, v17;
	v2 =	vadd.f32 v2, v19;
	v19 =	vld [tilespmem:s30+$0x100]  }
0x62f: {  	v48 =	vmul.f32 v0, v34;
	[tilespmem:v50+s25+$0x0] =	vst.idx.add.f32.msk $0xffff, v58;
	v37 =	vperm.xlane v1, v62  }
0x630: {  	v45 =	vmul.f32 v5, v5;
	v2 =	vadd.f32 v2, v38;
	[tilespmem:v11+s25+$0x0] =	vst.idx.add.f32.msk $0xffff, v39  }
0x631: {  	v1 =	vadd.f32 v1, v37;
	[tilespmem:v23+s25+$0x0] =	vst.idx.add.f32.msk $0xffff, v48  }
0x632: {  	v12 =	vor.u32 v55, v8;
	v2 =	vadd.f32 v2, v45;
	v37 =	vld [tilespmem:s30+$0x130];
	v23 =	vmul.f32 v43, v43  }
0x633: {  	v58 =	vmul.f32 v19, v19;
	v10 =	vmul.f32 $5.000000000e-01, v1;
	v1 =	vshrl.u32 v1, $0x1  }
0x634: {  	v45 =	vld [tilespmem:s30+$0x140];
	v57 =	vperm.xlane v2, v63;
	v1 =	vsub.s32 $0x5F3759DF, v1  }
0x635: {  	v34 =	vmul.f32 v36, v36;
	v3 =	vadd.f32 v23, v58;
	v56 =	vmul.f32 v1, v10  }
0x636: {  	v40 =	vld [tilespmem:s30+$0x150];
	v16 =	vmul.f32 v0, v33;
	v50 =	vmul.f32 v0, v35;
	v2 =	vadd.f32 v2, v57  }
0x637: {  	v38 =	vld [tilespmem:s30+$0x160];
	v3 =	vadd.f32 v3, v34;
	v41 =	vmul.f32 v37, v37;
	v4 =	vmul.f32 v1, v56  }
0x638: {  	v35 =	vor.u32 v13, v8;
	[tilespmem:v12+s25+$0x0] =	vst.idx.add.f32.msk $0xffff, v50;
	v12 =	vperm.xlane v2, v60  }
0x639: {  	v50 =	vmul.f32 v45, v45;
	v3 =	vadd.f32 v3, v41;
	v4 =	vsub.f32 $1.500000000e+00, v4  }
0x63a: {  	v33 =	vmul.f32 v0, v31;
	v48 =	vor.u32 v14, v8;
	v2 =	vadd.f32 v2, v12  }
0x63b: {  	v39 =	vld [tilespmem:s30+$0x170];
	v58 =	vmul.f32 v40, v40;
	v3 =	vadd.f32 v3, v50;
	v1 =	vmul.f32 v1, v4  }
0x63c: {  	v57 =	vimm.s32 $0x8;
	v34 =	vmul.f32 v38, v38;
	v12 =	vperm.xlane v2, v61  }
0x63d: {  	v3 =	vadd.f32 v3, v58;
	v56 =	vmul.f32 v1, v10;
	v10 =	vperm.xlane v30, v57  }
0x63e: {  	v8 =	vor.u32 v15, v8;
	[tilespmem:v35+s25+$0x0] =	vst.idx.add.f32.msk $0xffff, v16;
	v2 =	vadd.f32 v2, v12  }
0x63f: {  	[tilespmem:v48+s25+$0x0] =	vst.idx.add.f32.msk $0xffff, v33;
	v3 =	vadd.f32 v3, v34;
	v9 =	vmul.f32 v56, v1;
	v10 =	vshll.u32 v10, $0x7  }
0x640: {  	v23 =	vld [tilespmem:s30+$0x180];
	v12 =	vperm.xlane v2, v62;
	v35 =	vor.u32 v52, v10;
	v52 =	vmul.f32 v39, v39  }
0x641: {  	v0 =	vmul.f32 v0, v32;
	v48 =	vld [tilespmem:s30+$0x190];
	v9 =	vsub.f32 $1.500000000e+00, v9  }
0x642: {  	v56 =	vld [tilespmem:$0x1FFC0];
	v2 =	vadd.f32 v2, v12;
	v3 =	vadd.f32 v3, v52  }
0x643: {  	[tilespmem:v8+s25+$0x0] =	vst.idx.add.f32.msk $0xffff, v0;
	v0 =	vmul.f32 v9, v1  }
0x644: {  	v58 =	vmul.f32 $5.000000000e-01, v2;
	v2 =	vshrl.u32 v2, $0x1;
	v41 =	vperm.xlane v3, v63  }
0x645: {  	v2 =	vsub.s32 $0x5F3759DF, v2;
	v57 =	vmul.f32 v0, v51  }
0x646: {  	v16 =	vmul.f32 v23, v23;
	v50 =	vmul.f32 v2, v58;
	v3 =	vadd.f32 v3, v41;
	v41 =	vld [tilespmem:s30+$0x1A0]  }
0x647: {  	v26 =	vmul.f32 v48, v48;
	v1 =	vor.u32 v56, v10;
	[tilespmem:v35+s25+$0x0] =	vst.idx.add.f32.msk $0xffff, v57  }
0x648: {  	v51 =	vmul.f32 v2, v50;
	v35 =	vld [tilespmem:s30+$0x1B0]  }
0x649: {  	v16 =	vadd.f32 v26, v16;
	v27 =	vor.u32 v54, v10;
	v28 =	vor.u32 v55, v10  }
0x64a: {  	v34 =	vld [tilespmem:s30+$0x1C0];
	v47 =	vmul.f32 v0, v47;
	v52 =	vperm.xlane v3, v60;
	v9 =	vsub.f32 $1.500000000e+00, v51  }
0x64b: {  	v33 =	vld [tilespmem:s30+$0x1D0];
	v12 =	vor.u32 v53, v10;
	v4 =	vmul.f32 v0, v46;
	v26 =	vmul.f32 v41, v41  }
0x64c: {  	[tilespmem:v1+s25+$0x0] =	vst.idx.add.f32.msk $0xffff, v47;
	v3 =	vadd.f32 v3, v52;
	v2 =	vmul.f32 v2, v9  }
0x64d: {  	v32 =	vld [tilespmem:s30+$0x1E0];
	v1 =	vmul.f32 v0, v49;
	v16 =	vadd.f32 v16, v26;
	v26 =	vmul.f32 v35, v35  }
0x64e: {  	v29 =	vor.u32 v13, v10;
	v57 =	vperm.xlane v3, v61;
	v8 =	vmul.f32 v2, v58  }
0x64f: {  	v31 =	vld [tilespmem:s30+$0x1F0];
	v58 =	vmul.f32 v0, v25;
	v25 =	vmul.f32 v34, v34;
	v16 =	vadd.f32 v16, v26  }
0x650: {  	v56 =	vmul.f32 v0, v44;
	v24 =	vmul.f32 v0, v24;
	[tilespmem:v12+s25+$0x0] =	vst.idx.add.f32.msk $0xffff, v1  }
0x651: {  	v3 =	vadd.f32 v3, v57;
	v16 =	vadd.f32 v16, v25;
	v25 =	vmul.f32 v33, v33  }
0x652: {  	v50 =	vimm.s32 $0x9;
	v12 =	vmul.f32 v32, v32;
	[tilespmem:v27+s25+$0x0] =	vst.idx.add.f32.msk $0xffff, v4;
	v8 =	vmul.f32 v8, v2  }
0x653: {  	v26 =	vor.u32 v14, v10;
	v49 =	vperm.xlane v3, v62;
	v52 =	vadd.f32 v16, v25  }
0x654: {  	v46 =	vperm.xlane v30, v50;
	v51 =	vor.u32 v15, v10;
	v57 =	vld [tilespmem:$0x1FFC0];
	v8 =	vsub.f32 $1.500000000e+00, v8  }
0x655: {  	v3 =	vadd.f32 v3, v49;
	v10 =	vadd.f32 v52, v12;
	v12 =	vmul.f32 v31, v31  }
0x656: {  	v4 =	vshll.u32 v46, $0x7;
	[tilespmem:v28+s25+$0x0] =	vst.idx.add.f32.msk $0xffff, v56;
	v28 =	vlaneseq.u32;
	v2 =	vmul.f32 v8, v2  }
0x657: {  	[tilespmem:v29+s25+$0x0] =	vst.idx.add.f32.msk $0xffff, v24;
	v16 =	vmul.f32 $5.000000000e-01, v3;
	v3 =	vshrl.u32 v3, $0x1;
	v10 =	vadd.f32 v10, v12  }
0x658: {  	v56 =	vor.u32 v28, v4;
	[tilespmem:v26+s25+$0x0] =	vst.idx.add.f32.msk $0xffff, v58;
	v3 =	vsub.s32 $0x5F3759DF, v3;
	v58 =	vmul.f32 v2, v22  }
0x659: {  	v8 =	vor.u32 v57, v4;
	v24 =	vmul.f32 v3, v16;
	v22 =	vperm.xlane v10, v63  }
0x65a: {  	v0 =	vmul.f32 v0, v42;
	v25 =	vor.u32 v53, v4  }
0x65b: {  	v9 =	vld [tilespmem:$0x1FFC0];
	v44 =	vor.u32 v54, v4;
	v12 =	vmul.f32 v3, v24;
	v1 =	vadd.f32 v10, v22  }
0x65c: {  	v46 =	vor.u32 v55, v4;
	[tilespmem:v51+s25+$0x0] =	vst.idx.add.f32.msk $0xffff, v0;
	v20 =	vmul.f32 v2, v20  }
0x65d: {  	v42 =	vmul.f32 v2, v21;
	[tilespmem:v56+s25+$0x0] =	vst.idx.add.f32.msk $0xffff, v58;
	v12 =	vsub.f32 $1.500000000e+00, v12;
	v49 =	vperm.xlane v1, v60  }
0x65e: {  	v47 =	vor.u32 v13, v4;
	v6 =	vmul.f32 v2, v6;
	[tilespmem:v8+s25+$0x0] =	vst.idx.add.f32.msk $0xffff, v20  }
0x65f: {  	[tilespmem:v25+s25+$0x0] =	vst.idx.add.f32.msk $0xffff, v42;
	v3 =	vmul.f32 v3, v12;
	v1 =	vadd.f32 v1, v49  }
0x660: {  	v50 =	vor.u32 v14, v4;
	v7 =	vmul.f32 v2, v7;
	v42 =	vld [tilespmem:s30+$0x210]  }
0x661: {  	[tilespmem:v44+s25+$0x0] =	vst.idx.add.f32.msk $0xffff, v6;
	v12 =	vmul.f32 v3, v16;
	v58 =	vperm.xlane v1, v61  }
0x662: {  	v4 =	vor.u32 v15, v4;
	v51 =	vmul.f32 v2, v18;
	v44 =	vld [tilespmem:s30+$0x220]  }
0x663: {  	v56 =	vimm.s32 $0xA;
	[tilespmem:v46+s25+$0x0] =	vst.idx.add.f32.msk $0xffff, v7;
	v52 =	vmul.f32 v12, v3;
	v1 =	vadd.f32 v1, v58  }
0x664: {  	v57 =	vmul.f32 v2, v17;
	v7 =	vperm.xlane v30, v56;
	[tilespmem:v47+s25+$0x0] =	vst.idx.add.f32.msk $0xffff, v51  }
0x665: {  	v47 =	vld [tilespmem:s30+$0x200];
	v0 =	vsub.f32 $1.500000000e+00, v52;
	v10 =	vperm.xlane v1, v62  }
0x666: {  	v2 =	vmul.f32 v2, v5;
	v6 =	vshll.u32 v7, $0x7;
	[tilespmem:v50+s25+$0x0] =	vst.idx.add.f32.msk $0xffff, v57  }
0x667: {  	v46 =	vld [tilespmem:s30+$0x240];
	v7 =	vor.u32 v28, v6;
	v0 =	vmul.f32 v0, v3;
	v1 =	vadd.f32 v1, v10  }
0x668: {  	[tilespmem:v4+s25+$0x0] =	vst.idx.add.f32.msk $0xffff, v2;
	v20 =	vmul.f32 v42, v42;
	v3 =	vor.u32 v9, v6  }
0x669: {  	v18 =	vmul.f32 v0, v43;
	v43 =	vld [tilespmem:s30+$0x230];
	v4 =	vmul.f32 $5.000000000e-01, v1;
	v1 =	vshrl.u32 v1, $0x1  }
0x66a: {  	v50 =	vld [tilespmem:s30+$0x250];
	v11 =	vmul.f32 v0, v19;
	v19 =	vmul.f32 v47, v47;
	v1 =	vsub.s32 $0x5F3759DF, v1  }
0x66b: {  	v21 =	vor.u32 v53, v6;
	v54 =	vor.u32 v54, v6;
	v22 =	vmul.f32 v1, v4  }
0x66c: {  	v51 =	vld [tilespmem:s30+$0x280];
	v57 =	vor.u32 v55, v6;
	v52 =	vmul.f32 v44, v44;
	v2 =	vadd.f32 v20, v19  }
0x66d: {  	v53 =	vmul.f32 v0, v36;
	[tilespmem:v7+s25+$0x0] =	vst.idx.add.f32.msk $0xffff, v11;
	v7 =	vmul.f32 v1, v22  }
0x66e: {  	v36 =	vld [tilespmem:s30+$0x260];
	v11 =	vmul.f32 v46, v46;
	v2 =	vadd.f32 v2, v52;
	v56 =	vmul.f32 v43, v43  }
0x66f: {  	v19 =	vmul.f32 v50, v50;
	v20 =	vmul.f32 v0, v45;
	[tilespmem:v3+s25+$0x0] =	vst.idx.add.f32.msk $0xffff, v18;
	v58 =	vsub.f32 $1.500000000e+00, v7  }
0x670: {  	v45 =	vor.u32 v14, v6;
	v18 =	vmul.f32 v0, v37;
	v37 =	vld [tilespmem:s30+$0x270];
	v2 =	vadd.f32 v2, v56  }
0x671: {  	[tilespmem:v21+s25+$0x0] =	vst.idx.add.f32.msk $0xffff, v53;
	v21 =	vor.u32 v13, v6;
	v1 =	vmul.f32 v1, v58  }
0x672: {  	v6 =	vor.u32 v15, v6;
	[tilespmem:v54+s25+$0x0] =	vst.idx.add.f32.msk $0xffff, v18;
	v2 =	vadd.f32 v2, v11  }
0x673: {  	v18 =	vmul.f32 v0, v38;
	[tilespmem:v57+s25+$0x0] =	vst.idx.add.f32.msk $0xffff, v20;
	v4 =	vmul.f32 v1, v4  }
0x674: {  	v38 =	vld [tilespmem:$0x1FFC0];
	v57 =	vmul.f32 v0, v40;
	v22 =	vmul.f32 v36, v36;
	v2 =	vadd.f32 v2, v19  }
0x675: {  	v40 =	vld [tilespmem:s30+$0x290];
	v4 =	vmul.f32 v4, v1  }
0x676: {  	v56 =	vmul.f32 v37, v37;
	[tilespmem:v21+s25+$0x0] =	vst.idx.add.f32.msk $0xffff, v57;
	v2 =	vadd.f32 v2, v22  }
0x677: {  	v0 =	vmul.f32 v0, v39;
	[tilespmem:v45+s25+$0x0] =	vst.idx.add.f32.msk $0xffff, v18;
	v58 =	vimm.s32 $0xB;
	v4 =	vsub.f32 $1.500000000e+00, v4  }
0x678: {  	v9 =	vperm.xlane v30, v58;
	v2 =	vadd.f32 v2, v56;
	v56 =	vld [tilespmem:s30+$0x2A0]  }
0x679: {  	[tilespmem:v6+s25+$0x0] =	vst.idx.add.f32.msk $0xffff, v0;
	v1 =	vmul.f32 v4, v1  }
0x67a: {  	v58 =	vld [tilespmem:s30+$0x2B0];
	v22 =	vmul.f32 v51, v51;
	v8 =	vshll.u32 v9, $0x7;
	v20 =	vperm.xlane v2, v63  }
0x67b: {  	v49 =	vld [tilespmem:s30+$0x2E0];
	v19 =	vor.u32 v28, v8;
	v21 =	vmul.f32 v1, v23;
	v23 =	vmul.f32 v40, v40  }
0x67c: {  	v6 =	vor.u32 v38, v8;
	v38 =	vld [tilespmem:s30+$0x2C0];
	v2 =	vadd.f32 v2, v20  }
0x67d: {  	v53 =	vld [tilespmem:s30+$0x2D0];
	v39 =	vmul.f32 v56, v56;
	v0 =	vadd.f32 v23, v22  }
0x67e: {  	v57 =	vld [tilespmem:$0x1FFD0];
	v7 =	vperm.xlane v2, v60  }
0x67f: {  	v52 =	vmul.f32 v58, v58;
	v45 =	vmul.f32 v1, v48;
	v48 =	vld [tilespmem:s30+$0x310];
	v0 =	vadd.f32 v0, v39  }
0x680: {  	[tilespmem:v19+s25+$0x0] =	vst.idx.add.f32.msk $0xffff, v21;
	v2 =	vadd.f32 v2, v7  }
0x681: {  	v55 =	vmul.f32 v38, v38;
	[tilespmem:v6+s25+$0x0] =	vst.idx.add.f32.msk $0xffff, v45;
	v0 =	vadd.f32 v0, v52  }
0x682: {  	v45 =	vld [tilespmem:s30+$0x2F0];
	v54 =	vperm.xlane v2, v61  }
0x683: {  	v9 =	vmul.f32 v53, v53;
	v39 =	vld [tilespmem:s30+$0x320];
	v0 =	vadd.f32 v0, v55  }
0x684: {  	v2 =	vadd.f32 v2, v54;
	v52 =	vld [tilespmem:s30+$0x300]  }
0x685: {  	v11 =	vmul.f32 v49, v49;
	v4 =	vor.u32 v57, v8;
	v0 =	vadd.f32 v0, v9  }
0x686: {  	v25 =	vimm.s32 $0xC;
	v12 =	vld [tilespmem:$0x1FFF0];
	v5 =	vperm.xlane v2, v62  }
0x687: {  	v57 =	vld [tilespmem:s30+$0x340];
	v10 =	vmul.f32 v1, v41;
	v18 =	vmul.f32 v45, v45;
	v0 =	vadd.f32 v0, v11  }
0x688: {  	v41 =	vld [tilespmem:s30+$0x330];
	v16 =	vmul.f32 v1, v33;
	v21 =	vmul.f32 v48, v48;
	v2 =	vadd.f32 v2, v5  }
0x689: {  	v33 =	vld [tilespmem:s30+$0x3A0];
	v23 =	vmul.f32 v39, v39;
	v20 =	vmul.f32 v52, v52;
	v0 =	vadd.f32 v0, v18  }
0x68a: {  	[tilespmem:v4+s25+$0x0] =	vst.idx.add.f32.msk $0xffff, v10;
	v9 =	vmul.f32 v1, v35;
	v19 =	vshrl.u32 v2, $0x1;
	v2 =	vmul.f32 $5.000000000e-01, v2  }
0x68b: {  	v35 =	vld [tilespmem:s30+$0x350];
	v4 =	vsub.s32 $0x5F3759DF, v19;
	v3 =	vadd.f32 v21, v20;
	v22 =	vperm.xlane v0, v63  }
0x68c: {  	v25 =	vperm.xlane v30, v25;
	v54 =	vld [tilespmem:s30+$0x360];
	v18 =	vmul.f32 v4, v2  }
0x68d: {  	v19 =	vmul.f32 v41, v41;
	v20 =	vld [tilespmem:$0x1FFE0];
	v3 =	vadd.f32 v3, v23;
	v0 =	vadd.f32 v0, v22  }
0x68e: {  	v55 =	vld [tilespmem:s30+$0x390];
	v11 =	vmul.f32 v1, v34;
	v21 =	vmul.f32 v4, v18  }
0x68f: {  	v34 =	vld [tilespmem:s30+$0x380];
	v23 =	vmul.f32 v57, v57;
	v3 =	vadd.f32 v3, v19;
	v22 =	vperm.xlane v0, v60  }
0x690: {  	v12 =	vor.u32 v12, v8;
	v6 =	vld [tilespmem:s30+$0x370];
	v5 =	vmul.f32 v35, v35;
	v17 =	vsub.f32 $1.500000000e+00, v21  }
0x691: {  	v19 =	vmul.f32 v33, v33;
	v3 =	vadd.f32 v3, v23;
	v0 =	vadd.f32 v0, v22  }
0x692: {  	v10 =	vor.u32 v20, v8;
	v21 =	vmul.f32 v1, v32;
	v4 =	vmul.f32 v4, v17  }
0x693: {  	v17 =	vmul.f32 v54, v54;
	v3 =	vadd.f32 v3, v5;
	v5 =	vld [tilespmem:s30+$0x3B0];
	v7 =	vperm.xlane v0, v61  }
0x694: {  	v20 =	vor.u32 v13, v8;
	v32 =	vmul.f32 v34, v34;
	v23 =	vmul.f32 v55, v55  }
0x695: {  	v3 =	vadd.f32 v3, v17;
	v17 =	vmul.f32 v6, v6;
	v0 =	vadd.f32 v0, v7;
	v7 =	vld [tilespmem:s30+$0x3C0]  }
0x696: {  	v1 =	vmul.f32 v1, v31;
	v18 =	vadd.f32 v23, v32;
	v22 =	vor.u32 v14, v8  }
0x697: {  	v2 =	vmul.f32 v4, v2;
	v3 =	vadd.f32 v3, v17;
	v17 =	vld [tilespmem:s30+$0x3D0];
	v32 =	vperm.xlane v0, v62  }
0x698: {  	v8 =	vor.u32 v15, v8;
	v19 =	vadd.f32 v18, v19;
	v18 =	vld [tilespmem:s30+$0x3E0];
	v24 =	vmul.f32 v5, v5  }
0x699: {  	[tilespmem:v10+s25+$0x0] =	vst.idx.add.f32.msk $0xffff, v9;
	v0 =	vadd.f32 v0, v32;
	v32 =	vperm.xlane v3, v63  }
0x69a: {  	[tilespmem:v12+s25+$0x0] =	vst.idx.add.f32.msk $0xffff, v11;
	v24 =	vadd.f32 v19, v24;
	v26 =	vmul.f32 v7, v7  }
0x69b: {  	v2 =	vmul.f32 v2, v4;
	v19 =	vld [tilespmem:s30+$0x3F0];
	v3 =	vadd.f32 v3, v32;
	v9 =	vshrl.u32 v0, $0x1  }
0x69c: {  	[tilespmem:v20+s25+$0x0] =	vst.idx.add.f32.msk $0xffff, v16;
	v32 =	vmul.f32 v17, v17;
	v0 =	vmul.f32 $5.000000000e-01, v0;
	v10 =	vadd.f32 v24, v26  }
0x69d: {  	v2 =	vsub.f32 $1.500000000e+00, v2;
	[tilespmem:v22+s25+$0x0] =	vst.idx.add.f32.msk $0xffff, v21;
	v9 =	vsub.s32 $0x5F3759DF, v9;
	v12 =	vperm.xlane v3, v60  }
0x69e: {  	v20 =	vmul.f32 v9, v0;
	v10 =	vadd.f32 v10, v32;
	v32 =	vmul.f32 v18, v18  }
0x69f: {  	v25 =	vshll.u32 v25, $0x7;
	v2 =	vmul.f32 v2, v4;
	[tilespmem:v8+s25+$0x0] =	vst.idx.add.f32.msk $0xffff, v1;
	v3 =	vadd.f32 v3, v12  }
0x6a0: {  	v12 =	vmul.f32 v19, v19;
	v4 =	vmul.f32 v9, v20;
	v10 =	vadd.f32 v10, v32  }
0x6a1: {  	v11 =	vor.u32 v28, v25;
	v32 =	vld [tilespmem:$0x1FFC0];
	v23 =	vperm.xlane v3, v61  }
0x6a2: {  	v4 =	vsub.f32 $1.500000000e+00, v4;
	v8 =	vadd.f32 v10, v12;
	v12 =	vmul.f32 v2, v44;
	v44 =	vld [tilespmem:$0x1FFD0]  }
0x6a3: {  	v1 =	vadd.f32 v3, v23;
	v23 =	vld [tilespmem:$0x1FFE0]  }
0x6a4: {  	v16 =	vmul.f32 v2, v47;
	v4 =	vmul.f32 v9, v4  }
0x6a5: {  	v47 =	vmul.f32 v2, v43;
	v43 =	vld [tilespmem:$0x1FFF0]  }
0x6a6: {  	[tilespmem:v11+s25+$0x0] =	vst.idx.add.f32.msk $0xffff, v16;
	v11 =	vor.u32 v32, v25;
	v0 =	vmul.f32 v4, v0  }
0x6a7: {  	v20 =	vor.u32 v44, v25  }
0x6a8: {  	v0 =	vmul.f32 v0, v4;
	v9 =	vor.u32 v23, v25  }
0x6a9: {  	v26 =	vor.u32 v13, v25;
	v10 =	vmul.f32 v2, v42;
	v42 =	vperm.xlane v8, v63  }
0x6aa: {  	v16 =	vld [tilespmem:s0+$0x0];
	v32 =	vperm.xlane v1, v62;
	v23 =	vor.u32 v43, v25;
	v0 =	vsub.f32 $1.500000000e+00, v0  }
0x6ab: {  	v3 =	vadd.f32 v8, v42;
	v42 =	vmul.f32 v2, v46;
	[tilespmem:v11+s25+$0x0] =	vst.idx.add.f32.msk $0xffff, v10  }
0x6ac: {  	v46 =	vor.u32 v14, v25;
	v0 =	vmul.f32 v0, v4;
	[tilespmem:v20+s25+$0x0] =	vst.idx.add.f32.msk $0xffff, v12  }
0x6ad: {  	v1 =	vadd.f32 v1, v32;
	v44 =	vperm.xlane v3, v60;
	[tilespmem:v9+s25+$0x0] =	vst.idx.add.f32.msk $0xffff, v47  }
0x6ae: {  	v24 =	vmul.f32 v2, v50;
	v43 =	vmul.f32 v0, v51;
	v51 =	vld [tilespmem:$0x1FFC0]  }
0x6af: {  	v3 =	vadd.f32 v3, v44;
	v10 =	vmul.f32 $5.000000000e-01, v1;
	v1 =	vshrl.u32 v1, $0x1;
	[tilespmem:v23+s25+$0x0] =	vst.idx.add.f32.msk $0xffff, v42  }
0x6b0: {  	v47 =	vor.u32 v15, v25;
	v42 =	vmul.f32 v2, v36;
	v2 =	vmul.f32 v2, v37;
	v37 =	vld [tilespmem:$0x1FFE0]  }
0x6b1: {  	v27 =	vimm.s32 $0xD;
	v1 =	vsub.s32 $0x5F3759DF, v1;
	v32 =	vperm.xlane v3, v61;
	[tilespmem:v26+s25+$0x0] =	vst.idx.add.f32.msk $0xffff, v24  }
0x6b2: {  	v27 =	vperm.xlane v16, v27;
	v50 =	vmul.f32 v1, v10;
	[tilespmem:v46+s25+$0x0] =	vst.idx.add.f32.msk $0xffff, v42  }
0x6b3: {  	v3 =	vadd.f32 v3, v32;
	v46 =	vld [tilespmem:$0x1FFD0]  }
0x6b4: {  	v12 =	vshll.u32 v27, $0x7;
	v20 =	vmul.f32 v1, v50;
	v50 =	vmul.f32 v0, v40;
	v40 =	vld [tilespmem:$0x1FFF0]  }
0x6b5: {  	v4 =	vor.u32 v28, v12;
	[tilespmem:v47+s25+$0x0] =	vst.idx.add.f32.msk $0xffff, v2;
	v47 =	vperm.xlane v3, v62  }
0x6b6: {  	v20 =	vsub.f32 $1.500000000e+00, v20  }
0x6b7: {  	v44 =	vor.u32 v51, v12;
	v3 =	vadd.f32 v3, v47  }
0x6b8: {  	v32 =	vmul.f32 v0, v56;
	v1 =	vmul.f32 v1, v20;
	v2 =	vor.u32 v46, v12  }
0x6b9: {  	v20 =	vor.u32 v37, v12;
	v11 =	vmul.f32 $5.000000000e-01, v3;
	v3 =	vshrl.u32 v3, $0x1  }
0x6ba: {  	v36 =	vmul.f32 v0, v58;
	[tilespmem:v4+s25+$0x0] =	vst.idx.add.f32.msk $0xffff, v43;
	v4 =	vor.u32 v40, v12;
	v3 =	vsub.s32 $0x5F3759DF, v3  }
0x6bb: {  	v24 =	vmul.f32 v0, v53;
	v53 =	vld [tilespmem:$0x1FFD0];
	v42 =	vor.u32 v13, v12;
	v47 =	vmul.f32 v3, v11  }
0x6bc: {  	v10 =	vmul.f32 v1, v10;
	[tilespmem:v44+s25+$0x0] =	vst.idx.add.f32.msk $0xffff, v50;
	v44 =	vor.u32 v14, v12  }
0x6bd: {  	v50 =	vmul.f32 v0, v38;
	[tilespmem:v2+s25+$0x0] =	vst.idx.add.f32.msk $0xffff, v32;
	v32 =	vmul.f32 v3, v47  }
0x6be: {  	v30 =	vimm.s32 $0xE;
	v43 =	vmul.f32 v10, v1;
	[tilespmem:v20+s25+$0x0] =	vst.idx.add.f32.msk $0xffff, v36  }
0x6bf: {  	v46 =	vperm.xlane v16, v30;
	v36 =	vmul.f32 v0, v49;
	[tilespmem:v4+s25+$0x0] =	vst.idx.add.f32.msk $0xffff, v50;
	v38 =	vsub.f32 $1.500000000e+00, v32  }
0x6c0: {  	v8 =	vsub.f32 $1.500000000e+00, v43;
	[tilespmem:v42+s25+$0x0] =	vst.idx.add.f32.msk $0xffff, v24  }
0x6c1: {  	v9 =	vshll.u32 v46, $0x7;
	[tilespmem:v44+s25+$0x0] =	vst.idx.add.f32.msk $0xffff, v36;
	v3 =	vmul.f32 v3, v38  }
0x6c2: {  	v21 =	vor.u32 v28, v9;
	v1 =	vmul.f32 v8, v1;
	v44 =	vld [tilespmem:$0x1FFE0]  }
0x6c3: {  	v12 =	vor.u32 v15, v12;
	v46 =	vld [tilespmem:$0x1FFF0];
	v11 =	vmul.f32 v3, v11  }
0x6c4: {  	v37 =	vor.u32 v51, v9;
	v0 =	vmul.f32 v0, v45;
	v40 =	vmul.f32 v1, v52  }
0x6c5: {  	v43 =	vmul.f32 v1, v48;
	v42 =	vor.u32 v53, v9;
	v11 =	vmul.f32 v11, v3  }
0x6c6: {  	v45 =	vimm.s32 $0xF;
	v23 =	vmul.f32 v1, v35;
	v35 =	vmul.f32 v1, v54;
	v54 =	vld [tilespmem:$0x1FFE0]  }
0x6c7: {  	v16 =	vperm.xlane v16, v45;
	[tilespmem:v21+s25+$0x0] =	vst.idx.add.f32.msk $0xffff, v40;
	v10 =	vor.u32 v44, v9;
	v21 =	vsub.f32 $1.500000000e+00, v11  }
0x6c8: {  	v4 =	vor.u32 v46, v9;
	v47 =	vmul.f32 v1, v39;
	[tilespmem:v12+s25+$0x0] =	vst.idx.add.f32.msk $0xffff, v0  }
0x6c9: {  	v22 =	vshll.u32 v16, $0x7;
	[tilespmem:v37+s25+$0x0] =	vst.idx.add.f32.msk $0xffff, v43;
	v12 =	vor.u32 v13, v9;
	v3 =	vmul.f32 v21, v3  }
0x6ca: {  	v48 =	vmul.f32 v1, v41;
	v32 =	vor.u32 v28, v22;
	[tilespmem:v42+s25+$0x0] =	vst.idx.add.f32.msk $0xffff, v47  }
0x6cb: {  	v49 =	vmul.f32 v1, v57;
	v50 =	vor.u32 v14, v9;
	v41 =	vmul.f32 v3, v55;
	v55 =	vld [tilespmem:$0x1FFF0]  }
0x6cc: {  	v36 =	vor.u32 v51, v22;
	[tilespmem:v10+s25+$0x0] =	vst.idx.add.f32.msk $0xffff, v48  }
0x6cd: {  	v20 =	vor.u32 v15, v9;
	v39 =	vmul.f32 v3, v34;
	[tilespmem:v4+s25+$0x0] =	vst.idx.add.f32.msk $0xffff, v49  }
0x6ce: {  	v38 =	vor.u32 v53, v22;
	[tilespmem:v12+s25+$0x0] =	vst.idx.add.f32.msk $0xffff, v23  }
0x6cf: {  	v40 =	vor.u32 v54, v22;
	[tilespmem:v32+s25+$0x0] =	vst.idx.add.f32.msk $0xffff, v39  }
0x6d0: {  	v37 =	vmul.f32 v1, v6;
	[tilespmem:v50+s25+$0x0] =	vst.idx.add.f32.msk $0xffff, v35;
	v42 =	vor.u32 v55, v22  }
0x6d1: {  	v44 =	vor.u32 v13, v22;
	v43 =	vmul.f32 v3, v33;
	[tilespmem:v36+s25+$0x0] =	vst.idx.add.f32.msk $0xffff, v41  }
0x6d2: {  	s1 =	sadd.s32 $0x10, s1;
	v46 =	vor.u32 v14, v22;
	v45 =	vmul.f32 v3, v5;
	[tilespmem:v20+s25+$0x0] =	vst.idx.add.f32.msk $0xffff, v37  }
0x6d3: {  	p1 =	slt.u32 s1, $0x70;
	v47 =	vmul.f32 v3, v7;
	v48 =	vor.u32 v15, v22;
	[tilespmem:v38+s25+$0x0] =	vst.idx.add.f32.msk $0xffff, v43  }
.Ltmp7:
0x6d4: {  	v49 =	vmul.f32 v3, v17;
	[tilespmem:v40+s25+$0x0] =	vst.idx.add.f32.msk $0xffff, v45;
	(pc) =	sbr.rel @p1 .LBB2_17-.Ltmp7, $4  }
0x6d5: {  	v50 =	vmul.f32 v3, v18;
	[tilespmem:v42+s25+$0x0] =	vst.idx.add.f32.msk $0xffff, v47  }
0x6d6: {  	v52 =	vmul.f32 v3, v19;
	[tilespmem:v44+s25+$0x0] =	vst.idx.add.f32.msk $0xffff, v49  }
0x6d7: {  	v29 =	vimm.s32 $0x1;
	v27 =	vimm.s32 $0x0;
	[tilespmem:v46+s25+$0x0] =	vst.idx.add.f32.msk $0xffff, v50  }
0x6d8: {  	s30 =	sadd.s32 $0x800, s30;
	s0 =	sadd.s32 $0x10, s0;
	v56 =	vimm.s32 $0x2;
	v58 =	vimm.s32 $0x7;
	v57 =	vimm.s32 $0x3;
	[tilespmem:v48+s25+$0x0] =	vst.idx.add.f32.msk $0xffff, v52  }
.Ltmp8:
0x6d9: {  	(pc) =	sbr.rel @p0 .LBB2_14-.Ltmp8, $2  }
0x6da: {  	_ =	sdelay $0x2  }
0x6db: {  	s0 =	simm.s32 $0x400;
	p1 =	por $0x0, $0x0;
	s1 =	smov.u32 s13  }
0x6dc: {  	[hbm4b:s14+s2] =	stream.linear.scatter [tilespmem:s25], [sflag:$0x3], $0x10000, $0x38;
	[tilespmem:$0x18400] =	vst v63  }
0x6dd: {  	_ =	swait.ge [sflag:s21], $0x10000  }
0x6de: {  	[sflag:s21] =	ssyncset.done $0x0  }
0x6df: {  	s0 =	simm.s32 $0x8300;
	[sflag:s21] =	ssyncadd.s32 $0xFFFF0000  }
0x6e0: {  	[tilespmem:s0+$0xFFFFFF00] =	vst v59  }
0x6e1: {  	[tilespmem:s0+$0xF0] =	vst v59  }
0x6e2: {  	[tilespmem:s0+$0xE0] =	vst v59  }
0x6e3: {  	[tilespmem:s0+$0xD0] =	vst v59  }
0x6e4: {  	[tilespmem:s0+$0xC0] =	vst v59  }
0x6e5: {  	[tilespmem:s0+$0xB0] =	vst v59  }
0x6e6: {  	[tilespmem:s0+$0xA0] =	vst v59  }
0x6e7: {  	[tilespmem:s0+$0x90] =	vst v59  }
0x6e8: {  	[tilespmem:s0+$0x80] =	vst v59  }
0x6e9: {  	[tilespmem:s0+$0x70] =	vst v59  }
0x6ea: {  	[tilespmem:s0+$0x60] =	vst v59  }
0x6eb: {  	[tilespmem:s0+$0x50] =	vst v59  }
0x6ec: {  	[tilespmem:s0+$0x40] =	vst v59  }
0x6ed: {  	[tilespmem:s0+$0x30] =	vst v59  }
0x6ee: {  	[tilespmem:s0+$0x20] =	vst v59  }
0x6ef: {  	[tilespmem:s0+$0x10] =	vst v59  }
0x6f0: {  	[tilespmem:s0+$0x0] =	vst v59  }
0x6f1: {  	[tilespmem:s0+$0xFFFFFFF0] =	vst v59  }
0x6f2: {  	[tilespmem:s0+$0xFFFFFFE0] =	vst v59  }
0x6f3: {  	[tilespmem:s0+$0xFFFFFFD0] =	vst v59  }
0x6f4: {  	[tilespmem:s0+$0xFFFFFFC0] =	vst v59  }
0x6f5: {  	[tilespmem:s0+$0xFFFFFFB0] =	vst v59  }
0x6f6: {  	[tilespmem:s0+$0xFFFFFFA0] =	vst v59  }
0x6f7: {  	[tilespmem:s0+$0xFFFFFF90] =	vst v59  }
0x6f8: {  	[tilespmem:s0+$0xFFFFFF80] =	vst v59  }
0x6f9: {  	[tilespmem:s0+$0xFFFFFF70] =	vst v59  }
0x6fa: {  	[tilespmem:s0+$0xFFFFFF60] =	vst v59  }
0x6fb: {  	[tilespmem:s0+$0xFFFFFF50] =	vst v59  }
0x6fc: {  	[tilespmem:s0+$0xFFFFFF40] =	vst v59  }
0x6fd: {  	[tilespmem:s0+$0xFFFFFF30] =	vst v59  }
0x6fe: {  	s1 =	simm.s32 $0x0;
	[tilespmem:s0+$0xFFFFFF20] =	vst v59  }
.LBB2_20:
0x6ff: {  	s1 =	sadd.s32 $0x4, s1;
	[tilespmem:s0+$0xFFFFFF10] =	vst v59;
	s0 =	sadd.s32 $0x200, s0  }
0x700: {  	[tilespmem:s0+$0xFFFFFF00] =	vst v59;
	p0 =	slt.u32 s1, $0x1FC  }
0x701: {  	[tilespmem:s0+$0xF0] =	vst v59  }
0x702: {  	[tilespmem:s0+$0xE0] =	vst v59  }
0x703: {  	[tilespmem:s0+$0xD0] =	vst v59  }
0x704: {  	[tilespmem:s0+$0xC0] =	vst v59  }
0x705: {  	[tilespmem:s0+$0xB0] =	vst v59  }
0x706: {  	[tilespmem:s0+$0xA0] =	vst v59  }
0x707: {  	[tilespmem:s0+$0x90] =	vst v59  }
0x708: {  	[tilespmem:s0+$0x80] =	vst v59  }
0x709: {  	[tilespmem:s0+$0x70] =	vst v59  }
0x70a: {  	[tilespmem:s0+$0x60] =	vst v59  }
0x70b: {  	[tilespmem:s0+$0x50] =	vst v59  }
0x70c: {  	[tilespmem:s0+$0x40] =	vst v59  }
0x70d: {  	[tilespmem:s0+$0x30] =	vst v59  }
0x70e: {  	[tilespmem:s0+$0x20] =	vst v59  }
0x70f: {  	[tilespmem:s0+$0x10] =	vst v59  }
0x710: {  	[tilespmem:s0+$0x0] =	vst v59  }
0x711: {  	[tilespmem:s0+$0xFFFFFFF0] =	vst v59  }
0x712: {  	[tilespmem:s0+$0xFFFFFFE0] =	vst v59  }
0x713: {  	[tilespmem:s0+$0xFFFFFFD0] =	vst v59  }
0x714: {  	[tilespmem:s0+$0xFFFFFFC0] =	vst v59  }
0x715: {  	[tilespmem:s0+$0xFFFFFFB0] =	vst v59  }
0x716: {  	[tilespmem:s0+$0xFFFFFFA0] =	vst v59  }
0x717: {  	[tilespmem:s0+$0xFFFFFF90] =	vst v59  }
0x718: {  	[tilespmem:s0+$0xFFFFFF80] =	vst v59  }
0x719: {  	[tilespmem:s0+$0xFFFFFF70] =	vst v59  }
.Ltmp9:
0x71a: {  	[tilespmem:s0+$0xFFFFFF60] =	vst v59;
	(pc) =	sbr.rel @p0 .LBB2_20-.Ltmp9, $4  }
0x71b: {  	[tilespmem:s0+$0xFFFFFF50] =	vst v59  }
0x71c: {  	[tilespmem:s0+$0xFFFFFF40] =	vst v59  }
0x71d: {  	[tilespmem:s0+$0xFFFFFF30] =	vst v59  }
0x71e: {  	[tilespmem:s0+$0xFFFFFF20] =	vst v59  }
0x71f: {  	[tilespmem:s0+$0xFFFFFF10] =	vst v59;
	s0 =	simm.s32 $0x0;
	p1 =	por $0x1, $0x1;
	s1 =	smov.u32 s16  }
0x720: {  	[tilespmem:s22], [sflag:$0x1] =	stream.linear.gather [hbm4b:s15+s0], $0x4000, $0x38;
	[tilespmem:$0x18400] =	vst v63  }
.LBB2_22:
0x721: {  	[tilespmem:s23], [sflag:$0x2] =	stream.linear.gather [hbm4b:s1+s2], $0x4000, $0x38;
	[tilespmem:$0x18400] =	vst v63  }
0x722: {  	s0 =	sshra.s32 s0, $0x2;
	_ =	swait.ge [sflag:s24], $0x4000  }
0x723: {  	p0 =	por p1, p1;
	s1 =	simm.s32 $0xFFFFFFF0;
	[sflag:s24] =	ssyncset.done $0x0  }
0x724: {  	s30 =	simm.s32 $0x600;
	v58 =	vimm.s32 $0x7;
	s31 =	smov.u32 s0;
	[sflag:s24] =	ssyncadd.s32 $0xFFFFC000  }
.LBB2_23:
0x725: {  	v0 =	vld [tilespmem:s30+$0xFFFFFC00]  }
0x726: {  	v1 =	vld [tilespmem:s30+$0xFFFFFC10];
	_ =	sdelay $0x1  }
0x727: {  	v2 =	vld [tilespmem:s30+$0xFFFFFC20];
	_ =	sdelay $0x1  }
0x728: {  	v3 =	vld [tilespmem:s30+$0xFFFFFC30]  }
0x729: {  	v4 =	vmul.f32 v0, v0;
	v5 =	vmul.f32 v1, v1  }
0x72a: {  	v8 =	vld [tilespmem:s30+$0xFFFFFC40]  }
0x72b: {  	v38 =	vmul.f32 v2, v2;
	v4 =	vadd.f32 v5, v4  }
0x72c: {  	v9 =	vld [tilespmem:s30+$0xFFFFFC50]  }
0x72d: {  	v39 =	vmul.f32 v3, v3;
	v4 =	vadd.f32 v4, v38  }
0x72e: {  	v10 =	vld [tilespmem:s30+$0xFFFFFC60]  }
0x72f: {  	v40 =	vmul.f32 v8, v8;
	v4 =	vadd.f32 v4, v39  }
0x730: {  	v20 =	vld [tilespmem:s30+$0xFFFFFC70]  }
0x731: {  	v41 =	vmul.f32 v9, v9;
	v4 =	vadd.f32 v4, v40;
	_ =	sdelay $0x1  }
0x732: {  	v42 =	vmul.f32 v10, v10;
	v4 =	vadd.f32 v4, v41;
	_ =	sdelay $0x1  }
0x733: {  	v43 =	vmul.f32 v20, v20;
	v4 =	vadd.f32 v4, v42;
	_ =	sdelay $0x1  }
0x734: {  	v4 =	vadd.f32 v4, v43  }
0x735: {  	v24 =	vld [tilespmem:s30+$0xFFFFFC80]  }
0x736: {  	v22 =	vld [tilespmem:s30+$0xFFFFFC90];
	v5 =	vperm.xlane v4, v63;
	_ =	sdelay $0x1  }
0x737: {  	v23 =	vld [tilespmem:s30+$0xFFFFFCA0];
	v4 =	vadd.f32 v4, v5;
	_ =	sdelay $0x1  }
0x738: {  	v21 =	vld [tilespmem:s30+$0xFFFFFCB0];
	v5 =	vperm.xlane v4, v60  }
0x739: {  	v6 =	vmul.f32 v24, v24;
	v7 =	vmul.f32 v22, v22  }
0x73a: {  	v19 =	vld [tilespmem:s30+$0xFFFFFCC0];
	v4 =	vadd.f32 v4, v5  }
0x73b: {  	v45 =	vmul.f32 v23, v23;
	v44 =	vadd.f32 v7, v6  }
0x73c: {  	v18 =	vld [tilespmem:s30+$0xFFFFFCD0];
	v46 =	vperm.xlane v4, v61  }
0x73d: {  	v47 =	vmul.f32 v21, v21;
	v5 =	vadd.f32 v44, v45  }
0x73e: {  	v17 =	vld [tilespmem:s30+$0xFFFFFCE0];
	v4 =	vadd.f32 v4, v46  }
0x73f: {  	v48 =	vmul.f32 v19, v19;
	v6 =	vadd.f32 v5, v47  }
0x740: {  	v5 =	vld [tilespmem:s30+$0xFFFFFCF0];
	v11 =	vperm.xlane v4, v62  }
0x741: {  	v12 =	vmul.f32 v18, v18;
	v7 =	vld [tilespmem:s30+$0xFFFFFD00];
	v6 =	vadd.f32 v6, v48  }
0x742: {  	v44 =	vld [tilespmem:s30+$0xFFFFFD10];
	v4 =	vadd.f32 v4, v11  }
0x743: {  	v49 =	vmul.f32 v17, v17;
	v6 =	vadd.f32 v6, v12  }
0x744: {  	v42 =	vld [tilespmem:s30+$0xFFFFFD20];
	v12 =	vmul.f32 $5.000000000e-01, v4;
	v4 =	vshrl.u32 v4, $0x1  }
0x745: {  	v50 =	vmul.f32 v5, v5;
	v6 =	vadd.f32 v6, v49;
	v4 =	vsub.s32 $0x5F3759DF, v4  }
0x746: {  	v40 =	vld [tilespmem:s30+$0xFFFFFD30];
	v16 =	vmul.f32 v4, v12  }
0x747: {  	v52 =	vmul.f32 v7, v7;
	v25 =	vmul.f32 v44, v44;
	v6 =	vadd.f32 v6, v50  }
0x748: {  	v41 =	vld [tilespmem:s30+$0xFFFFFD40];
	v16 =	vmul.f32 v4, v16  }
0x749: {  	v30 =	vld [tilespmem:s31+$0x0];
	v11 =	vadd.f32 v25, v52;
	v25 =	vmul.f32 v42, v42;
	v26 =	vperm.xlane v6, v63  }
0x74a: {  	v38 =	vld [tilespmem:s30+$0xFFFFFD50];
	v16 =	vsub.f32 $1.500000000e+00, v16  }
0x74b: {  	v11 =	vadd.f32 v11, v25;
	v25 =	vmul.f32 v40, v40;
	v6 =	vadd.f32 v6, v26  }
0x74c: {  	v36 =	vld [tilespmem:s30+$0xFFFFFD60];
	v4 =	vmul.f32 v4, v16  }
0x74d: {  	v11 =	vadd.f32 v11, v25;
	v25 =	vmul.f32 v41, v41;
	v16 =	vperm.xlane v6, v60  }
0x74e: {  	v34 =	vld [tilespmem:s30+$0xFFFFFD70];
	v26 =	vperm.xlane v30, v27;
	v12 =	vmul.f32 v4, v12  }
0x74f: {  	v11 =	vadd.f32 v11, v25;
	v6 =	vadd.f32 v6, v16;
	v16 =	vmul.f32 v38, v38  }
0x750: {  	v25 =	vshll.u32 v26, $0x7;
	v12 =	vmul.f32 v12, v4  }
0x751: {  	v39 =	vld [tilespmem:s30+$0xFFFFFDA0];
	v26 =	vperm.xlane v6, v61;
	v11 =	vadd.f32 v11, v16;
	v16 =	vmul.f32 v36, v36  }
0x752: {  	v12 =	vsub.f32 $1.500000000e+00, v12  }
0x753: {  	v33 =	vmul.f32 v34, v34;
	v26 =	vadd.f32 v6, v26;
	v32 =	vadd.f32 v11, v16  }
0x754: {  	v27 =	vor.u32 v28, v25  }
0x755: {  	v6 =	vld [tilespmem:s30+$0xFFFFFD80];
	v4 =	vmul.f32 v12, v4;
	v16 =	vperm.xlane v26, v62;
	v11 =	vadd.f32 v32, v33  }
0x756: {  	v43 =	vld [tilespmem:s30+$0xFFFFFD90];
	v50 =	vmul.f32 v39, v39;
	v28 =	vor.u32 v53, v25;
	v12 =	vor.u32 v51, v25  }
0x757: {  	v0 =	vmul.f32 v4, v0;
	v16 =	vadd.f32 v26, v16;
	v26 =	vperm.xlane v11, v63  }
0x758: {  	v37 =	vld [tilespmem:s30+$0xFFFFFDB0];
	v45 =	vor.u32 v54, v25;
	v35 =	vmul.f32 v4, v1;
	v46 =	vmul.f32 v4, v2  }
0x759: {  	v47 =	vmul.f32 v4, v3;
	[tilespmem:v27+s25+$0x0] =	vst.idx.add.f32.msk $0xffff, v0;
	v27 =	vmul.f32 $5.000000000e-01, v16;
	v16 =	vshrl.u32 v16, $0x1  }
0x75a: {  	v33 =	vld [tilespmem:s30+$0xFFFFFDC0];
	v49 =	vmul.f32 v6, v6;
	v11 =	vadd.f32 v11, v26;
	v48 =	vsub.s32 $0x5F3759DF, v16  }
0x75b: {  	v26 =	vmul.f32 v43, v43;
	[tilespmem:v12+s25+$0x0] =	vst.idx.add.f32.msk $0xffff, v35;
	v12 =	vmul.f32 v48, v27  }
0x75c: {  	v32 =	vld [tilespmem:s30+$0xFFFFFDE0];
	v2 =	vmul.f32 v4, v8;
	v16 =	vperm.xlane v11, v60  }
0x75d: {  	v9 =	vmul.f32 v4, v9;
	v35 =	vld [tilespmem:s30+$0xFFFFFDD0];
	v0 =	vadd.f32 v26, v49;
	v12 =	vmul.f32 v48, v12  }
0x75e: {  	[tilespmem:v28+s25+$0x0] =	vst.idx.add.f32.msk $0xffff, v46;
	v11 =	vadd.f32 v11, v16;
	v16 =	vor.u32 v55, v25  }
0x75f: {  	v46 =	vmul.f32 v37, v37;
	[tilespmem:v45+s25+$0x0] =	vst.idx.add.f32.msk $0xffff, v47;
	v0 =	vadd.f32 v0, v50;
	v45 =	vsub.f32 $1.500000000e+00, v12  }
0x760: {  	v10 =	vmul.f32 v4, v10;
	v49 =	vor.u32 v13, v25;
	v12 =	vperm.xlane v11, v61  }
0x761: {  	v28 =	vperm.xlane v30, v29;
	v0 =	vadd.f32 v0, v46;
	v3 =	vmul.f32 v48, v45  }
0x762: {  	v31 =	vld [tilespmem:s30+$0xFFFFFDF0];
	v50 =	vmul.f32 v35, v35;
	v47 =	vadd.f32 v11, v12;
	v48 =	vmul.f32 v33, v33  }
0x763: {  	v45 =	vmul.f32 v32, v32;
	[tilespmem:v16+s25+$0x0] =	vst.idx.add.f32.msk $0xffff, v2;
	v12 =	vmul.f32 v3, v27  }
0x764: {  	v26 =	vperm.xlane v47, v62;
	v27 =	vor.u32 v14, v25;
	v0 =	vadd.f32 v0, v48  }
0x765: {  	v52 =	vlaneseq.u32;
	v25 =	vor.u32 v15, v25;
	[tilespmem:v49+s25+$0x0] =	vst.idx.add.f32.msk $0xffff, v9;
	v12 =	vmul.f32 v12, v3  }
0x766: {  	v49 =	vmul.f32 v4, v20;
	v8 =	vadd.f32 v47, v26;
	v0 =	vadd.f32 v0, v50  }
0x767: {  	v47 =	vmul.f32 v31, v31;
	v46 =	vsub.f32 $1.500000000e+00, v12;
	v12 =	vshll.u32 v28, $0x7  }
0x768: {  	v16 =	vmul.f32 $5.000000000e-01, v8;
	v8 =	vshrl.u32 v8, $0x1;
	v0 =	vadd.f32 v0, v45  }
0x769: {  	v8 =	vsub.s32 $0x5F3759DF, v8;
	v2 =	vmul.f32 v46, v3;
	v3 =	vor.u32 v52, v12  }
0x76a: {  	v9 =	vor.u32 v51, v12;
	v48 =	vmul.f32 v8, v16;
	v0 =	vadd.f32 v0, v47  }
0x76b: {  	[tilespmem:v27+s25+$0x0] =	vst.idx.add.f32.msk $0xffff, v10;
	v11 =	vor.u32 v53, v12;
	v50 =	vmul.f32 v2, v24  }
0x76c: {  	v45 =	vor.u32 v54, v12;
	v10 =	vmul.f32 v8, v48;
	v24 =	vperm.xlane v0, v63  }
0x76d: {  	[tilespmem:v25+s25+$0x0] =	vst.idx.add.f32.msk $0xffff, v49;
	v46 =	vmul.f32 v2, v22;
	v47 =	vmul.f32 v2, v23  }
0x76e: {  	v48 =	vor.u32 v55, v12;
	v49 =	vsub.f32 $1.500000000e+00, v10;
	v0 =	vadd.f32 v0, v24;
	[tilespmem:v3+s25+$0x0] =	vst.idx.add.f32.msk $0xffff, v50  }
0x76f: {  	v23 =	vor.u32 v13, v12;
	v50 =	vmul.f32 v2, v21;
	[tilespmem:v9+s25+$0x0] =	vst.idx.add.f32.msk $0xffff, v46  }
0x770: {  	v4 =	vmul.f32 v8, v49;
	v21 =	vperm.xlane v0, v60;
	[tilespmem:v11+s25+$0x0] =	vst.idx.add.f32.msk $0xffff, v47  }
0x771: {  	v22 =	vmul.f32 v2, v19;
	v19 =	vor.u32 v14, v12;
	v47 =	vld [tilespmem:s30+$0xFFFFFE10]  }
0x772: {  	[tilespmem:v45+s25+$0x0] =	vst.idx.add.f32.msk $0xffff, v50;
	v50 =	vmul.f32 v4, v16;
	v0 =	vadd.f32 v0, v21  }
0x773: {  	v21 =	vmul.f32 v2, v18;
	[tilespmem:v48+s25+$0x0] =	vst.idx.add.f32.msk $0xffff, v22;
	v22 =	vperm.xlane v30, v56  }
0x774: {  	v48 =	vld [tilespmem:s30+$0xFFFFFE00];
	v20 =	vmul.f32 v50, v4;
	v8 =	vperm.xlane v0, v61  }
0x775: {  	v12 =	vor.u32 v15, v12;
	[tilespmem:v23+s25+$0x0] =	vst.idx.add.f32.msk $0xffff, v21;
	v23 =	vmul.f32 v2, v17  }
0x776: {  	v49 =	vld [tilespmem:s30+$0xFFFFFE20];
	v9 =	vshll.u32 v22, $0x7;
	v3 =	vsub.f32 $1.500000000e+00, v20;
	v0 =	vadd.f32 v0, v8  }
0x777: {  	v45 =	vor.u32 v52, v9  }
0x778: {  	[tilespmem:v19+s25+$0x0] =	vst.idx.add.f32.msk $0xffff, v23;
	v3 =	vmul.f32 v3, v4;
	v46 =	vperm.xlane v0, v62  }
0x779: {  	v50 =	vmul.f32 v2, v5;
	v20 =	vld [tilespmem:s30+$0xFFFFFE30];
	v21 =	vmul.f32 v47, v47  }
0x77a: {  	v19 =	vld [tilespmem:s30+$0xFFFFFE40];
	v11 =	vmul.f32 v48, v48;
	v56 =	vmul.f32 v3, v7;
	v0 =	vadd.f32 v0, v46  }
0x77b: {  	v22 =	vmul.f32 v49, v49;
	[tilespmem:v12+s25+$0x0] =	vst.idx.add.f32.msk $0xffff, v50  }
0x77c: {  	v1 =	vadd.f32 v21, v11;
	v7 =	vmul.f32 $5.000000000e-01, v0;
	[tilespmem:v45+s25+$0x0] =	vst.idx.add.f32.msk $0xffff, v56;
	v0 =	vshrl.u32 v0, $0x1  }
0x77d: {  	v23 =	vor.u32 v51, v9;
	v45 =	vld [tilespmem:s30+$0xFFFFFE50];
	v0 =	vsub.s32 $0x5F3759DF, v0  }
0x77e: {  	v1 =	vadd.f32 v1, v22;
	v56 =	vmul.f32 v20, v20;
	v50 =	vmul.f32 v0, v7  }
0x77f: {  	v18 =	vld [tilespmem:s30+$0xFFFFFE60];
	v21 =	vmul.f32 v3, v44  }
0x780: {  	v22 =	vmul.f32 v19, v19;
	v1 =	vadd.f32 v1, v56;
	v8 =	vmul.f32 v0, v50  }
0x781: {  	v17 =	vld [tilespmem:s30+$0xFFFFFE70];
	v5 =	vor.u32 v53, v9;
	v12 =	vmul.f32 v3, v42  }
0x782: {  	[tilespmem:v23+s25+$0x0] =	vst.idx.add.f32.msk $0xffff, v21;
	v1 =	vadd.f32 v1, v22;
	v42 =	vmul.f32 v45, v45;
	v23 =	vsub.f32 $1.500000000e+00, v8  }
0x783: {  	v16 =	vor.u32 v55, v9;
	v11 =	vor.u32 v54, v9  }
0x784: {  	v46 =	vmul.f32 v18, v18;
	v1 =	vadd.f32 v1, v42;
	v0 =	vmul.f32 v0, v23  }
0x785: {  	v44 =	vmul.f32 v3, v40;
	v56 =	vor.u32 v13, v9  }
0x786: {  	v40 =	vld [tilespmem:s30+$0xFFFFFE80];
	v22 =	vmul.f32 v17, v17;
	v1 =	vadd.f32 v1, v46;
	v21 =	vmul.f32 v0, v7  }
0x787: {  	v38 =	vmul.f32 v3, v38;
	[tilespmem:v5+s25+$0x0] =	vst.idx.add.f32.msk $0xffff, v12;
	v50 =	vmul.f32 v3, v41  }
0x788: {  	[tilespmem:v11+s25+$0x0] =	vst.idx.add.f32.msk $0xffff, v44;
	v1 =	vadd.f32 v1, v22;
	v5 =	vmul.f32 v21, v0  }
0x789: {  	v44 =	vperm.xlane v30, v57;
	[tilespmem:v16+s25+$0x0] =	vst.idx.add.f32.msk $0xffff, v50;
	v23 =	vor.u32 v14, v9  }
0x78a: {  	v50 =	vperm.xlane v1, v63;
	v46 =	vsub.f32 $1.500000000e+00, v5;
	v5 =	vld [tilespmem:s30+$0xFFFFFE90]  }
0x78b: {  	v8 =	vshll.u32 v44, $0x7;
	[tilespmem:v56+s25+$0x0] =	vst.idx.add.f32.msk $0xffff, v38  }
0x78c: {  	v56 =	vmul.f32 v3, v36;
	v57 =	vor.u32 v52, v8;
	v7 =	vld [tilespmem:s30+$0xFFFFFEA0];
	v1 =	vadd.f32 v1, v50  }
0x78d: {  	v44 =	vld [tilespmem:s30+$0xFFFFFEB0];
	v9 =	vor.u32 v15, v9;
	v21 =	vmul.f32 v3, v34;
	v0 =	vmul.f32 v46, v0  }
0x78e: {  	v34 =	vmul.f32 v40, v40;
	[tilespmem:v23+s25+$0x0] =	vst.idx.add.f32.msk $0xffff, v56;
	v23 =	vperm.xlane v1, v60  }
0x78f: {  	v22 =	vmul.f32 v0, v6;
	v36 =	vmul.f32 v5, v5  }
0x790: {  	v38 =	vor.u32 v51, v8;
	v42 =	vld [tilespmem:s30+$0xFFFFFEC0];
	v1 =	vadd.f32 v1, v23  }
0x791: {  	v46 =	vmul.f32 v7, v7;
	[tilespmem:v57+s25+$0x0] =	vst.idx.add.f32.msk $0xffff, v22;
	v2 =	vadd.f32 v36, v34  }
0x792: {  	v22 =	vld [tilespmem:s30+$0xFFFFFED0];
	v56 =	vperm.xlane v1, v61  }
0x793: {  	[tilespmem:v9+s25+$0x0] =	vst.idx.add.f32.msk $0xffff, v21;
	v23 =	vmul.f32 v44, v44;
	v2 =	vadd.f32 v2, v46  }
0x794: {  	v50 =	vmul.f32 v0, v43;
	v43 =	vld [tilespmem:s30+$0xFFFFFEE0];
	v57 =	vor.u32 v53, v8;
	v1 =	vadd.f32 v1, v56  }
0x795: {  	v21 =	vld [tilespmem:s30+$0xFFFFFEF0];
	v34 =	vmul.f32 v42, v42;
	v2 =	vadd.f32 v2, v23  }
0x796: {  	[tilespmem:v38+s25+$0x0] =	vst.idx.add.f32.msk $0xffff, v50;
	v38 =	vor.u32 v54, v8;
	v6 =	vperm.xlane v1, v62  }
0x797: {  	v36 =	vmul.f32 v0, v39;
	v39 =	vmul.f32 v22, v22;
	v2 =	vadd.f32 v2, v34  }
0x798: {  	v24 =	vld [tilespmem:s30+$0xFFFFFF00];
	v41 =	vor.u32 v55, v8;
	v50 =	vmul.f32 v0, v37;
	v1 =	vadd.f32 v1, v6  }
0x799: {  	v46 =	vmul.f32 v43, v43;
	[tilespmem:v57+s25+$0x0] =	vst.idx.add.f32.msk $0xffff, v36;
	v2 =	vadd.f32 v2, v39  }
0x79a: {  	v56 =	vor.u32 v13, v8;
	v23 =	vld [tilespmem:s30+$0xFFFFFF10];
	v11 =	vmul.f32 $5.000000000e-01, v1;
	v1 =	vshrl.u32 v1, $0x1  }
0x79b: {  	v57 =	vmul.f32 v21, v21;
	[tilespmem:v38+s25+$0x0] =	vst.idx.add.f32.msk $0xffff, v50;
	v1 =	vsub.s32 $0x5F3759DF, v1;
	v2 =	vadd.f32 v2, v46  }
0x79c: {  	v33 =	vmul.f32 v0, v33;
	v34 =	vmul.f32 v1, v11;
	v46 =	vld [tilespmem:s30+$0xFFFFFF20]  }
0x79d: {  	v36 =	vmul.f32 v0, v35;
	v50 =	vld [tilespmem:s30+$0xFFFFFF30];
	v2 =	vadd.f32 v2, v57  }
0x79e: {  	[tilespmem:v41+s25+$0x0] =	vst.idx.add.f32.msk $0xffff, v33;
	v39 =	vmul.f32 v24, v24;
	v37 =	vmul.f32 v1, v34  }
0x79f: {  	v6 =	vld [tilespmem:s30+$0xFFFFFF40];
	v41 =	vmul.f32 v23, v23;
	v38 =	vperm.xlane v2, v63  }
0x7a0: {  	[tilespmem:v56+s25+$0x0] =	vst.idx.add.f32.msk $0xffff, v36;
	v4 =	vsub.f32 $1.500000000e+00, v37  }
0x7a1: {  	v3 =	vadd.f32 v41, v39;
	v56 =	vmul.f32 v46, v46;
	v2 =	vadd.f32 v2, v38  }
0x7a2: {  	v12 =	vimm.s32 $0x4;
	v10 =	vor.u32 v14, v8;
	v39 =	vld [tilespmem:s30+$0xFFFFFF50];
	v1 =	vmul.f32 v1, v4  }
0x7a3: {  	v33 =	vmul.f32 v50, v50;
	v3 =	vadd.f32 v3, v56;
	v57 =	vperm.xlane v2, v60  }
0x7a4: {  	v12 =	vperm.xlane v30, v12;
	v8 =	vor.u32 v15, v8;
	v41 =	vld [tilespmem:s30+$0xFFFFFF60];
	v11 =	vmul.f32 v1, v11  }
0x7a5: {  	v34 =	vmul.f32 v6, v6;
	v3 =	vadd.f32 v3, v33;
	v2 =	vadd.f32 v2, v57  }
0x7a6: {  	v12 =	vshll.u32 v12, $0x7;
	v35 =	vmul.f32 v0, v32;
	v11 =	vmul.f32 v11, v1  }
0x7a7: {  	v38 =	vld [tilespmem:s30+$0xFFFFFF70];
	v56 =	vmul.f32 v39, v39;
	v3 =	vadd.f32 v3, v34;
	v16 =	vperm.xlane v2, v61  }
0x7a8: {  	v0 =	vmul.f32 v0, v31;
	v32 =	vor.u32 v52, v12;
	[tilespmem:v10+s25+$0x0] =	vst.idx.add.f32.msk $0xffff, v35;
	v57 =	vsub.f32 $1.500000000e+00, v11  }
0x7a9: {  	v36 =	vld [tilespmem:s30+$0xFFFFFFA0];
	v33 =	vmul.f32 v41, v41;
	v3 =	vadd.f32 v3, v56;
	v2 =	vadd.f32 v2, v16  }
0x7aa: {  	[tilespmem:v8+s25+$0x0] =	vst.idx.add.f32.msk $0xffff, v0;
	v34 =	vor.u32 v51, v12;
	v0 =	vmul.f32 v57, v1  }
0x7ab: {  	v3 =	vadd.f32 v3, v33;
	v33 =	vld [tilespmem:s30+$0xFFFFFFD0];
	v37 =	vperm.xlane v2, v62  }
0x7ac: {  	v56 =	vmul.f32 v38, v38;
	v57 =	vor.u32 v53, v12;
	v9 =	vmul.f32 v0, v48;
	v48 =	vld [tilespmem:s30+$0xFFFFFF80]  }
0x7ad: {  	v35 =	vmul.f32 v0, v47;
	v2 =	vadd.f32 v2, v37;
	v37 =	vld [tilespmem:s30+$0xFFFFFF90]  }
0x7ae: {  	v4 =	vor.u32 v54, v12;
	v3 =	vadd.f32 v3, v56;
	[tilespmem:v32+s25+$0x0] =	vst.idx.add.f32.msk $0xffff, v9  }
0x7af: {  	v49 =	vmul.f32 v0, v49;
	v19 =	vmul.f32 v0, v19;
	[tilespmem:v34+s25+$0x0] =	vst.idx.add.f32.msk $0xffff, v35  }
0x7b0: {  	v47 =	vperm.xlane v3, v63;
	v34 =	vld [tilespmem:s30+$0xFFFFFFB0];
	v8 =	vmul.f32 $5.000000000e-01, v2;
	v2 =	vshrl.u32 v2, $0x1  }
0x7b1: {  	v11 =	vmul.f32 v0, v45;
	v18 =	vmul.f32 v0, v18;
	[tilespmem:v57+s25+$0x0] =	vst.idx.add.f32.msk $0xffff, v49;
	v2 =	vsub.s32 $0x5F3759DF, v2  }
0x7b2: {  	v35 =	vld [tilespmem:s30+$0xFFFFFFC0];
	v49 =	vmul.f32 v0, v20;
	v3 =	vadd.f32 v3, v47;
	v56 =	vmul.f32 v2, v8  }
0x7b3: {  	v57 =	vmul.f32 v48, v48;
	v47 =	vmul.f32 v37, v37  }
0x7b4: {  	v31 =	vld [tilespmem:s30+$0xFFFFFFE0];
	v16 =	vperm.xlane v3, v60;
	v10 =	vmul.f32 v2, v56  }
0x7b5: {  	v0 =	vmul.f32 v0, v17;
	v56 =	vmul.f32 v36, v36;
	v1 =	vadd.f32 v47, v57  }
0x7b6: {  	[tilespmem:v4+s25+$0x0] =	vst.idx.add.f32.msk $0xffff, v49;
	v49 =	vmul.f32 v33, v33;
	v3 =	vadd.f32 v3, v16;
	v57 =	vsub.f32 $1.500000000e+00, v10  }
0x7b7: {  	v20 =	vmul.f32 v34, v34;
	v45 =	vmul.f32 v35, v35;
	v1 =	vadd.f32 v1, v56  }
0x7b8: {  	v32 =	vld [tilespmem:s30+$0xFFFFFFF0];
	v10 =	vor.u32 v55, v12;
	v16 =	vperm.xlane v3, v61;
	v2 =	vmul.f32 v2, v57  }
0x7b9: {  	v47 =	vor.u32 v13, v12;
	v56 =	vmul.f32 v31, v31;
	v1 =	vadd.f32 v1, v20  }
0x7ba: {  	v57 =	vimm.s32 $0x5;
	v3 =	vadd.f32 v3, v16;
	v8 =	vmul.f32 v2, v8  }
0x7bb: {  	v16 =	vor.u32 v14, v12;
	v20 =	vperm.xlane v30, v57;
	v1 =	vadd.f32 v1, v45  }
0x7bc: {  	v12 =	vor.u32 v15, v12;
	v17 =	vperm.xlane v3, v62;
	v8 =	vmul.f32 v8, v2  }
0x7bd: {  	[tilespmem:v10+s25+$0x0] =	vst.idx.add.f32.msk $0xffff, v19;
	v19 =	vmul.f32 v32, v32;
	v1 =	vadd.f32 v1, v49  }
0x7be: {  	v9 =	vshll.u32 v20, $0x7;
	v3 =	vadd.f32 v3, v17;
	v8 =	vsub.f32 $1.500000000e+00, v8  }
0x7bf: {  	[tilespmem:v47+s25+$0x0] =	vst.idx.add.f32.msk $0xffff, v11;
	v20 =	vor.u32 v52, v9;
	v1 =	vadd.f32 v1, v56  }
0x7c0: {  	[tilespmem:v16+s25+$0x0] =	vst.idx.add.f32.msk $0xffff, v18;
	v10 =	vmul.f32 $5.000000000e-01, v3;
	v3 =	vshrl.u32 v3, $0x1;
	v2 =	vmul.f32 v8, v2  }
0x7c1: {  	v45 =	vor.u32 v51, v9;
	[tilespmem:v12+s25+$0x0] =	vst.idx.add.f32.msk $0xffff, v0;
	v3 =	vsub.s32 $0x5F3759DF, v3  }
0x7c2: {  	v1 =	vadd.f32 v1, v19;
	v47 =	vmul.f32 v3, v10;
	v12 =	vmul.f32 v2, v40  }
0x7c3: {  	v16 =	vor.u32 v53, v9;
	v5 =	vmul.f32 v2, v5;
	v57 =	vmul.f32 v2, v7  }
0x7c4: {  	v17 =	vor.u32 v54, v9;
	v49 =	vperm.xlane v1, v63;
	v8 =	vmul.f32 v3, v47  }
0x7c5: {  	v19 =	vmul.f32 v2, v44;
	[tilespmem:v20+s25+$0x0] =	vst.idx.add.f32.msk $0xffff, v12;
	v20 =	vor.u32 v55, v9  }
0x7c6: {  	v40 =	vor.u32 v13, v9;
	v0 =	vadd.f32 v1, v49;
	v56 =	vsub.f32 $1.500000000e+00, v8  }
0x7c7: {  	v42 =	vmul.f32 v2, v42;
	v47 =	vor.u32 v14, v9;
	[tilespmem:v45+s25+$0x0] =	vst.idx.add.f32.msk $0xffff, v5  }
0x7c8: {  	[tilespmem:v16+s25+$0x0] =	vst.idx.add.f32.msk $0xffff, v57;
	v18 =	vperm.xlane v0, v60;
	v1 =	vmul.f32 v3, v56  }
0x7c9: {  	v45 =	vmul.f32 v2, v22;
	[tilespmem:v17+s25+$0x0] =	vst.idx.add.f32.msk $0xffff, v19;
	v56 =	vmul.f32 v2, v43  }
0x7ca: {  	v12 =	vimm.s32 $0x6;
	v0 =	vadd.f32 v0, v18;
	v44 =	vmul.f32 v1, v10;
	[tilespmem:v20+s25+$0x0] =	vst.idx.add.f32.msk $0xffff, v42  }
0x7cb: {  	v12 =	vperm.xlane v30, v12;
	[tilespmem:v40+s25+$0x0] =	vst.idx.add.f32.msk $0xffff, v45  }
0x7cc: {  	v49 =	vperm.xlane v0, v61;
	v5 =	vmul.f32 v44, v1;
	[tilespmem:v47+s25+$0x0] =	vst.idx.add.f32.msk $0xffff, v56  }
0x7cd: {  	v47 =	vld [tilespmem:s30+$0x10]  }
0x7ce: {  	v0 =	vadd.f32 v0, v49;
	v57 =	vsub.f32 $1.500000000e+00, v5;
	v5 =	vshll.u32 v12, $0x7  }
0x7cf: {  	v9 =	vor.u32 v15, v9;
	v20 =	vor.u32 v51, v5;
	v51 =	vld [tilespmem:s30+$0x0]  }
0x7d0: {  	v18 =	vor.u32 v52, v5;
	v19 =	vperm.xlane v0, v62  }
0x7d1: {  	v2 =	vmul.f32 v2, v21;
	v49 =	vld [tilespmem:s30+$0x20];
	v1 =	vmul.f32 v57, v1  }
0x7d2: {  	v44 =	vld [tilespmem:s30+$0x40];
	v22 =	vor.u32 v53, v5;
	v57 =	vmul.f32 v47, v47;
	v0 =	vadd.f32 v0, v19  }
0x7d3: {  	v40 =	vor.u32 v54, v5;
	v21 =	vmul.f32 v1, v24;
	v43 =	vmul.f32 v1, v46;
	v46 =	vld [tilespmem:s30+$0x30]  }
0x7d4: {  	[tilespmem:v9+s25+$0x0] =	vst.idx.add.f32.msk $0xffff, v2;
	v8 =	vmul.f32 $5.000000000e-01, v0;
	v0 =	vshrl.u32 v0, $0x1;
	v56 =	vmul.f32 v51, v51  }
0x7d5: {  	v23 =	vmul.f32 v1, v23;
	v50 =	vmul.f32 v1, v50;
	[tilespmem:v18+s25+$0x0] =	vst.idx.add.f32.msk $0xffff, v21;
	v0 =	vsub.s32 $0x5F3759DF, v0  }
0x7d6: {  	v24 =	vld [tilespmem:s30+$0x50];
	v18 =	vmul.f32 v49, v49;
	v42 =	vmul.f32 v0, v8;
	v2 =	vadd.f32 v57, v56  }
0x7d7: {  	v19 =	vor.u32 v55, v5;
	v21 =	vor.u32 v13, v5;
	[tilespmem:v20+s25+$0x0] =	vst.idx.add.f32.msk $0xffff, v23  }
0x7d8: {  	v25 =	vld [tilespmem:s30+$0x60];
	v20 =	vmul.f32 v46, v46;
	v9 =	vmul.f32 v0, v42;
	v2 =	vadd.f32 v2, v18  }
0x7d9: {  	v6 =	vmul.f32 v1, v6;
	v23 =	vmul.f32 v44, v44;
	[tilespmem:v22+s25+$0x0] =	vst.idx.add.f32.msk $0xffff, v43  }
0x7da: {  	v22 =	vor.u32 v14, v5;
	[tilespmem:v40+s25+$0x0] =	vst.idx.add.f32.msk $0xffff, v50;
	v9 =	vsub.f32 $1.500000000e+00, v9;
	v2 =	vadd.f32 v2, v20  }
0x7db: {  	v39 =	vmul.f32 v1, v39;
	v50 =	vmul.f32 v24, v24;
	v42 =	vld [tilespmem:s30+$0x70]  }
0x7dc: {  	[tilespmem:v19+s25+$0x0] =	vst.idx.add.f32.msk $0xffff, v6;
	v0 =	vmul.f32 v0, v9;
	v2 =	vadd.f32 v2, v23  }
0x7dd: {  	v45 =	vperm.xlane v30, v58;
	v56 =	vmul.f32 v1, v41;
	[tilespmem:v21+s25+$0x0] =	vst.idx.add.f32.msk $0xffff, v39  }
0x7de: {  	v58 =	vmul.f32 v25, v25;
	v20 =	vld [tilespmem:s30+$0x90];
	v8 =	vmul.f32 v0, v8;
	v2 =	vadd.f32 v2, v50  }
0x7df: {  	v5 =	vor.u32 v15, v5;
	[tilespmem:v22+s25+$0x0] =	vst.idx.add.f32.msk $0xffff, v56  }
0x7e0: {  	v22 =	vld [tilespmem:s30+$0x80];
	v11 =	vmul.f32 v42, v42;
	v8 =	vmul.f32 v8, v0;
	v2 =	vadd.f32 v2, v58  }
0x7e1: {  	v7 =	vld [tilespmem:s30+$0xC0]  }
0x7e2: {  	v21 =	vld [tilespmem:s30+$0xA0];
	v57 =	vsub.f32 $1.500000000e+00, v8;
	v2 =	vadd.f32 v2, v11  }
0x7e3: {  	v1 =	vmul.f32 v1, v38;
	v6 =	vld [tilespmem:s30+$0xB0]  }
0x7e4: {  	v18 =	vld [tilespmem:s30+$0xD0];
	v0 =	vmul.f32 v57, v0;
	v39 =	vperm.xlane v2, v63  }
0x7e5: {  	[tilespmem:v5+s25+$0x0] =	vst.idx.add.f32.msk $0xffff, v1;
	v41 =	vmul.f32 v20, v20;
	v40 =	vmul.f32 v22, v22  }
0x7e6: {  	v38 =	vmul.f32 v0, v48;
	v1 =	vadd.f32 v2, v39;
	v48 =	vld [tilespmem:$0x1FFC0]  }
0x7e7: {  	v8 =	vshll.u32 v45, $0x7;
	v45 =	vmul.f32 v21, v21;
	v2 =	vadd.f32 v41, v40  }
0x7e8: {  	v10 =	vor.u32 v52, v8;
	v43 =	vperm.xlane v1, v60  }
0x7e9: {  	v56 =	vmul.f32 v6, v6;
	v2 =	vadd.f32 v2, v45  }
0x7ea: {  	v17 =	vld [tilespmem:s30+$0xE0];
	v19 =	vmul.f32 v18, v18;
	v1 =	vadd.f32 v1, v43  }
0x7eb: {  	v5 =	vld [tilespmem:s30+$0xF0];
	v57 =	vmul.f32 v7, v7;
	v2 =	vadd.f32 v2, v56;
	v50 =	vor.u32 v48, v8  }
0x7ec: {  	v11 =	vor.u32 v53, v8;
	v39 =	vmul.f32 v0, v36;
	v36 =	vld [tilespmem:s30+$0x120];
	v4 =	vperm.xlane v1, v61  }
0x7ed: {  	v23 =	vor.u32 v54, v8;
	[tilespmem:v10+s25+$0x0] =	vst.idx.add.f32.msk $0xffff, v38;
	v2 =	vadd.f32 v2, v57  }
0x7ee: {  	v58 =	vmul.f32 v0, v37;
	v43 =	vld [tilespmem:s30+$0x110];
	v1 =	vadd.f32 v1, v4  }
0x7ef: {  	v38 =	vmul.f32 v17, v17;
	v2 =	vadd.f32 v2, v19;
	v19 =	vld [tilespmem:s30+$0x100]  }
0x7f0: {  	v48 =	vmul.f32 v0, v34;
	[tilespmem:v50+s25+$0x0] =	vst.idx.add.f32.msk $0xffff, v58;
	v37 =	vperm.xlane v1, v62  }
0x7f1: {  	v45 =	vmul.f32 v5, v5;
	v2 =	vadd.f32 v2, v38;
	[tilespmem:v11+s25+$0x0] =	vst.idx.add.f32.msk $0xffff, v39  }
0x7f2: {  	v1 =	vadd.f32 v1, v37;
	[tilespmem:v23+s25+$0x0] =	vst.idx.add.f32.msk $0xffff, v48  }
0x7f3: {  	v12 =	vor.u32 v55, v8;
	v2 =	vadd.f32 v2, v45;
	v37 =	vld [tilespmem:s30+$0x130];
	v23 =	vmul.f32 v43, v43  }
0x7f4: {  	v58 =	vmul.f32 v19, v19;
	v10 =	vmul.f32 $5.000000000e-01, v1;
	v1 =	vshrl.u32 v1, $0x1  }
0x7f5: {  	v45 =	vld [tilespmem:s30+$0x140];
	v57 =	vperm.xlane v2, v63;
	v1 =	vsub.s32 $0x5F3759DF, v1  }
0x7f6: {  	v34 =	vmul.f32 v36, v36;
	v3 =	vadd.f32 v23, v58;
	v56 =	vmul.f32 v1, v10  }
0x7f7: {  	v40 =	vld [tilespmem:s30+$0x150];
	v16 =	vmul.f32 v0, v33;
	v50 =	vmul.f32 v0, v35;
	v2 =	vadd.f32 v2, v57  }
0x7f8: {  	v38 =	vld [tilespmem:s30+$0x160];
	v3 =	vadd.f32 v3, v34;
	v41 =	vmul.f32 v37, v37;
	v4 =	vmul.f32 v1, v56  }
0x7f9: {  	v35 =	vor.u32 v13, v8;
	[tilespmem:v12+s25+$0x0] =	vst.idx.add.f32.msk $0xffff, v50;
	v12 =	vperm.xlane v2, v60  }
0x7fa: {  	v50 =	vmul.f32 v45, v45;
	v3 =	vadd.f32 v3, v41;
	v4 =	vsub.f32 $1.500000000e+00, v4  }
0x7fb: {  	v33 =	vmul.f32 v0, v31;
	v48 =	vor.u32 v14, v8;
	v2 =	vadd.f32 v2, v12  }
0x7fc: {  	v39 =	vld [tilespmem:s30+$0x170];
	v58 =	vmul.f32 v40, v40;
	v3 =	vadd.f32 v3, v50;
	v1 =	vmul.f32 v1, v4  }
0x7fd: {  	v57 =	vimm.s32 $0x8;
	v34 =	vmul.f32 v38, v38;
	v12 =	vperm.xlane v2, v61  }
0x7fe: {  	v3 =	vadd.f32 v3, v58;
	v56 =	vmul.f32 v1, v10;
	v10 =	vperm.xlane v30, v57  }
0x7ff: {  	v8 =	vor.u32 v15, v8;
	[tilespmem:v35+s25+$0x0] =	vst.idx.add.f32.msk $0xffff, v16;
	v2 =	vadd.f32 v2, v12  }
0x800: {  	[tilespmem:v48+s25+$0x0] =	vst.idx.add.f32.msk $0xffff, v33;
	v3 =	vadd.f32 v3, v34;
	v9 =	vmul.f32 v56, v1;
	v10 =	vshll.u32 v10, $0x7  }
0x801: {  	v23 =	vld [tilespmem:s30+$0x180];
	v12 =	vperm.xlane v2, v62;
	v35 =	vor.u32 v52, v10;
	v52 =	vmul.f32 v39, v39  }
0x802: {  	v0 =	vmul.f32 v0, v32;
	v48 =	vld [tilespmem:s30+$0x190];
	v9 =	vsub.f32 $1.500000000e+00, v9  }
0x803: {  	v56 =	vld [tilespmem:$0x1FFC0];
	v2 =	vadd.f32 v2, v12;
	v3 =	vadd.f32 v3, v52  }
0x804: {  	[tilespmem:v8+s25+$0x0] =	vst.idx.add.f32.msk $0xffff, v0;
	v0 =	vmul.f32 v9, v1  }
0x805: {  	v58 =	vmul.f32 $5.000000000e-01, v2;
	v2 =	vshrl.u32 v2, $0x1;
	v41 =	vperm.xlane v3, v63  }
0x806: {  	v2 =	vsub.s32 $0x5F3759DF, v2;
	v57 =	vmul.f32 v0, v51  }
0x807: {  	v16 =	vmul.f32 v23, v23;
	v50 =	vmul.f32 v2, v58;
	v3 =	vadd.f32 v3, v41;
	v41 =	vld [tilespmem:s30+$0x1A0]  }
0x808: {  	v26 =	vmul.f32 v48, v48;
	v1 =	vor.u32 v56, v10;
	[tilespmem:v35+s25+$0x0] =	vst.idx.add.f32.msk $0xffff, v57  }
0x809: {  	v51 =	vmul.f32 v2, v50;
	v35 =	vld [tilespmem:s30+$0x1B0]  }
0x80a: {  	v16 =	vadd.f32 v26, v16;
	v27 =	vor.u32 v54, v10;
	v28 =	vor.u32 v55, v10  }
0x80b: {  	v34 =	vld [tilespmem:s30+$0x1C0];
	v47 =	vmul.f32 v0, v47;
	v52 =	vperm.xlane v3, v60;
	v9 =	vsub.f32 $1.500000000e+00, v51  }
0x80c: {  	v33 =	vld [tilespmem:s30+$0x1D0];
	v12 =	vor.u32 v53, v10;
	v4 =	vmul.f32 v0, v46;
	v26 =	vmul.f32 v41, v41  }
0x80d: {  	[tilespmem:v1+s25+$0x0] =	vst.idx.add.f32.msk $0xffff, v47;
	v3 =	vadd.f32 v3, v52;
	v2 =	vmul.f32 v2, v9  }
0x80e: {  	v32 =	vld [tilespmem:s30+$0x1E0];
	v1 =	vmul.f32 v0, v49;
	v16 =	vadd.f32 v16, v26;
	v26 =	vmul.f32 v35, v35  }
0x80f: {  	v29 =	vor.u32 v13, v10;
	v57 =	vperm.xlane v3, v61;
	v8 =	vmul.f32 v2, v58  }
0x810: {  	v31 =	vld [tilespmem:s30+$0x1F0];
	v58 =	vmul.f32 v0, v25;
	v25 =	vmul.f32 v34, v34;
	v16 =	vadd.f32 v16, v26  }
0x811: {  	v56 =	vmul.f32 v0, v44;
	v24 =	vmul.f32 v0, v24;
	[tilespmem:v12+s25+$0x0] =	vst.idx.add.f32.msk $0xffff, v1  }
0x812: {  	v3 =	vadd.f32 v3, v57;
	v16 =	vadd.f32 v16, v25;
	v25 =	vmul.f32 v33, v33  }
0x813: {  	v50 =	vimm.s32 $0x9;
	v12 =	vmul.f32 v32, v32;
	[tilespmem:v27+s25+$0x0] =	vst.idx.add.f32.msk $0xffff, v4;
	v8 =	vmul.f32 v8, v2  }
0x814: {  	v26 =	vor.u32 v14, v10;
	v49 =	vperm.xlane v3, v62;
	v52 =	vadd.f32 v16, v25  }
0x815: {  	v46 =	vperm.xlane v30, v50;
	v51 =	vor.u32 v15, v10;
	v57 =	vld [tilespmem:$0x1FFC0];
	v8 =	vsub.f32 $1.500000000e+00, v8  }
0x816: {  	v3 =	vadd.f32 v3, v49;
	v10 =	vadd.f32 v52, v12;
	v12 =	vmul.f32 v31, v31  }
0x817: {  	v4 =	vshll.u32 v46, $0x7;
	[tilespmem:v28+s25+$0x0] =	vst.idx.add.f32.msk $0xffff, v56;
	v28 =	vlaneseq.u32;
	v2 =	vmul.f32 v8, v2  }
0x818: {  	[tilespmem:v29+s25+$0x0] =	vst.idx.add.f32.msk $0xffff, v24;
	v16 =	vmul.f32 $5.000000000e-01, v3;
	v3 =	vshrl.u32 v3, $0x1;
	v10 =	vadd.f32 v10, v12  }
0x819: {  	v56 =	vor.u32 v28, v4;
	[tilespmem:v26+s25+$0x0] =	vst.idx.add.f32.msk $0xffff, v58;
	v3 =	vsub.s32 $0x5F3759DF, v3;
	v58 =	vmul.f32 v2, v22  }
0x81a: {  	v8 =	vor.u32 v57, v4;
	v24 =	vmul.f32 v3, v16;
	v22 =	vperm.xlane v10, v63  }
0x81b: {  	v0 =	vmul.f32 v0, v42;
	v25 =	vor.u32 v53, v4  }
0x81c: {  	v9 =	vld [tilespmem:$0x1FFC0];
	v44 =	vor.u32 v54, v4;
	v12 =	vmul.f32 v3, v24;
	v1 =	vadd.f32 v10, v22  }
0x81d: {  	v46 =	vor.u32 v55, v4;
	[tilespmem:v51+s25+$0x0] =	vst.idx.add.f32.msk $0xffff, v0;
	v20 =	vmul.f32 v2, v20  }
0x81e: {  	v42 =	vmul.f32 v2, v21;
	[tilespmem:v56+s25+$0x0] =	vst.idx.add.f32.msk $0xffff, v58;
	v12 =	vsub.f32 $1.500000000e+00, v12;
	v49 =	vperm.xlane v1, v60  }
0x81f: {  	v47 =	vor.u32 v13, v4;
	v6 =	vmul.f32 v2, v6;
	[tilespmem:v8+s25+$0x0] =	vst.idx.add.f32.msk $0xffff, v20  }
0x820: {  	[tilespmem:v25+s25+$0x0] =	vst.idx.add.f32.msk $0xffff, v42;
	v3 =	vmul.f32 v3, v12;
	v1 =	vadd.f32 v1, v49  }
0x821: {  	v50 =	vor.u32 v14, v4;
	v7 =	vmul.f32 v2, v7;
	v42 =	vld [tilespmem:s30+$0x210]  }
0x822: {  	[tilespmem:v44+s25+$0x0] =	vst.idx.add.f32.msk $0xffff, v6;
	v12 =	vmul.f32 v3, v16;
	v58 =	vperm.xlane v1, v61  }
0x823: {  	v4 =	vor.u32 v15, v4;
	v51 =	vmul.f32 v2, v18;
	v44 =	vld [tilespmem:s30+$0x220]  }
0x824: {  	v56 =	vimm.s32 $0xA;
	[tilespmem:v46+s25+$0x0] =	vst.idx.add.f32.msk $0xffff, v7;
	v52 =	vmul.f32 v12, v3;
	v1 =	vadd.f32 v1, v58  }
0x825: {  	v57 =	vmul.f32 v2, v17;
	v7 =	vperm.xlane v30, v56;
	[tilespmem:v47+s25+$0x0] =	vst.idx.add.f32.msk $0xffff, v51  }
0x826: {  	v47 =	vld [tilespmem:s30+$0x200];
	v0 =	vsub.f32 $1.500000000e+00, v52;
	v10 =	vperm.xlane v1, v62  }
0x827: {  	v2 =	vmul.f32 v2, v5;
	v6 =	vshll.u32 v7, $0x7;
	[tilespmem:v50+s25+$0x0] =	vst.idx.add.f32.msk $0xffff, v57  }
0x828: {  	v46 =	vld [tilespmem:s30+$0x240];
	v7 =	vor.u32 v28, v6;
	v0 =	vmul.f32 v0, v3;
	v1 =	vadd.f32 v1, v10  }
0x829: {  	[tilespmem:v4+s25+$0x0] =	vst.idx.add.f32.msk $0xffff, v2;
	v20 =	vmul.f32 v42, v42;
	v3 =	vor.u32 v9, v6  }
0x82a: {  	v18 =	vmul.f32 v0, v43;
	v43 =	vld [tilespmem:s30+$0x230];
	v4 =	vmul.f32 $5.000000000e-01, v1;
	v1 =	vshrl.u32 v1, $0x1  }
0x82b: {  	v50 =	vld [tilespmem:s30+$0x250];
	v11 =	vmul.f32 v0, v19;
	v19 =	vmul.f32 v47, v47;
	v1 =	vsub.s32 $0x5F3759DF, v1  }
0x82c: {  	v21 =	vor.u32 v53, v6;
	v54 =	vor.u32 v54, v6;
	v22 =	vmul.f32 v1, v4  }
0x82d: {  	v51 =	vld [tilespmem:s30+$0x280];
	v57 =	vor.u32 v55, v6;
	v52 =	vmul.f32 v44, v44;
	v2 =	vadd.f32 v20, v19  }
0x82e: {  	v53 =	vmul.f32 v0, v36;
	[tilespmem:v7+s25+$0x0] =	vst.idx.add.f32.msk $0xffff, v11;
	v7 =	vmul.f32 v1, v22  }
0x82f: {  	v36 =	vld [tilespmem:s30+$0x260];
	v11 =	vmul.f32 v46, v46;
	v2 =	vadd.f32 v2, v52;
	v56 =	vmul.f32 v43, v43  }
0x830: {  	v19 =	vmul.f32 v50, v50;
	v20 =	vmul.f32 v0, v45;
	[tilespmem:v3+s25+$0x0] =	vst.idx.add.f32.msk $0xffff, v18;
	v58 =	vsub.f32 $1.500000000e+00, v7  }
0x831: {  	v45 =	vor.u32 v14, v6;
	v18 =	vmul.f32 v0, v37;
	v37 =	vld [tilespmem:s30+$0x270];
	v2 =	vadd.f32 v2, v56  }
0x832: {  	[tilespmem:v21+s25+$0x0] =	vst.idx.add.f32.msk $0xffff, v53;
	v21 =	vor.u32 v13, v6;
	v1 =	vmul.f32 v1, v58  }
0x833: {  	v6 =	vor.u32 v15, v6;
	[tilespmem:v54+s25+$0x0] =	vst.idx.add.f32.msk $0xffff, v18;
	v2 =	vadd.f32 v2, v11  }
0x834: {  	v18 =	vmul.f32 v0, v38;
	[tilespmem:v57+s25+$0x0] =	vst.idx.add.f32.msk $0xffff, v20;
	v4 =	vmul.f32 v1, v4  }
0x835: {  	v38 =	vld [tilespmem:$0x1FFC0];
	v57 =	vmul.f32 v0, v40;
	v22 =	vmul.f32 v36, v36;
	v2 =	vadd.f32 v2, v19  }
0x836: {  	v40 =	vld [tilespmem:s30+$0x290];
	v4 =	vmul.f32 v4, v1  }
0x837: {  	v56 =	vmul.f32 v37, v37;
	[tilespmem:v21+s25+$0x0] =	vst.idx.add.f32.msk $0xffff, v57;
	v2 =	vadd.f32 v2, v22  }
0x838: {  	v0 =	vmul.f32 v0, v39;
	[tilespmem:v45+s25+$0x0] =	vst.idx.add.f32.msk $0xffff, v18;
	v58 =	vimm.s32 $0xB;
	v4 =	vsub.f32 $1.500000000e+00, v4  }
0x839: {  	v9 =	vperm.xlane v30, v58;
	v2 =	vadd.f32 v2, v56;
	v56 =	vld [tilespmem:s30+$0x2A0]  }
0x83a: {  	[tilespmem:v6+s25+$0x0] =	vst.idx.add.f32.msk $0xffff, v0;
	v1 =	vmul.f32 v4, v1  }
0x83b: {  	v58 =	vld [tilespmem:s30+$0x2B0];
	v22 =	vmul.f32 v51, v51;
	v8 =	vshll.u32 v9, $0x7;
	v20 =	vperm.xlane v2, v63  }
0x83c: {  	v49 =	vld [tilespmem:s30+$0x2E0];
	v19 =	vor.u32 v28, v8;
	v21 =	vmul.f32 v1, v23;
	v23 =	vmul.f32 v40, v40  }
0x83d: {  	v6 =	vor.u32 v38, v8;
	v38 =	vld [tilespmem:s30+$0x2C0];
	v2 =	vadd.f32 v2, v20  }
0x83e: {  	v53 =	vld [tilespmem:s30+$0x2D0];
	v39 =	vmul.f32 v56, v56;
	v0 =	vadd.f32 v23, v22  }
0x83f: {  	v57 =	vld [tilespmem:$0x1FFD0];
	v7 =	vperm.xlane v2, v60  }
0x840: {  	v52 =	vmul.f32 v58, v58;
	v45 =	vmul.f32 v1, v48;
	v48 =	vld [tilespmem:s30+$0x310];
	v0 =	vadd.f32 v0, v39  }
0x841: {  	[tilespmem:v19+s25+$0x0] =	vst.idx.add.f32.msk $0xffff, v21;
	v2 =	vadd.f32 v2, v7  }
0x842: {  	v55 =	vmul.f32 v38, v38;
	[tilespmem:v6+s25+$0x0] =	vst.idx.add.f32.msk $0xffff, v45;
	v0 =	vadd.f32 v0, v52  }
0x843: {  	v45 =	vld [tilespmem:s30+$0x2F0];
	v54 =	vperm.xlane v2, v61  }
0x844: {  	v9 =	vmul.f32 v53, v53;
	v39 =	vld [tilespmem:s30+$0x320];
	v0 =	vadd.f32 v0, v55  }
0x845: {  	v2 =	vadd.f32 v2, v54;
	v52 =	vld [tilespmem:s30+$0x300]  }
0x846: {  	v11 =	vmul.f32 v49, v49;
	v4 =	vor.u32 v57, v8;
	v0 =	vadd.f32 v0, v9  }
0x847: {  	v25 =	vimm.s32 $0xC;
	v12 =	vld [tilespmem:$0x1FFF0];
	v5 =	vperm.xlane v2, v62  }
0x848: {  	v57 =	vld [tilespmem:s30+$0x340];
	v10 =	vmul.f32 v1, v41;
	v18 =	vmul.f32 v45, v45;
	v0 =	vadd.f32 v0, v11  }
0x849: {  	v41 =	vld [tilespmem:s30+$0x330];
	v16 =	vmul.f32 v1, v33;
	v21 =	vmul.f32 v48, v48;
	v2 =	vadd.f32 v2, v5  }
0x84a: {  	v33 =	vld [tilespmem:s30+$0x3A0];
	v23 =	vmul.f32 v39, v39;
	v20 =	vmul.f32 v52, v52;
	v0 =	vadd.f32 v0, v18  }
0x84b: {  	[tilespmem:v4+s25+$0x0] =	vst.idx.add.f32.msk $0xffff, v10;
	v9 =	vmul.f32 v1, v35;
	v19 =	vshrl.u32 v2, $0x1;
	v2 =	vmul.f32 $5.000000000e-01, v2  }
0x84c: {  	v35 =	vld [tilespmem:s30+$0x350];
	v4 =	vsub.s32 $0x5F3759DF, v19;
	v3 =	vadd.f32 v21, v20;
	v22 =	vperm.xlane v0, v63  }
0x84d: {  	v25 =	vperm.xlane v30, v25;
	v54 =	vld [tilespmem:s30+$0x360];
	v18 =	vmul.f32 v4, v2  }
0x84e: {  	v19 =	vmul.f32 v41, v41;
	v20 =	vld [tilespmem:$0x1FFE0];
	v3 =	vadd.f32 v3, v23;
	v0 =	vadd.f32 v0, v22  }
0x84f: {  	v55 =	vld [tilespmem:s30+$0x390];
	v11 =	vmul.f32 v1, v34;
	v21 =	vmul.f32 v4, v18  }
0x850: {  	v34 =	vld [tilespmem:s30+$0x380];
	v23 =	vmul.f32 v57, v57;
	v3 =	vadd.f32 v3, v19;
	v22 =	vperm.xlane v0, v60  }
0x851: {  	v12 =	vor.u32 v12, v8;
	v6 =	vld [tilespmem:s30+$0x370];
	v5 =	vmul.f32 v35, v35;
	v17 =	vsub.f32 $1.500000000e+00, v21  }
0x852: {  	v19 =	vmul.f32 v33, v33;
	v3 =	vadd.f32 v3, v23;
	v0 =	vadd.f32 v0, v22  }
0x853: {  	v10 =	vor.u32 v20, v8;
	v21 =	vmul.f32 v1, v32;
	v4 =	vmul.f32 v4, v17  }
0x854: {  	v17 =	vmul.f32 v54, v54;
	v3 =	vadd.f32 v3, v5;
	v5 =	vld [tilespmem:s30+$0x3B0];
	v7 =	vperm.xlane v0, v61  }
0x855: {  	v20 =	vor.u32 v13, v8;
	v32 =	vmul.f32 v34, v34;
	v23 =	vmul.f32 v55, v55  }
0x856: {  	v3 =	vadd.f32 v3, v17;
	v17 =	vmul.f32 v6, v6;
	v0 =	vadd.f32 v0, v7;
	v7 =	vld [tilespmem:s30+$0x3C0]  }
0x857: {  	v1 =	vmul.f32 v1, v31;
	v18 =	vadd.f32 v23, v32;
	v22 =	vor.u32 v14, v8  }
0x858: {  	v2 =	vmul.f32 v4, v2;
	v3 =	vadd.f32 v3, v17;
	v17 =	vld [tilespmem:s30+$0x3D0];
	v32 =	vperm.xlane v0, v62  }
0x859: {  	v8 =	vor.u32 v15, v8;
	v19 =	vadd.f32 v18, v19;
	v18 =	vld [tilespmem:s30+$0x3E0];
	v24 =	vmul.f32 v5, v5  }
0x85a: {  	[tilespmem:v10+s25+$0x0] =	vst.idx.add.f32.msk $0xffff, v9;
	v0 =	vadd.f32 v0, v32;
	v32 =	vperm.xlane v3, v63  }
0x85b: {  	[tilespmem:v12+s25+$0x0] =	vst.idx.add.f32.msk $0xffff, v11;
	v24 =	vadd.f32 v19, v24;
	v26 =	vmul.f32 v7, v7  }
0x85c: {  	v2 =	vmul.f32 v2, v4;
	v19 =	vld [tilespmem:s30+$0x3F0];
	v3 =	vadd.f32 v3, v32;
	v9 =	vshrl.u32 v0, $0x1  }
0x85d: {  	[tilespmem:v20+s25+$0x0] =	vst.idx.add.f32.msk $0xffff, v16;
	v32 =	vmul.f32 v17, v17;
	v0 =	vmul.f32 $5.000000000e-01, v0;
	v10 =	vadd.f32 v24, v26  }
0x85e: {  	v2 =	vsub.f32 $1.500000000e+00, v2;
	[tilespmem:v22+s25+$0x0] =	vst.idx.add.f32.msk $0xffff, v21;
	v9 =	vsub.s32 $0x5F3759DF, v9;
	v12 =	vperm.xlane v3, v60  }
0x85f: {  	v20 =	vmul.f32 v9, v0;
	v10 =	vadd.f32 v10, v32;
	v32 =	vmul.f32 v18, v18  }
0x860: {  	v25 =	vshll.u32 v25, $0x7;
	v2 =	vmul.f32 v2, v4;
	[tilespmem:v8+s25+$0x0] =	vst.idx.add.f32.msk $0xffff, v1;
	v3 =	vadd.f32 v3, v12  }
0x861: {  	v12 =	vmul.f32 v19, v19;
	v4 =	vmul.f32 v9, v20;
	v10 =	vadd.f32 v10, v32  }
0x862: {  	v11 =	vor.u32 v28, v25;
	v32 =	vld [tilespmem:$0x1FFC0];
	v23 =	vperm.xlane v3, v61  }
0x863: {  	v4 =	vsub.f32 $1.500000000e+00, v4;
	v8 =	vadd.f32 v10, v12;
	v12 =	vmul.f32 v2, v44;
	v44 =	vld [tilespmem:$0x1FFD0]  }
0x864: {  	v1 =	vadd.f32 v3, v23;
	v23 =	vld [tilespmem:$0x1FFE0]  }
0x865: {  	v16 =	vmul.f32 v2, v47;
	v4 =	vmul.f32 v9, v4  }
0x866: {  	v47 =	vmul.f32 v2, v43;
	v43 =	vld [tilespmem:$0x1FFF0]  }
0x867: {  	[tilespmem:v11+s25+$0x0] =	vst.idx.add.f32.msk $0xffff, v16;
	v11 =	vor.u32 v32, v25;
	v0 =	vmul.f32 v4, v0  }
0x868: {  	v20 =	vor.u32 v44, v25  }
0x869: {  	v0 =	vmul.f32 v0, v4;
	v9 =	vor.u32 v23, v25  }
0x86a: {  	v26 =	vor.u32 v13, v25;
	v10 =	vmul.f32 v2, v42;
	v42 =	vperm.xlane v8, v63  }
0x86b: {  	v16 =	vld [tilespmem:s31+$0x0];
	v32 =	vperm.xlane v1, v62;
	v23 =	vor.u32 v43, v25;
	v0 =	vsub.f32 $1.500000000e+00, v0  }
0x86c: {  	v3 =	vadd.f32 v8, v42;
	v42 =	vmul.f32 v2, v46;
	[tilespmem:v11+s25+$0x0] =	vst.idx.add.f32.msk $0xffff, v10  }
0x86d: {  	v46 =	vor.u32 v14, v25;
	v0 =	vmul.f32 v0, v4;
	[tilespmem:v20+s25+$0x0] =	vst.idx.add.f32.msk $0xffff, v12  }
0x86e: {  	v1 =	vadd.f32 v1, v32;
	v44 =	vperm.xlane v3, v60;
	[tilespmem:v9+s25+$0x0] =	vst.idx.add.f32.msk $0xffff, v47  }
0x86f: {  	v24 =	vmul.f32 v2, v50;
	v43 =	vmul.f32 v0, v51;
	v51 =	vld [tilespmem:$0x1FFC0]  }
0x870: {  	v3 =	vadd.f32 v3, v44;
	v10 =	vmul.f32 $5.000000000e-01, v1;
	v1 =	vshrl.u32 v1, $0x1;
	[tilespmem:v23+s25+$0x0] =	vst.idx.add.f32.msk $0xffff, v42  }
0x871: {  	v47 =	vor.u32 v15, v25;
	v42 =	vmul.f32 v2, v36;
	v2 =	vmul.f32 v2, v37;
	v37 =	vld [tilespmem:$0x1FFE0]  }
0x872: {  	v27 =	vimm.s32 $0xD;
	v1 =	vsub.s32 $0x5F3759DF, v1;
	v32 =	vperm.xlane v3, v61;
	[tilespmem:v26+s25+$0x0] =	vst.idx.add.f32.msk $0xffff, v24  }
0x873: {  	v27 =	vperm.xlane v16, v27;
	v50 =	vmul.f32 v1, v10;
	[tilespmem:v46+s25+$0x0] =	vst.idx.add.f32.msk $0xffff, v42  }
0x874: {  	v3 =	vadd.f32 v3, v32;
	v46 =	vld [tilespmem:$0x1FFD0]  }
0x875: {  	v12 =	vshll.u32 v27, $0x7;
	v20 =	vmul.f32 v1, v50;
	v50 =	vmul.f32 v0, v40;
	v40 =	vld [tilespmem:$0x1FFF0]  }
0x876: {  	v4 =	vor.u32 v28, v12;
	[tilespmem:v47+s25+$0x0] =	vst.idx.add.f32.msk $0xffff, v2;
	v47 =	vperm.xlane v3, v62  }
0x877: {  	v20 =	vsub.f32 $1.500000000e+00, v20  }
0x878: {  	v44 =	vor.u32 v51, v12;
	v3 =	vadd.f32 v3, v47  }
0x879: {  	v32 =	vmul.f32 v0, v56;
	v1 =	vmul.f32 v1, v20;
	v2 =	vor.u32 v46, v12  }
0x87a: {  	v20 =	vor.u32 v37, v12;
	v11 =	vmul.f32 $5.000000000e-01, v3;
	v3 =	vshrl.u32 v3, $0x1  }
0x87b: {  	v36 =	vmul.f32 v0, v58;
	[tilespmem:v4+s25+$0x0] =	vst.idx.add.f32.msk $0xffff, v43;
	v4 =	vor.u32 v40, v12;
	v3 =	vsub.s32 $0x5F3759DF, v3  }
0x87c: {  	v24 =	vmul.f32 v0, v53;
	v53 =	vld [tilespmem:$0x1FFD0];
	v42 =	vor.u32 v13, v12;
	v47 =	vmul.f32 v3, v11  }
0x87d: {  	v10 =	vmul.f32 v1, v10;
	[tilespmem:v44+s25+$0x0] =	vst.idx.add.f32.msk $0xffff, v50;
	v44 =	vor.u32 v14, v12  }
0x87e: {  	v50 =	vmul.f32 v0, v38;
	[tilespmem:v2+s25+$0x0] =	vst.idx.add.f32.msk $0xffff, v32;
	v32 =	vmul.f32 v3, v47  }
0x87f: {  	v30 =	vimm.s32 $0xE;
	v43 =	vmul.f32 v10, v1;
	[tilespmem:v20+s25+$0x0] =	vst.idx.add.f32.msk $0xffff, v36  }
0x880: {  	v46 =	vperm.xlane v16, v30;
	v36 =	vmul.f32 v0, v49;
	[tilespmem:v4+s25+$0x0] =	vst.idx.add.f32.msk $0xffff, v50;
	v38 =	vsub.f32 $1.500000000e+00, v32  }
0x881: {  	v8 =	vsub.f32 $1.500000000e+00, v43;
	[tilespmem:v42+s25+$0x0] =	vst.idx.add.f32.msk $0xffff, v24  }
0x882: {  	v9 =	vshll.u32 v46, $0x7;
	[tilespmem:v44+s25+$0x0] =	vst.idx.add.f32.msk $0xffff, v36;
	v3 =	vmul.f32 v3, v38  }
0x883: {  	v21 =	vor.u32 v28, v9;
	v1 =	vmul.f32 v8, v1;
	v44 =	vld [tilespmem:$0x1FFE0]  }
0x884: {  	v12 =	vor.u32 v15, v12;
	v46 =	vld [tilespmem:$0x1FFF0];
	v11 =	vmul.f32 v3, v11  }
0x885: {  	v37 =	vor.u32 v51, v9;
	v0 =	vmul.f32 v0, v45;
	v40 =	vmul.f32 v1, v52  }
0x886: {  	v43 =	vmul.f32 v1, v48;
	v42 =	vor.u32 v53, v9;
	v11 =	vmul.f32 v11, v3  }
0x887: {  	v45 =	vimm.s32 $0xF;
	v23 =	vmul.f32 v1, v35;
	v35 =	vmul.f32 v1, v54;
	v54 =	vld [tilespmem:$0x1FFE0]  }
0x888: {  	v16 =	vperm.xlane v16, v45;
	[tilespmem:v21+s25+$0x0] =	vst.idx.add.f32.msk $0xffff, v40;
	v10 =	vor.u32 v44, v9;
	v21 =	vsub.f32 $1.500000000e+00, v11  }
0x889: {  	v4 =	vor.u32 v46, v9;
	v47 =	vmul.f32 v1, v39;
	[tilespmem:v12+s25+$0x0] =	vst.idx.add.f32.msk $0xffff, v0  }
0x88a: {  	v22 =	vshll.u32 v16, $0x7;
	[tilespmem:v37+s25+$0x0] =	vst.idx.add.f32.msk $0xffff, v43;
	v12 =	vor.u32 v13, v9;
	v3 =	vmul.f32 v21, v3  }
0x88b: {  	v48 =	vmul.f32 v1, v41;
	v32 =	vor.u32 v28, v22;
	[tilespmem:v42+s25+$0x0] =	vst.idx.add.f32.msk $0xffff, v47  }
0x88c: {  	v49 =	vmul.f32 v1, v57;
	v50 =	vor.u32 v14, v9;
	v41 =	vmul.f32 v3, v55;
	v55 =	vld [tilespmem:$0x1FFF0]  }
0x88d: {  	v36 =	vor.u32 v51, v22;
	[tilespmem:v10+s25+$0x0] =	vst.idx.add.f32.msk $0xffff, v48  }
0x88e: {  	v20 =	vor.u32 v15, v9;
	v39 =	vmul.f32 v3, v34;
	[tilespmem:v4+s25+$0x0] =	vst.idx.add.f32.msk $0xffff, v49  }
0x88f: {  	v38 =	vor.u32 v53, v22;
	[tilespmem:v12+s25+$0x0] =	vst.idx.add.f32.msk $0xffff, v23  }
0x890: {  	v40 =	vor.u32 v54, v22;
	[tilespmem:v32+s25+$0x0] =	vst.idx.add.f32.msk $0xffff, v39  }
0x891: {  	v37 =	vmul.f32 v1, v6;
	[tilespmem:v50+s25+$0x0] =	vst.idx.add.f32.msk $0xffff, v35;
	v42 =	vor.u32 v55, v22  }
0x892: {  	v44 =	vor.u32 v13, v22;
	v43 =	vmul.f32 v3, v33;
	[tilespmem:v36+s25+$0x0] =	vst.idx.add.f32.msk $0xffff, v41  }
0x893: {  	s1 =	sadd.s32 $0x10, s1;
	v46 =	vor.u32 v14, v22;
	v45 =	vmul.f32 v3, v5;
	[tilespmem:v20+s25+$0x0] =	vst.idx.add.f32.msk $0xffff, v37  }
0x894: {  	p1 =	slt.u32 s1, $0x70;
	v47 =	vmul.f32 v3, v7;
	v48 =	vor.u32 v15, v22;
	[tilespmem:v38+s25+$0x0] =	vst.idx.add.f32.msk $0xffff, v43  }
.Ltmp10:
0x895: {  	v49 =	vmul.f32 v3, v17;
	[tilespmem:v40+s25+$0x0] =	vst.idx.add.f32.msk $0xffff, v45;
	(pc) =	sbr.rel @p1 .LBB2_23-.Ltmp10, $4  }
0x896: {  	v50 =	vmul.f32 v3, v18;
	[tilespmem:v42+s25+$0x0] =	vst.idx.add.f32.msk $0xffff, v47  }
0x897: {  	v52 =	vmul.f32 v3, v19;
	[tilespmem:v44+s25+$0x0] =	vst.idx.add.f32.msk $0xffff, v49  }
0x898: {  	v29 =	vimm.s32 $0x1;
	v27 =	vimm.s32 $0x0;
	[tilespmem:v46+s25+$0x0] =	vst.idx.add.f32.msk $0xffff, v50  }
0x899: {  	s30 =	sadd.s32 $0x800, s30;
	s31 =	sadd.s32 $0x10, s31;
	v56 =	vimm.s32 $0x2;
	v58 =	vimm.s32 $0x7;
	v57 =	vimm.s32 $0x3;
	[tilespmem:v48+s25+$0x0] =	vst.idx.add.f32.msk $0xffff, v52  }
0x89a: {  	s1 =	simm.s32 @p0 $0x0;
	s30 =	simm.s32 @p0 $0x200  }
0x89b: {  	[tilespmem:s30], [sflag:$0x1] =	stream.linear.gather @p0 [hbm4b:s17+s1], $0x4000, $0x38;
	[tilespmem:$0x18400] =	vst v63  }
0x89c: {  	_ =	swait.ge [sflag:s28], $0x4000  }
0x89d: {  	s0 =	sadd.s32 $0x80, s0;
	[sflag:s28] =	ssyncset.done $0x0  }
0x89e: {  	s1 =	simm.s32 $0xFFFFFFF0;
	s30 =	simm.s32 $0x4600;
	[sflag:s28] =	ssyncadd.s32 $0xFFFFC000  }
.LBB2_25:
0x89f: {  	v0 =	vld [tilespmem:s30+$0xFFFFFC00]  }
0x8a0: {  	v1 =	vld [tilespmem:s30+$0xFFFFFC10];
	_ =	sdelay $0x1  }
0x8a1: {  	v2 =	vld [tilespmem:s30+$0xFFFFFC20];
	_ =	sdelay $0x1  }
0x8a2: {  	v3 =	vld [tilespmem:s30+$0xFFFFFC30]  }
0x8a3: {  	v4 =	vmul.f32 v0, v0;
	v5 =	vmul.f32 v1, v1  }
0x8a4: {  	v8 =	vld [tilespmem:s30+$0xFFFFFC40]  }
0x8a5: {  	v38 =	vmul.f32 v2, v2;
	v4 =	vadd.f32 v5, v4  }
0x8a6: {  	v9 =	vld [tilespmem:s30+$0xFFFFFC50]  }
0x8a7: {  	v39 =	vmul.f32 v3, v3;
	v4 =	vadd.f32 v4, v38  }
0x8a8: {  	v10 =	vld [tilespmem:s30+$0xFFFFFC60]  }
0x8a9: {  	v40 =	vmul.f32 v8, v8;
	v4 =	vadd.f32 v4, v39  }
0x8aa: {  	v20 =	vld [tilespmem:s30+$0xFFFFFC70]  }
0x8ab: {  	v41 =	vmul.f32 v9, v9;
	v4 =	vadd.f32 v4, v40;
	_ =	sdelay $0x1  }
0x8ac: {  	v42 =	vmul.f32 v10, v10;
	v4 =	vadd.f32 v4, v41;
	_ =	sdelay $0x1  }
0x8ad: {  	v43 =	vmul.f32 v20, v20;
	v4 =	vadd.f32 v4, v42;
	_ =	sdelay $0x1  }
0x8ae: {  	v4 =	vadd.f32 v4, v43  }
0x8af: {  	v24 =	vld [tilespmem:s30+$0xFFFFFC80]  }
0x8b0: {  	v22 =	vld [tilespmem:s30+$0xFFFFFC90];
	v5 =	vperm.xlane v4, v63;
	_ =	sdelay $0x1  }
0x8b1: {  	v23 =	vld [tilespmem:s30+$0xFFFFFCA0];
	v4 =	vadd.f32 v4, v5;
	_ =	sdelay $0x1  }
0x8b2: {  	v21 =	vld [tilespmem:s30+$0xFFFFFCB0];
	v5 =	vperm.xlane v4, v60  }
0x8b3: {  	v6 =	vmul.f32 v24, v24;
	v7 =	vmul.f32 v22, v22  }
0x8b4: {  	v19 =	vld [tilespmem:s30+$0xFFFFFCC0];
	v4 =	vadd.f32 v4, v5  }
0x8b5: {  	v45 =	vmul.f32 v23, v23;
	v44 =	vadd.f32 v7, v6  }
0x8b6: {  	v18 =	vld [tilespmem:s30+$0xFFFFFCD0];
	v46 =	vperm.xlane v4, v61  }
0x8b7: {  	v47 =	vmul.f32 v21, v21;
	v5 =	vadd.f32 v44, v45  }
0x8b8: {  	v17 =	vld [tilespmem:s30+$0xFFFFFCE0];
	v4 =	vadd.f32 v4, v46  }
0x8b9: {  	v48 =	vmul.f32 v19, v19;
	v6 =	vadd.f32 v5, v47  }
0x8ba: {  	v5 =	vld [tilespmem:s30+$0xFFFFFCF0];
	v11 =	vperm.xlane v4, v62  }
0x8bb: {  	v12 =	vmul.f32 v18, v18;
	v7 =	vld [tilespmem:s30+$0xFFFFFD00];
	v6 =	vadd.f32 v6, v48  }
0x8bc: {  	v44 =	vld [tilespmem:s30+$0xFFFFFD10];
	v4 =	vadd.f32 v4, v11  }
0x8bd: {  	v49 =	vmul.f32 v17, v17;
	v6 =	vadd.f32 v6, v12  }
0x8be: {  	v42 =	vld [tilespmem:s30+$0xFFFFFD20];
	v12 =	vmul.f32 $5.000000000e-01, v4;
	v4 =	vshrl.u32 v4, $0x1  }
0x8bf: {  	v50 =	vmul.f32 v5, v5;
	v6 =	vadd.f32 v6, v49;
	v4 =	vsub.s32 $0x5F3759DF, v4  }
0x8c0: {  	v40 =	vld [tilespmem:s30+$0xFFFFFD30];
	v16 =	vmul.f32 v4, v12  }
0x8c1: {  	v52 =	vmul.f32 v7, v7;
	v25 =	vmul.f32 v44, v44;
	v6 =	vadd.f32 v6, v50  }
0x8c2: {  	v41 =	vld [tilespmem:s30+$0xFFFFFD40];
	v16 =	vmul.f32 v4, v16  }
0x8c3: {  	v30 =	vld [tilespmem:s0+$0x0];
	v11 =	vadd.f32 v25, v52;
	v25 =	vmul.f32 v42, v42;
	v26 =	vperm.xlane v6, v63  }
0x8c4: {  	v38 =	vld [tilespmem:s30+$0xFFFFFD50];
	v16 =	vsub.f32 $1.500000000e+00, v16  }
0x8c5: {  	v11 =	vadd.f32 v11, v25;
	v25 =	vmul.f32 v40, v40;
	v6 =	vadd.f32 v6, v26  }
0x8c6: {  	v36 =	vld [tilespmem:s30+$0xFFFFFD60];
	v4 =	vmul.f32 v4, v16  }
0x8c7: {  	v11 =	vadd.f32 v11, v25;
	v25 =	vmul.f32 v41, v41;
	v16 =	vperm.xlane v6, v60  }
0x8c8: {  	v34 =	vld [tilespmem:s30+$0xFFFFFD70];
	v26 =	vperm.xlane v30, v27;
	v12 =	vmul.f32 v4, v12  }
0x8c9: {  	v11 =	vadd.f32 v11, v25;
	v6 =	vadd.f32 v6, v16;
	v16 =	vmul.f32 v38, v38  }
0x8ca: {  	v25 =	vshll.u32 v26, $0x7;
	v12 =	vmul.f32 v12, v4  }
0x8cb: {  	v39 =	vld [tilespmem:s30+$0xFFFFFDA0];
	v26 =	vperm.xlane v6, v61;
	v11 =	vadd.f32 v11, v16;
	v16 =	vmul.f32 v36, v36  }
0x8cc: {  	v12 =	vsub.f32 $1.500000000e+00, v12  }
0x8cd: {  	v33 =	vmul.f32 v34, v34;
	v26 =	vadd.f32 v6, v26;
	v32 =	vadd.f32 v11, v16  }
0x8ce: {  	v27 =	vor.u32 v28, v25  }
0x8cf: {  	v6 =	vld [tilespmem:s30+$0xFFFFFD80];
	v4 =	vmul.f32 v12, v4;
	v16 =	vperm.xlane v26, v62;
	v11 =	vadd.f32 v32, v33  }
0x8d0: {  	v43 =	vld [tilespmem:s30+$0xFFFFFD90];
	v50 =	vmul.f32 v39, v39;
	v28 =	vor.u32 v53, v25;
	v12 =	vor.u32 v51, v25  }
0x8d1: {  	v0 =	vmul.f32 v4, v0;
	v16 =	vadd.f32 v26, v16;
	v26 =	vperm.xlane v11, v63  }
0x8d2: {  	v37 =	vld [tilespmem:s30+$0xFFFFFDB0];
	v45 =	vor.u32 v54, v25;
	v35 =	vmul.f32 v4, v1;
	v46 =	vmul.f32 v4, v2  }
0x8d3: {  	v47 =	vmul.f32 v4, v3;
	[tilespmem:v27+s25+$0x0] =	vst.idx.add.f32.msk $0xffff, v0;
	v27 =	vmul.f32 $5.000000000e-01, v16;
	v16 =	vshrl.u32 v16, $0x1  }
0x8d4: {  	v33 =	vld [tilespmem:s30+$0xFFFFFDC0];
	v49 =	vmul.f32 v6, v6;
	v11 =	vadd.f32 v11, v26;
	v48 =	vsub.s32 $0x5F3759DF, v16  }
0x8d5: {  	v26 =	vmul.f32 v43, v43;
	[tilespmem:v12+s25+$0x0] =	vst.idx.add.f32.msk $0xffff, v35;
	v12 =	vmul.f32 v48, v27  }
0x8d6: {  	v32 =	vld [tilespmem:s30+$0xFFFFFDE0];
	v2 =	vmul.f32 v4, v8;
	v16 =	vperm.xlane v11, v60  }
0x8d7: {  	v9 =	vmul.f32 v4, v9;
	v35 =	vld [tilespmem:s30+$0xFFFFFDD0];
	v0 =	vadd.f32 v26, v49;
	v12 =	vmul.f32 v48, v12  }
0x8d8: {  	[tilespmem:v28+s25+$0x0] =	vst.idx.add.f32.msk $0xffff, v46;
	v11 =	vadd.f32 v11, v16;
	v16 =	vor.u32 v55, v25  }
0x8d9: {  	v46 =	vmul.f32 v37, v37;
	[tilespmem:v45+s25+$0x0] =	vst.idx.add.f32.msk $0xffff, v47;
	v0 =	vadd.f32 v0, v50;
	v45 =	vsub.f32 $1.500000000e+00, v12  }
0x8da: {  	v10 =	vmul.f32 v4, v10;
	v49 =	vor.u32 v13, v25;
	v12 =	vperm.xlane v11, v61  }
0x8db: {  	v28 =	vperm.xlane v30, v29;
	v0 =	vadd.f32 v0, v46;
	v3 =	vmul.f32 v48, v45  }
0x8dc: {  	v31 =	vld [tilespmem:s30+$0xFFFFFDF0];
	v50 =	vmul.f32 v35, v35;
	v47 =	vadd.f32 v11, v12;
	v48 =	vmul.f32 v33, v33  }
0x8dd: {  	v45 =	vmul.f32 v32, v32;
	[tilespmem:v16+s25+$0x0] =	vst.idx.add.f32.msk $0xffff, v2;
	v12 =	vmul.f32 v3, v27  }
0x8de: {  	v26 =	vperm.xlane v47, v62;
	v27 =	vor.u32 v14, v25;
	v0 =	vadd.f32 v0, v48  }
0x8df: {  	v52 =	vlaneseq.u32;
	v25 =	vor.u32 v15, v25;
	[tilespmem:v49+s25+$0x0] =	vst.idx.add.f32.msk $0xffff, v9;
	v12 =	vmul.f32 v12, v3  }
0x8e0: {  	v49 =	vmul.f32 v4, v20;
	v8 =	vadd.f32 v47, v26;
	v0 =	vadd.f32 v0, v50  }
0x8e1: {  	v47 =	vmul.f32 v31, v31;
	v46 =	vsub.f32 $1.500000000e+00, v12;
	v12 =	vshll.u32 v28, $0x7  }
0x8e2: {  	v16 =	vmul.f32 $5.000000000e-01, v8;
	v8 =	vshrl.u32 v8, $0x1;
	v0 =	vadd.f32 v0, v45  }
0x8e3: {  	v8 =	vsub.s32 $0x5F3759DF, v8;
	v2 =	vmul.f32 v46, v3;
	v3 =	vor.u32 v52, v12  }
0x8e4: {  	v9 =	vor.u32 v51, v12;
	v48 =	vmul.f32 v8, v16;
	v0 =	vadd.f32 v0, v47  }
0x8e5: {  	[tilespmem:v27+s25+$0x0] =	vst.idx.add.f32.msk $0xffff, v10;
	v11 =	vor.u32 v53, v12;
	v50 =	vmul.f32 v2, v24  }
0x8e6: {  	v45 =	vor.u32 v54, v12;
	v10 =	vmul.f32 v8, v48;
	v24 =	vperm.xlane v0, v63  }
0x8e7: {  	[tilespmem:v25+s25+$0x0] =	vst.idx.add.f32.msk $0xffff, v49;
	v46 =	vmul.f32 v2, v22;
	v47 =	vmul.f32 v2, v23  }
0x8e8: {  	v48 =	vor.u32 v55, v12;
	v49 =	vsub.f32 $1.500000000e+00, v10;
	v0 =	vadd.f32 v0, v24;
	[tilespmem:v3+s25+$0x0] =	vst.idx.add.f32.msk $0xffff, v50  }
0x8e9: {  	v23 =	vor.u32 v13, v12;
	v50 =	vmul.f32 v2, v21;
	[tilespmem:v9+s25+$0x0] =	vst.idx.add.f32.msk $0xffff, v46  }
0x8ea: {  	v4 =	vmul.f32 v8, v49;
	v21 =	vperm.xlane v0, v60;
	[tilespmem:v11+s25+$0x0] =	vst.idx.add.f32.msk $0xffff, v47  }
0x8eb: {  	v22 =	vmul.f32 v2, v19;
	v19 =	vor.u32 v14, v12;
	v47 =	vld [tilespmem:s30+$0xFFFFFE10]  }
0x8ec: {  	[tilespmem:v45+s25+$0x0] =	vst.idx.add.f32.msk $0xffff, v50;
	v50 =	vmul.f32 v4, v16;
	v0 =	vadd.f32 v0, v21  }
0x8ed: {  	v21 =	vmul.f32 v2, v18;
	[tilespmem:v48+s25+$0x0] =	vst.idx.add.f32.msk $0xffff, v22;
	v22 =	vperm.xlane v30, v56  }
0x8ee: {  	v48 =	vld [tilespmem:s30+$0xFFFFFE00];
	v20 =	vmul.f32 v50, v4;
	v8 =	vperm.xlane v0, v61  }
0x8ef: {  	v12 =	vor.u32 v15, v12;
	[tilespmem:v23+s25+$0x0] =	vst.idx.add.f32.msk $0xffff, v21;
	v23 =	vmul.f32 v2, v17  }
0x8f0: {  	v49 =	vld [tilespmem:s30+$0xFFFFFE20];
	v9 =	vshll.u32 v22, $0x7;
	v3 =	vsub.f32 $1.500000000e+00, v20;
	v0 =	vadd.f32 v0, v8  }
0x8f1: {  	v45 =	vor.u32 v52, v9  }
0x8f2: {  	[tilespmem:v19+s25+$0x0] =	vst.idx.add.f32.msk $0xffff, v23;
	v3 =	vmul.f32 v3, v4;
	v46 =	vperm.xlane v0, v62  }
0x8f3: {  	v50 =	vmul.f32 v2, v5;
	v20 =	vld [tilespmem:s30+$0xFFFFFE30];
	v21 =	vmul.f32 v47, v47  }
0x8f4: {  	v19 =	vld [tilespmem:s30+$0xFFFFFE40];
	v11 =	vmul.f32 v48, v48;
	v56 =	vmul.f32 v3, v7;
	v0 =	vadd.f32 v0, v46  }
0x8f5: {  	v22 =	vmul.f32 v49, v49;
	[tilespmem:v12+s25+$0x0] =	vst.idx.add.f32.msk $0xffff, v50  }
0x8f6: {  	v1 =	vadd.f32 v21, v11;
	v7 =	vmul.f32 $5.000000000e-01, v0;
	[tilespmem:v45+s25+$0x0] =	vst.idx.add.f32.msk $0xffff, v56;
	v0 =	vshrl.u32 v0, $0x1  }
0x8f7: {  	v23 =	vor.u32 v51, v9;
	v45 =	vld [tilespmem:s30+$0xFFFFFE50];
	v0 =	vsub.s32 $0x5F3759DF, v0  }
0x8f8: {  	v1 =	vadd.f32 v1, v22;
	v56 =	vmul.f32 v20, v20;
	v50 =	vmul.f32 v0, v7  }
0x8f9: {  	v18 =	vld [tilespmem:s30+$0xFFFFFE60];
	v21 =	vmul.f32 v3, v44  }
0x8fa: {  	v22 =	vmul.f32 v19, v19;
	v1 =	vadd.f32 v1, v56;
	v8 =	vmul.f32 v0, v50  }
0x8fb: {  	v17 =	vld [tilespmem:s30+$0xFFFFFE70];
	v5 =	vor.u32 v53, v9;
	v12 =	vmul.f32 v3, v42  }
0x8fc: {  	[tilespmem:v23+s25+$0x0] =	vst.idx.add.f32.msk $0xffff, v21;
	v1 =	vadd.f32 v1, v22;
	v42 =	vmul.f32 v45, v45;
	v23 =	vsub.f32 $1.500000000e+00, v8  }
0x8fd: {  	v16 =	vor.u32 v55, v9;
	v11 =	vor.u32 v54, v9  }
0x8fe: {  	v46 =	vmul.f32 v18, v18;
	v1 =	vadd.f32 v1, v42;
	v0 =	vmul.f32 v0, v23  }
0x8ff: {  	v44 =	vmul.f32 v3, v40;
	v56 =	vor.u32 v13, v9  }
0x900: {  	v40 =	vld [tilespmem:s30+$0xFFFFFE80];
	v22 =	vmul.f32 v17, v17;
	v1 =	vadd.f32 v1, v46;
	v21 =	vmul.f32 v0, v7  }
0x901: {  	v38 =	vmul.f32 v3, v38;
	[tilespmem:v5+s25+$0x0] =	vst.idx.add.f32.msk $0xffff, v12;
	v50 =	vmul.f32 v3, v41  }
0x902: {  	[tilespmem:v11+s25+$0x0] =	vst.idx.add.f32.msk $0xffff, v44;
	v1 =	vadd.f32 v1, v22;
	v5 =	vmul.f32 v21, v0  }
0x903: {  	v44 =	vperm.xlane v30, v57;
	[tilespmem:v16+s25+$0x0] =	vst.idx.add.f32.msk $0xffff, v50;
	v23 =	vor.u32 v14, v9  }
0x904: {  	v50 =	vperm.xlane v1, v63;
	v46 =	vsub.f32 $1.500000000e+00, v5;
	v5 =	vld [tilespmem:s30+$0xFFFFFE90]  }
0x905: {  	v8 =	vshll.u32 v44, $0x7;
	[tilespmem:v56+s25+$0x0] =	vst.idx.add.f32.msk $0xffff, v38  }
0x906: {  	v56 =	vmul.f32 v3, v36;
	v57 =	vor.u32 v52, v8;
	v7 =	vld [tilespmem:s30+$0xFFFFFEA0];
	v1 =	vadd.f32 v1, v50  }
0x907: {  	v44 =	vld [tilespmem:s30+$0xFFFFFEB0];
	v9 =	vor.u32 v15, v9;
	v21 =	vmul.f32 v3, v34;
	v0 =	vmul.f32 v46, v0  }
0x908: {  	v34 =	vmul.f32 v40, v40;
	[tilespmem:v23+s25+$0x0] =	vst.idx.add.f32.msk $0xffff, v56;
	v23 =	vperm.xlane v1, v60  }
0x909: {  	v22 =	vmul.f32 v0, v6;
	v36 =	vmul.f32 v5, v5  }
0x90a: {  	v38 =	vor.u32 v51, v8;
	v42 =	vld [tilespmem:s30+$0xFFFFFEC0];
	v1 =	vadd.f32 v1, v23  }
0x90b: {  	v46 =	vmul.f32 v7, v7;
	[tilespmem:v57+s25+$0x0] =	vst.idx.add.f32.msk $0xffff, v22;
	v2 =	vadd.f32 v36, v34  }
0x90c: {  	v22 =	vld [tilespmem:s30+$0xFFFFFED0];
	v56 =	vperm.xlane v1, v61  }
0x90d: {  	[tilespmem:v9+s25+$0x0] =	vst.idx.add.f32.msk $0xffff, v21;
	v23 =	vmul.f32 v44, v44;
	v2 =	vadd.f32 v2, v46  }
0x90e: {  	v50 =	vmul.f32 v0, v43;
	v43 =	vld [tilespmem:s30+$0xFFFFFEE0];
	v57 =	vor.u32 v53, v8;
	v1 =	vadd.f32 v1, v56  }
0x90f: {  	v21 =	vld [tilespmem:s30+$0xFFFFFEF0];
	v34 =	vmul.f32 v42, v42;
	v2 =	vadd.f32 v2, v23  }
0x910: {  	[tilespmem:v38+s25+$0x0] =	vst.idx.add.f32.msk $0xffff, v50;
	v38 =	vor.u32 v54, v8;
	v6 =	vperm.xlane v1, v62  }
0x911: {  	v36 =	vmul.f32 v0, v39;
	v39 =	vmul.f32 v22, v22;
	v2 =	vadd.f32 v2, v34  }
0x912: {  	v24 =	vld [tilespmem:s30+$0xFFFFFF00];
	v41 =	vor.u32 v55, v8;
	v50 =	vmul.f32 v0, v37;
	v1 =	vadd.f32 v1, v6  }
0x913: {  	v46 =	vmul.f32 v43, v43;
	[tilespmem:v57+s25+$0x0] =	vst.idx.add.f32.msk $0xffff, v36;
	v2 =	vadd.f32 v2, v39  }
0x914: {  	v56 =	vor.u32 v13, v8;
	v23 =	vld [tilespmem:s30+$0xFFFFFF10];
	v11 =	vmul.f32 $5.000000000e-01, v1;
	v1 =	vshrl.u32 v1, $0x1  }
0x915: {  	v57 =	vmul.f32 v21, v21;
	[tilespmem:v38+s25+$0x0] =	vst.idx.add.f32.msk $0xffff, v50;
	v1 =	vsub.s32 $0x5F3759DF, v1;
	v2 =	vadd.f32 v2, v46  }
0x916: {  	v33 =	vmul.f32 v0, v33;
	v34 =	vmul.f32 v1, v11;
	v46 =	vld [tilespmem:s30+$0xFFFFFF20]  }
0x917: {  	v36 =	vmul.f32 v0, v35;
	v50 =	vld [tilespmem:s30+$0xFFFFFF30];
	v2 =	vadd.f32 v2, v57  }
0x918: {  	[tilespmem:v41+s25+$0x0] =	vst.idx.add.f32.msk $0xffff, v33;
	v39 =	vmul.f32 v24, v24;
	v37 =	vmul.f32 v1, v34  }
0x919: {  	v6 =	vld [tilespmem:s30+$0xFFFFFF40];
	v41 =	vmul.f32 v23, v23;
	v38 =	vperm.xlane v2, v63  }
0x91a: {  	[tilespmem:v56+s25+$0x0] =	vst.idx.add.f32.msk $0xffff, v36;
	v4 =	vsub.f32 $1.500000000e+00, v37  }
0x91b: {  	v3 =	vadd.f32 v41, v39;
	v56 =	vmul.f32 v46, v46;
	v2 =	vadd.f32 v2, v38  }
0x91c: {  	v12 =	vimm.s32 $0x4;
	v10 =	vor.u32 v14, v8;
	v39 =	vld [tilespmem:s30+$0xFFFFFF50];
	v1 =	vmul.f32 v1, v4  }
0x91d: {  	v33 =	vmul.f32 v50, v50;
	v3 =	vadd.f32 v3, v56;
	v57 =	vperm.xlane v2, v60  }
0x91e: {  	v12 =	vperm.xlane v30, v12;
	v8 =	vor.u32 v15, v8;
	v41 =	vld [tilespmem:s30+$0xFFFFFF60];
	v11 =	vmul.f32 v1, v11  }
0x91f: {  	v34 =	vmul.f32 v6, v6;
	v3 =	vadd.f32 v3, v33;
	v2 =	vadd.f32 v2, v57  }
0x920: {  	v12 =	vshll.u32 v12, $0x7;
	v35 =	vmul.f32 v0, v32;
	v11 =	vmul.f32 v11, v1  }
0x921: {  	v38 =	vld [tilespmem:s30+$0xFFFFFF70];
	v56 =	vmul.f32 v39, v39;
	v3 =	vadd.f32 v3, v34;
	v16 =	vperm.xlane v2, v61  }
0x922: {  	v0 =	vmul.f32 v0, v31;
	v32 =	vor.u32 v52, v12;
	[tilespmem:v10+s25+$0x0] =	vst.idx.add.f32.msk $0xffff, v35;
	v57 =	vsub.f32 $1.500000000e+00, v11  }
0x923: {  	v36 =	vld [tilespmem:s30+$0xFFFFFFA0];
	v33 =	vmul.f32 v41, v41;
	v3 =	vadd.f32 v3, v56;
	v2 =	vadd.f32 v2, v16  }
0x924: {  	[tilespmem:v8+s25+$0x0] =	vst.idx.add.f32.msk $0xffff, v0;
	v34 =	vor.u32 v51, v12;
	v0 =	vmul.f32 v57, v1  }
0x925: {  	v3 =	vadd.f32 v3, v33;
	v33 =	vld [tilespmem:s30+$0xFFFFFFD0];
	v37 =	vperm.xlane v2, v62  }
0x926: {  	v56 =	vmul.f32 v38, v38;
	v57 =	vor.u32 v53, v12;
	v9 =	vmul.f32 v0, v48;
	v48 =	vld [tilespmem:s30+$0xFFFFFF80]  }
0x927: {  	v35 =	vmul.f32 v0, v47;
	v2 =	vadd.f32 v2, v37;
	v37 =	vld [tilespmem:s30+$0xFFFFFF90]  }
0x928: {  	v4 =	vor.u32 v54, v12;
	v3 =	vadd.f32 v3, v56;
	[tilespmem:v32+s25+$0x0] =	vst.idx.add.f32.msk $0xffff, v9  }
0x929: {  	v49 =	vmul.f32 v0, v49;
	v19 =	vmul.f32 v0, v19;
	[tilespmem:v34+s25+$0x0] =	vst.idx.add.f32.msk $0xffff, v35  }
0x92a: {  	v47 =	vperm.xlane v3, v63;
	v34 =	vld [tilespmem:s30+$0xFFFFFFB0];
	v8 =	vmul.f32 $5.000000000e-01, v2;
	v2 =	vshrl.u32 v2, $0x1  }
0x92b: {  	v11 =	vmul.f32 v0, v45;
	v18 =	vmul.f32 v0, v18;
	[tilespmem:v57+s25+$0x0] =	vst.idx.add.f32.msk $0xffff, v49;
	v2 =	vsub.s32 $0x5F3759DF, v2  }
0x92c: {  	v35 =	vld [tilespmem:s30+$0xFFFFFFC0];
	v49 =	vmul.f32 v0, v20;
	v3 =	vadd.f32 v3, v47;
	v56 =	vmul.f32 v2, v8  }
0x92d: {  	v57 =	vmul.f32 v48, v48;
	v47 =	vmul.f32 v37, v37  }
0x92e: {  	v31 =	vld [tilespmem:s30+$0xFFFFFFE0];
	v16 =	vperm.xlane v3, v60;
	v10 =	vmul.f32 v2, v56  }
0x92f: {  	v0 =	vmul.f32 v0, v17;
	v56 =	vmul.f32 v36, v36;
	v1 =	vadd.f32 v47, v57  }
0x930: {  	[tilespmem:v4+s25+$0x0] =	vst.idx.add.f32.msk $0xffff, v49;
	v49 =	vmul.f32 v33, v33;
	v3 =	vadd.f32 v3, v16;
	v57 =	vsub.f32 $1.500000000e+00, v10  }
0x931: {  	v20 =	vmul.f32 v34, v34;
	v45 =	vmul.f32 v35, v35;
	v1 =	vadd.f32 v1, v56  }
0x932: {  	v32 =	vld [tilespmem:s30+$0xFFFFFFF0];
	v10 =	vor.u32 v55, v12;
	v16 =	vperm.xlane v3, v61;
	v2 =	vmul.f32 v2, v57  }
0x933: {  	v47 =	vor.u32 v13, v12;
	v56 =	vmul.f32 v31, v31;
	v1 =	vadd.f32 v1, v20  }
0x934: {  	v57 =	vimm.s32 $0x5;
	v3 =	vadd.f32 v3, v16;
	v8 =	vmul.f32 v2, v8  }
0x935: {  	v16 =	vor.u32 v14, v12;
	v20 =	vperm.xlane v30, v57;
	v1 =	vadd.f32 v1, v45  }
0x936: {  	v12 =	vor.u32 v15, v12;
	v17 =	vperm.xlane v3, v62;
	v8 =	vmul.f32 v8, v2  }
0x937: {  	[tilespmem:v10+s25+$0x0] =	vst.idx.add.f32.msk $0xffff, v19;
	v19 =	vmul.f32 v32, v32;
	v1 =	vadd.f32 v1, v49  }
0x938: {  	v9 =	vshll.u32 v20, $0x7;
	v3 =	vadd.f32 v3, v17;
	v8 =	vsub.f32 $1.500000000e+00, v8  }
0x939: {  	[tilespmem:v47+s25+$0x0] =	vst.idx.add.f32.msk $0xffff, v11;
	v20 =	vor.u32 v52, v9;
	v1 =	vadd.f32 v1, v56  }
0x93a: {  	[tilespmem:v16+s25+$0x0] =	vst.idx.add.f32.msk $0xffff, v18;
	v10 =	vmul.f32 $5.000000000e-01, v3;
	v3 =	vshrl.u32 v3, $0x1;
	v2 =	vmul.f32 v8, v2  }
0x93b: {  	v45 =	vor.u32 v51, v9;
	[tilespmem:v12+s25+$0x0] =	vst.idx.add.f32.msk $0xffff, v0;
	v3 =	vsub.s32 $0x5F3759DF, v3  }
0x93c: {  	v1 =	vadd.f32 v1, v19;
	v47 =	vmul.f32 v3, v10;
	v12 =	vmul.f32 v2, v40  }
0x93d: {  	v16 =	vor.u32 v53, v9;
	v5 =	vmul.f32 v2, v5;
	v57 =	vmul.f32 v2, v7  }
0x93e: {  	v17 =	vor.u32 v54, v9;
	v49 =	vperm.xlane v1, v63;
	v8 =	vmul.f32 v3, v47  }
0x93f: {  	v19 =	vmul.f32 v2, v44;
	[tilespmem:v20+s25+$0x0] =	vst.idx.add.f32.msk $0xffff, v12;
	v20 =	vor.u32 v55, v9  }
0x940: {  	v40 =	vor.u32 v13, v9;
	v0 =	vadd.f32 v1, v49;
	v56 =	vsub.f32 $1.500000000e+00, v8  }
0x941: {  	v42 =	vmul.f32 v2, v42;
	v47 =	vor.u32 v14, v9;
	[tilespmem:v45+s25+$0x0] =	vst.idx.add.f32.msk $0xffff, v5  }
0x942: {  	[tilespmem:v16+s25+$0x0] =	vst.idx.add.f32.msk $0xffff, v57;
	v18 =	vperm.xlane v0, v60;
	v1 =	vmul.f32 v3, v56  }
0x943: {  	v45 =	vmul.f32 v2, v22;
	[tilespmem:v17+s25+$0x0] =	vst.idx.add.f32.msk $0xffff, v19;
	v56 =	vmul.f32 v2, v43  }
0x944: {  	v12 =	vimm.s32 $0x6;
	v0 =	vadd.f32 v0, v18;
	v44 =	vmul.f32 v1, v10;
	[tilespmem:v20+s25+$0x0] =	vst.idx.add.f32.msk $0xffff, v42  }
0x945: {  	v12 =	vperm.xlane v30, v12;
	[tilespmem:v40+s25+$0x0] =	vst.idx.add.f32.msk $0xffff, v45  }
0x946: {  	v49 =	vperm.xlane v0, v61;
	v5 =	vmul.f32 v44, v1;
	[tilespmem:v47+s25+$0x0] =	vst.idx.add.f32.msk $0xffff, v56  }
0x947: {  	v47 =	vld [tilespmem:s30+$0x10]  }
0x948: {  	v0 =	vadd.f32 v0, v49;
	v57 =	vsub.f32 $1.500000000e+00, v5;
	v5 =	vshll.u32 v12, $0x7  }
0x949: {  	v9 =	vor.u32 v15, v9;
	v20 =	vor.u32 v51, v5;
	v51 =	vld [tilespmem:s30+$0x0]  }
0x94a: {  	v18 =	vor.u32 v52, v5;
	v19 =	vperm.xlane v0, v62  }
0x94b: {  	v2 =	vmul.f32 v2, v21;
	v49 =	vld [tilespmem:s30+$0x20];
	v1 =	vmul.f32 v57, v1  }
0x94c: {  	v44 =	vld [tilespmem:s30+$0x40];
	v22 =	vor.u32 v53, v5;
	v57 =	vmul.f32 v47, v47;
	v0 =	vadd.f32 v0, v19  }
0x94d: {  	v40 =	vor.u32 v54, v5;
	v21 =	vmul.f32 v1, v24;
	v43 =	vmul.f32 v1, v46;
	v46 =	vld [tilespmem:s30+$0x30]  }
0x94e: {  	[tilespmem:v9+s25+$0x0] =	vst.idx.add.f32.msk $0xffff, v2;
	v8 =	vmul.f32 $5.000000000e-01, v0;
	v0 =	vshrl.u32 v0, $0x1;
	v56 =	vmul.f32 v51, v51  }
0x94f: {  	v23 =	vmul.f32 v1, v23;
	v50 =	vmul.f32 v1, v50;
	[tilespmem:v18+s25+$0x0] =	vst.idx.add.f32.msk $0xffff, v21;
	v0 =	vsub.s32 $0x5F3759DF, v0  }
0x950: {  	v24 =	vld [tilespmem:s30+$0x50];
	v18 =	vmul.f32 v49, v49;
	v42 =	vmul.f32 v0, v8;
	v2 =	vadd.f32 v57, v56  }
0x951: {  	v19 =	vor.u32 v55, v5;
	v21 =	vor.u32 v13, v5;
	[tilespmem:v20+s25+$0x0] =	vst.idx.add.f32.msk $0xffff, v23  }
0x952: {  	v25 =	vld [tilespmem:s30+$0x60];
	v20 =	vmul.f32 v46, v46;
	v9 =	vmul.f32 v0, v42;
	v2 =	vadd.f32 v2, v18  }
0x953: {  	v6 =	vmul.f32 v1, v6;
	v23 =	vmul.f32 v44, v44;
	[tilespmem:v22+s25+$0x0] =	vst.idx.add.f32.msk $0xffff, v43  }
0x954: {  	v22 =	vor.u32 v14, v5;
	[tilespmem:v40+s25+$0x0] =	vst.idx.add.f32.msk $0xffff, v50;
	v9 =	vsub.f32 $1.500000000e+00, v9;
	v2 =	vadd.f32 v2, v20  }
0x955: {  	v39 =	vmul.f32 v1, v39;
	v50 =	vmul.f32 v24, v24;
	v42 =	vld [tilespmem:s30+$0x70]  }
0x956: {  	[tilespmem:v19+s25+$0x0] =	vst.idx.add.f32.msk $0xffff, v6;
	v0 =	vmul.f32 v0, v9;
	v2 =	vadd.f32 v2, v23  }
0x957: {  	v45 =	vperm.xlane v30, v58;
	v56 =	vmul.f32 v1, v41;
	[tilespmem:v21+s25+$0x0] =	vst.idx.add.f32.msk $0xffff, v39  }
0x958: {  	v58 =	vmul.f32 v25, v25;
	v20 =	vld [tilespmem:s30+$0x90];
	v8 =	vmul.f32 v0, v8;
	v2 =	vadd.f32 v2, v50  }
0x959: {  	v5 =	vor.u32 v15, v5;
	[tilespmem:v22+s25+$0x0] =	vst.idx.add.f32.msk $0xffff, v56  }
0x95a: {  	v22 =	vld [tilespmem:s30+$0x80];
	v11 =	vmul.f32 v42, v42;
	v8 =	vmul.f32 v8, v0;
	v2 =	vadd.f32 v2, v58  }
0x95b: {  	v7 =	vld [tilespmem:s30+$0xC0]  }
0x95c: {  	v21 =	vld [tilespmem:s30+$0xA0];
	v57 =	vsub.f32 $1.500000000e+00, v8;
	v2 =	vadd.f32 v2, v11  }
0x95d: {  	v1 =	vmul.f32 v1, v38;
	v6 =	vld [tilespmem:s30+$0xB0]  }
0x95e: {  	v18 =	vld [tilespmem:s30+$0xD0];
	v0 =	vmul.f32 v57, v0;
	v39 =	vperm.xlane v2, v63  }
0x95f: {  	[tilespmem:v5+s25+$0x0] =	vst.idx.add.f32.msk $0xffff, v1;
	v41 =	vmul.f32 v20, v20;
	v40 =	vmul.f32 v22, v22  }
0x960: {  	v38 =	vmul.f32 v0, v48;
	v1 =	vadd.f32 v2, v39;
	v48 =	vld [tilespmem:$0x1FFC0]  }
0x961: {  	v8 =	vshll.u32 v45, $0x7;
	v45 =	vmul.f32 v21, v21;
	v2 =	vadd.f32 v41, v40  }
0x962: {  	v10 =	vor.u32 v52, v8;
	v43 =	vperm.xlane v1, v60  }
0x963: {  	v56 =	vmul.f32 v6, v6;
	v2 =	vadd.f32 v2, v45  }
0x964: {  	v17 =	vld [tilespmem:s30+$0xE0];
	v19 =	vmul.f32 v18, v18;
	v1 =	vadd.f32 v1, v43  }
0x965: {  	v5 =	vld [tilespmem:s30+$0xF0];
	v57 =	vmul.f32 v7, v7;
	v2 =	vadd.f32 v2, v56;
	v50 =	vor.u32 v48, v8  }
0x966: {  	v11 =	vor.u32 v53, v8;
	v39 =	vmul.f32 v0, v36;
	v36 =	vld [tilespmem:s30+$0x120];
	v4 =	vperm.xlane v1, v61  }
0x967: {  	v23 =	vor.u32 v54, v8;
	[tilespmem:v10+s25+$0x0] =	vst.idx.add.f32.msk $0xffff, v38;
	v2 =	vadd.f32 v2, v57  }
0x968: {  	v58 =	vmul.f32 v0, v37;
	v43 =	vld [tilespmem:s30+$0x110];
	v1 =	vadd.f32 v1, v4  }
0x969: {  	v38 =	vmul.f32 v17, v17;
	v2 =	vadd.f32 v2, v19;
	v19 =	vld [tilespmem:s30+$0x100]  }
0x96a: {  	v48 =	vmul.f32 v0, v34;
	[tilespmem:v50+s25+$0x0] =	vst.idx.add.f32.msk $0xffff, v58;
	v37 =	vperm.xlane v1, v62  }
0x96b: {  	v45 =	vmul.f32 v5, v5;
	v2 =	vadd.f32 v2, v38;
	[tilespmem:v11+s25+$0x0] =	vst.idx.add.f32.msk $0xffff, v39  }
0x96c: {  	v1 =	vadd.f32 v1, v37;
	[tilespmem:v23+s25+$0x0] =	vst.idx.add.f32.msk $0xffff, v48  }
0x96d: {  	v12 =	vor.u32 v55, v8;
	v2 =	vadd.f32 v2, v45;
	v37 =	vld [tilespmem:s30+$0x130];
	v23 =	vmul.f32 v43, v43  }
0x96e: {  	v58 =	vmul.f32 v19, v19;
	v10 =	vmul.f32 $5.000000000e-01, v1;
	v1 =	vshrl.u32 v1, $0x1  }
0x96f: {  	v45 =	vld [tilespmem:s30+$0x140];
	v57 =	vperm.xlane v2, v63;
	v1 =	vsub.s32 $0x5F3759DF, v1  }
0x970: {  	v34 =	vmul.f32 v36, v36;
	v3 =	vadd.f32 v23, v58;
	v56 =	vmul.f32 v1, v10  }
0x971: {  	v40 =	vld [tilespmem:s30+$0x150];
	v16 =	vmul.f32 v0, v33;
	v50 =	vmul.f32 v0, v35;
	v2 =	vadd.f32 v2, v57  }
0x972: {  	v38 =	vld [tilespmem:s30+$0x160];
	v3 =	vadd.f32 v3, v34;
	v41 =	vmul.f32 v37, v37;
	v4 =	vmul.f32 v1, v56  }
0x973: {  	v35 =	vor.u32 v13, v8;
	[tilespmem:v12+s25+$0x0] =	vst.idx.add.f32.msk $0xffff, v50;
	v12 =	vperm.xlane v2, v60  }
0x974: {  	v50 =	vmul.f32 v45, v45;
	v3 =	vadd.f32 v3, v41;
	v4 =	vsub.f32 $1.500000000e+00, v4  }
0x975: {  	v33 =	vmul.f32 v0, v31;
	v48 =	vor.u32 v14, v8;
	v2 =	vadd.f32 v2, v12  }
0x976: {  	v39 =	vld [tilespmem:s30+$0x170];
	v58 =	vmul.f32 v40, v40;
	v3 =	vadd.f32 v3, v50;
	v1 =	vmul.f32 v1, v4  }
0x977: {  	v57 =	vimm.s32 $0x8;
	v34 =	vmul.f32 v38, v38;
	v12 =	vperm.xlane v2, v61  }
0x978: {  	v3 =	vadd.f32 v3, v58;
	v56 =	vmul.f32 v1, v10;
	v10 =	vperm.xlane v30, v57  }
0x979: {  	v8 =	vor.u32 v15, v8;
	[tilespmem:v35+s25+$0x0] =	vst.idx.add.f32.msk $0xffff, v16;
	v2 =	vadd.f32 v2, v12  }
0x97a: {  	[tilespmem:v48+s25+$0x0] =	vst.idx.add.f32.msk $0xffff, v33;
	v3 =	vadd.f32 v3, v34;
	v9 =	vmul.f32 v56, v1;
	v10 =	vshll.u32 v10, $0x7  }
0x97b: {  	v23 =	vld [tilespmem:s30+$0x180];
	v12 =	vperm.xlane v2, v62;
	v35 =	vor.u32 v52, v10;
	v52 =	vmul.f32 v39, v39  }
0x97c: {  	v0 =	vmul.f32 v0, v32;
	v48 =	vld [tilespmem:s30+$0x190];
	v9 =	vsub.f32 $1.500000000e+00, v9  }
0x97d: {  	v56 =	vld [tilespmem:$0x1FFC0];
	v2 =	vadd.f32 v2, v12;
	v3 =	vadd.f32 v3, v52  }
0x97e: {  	[tilespmem:v8+s25+$0x0] =	vst.idx.add.f32.msk $0xffff, v0;
	v0 =	vmul.f32 v9, v1  }
0x97f: {  	v58 =	vmul.f32 $5.000000000e-01, v2;
	v2 =	vshrl.u32 v2, $0x1;
	v41 =	vperm.xlane v3, v63  }
0x980: {  	v2 =	vsub.s32 $0x5F3759DF, v2;
	v57 =	vmul.f32 v0, v51  }
0x981: {  	v16 =	vmul.f32 v23, v23;
	v50 =	vmul.f32 v2, v58;
	v3 =	vadd.f32 v3, v41;
	v41 =	vld [tilespmem:s30+$0x1A0]  }
0x982: {  	v26 =	vmul.f32 v48, v48;
	v1 =	vor.u32 v56, v10;
	[tilespmem:v35+s25+$0x0] =	vst.idx.add.f32.msk $0xffff, v57  }
0x983: {  	v51 =	vmul.f32 v2, v50;
	v35 =	vld [tilespmem:s30+$0x1B0]  }
0x984: {  	v16 =	vadd.f32 v26, v16;
	v27 =	vor.u32 v54, v10;
	v28 =	vor.u32 v55, v10  }
0x985: {  	v34 =	vld [tilespmem:s30+$0x1C0];
	v47 =	vmul.f32 v0, v47;
	v52 =	vperm.xlane v3, v60;
	v9 =	vsub.f32 $1.500000000e+00, v51  }
0x986: {  	v33 =	vld [tilespmem:s30+$0x1D0];
	v12 =	vor.u32 v53, v10;
	v4 =	vmul.f32 v0, v46;
	v26 =	vmul.f32 v41, v41  }
0x987: {  	[tilespmem:v1+s25+$0x0] =	vst.idx.add.f32.msk $0xffff, v47;
	v3 =	vadd.f32 v3, v52;
	v2 =	vmul.f32 v2, v9  }
0x988: {  	v32 =	vld [tilespmem:s30+$0x1E0];
	v1 =	vmul.f32 v0, v49;
	v16 =	vadd.f32 v16, v26;
	v26 =	vmul.f32 v35, v35  }
0x989: {  	v29 =	vor.u32 v13, v10;
	v57 =	vperm.xlane v3, v61;
	v8 =	vmul.f32 v2, v58  }
0x98a: {  	v31 =	vld [tilespmem:s30+$0x1F0];
	v58 =	vmul.f32 v0, v25;
	v25 =	vmul.f32 v34, v34;
	v16 =	vadd.f32 v16, v26  }
0x98b: {  	v56 =	vmul.f32 v0, v44;
	v24 =	vmul.f32 v0, v24;
	[tilespmem:v12+s25+$0x0] =	vst.idx.add.f32.msk $0xffff, v1  }
0x98c: {  	v3 =	vadd.f32 v3, v57;
	v16 =	vadd.f32 v16, v25;
	v25 =	vmul.f32 v33, v33  }
0x98d: {  	v50 =	vimm.s32 $0x9;
	v12 =	vmul.f32 v32, v32;
	[tilespmem:v27+s25+$0x0] =	vst.idx.add.f32.msk $0xffff, v4;
	v8 =	vmul.f32 v8, v2  }
0x98e: {  	v26 =	vor.u32 v14, v10;
	v49 =	vperm.xlane v3, v62;
	v52 =	vadd.f32 v16, v25  }
0x98f: {  	v46 =	vperm.xlane v30, v50;
	v51 =	vor.u32 v15, v10;
	v57 =	vld [tilespmem:$0x1FFC0];
	v8 =	vsub.f32 $1.500000000e+00, v8  }
0x990: {  	v3 =	vadd.f32 v3, v49;
	v10 =	vadd.f32 v52, v12;
	v12 =	vmul.f32 v31, v31  }
0x991: {  	v4 =	vshll.u32 v46, $0x7;
	[tilespmem:v28+s25+$0x0] =	vst.idx.add.f32.msk $0xffff, v56;
	v28 =	vlaneseq.u32;
	v2 =	vmul.f32 v8, v2  }
0x992: {  	[tilespmem:v29+s25+$0x0] =	vst.idx.add.f32.msk $0xffff, v24;
	v16 =	vmul.f32 $5.000000000e-01, v3;
	v3 =	vshrl.u32 v3, $0x1;
	v10 =	vadd.f32 v10, v12  }
0x993: {  	v56 =	vor.u32 v28, v4;
	[tilespmem:v26+s25+$0x0] =	vst.idx.add.f32.msk $0xffff, v58;
	v3 =	vsub.s32 $0x5F3759DF, v3;
	v58 =	vmul.f32 v2, v22  }
0x994: {  	v8 =	vor.u32 v57, v4;
	v24 =	vmul.f32 v3, v16;
	v22 =	vperm.xlane v10, v63  }
0x995: {  	v0 =	vmul.f32 v0, v42;
	v25 =	vor.u32 v53, v4  }
0x996: {  	v9 =	vld [tilespmem:$0x1FFC0];
	v44 =	vor.u32 v54, v4;
	v12 =	vmul.f32 v3, v24;
	v1 =	vadd.f32 v10, v22  }
0x997: {  	v46 =	vor.u32 v55, v4;
	[tilespmem:v51+s25+$0x0] =	vst.idx.add.f32.msk $0xffff, v0;
	v20 =	vmul.f32 v2, v20  }
0x998: {  	v42 =	vmul.f32 v2, v21;
	[tilespmem:v56+s25+$0x0] =	vst.idx.add.f32.msk $0xffff, v58;
	v12 =	vsub.f32 $1.500000000e+00, v12;
	v49 =	vperm.xlane v1, v60  }
0x999: {  	v47 =	vor.u32 v13, v4;
	v6 =	vmul.f32 v2, v6;
	[tilespmem:v8+s25+$0x0] =	vst.idx.add.f32.msk $0xffff, v20  }
0x99a: {  	[tilespmem:v25+s25+$0x0] =	vst.idx.add.f32.msk $0xffff, v42;
	v3 =	vmul.f32 v3, v12;
	v1 =	vadd.f32 v1, v49  }
0x99b: {  	v50 =	vor.u32 v14, v4;
	v7 =	vmul.f32 v2, v7;
	v42 =	vld [tilespmem:s30+$0x210]  }
0x99c: {  	[tilespmem:v44+s25+$0x0] =	vst.idx.add.f32.msk $0xffff, v6;
	v12 =	vmul.f32 v3, v16;
	v58 =	vperm.xlane v1, v61  }
0x99d: {  	v4 =	vor.u32 v15, v4;
	v51 =	vmul.f32 v2, v18;
	v44 =	vld [tilespmem:s30+$0x220]  }
0x99e: {  	v56 =	vimm.s32 $0xA;
	[tilespmem:v46+s25+$0x0] =	vst.idx.add.f32.msk $0xffff, v7;
	v52 =	vmul.f32 v12, v3;
	v1 =	vadd.f32 v1, v58  }
0x99f: {  	v57 =	vmul.f32 v2, v17;
	v7 =	vperm.xlane v30, v56;
	[tilespmem:v47+s25+$0x0] =	vst.idx.add.f32.msk $0xffff, v51  }
0x9a0: {  	v47 =	vld [tilespmem:s30+$0x200];
	v0 =	vsub.f32 $1.500000000e+00, v52;
	v10 =	vperm.xlane v1, v62  }
0x9a1: {  	v2 =	vmul.f32 v2, v5;
	v6 =	vshll.u32 v7, $0x7;
	[tilespmem:v50+s25+$0x0] =	vst.idx.add.f32.msk $0xffff, v57  }
0x9a2: {  	v46 =	vld [tilespmem:s30+$0x240];
	v7 =	vor.u32 v28, v6;
	v0 =	vmul.f32 v0, v3;
	v1 =	vadd.f32 v1, v10  }
0x9a3: {  	[tilespmem:v4+s25+$0x0] =	vst.idx.add.f32.msk $0xffff, v2;
	v20 =	vmul.f32 v42, v42;
	v3 =	vor.u32 v9, v6  }
0x9a4: {  	v18 =	vmul.f32 v0, v43;
	v43 =	vld [tilespmem:s30+$0x230];
	v4 =	vmul.f32 $5.000000000e-01, v1;
	v1 =	vshrl.u32 v1, $0x1  }
0x9a5: {  	v50 =	vld [tilespmem:s30+$0x250];
	v11 =	vmul.f32 v0, v19;
	v19 =	vmul.f32 v47, v47;
	v1 =	vsub.s32 $0x5F3759DF, v1  }
0x9a6: {  	v21 =	vor.u32 v53, v6;
	v54 =	vor.u32 v54, v6;
	v22 =	vmul.f32 v1, v4  }
0x9a7: {  	v51 =	vld [tilespmem:s30+$0x280];
	v57 =	vor.u32 v55, v6;
	v52 =	vmul.f32 v44, v44;
	v2 =	vadd.f32 v20, v19  }
0x9a8: {  	v53 =	vmul.f32 v0, v36;
	[tilespmem:v7+s25+$0x0] =	vst.idx.add.f32.msk $0xffff, v11;
	v7 =	vmul.f32 v1, v22  }
0x9a9: {  	v36 =	vld [tilespmem:s30+$0x260];
	v11 =	vmul.f32 v46, v46;
	v2 =	vadd.f32 v2, v52;
	v56 =	vmul.f32 v43, v43  }
0x9aa: {  	v19 =	vmul.f32 v50, v50;
	v20 =	vmul.f32 v0, v45;
	[tilespmem:v3+s25+$0x0] =	vst.idx.add.f32.msk $0xffff, v18;
	v58 =	vsub.f32 $1.500000000e+00, v7  }
0x9ab: {  	v45 =	vor.u32 v14, v6;
	v18 =	vmul.f32 v0, v37;
	v37 =	vld [tilespmem:s30+$0x270];
	v2 =	vadd.f32 v2, v56  }
0x9ac: {  	[tilespmem:v21+s25+$0x0] =	vst.idx.add.f32.msk $0xffff, v53;
	v21 =	vor.u32 v13, v6;
	v1 =	vmul.f32 v1, v58  }
0x9ad: {  	v6 =	vor.u32 v15, v6;
	[tilespmem:v54+s25+$0x0] =	vst.idx.add.f32.msk $0xffff, v18;
	v2 =	vadd.f32 v2, v11  }
0x9ae: {  	v18 =	vmul.f32 v0, v38;
	[tilespmem:v57+s25+$0x0] =	vst.idx.add.f32.msk $0xffff, v20;
	v4 =	vmul.f32 v1, v4  }
0x9af: {  	v38 =	vld [tilespmem:$0x1FFC0];
	v57 =	vmul.f32 v0, v40;
	v22 =	vmul.f32 v36, v36;
	v2 =	vadd.f32 v2, v19  }
0x9b0: {  	v40 =	vld [tilespmem:s30+$0x290];
	v4 =	vmul.f32 v4, v1  }
0x9b1: {  	v56 =	vmul.f32 v37, v37;
	[tilespmem:v21+s25+$0x0] =	vst.idx.add.f32.msk $0xffff, v57;
	v2 =	vadd.f32 v2, v22  }
0x9b2: {  	v0 =	vmul.f32 v0, v39;
	[tilespmem:v45+s25+$0x0] =	vst.idx.add.f32.msk $0xffff, v18;
	v58 =	vimm.s32 $0xB;
	v4 =	vsub.f32 $1.500000000e+00, v4  }
0x9b3: {  	v9 =	vperm.xlane v30, v58;
	v2 =	vadd.f32 v2, v56;
	v56 =	vld [tilespmem:s30+$0x2A0]  }
0x9b4: {  	[tilespmem:v6+s25+$0x0] =	vst.idx.add.f32.msk $0xffff, v0;
	v1 =	vmul.f32 v4, v1  }
0x9b5: {  	v58 =	vld [tilespmem:s30+$0x2B0];
	v22 =	vmul.f32 v51, v51;
	v8 =	vshll.u32 v9, $0x7;
	v20 =	vperm.xlane v2, v63  }
0x9b6: {  	v49 =	vld [tilespmem:s30+$0x2E0];
	v19 =	vor.u32 v28, v8;
	v21 =	vmul.f32 v1, v23;
	v23 =	vmul.f32 v40, v40  }
0x9b7: {  	v6 =	vor.u32 v38, v8;
	v38 =	vld [tilespmem:s30+$0x2C0];
	v2 =	vadd.f32 v2, v20  }
0x9b8: {  	v53 =	vld [tilespmem:s30+$0x2D0];
	v39 =	vmul.f32 v56, v56;
	v0 =	vadd.f32 v23, v22  }
0x9b9: {  	v57 =	vld [tilespmem:$0x1FFD0];
	v7 =	vperm.xlane v2, v60  }
0x9ba: {  	v52 =	vmul.f32 v58, v58;
	v45 =	vmul.f32 v1, v48;
	v48 =	vld [tilespmem:s30+$0x310];
	v0 =	vadd.f32 v0, v39  }
0x9bb: {  	[tilespmem:v19+s25+$0x0] =	vst.idx.add.f32.msk $0xffff, v21;
	v2 =	vadd.f32 v2, v7  }
0x9bc: {  	v55 =	vmul.f32 v38, v38;
	[tilespmem:v6+s25+$0x0] =	vst.idx.add.f32.msk $0xffff, v45;
	v0 =	vadd.f32 v0, v52  }
0x9bd: {  	v45 =	vld [tilespmem:s30+$0x2F0];
	v54 =	vperm.xlane v2, v61  }
0x9be: {  	v9 =	vmul.f32 v53, v53;
	v39 =	vld [tilespmem:s30+$0x320];
	v0 =	vadd.f32 v0, v55  }
0x9bf: {  	v2 =	vadd.f32 v2, v54;
	v52 =	vld [tilespmem:s30+$0x300]  }
0x9c0: {  	v11 =	vmul.f32 v49, v49;
	v4 =	vor.u32 v57, v8;
	v0 =	vadd.f32 v0, v9  }
0x9c1: {  	v25 =	vimm.s32 $0xC;
	v12 =	vld [tilespmem:$0x1FFF0];
	v5 =	vperm.xlane v2, v62  }
0x9c2: {  	v57 =	vld [tilespmem:s30+$0x340];
	v10 =	vmul.f32 v1, v41;
	v18 =	vmul.f32 v45, v45;
	v0 =	vadd.f32 v0, v11  }
0x9c3: {  	v41 =	vld [tilespmem:s30+$0x330];
	v16 =	vmul.f32 v1, v33;
	v21 =	vmul.f32 v48, v48;
	v2 =	vadd.f32 v2, v5  }
0x9c4: {  	v33 =	vld [tilespmem:s30+$0x3A0];
	v23 =	vmul.f32 v39, v39;
	v20 =	vmul.f32 v52, v52;
	v0 =	vadd.f32 v0, v18  }
0x9c5: {  	[tilespmem:v4+s25+$0x0] =	vst.idx.add.f32.msk $0xffff, v10;
	v9 =	vmul.f32 v1, v35;
	v19 =	vshrl.u32 v2, $0x1;
	v2 =	vmul.f32 $5.000000000e-01, v2  }
0x9c6: {  	v35 =	vld [tilespmem:s30+$0x350];
	v4 =	vsub.s32 $0x5F3759DF, v19;
	v3 =	vadd.f32 v21, v20;
	v22 =	vperm.xlane v0, v63  }
0x9c7: {  	v25 =	vperm.xlane v30, v25;
	v54 =	vld [tilespmem:s30+$0x360];
	v18 =	vmul.f32 v4, v2  }
0x9c8: {  	v19 =	vmul.f32 v41, v41;
	v20 =	vld [tilespmem:$0x1FFE0];
	v3 =	vadd.f32 v3, v23;
	v0 =	vadd.f32 v0, v22  }
0x9c9: {  	v55 =	vld [tilespmem:s30+$0x390];
	v11 =	vmul.f32 v1, v34;
	v21 =	vmul.f32 v4, v18  }
0x9ca: {  	v34 =	vld [tilespmem:s30+$0x380];
	v23 =	vmul.f32 v57, v57;
	v3 =	vadd.f32 v3, v19;
	v22 =	vperm.xlane v0, v60  }
0x9cb: {  	v12 =	vor.u32 v12, v8;
	v6 =	vld [tilespmem:s30+$0x370];
	v5 =	vmul.f32 v35, v35;
	v17 =	vsub.f32 $1.500000000e+00, v21  }
0x9cc: {  	v19 =	vmul.f32 v33, v33;
	v3 =	vadd.f32 v3, v23;
	v0 =	vadd.f32 v0, v22  }
0x9cd: {  	v10 =	vor.u32 v20, v8;
	v21 =	vmul.f32 v1, v32;
	v4 =	vmul.f32 v4, v17  }
0x9ce: {  	v17 =	vmul.f32 v54, v54;
	v3 =	vadd.f32 v3, v5;
	v5 =	vld [tilespmem:s30+$0x3B0];
	v7 =	vperm.xlane v0, v61  }
0x9cf: {  	v20 =	vor.u32 v13, v8;
	v32 =	vmul.f32 v34, v34;
	v23 =	vmul.f32 v55, v55  }
0x9d0: {  	v3 =	vadd.f32 v3, v17;
	v17 =	vmul.f32 v6, v6;
	v0 =	vadd.f32 v0, v7;
	v7 =	vld [tilespmem:s30+$0x3C0]  }
0x9d1: {  	v1 =	vmul.f32 v1, v31;
	v18 =	vadd.f32 v23, v32;
	v22 =	vor.u32 v14, v8  }
0x9d2: {  	v2 =	vmul.f32 v4, v2;
	v3 =	vadd.f32 v3, v17;
	v17 =	vld [tilespmem:s30+$0x3D0];
	v32 =	vperm.xlane v0, v62  }
0x9d3: {  	v8 =	vor.u32 v15, v8;
	v19 =	vadd.f32 v18, v19;
	v18 =	vld [tilespmem:s30+$0x3E0];
	v24 =	vmul.f32 v5, v5  }
0x9d4: {  	[tilespmem:v10+s25+$0x0] =	vst.idx.add.f32.msk $0xffff, v9;
	v0 =	vadd.f32 v0, v32;
	v32 =	vperm.xlane v3, v63  }
0x9d5: {  	[tilespmem:v12+s25+$0x0] =	vst.idx.add.f32.msk $0xffff, v11;
	v24 =	vadd.f32 v19, v24;
	v26 =	vmul.f32 v7, v7  }
0x9d6: {  	v2 =	vmul.f32 v2, v4;
	v19 =	vld [tilespmem:s30+$0x3F0];
	v3 =	vadd.f32 v3, v32;
	v9 =	vshrl.u32 v0, $0x1  }
0x9d7: {  	[tilespmem:v20+s25+$0x0] =	vst.idx.add.f32.msk $0xffff, v16;
	v32 =	vmul.f32 v17, v17;
	v0 =	vmul.f32 $5.000000000e-01, v0;
	v10 =	vadd.f32 v24, v26  }
0x9d8: {  	v2 =	vsub.f32 $1.500000000e+00, v2;
	[tilespmem:v22+s25+$0x0] =	vst.idx.add.f32.msk $0xffff, v21;
	v9 =	vsub.s32 $0x5F3759DF, v9;
	v12 =	vperm.xlane v3, v60  }
0x9d9: {  	v20 =	vmul.f32 v9, v0;
	v10 =	vadd.f32 v10, v32;
	v32 =	vmul.f32 v18, v18  }
0x9da: {  	v25 =	vshll.u32 v25, $0x7;
	v2 =	vmul.f32 v2, v4;
	[tilespmem:v8+s25+$0x0] =	vst.idx.add.f32.msk $0xffff, v1;
	v3 =	vadd.f32 v3, v12  }
0x9db: {  	v12 =	vmul.f32 v19, v19;
	v4 =	vmul.f32 v9, v20;
	v10 =	vadd.f32 v10, v32  }
0x9dc: {  	v11 =	vor.u32 v28, v25;
	v32 =	vld [tilespmem:$0x1FFC0];
	v23 =	vperm.xlane v3, v61  }
0x9dd: {  	v4 =	vsub.f32 $1.500000000e+00, v4;
	v8 =	vadd.f32 v10, v12;
	v12 =	vmul.f32 v2, v44;
	v44 =	vld [tilespmem:$0x1FFD0]  }
0x9de: {  	v1 =	vadd.f32 v3, v23;
	v23 =	vld [tilespmem:$0x1FFE0]  }
0x9df: {  	v16 =	vmul.f32 v2, v47;
	v4 =	vmul.f32 v9, v4  }
0x9e0: {  	v47 =	vmul.f32 v2, v43;
	v43 =	vld [tilespmem:$0x1FFF0]  }
0x9e1: {  	[tilespmem:v11+s25+$0x0] =	vst.idx.add.f32.msk $0xffff, v16;
	v11 =	vor.u32 v32, v25;
	v0 =	vmul.f32 v4, v0  }
0x9e2: {  	v20 =	vor.u32 v44, v25  }
0x9e3: {  	v0 =	vmul.f32 v0, v4;
	v9 =	vor.u32 v23, v25  }
0x9e4: {  	v26 =	vor.u32 v13, v25;
	v10 =	vmul.f32 v2, v42;
	v42 =	vperm.xlane v8, v63  }
0x9e5: {  	v16 =	vld [tilespmem:s0+$0x0];
	v32 =	vperm.xlane v1, v62;
	v23 =	vor.u32 v43, v25;
	v0 =	vsub.f32 $1.500000000e+00, v0  }
0x9e6: {  	v3 =	vadd.f32 v8, v42;
	v42 =	vmul.f32 v2, v46;
	[tilespmem:v11+s25+$0x0] =	vst.idx.add.f32.msk $0xffff, v10  }
0x9e7: {  	v46 =	vor.u32 v14, v25;
	v0 =	vmul.f32 v0, v4;
	[tilespmem:v20+s25+$0x0] =	vst.idx.add.f32.msk $0xffff, v12  }
0x9e8: {  	v1 =	vadd.f32 v1, v32;
	v44 =	vperm.xlane v3, v60;
	[tilespmem:v9+s25+$0x0] =	vst.idx.add.f32.msk $0xffff, v47  }
0x9e9: {  	v24 =	vmul.f32 v2, v50;
	v43 =	vmul.f32 v0, v51;
	v51 =	vld [tilespmem:$0x1FFC0]  }
0x9ea: {  	v3 =	vadd.f32 v3, v44;
	v10 =	vmul.f32 $5.000000000e-01, v1;
	v1 =	vshrl.u32 v1, $0x1;
	[tilespmem:v23+s25+$0x0] =	vst.idx.add.f32.msk $0xffff, v42  }
0x9eb: {  	v47 =	vor.u32 v15, v25;
	v42 =	vmul.f32 v2, v36;
	v2 =	vmul.f32 v2, v37;
	v37 =	vld [tilespmem:$0x1FFE0]  }
0x9ec: {  	v27 =	vimm.s32 $0xD;
	v1 =	vsub.s32 $0x5F3759DF, v1;
	v32 =	vperm.xlane v3, v61;
	[tilespmem:v26+s25+$0x0] =	vst.idx.add.f32.msk $0xffff, v24  }
0x9ed: {  	v27 =	vperm.xlane v16, v27;
	v50 =	vmul.f32 v1, v10;
	[tilespmem:v46+s25+$0x0] =	vst.idx.add.f32.msk $0xffff, v42  }
0x9ee: {  	v3 =	vadd.f32 v3, v32;
	v46 =	vld [tilespmem:$0x1FFD0]  }
0x9ef: {  	v12 =	vshll.u32 v27, $0x7;
	v20 =	vmul.f32 v1, v50;
	v50 =	vmul.f32 v0, v40;
	v40 =	vld [tilespmem:$0x1FFF0]  }
0x9f0: {  	v4 =	vor.u32 v28, v12;
	[tilespmem:v47+s25+$0x0] =	vst.idx.add.f32.msk $0xffff, v2;
	v47 =	vperm.xlane v3, v62  }
0x9f1: {  	v20 =	vsub.f32 $1.500000000e+00, v20  }
0x9f2: {  	v44 =	vor.u32 v51, v12;
	v3 =	vadd.f32 v3, v47  }
0x9f3: {  	v32 =	vmul.f32 v0, v56;
	v1 =	vmul.f32 v1, v20;
	v2 =	vor.u32 v46, v12  }
0x9f4: {  	v20 =	vor.u32 v37, v12;
	v11 =	vmul.f32 $5.000000000e-01, v3;
	v3 =	vshrl.u32 v3, $0x1  }
0x9f5: {  	v36 =	vmul.f32 v0, v58;
	[tilespmem:v4+s25+$0x0] =	vst.idx.add.f32.msk $0xffff, v43;
	v4 =	vor.u32 v40, v12;
	v3 =	vsub.s32 $0x5F3759DF, v3  }
0x9f6: {  	v24 =	vmul.f32 v0, v53;
	v53 =	vld [tilespmem:$0x1FFD0];
	v42 =	vor.u32 v13, v12;
	v47 =	vmul.f32 v3, v11  }
0x9f7: {  	v10 =	vmul.f32 v1, v10;
	[tilespmem:v44+s25+$0x0] =	vst.idx.add.f32.msk $0xffff, v50;
	v44 =	vor.u32 v14, v12  }
0x9f8: {  	v50 =	vmul.f32 v0, v38;
	[tilespmem:v2+s25+$0x0] =	vst.idx.add.f32.msk $0xffff, v32;
	v32 =	vmul.f32 v3, v47  }
0x9f9: {  	v30 =	vimm.s32 $0xE;
	v43 =	vmul.f32 v10, v1;
	[tilespmem:v20+s25+$0x0] =	vst.idx.add.f32.msk $0xffff, v36  }
0x9fa: {  	v46 =	vperm.xlane v16, v30;
	v36 =	vmul.f32 v0, v49;
	[tilespmem:v4+s25+$0x0] =	vst.idx.add.f32.msk $0xffff, v50;
	v38 =	vsub.f32 $1.500000000e+00, v32  }
0x9fb: {  	v8 =	vsub.f32 $1.500000000e+00, v43;
	[tilespmem:v42+s25+$0x0] =	vst.idx.add.f32.msk $0xffff, v24  }
0x9fc: {  	v9 =	vshll.u32 v46, $0x7;
	[tilespmem:v44+s25+$0x0] =	vst.idx.add.f32.msk $0xffff, v36;
	v3 =	vmul.f32 v3, v38  }
0x9fd: {  	v21 =	vor.u32 v28, v9;
	v1 =	vmul.f32 v8, v1;
	v44 =	vld [tilespmem:$0x1FFE0]  }
0x9fe: {  	v12 =	vor.u32 v15, v12;
	v46 =	vld [tilespmem:$0x1FFF0];
	v11 =	vmul.f32 v3, v11  }
0x9ff: {  	v37 =	vor.u32 v51, v9;
	v0 =	vmul.f32 v0, v45;
	v40 =	vmul.f32 v1, v52  }
0xa00: {  	v43 =	vmul.f32 v1, v48;
	v42 =	vor.u32 v53, v9;
	v11 =	vmul.f32 v11, v3  }
0xa01: {  	v45 =	vimm.s32 $0xF;
	v23 =	vmul.f32 v1, v35;
	v35 =	vmul.f32 v1, v54;
	v54 =	vld [tilespmem:$0x1FFE0]  }
0xa02: {  	v16 =	vperm.xlane v16, v45;
	[tilespmem:v21+s25+$0x0] =	vst.idx.add.f32.msk $0xffff, v40;
	v10 =	vor.u32 v44, v9;
	v21 =	vsub.f32 $1.500000000e+00, v11  }
0xa03: {  	v4 =	vor.u32 v46, v9;
	v47 =	vmul.f32 v1, v39;
	[tilespmem:v12+s25+$0x0] =	vst.idx.add.f32.msk $0xffff, v0  }
0xa04: {  	v22 =	vshll.u32 v16, $0x7;
	[tilespmem:v37+s25+$0x0] =	vst.idx.add.f32.msk $0xffff, v43;
	v12 =	vor.u32 v13, v9;
	v3 =	vmul.f32 v21, v3  }
0xa05: {  	v48 =	vmul.f32 v1, v41;
	v32 =	vor.u32 v28, v22;
	[tilespmem:v42+s25+$0x0] =	vst.idx.add.f32.msk $0xffff, v47  }
0xa06: {  	v49 =	vmul.f32 v1, v57;
	v50 =	vor.u32 v14, v9;
	v41 =	vmul.f32 v3, v55;
	v55 =	vld [tilespmem:$0x1FFF0]  }
0xa07: {  	v36 =	vor.u32 v51, v22;
	[tilespmem:v10+s25+$0x0] =	vst.idx.add.f32.msk $0xffff, v48  }
0xa08: {  	v20 =	vor.u32 v15, v9;
	v39 =	vmul.f32 v3, v34;
	[tilespmem:v4+s25+$0x0] =	vst.idx.add.f32.msk $0xffff, v49  }
0xa09: {  	v38 =	vor.u32 v53, v22;
	[tilespmem:v12+s25+$0x0] =	vst.idx.add.f32.msk $0xffff, v23  }
0xa0a: {  	v40 =	vor.u32 v54, v22;
	[tilespmem:v32+s25+$0x0] =	vst.idx.add.f32.msk $0xffff, v39  }
0xa0b: {  	v37 =	vmul.f32 v1, v6;
	[tilespmem:v50+s25+$0x0] =	vst.idx.add.f32.msk $0xffff, v35;
	v42 =	vor.u32 v55, v22  }
0xa0c: {  	v44 =	vor.u32 v13, v22;
	v43 =	vmul.f32 v3, v33;
	[tilespmem:v36+s25+$0x0] =	vst.idx.add.f32.msk $0xffff, v41  }
0xa0d: {  	s1 =	sadd.s32 $0x10, s1;
	v46 =	vor.u32 v14, v22;
	v45 =	vmul.f32 v3, v5;
	[tilespmem:v20+s25+$0x0] =	vst.idx.add.f32.msk $0xffff, v37  }
0xa0e: {  	p1 =	slt.u32 s1, $0x70;
	v47 =	vmul.f32 v3, v7;
	v48 =	vor.u32 v15, v22;
	[tilespmem:v38+s25+$0x0] =	vst.idx.add.f32.msk $0xffff, v43  }
.Ltmp11:
0xa0f: {  	v49 =	vmul.f32 v3, v17;
	[tilespmem:v40+s25+$0x0] =	vst.idx.add.f32.msk $0xffff, v45;
	(pc) =	sbr.rel @p1 .LBB2_25-.Ltmp11, $4  }
0xa10: {  	v50 =	vmul.f32 v3, v18;
	[tilespmem:v42+s25+$0x0] =	vst.idx.add.f32.msk $0xffff, v47  }
0xa11: {  	v52 =	vmul.f32 v3, v19;
	[tilespmem:v44+s25+$0x0] =	vst.idx.add.f32.msk $0xffff, v49  }
0xa12: {  	v29 =	vimm.s32 $0x1;
	v27 =	vimm.s32 $0x0;
	[tilespmem:v46+s25+$0x0] =	vst.idx.add.f32.msk $0xffff, v50  }
0xa13: {  	s30 =	sadd.s32 $0x800, s30;
	s0 =	sadd.s32 $0x10, s0;
	v56 =	vimm.s32 $0x2;
	v58 =	vimm.s32 $0x7;
	v57 =	vimm.s32 $0x3;
	[tilespmem:v48+s25+$0x0] =	vst.idx.add.f32.msk $0xffff, v52  }
.Ltmp12:
0xa14: {  	(pc) =	sbr.rel @p0 .LBB2_22-.Ltmp12, $2  }
0xa15: {  	_ =	sdelay $0x2  }
0xa16: {  	s0 =	simm.s32 $0x400;
	p1 =	por $0x0, $0x0;
	s1 =	smov.u32 s18  }
0xa17: {  	s29 =	sadd.s32 $0x1, s29  }
0xa18: {  	p0 =	sne.s32 s29, s20  }
.Ltmp13:
0xa19: {  	_ = 	snop;
	(pc) =	sbr.rel @p0 .LBB2_1-.Ltmp13, $4  }
0xa1a: {  	[hbm4b:s19+s2] =	stream.linear.scatter [tilespmem:s25], [sflag:$0x3], $0x10000, $0x38;
	[tilespmem:$0x18400] =	vst v63  }
0xa1b: {  	_ =	swait.ge [sflag:s21], $0x10000  }
0xa1c: {  	[sflag:s21] =	ssyncset.done $0x0  }
0xa1d: {  	[sflag:s21] =	ssyncadd.s32 $0xFFFF0000  }
0xa1e: {  	_ =	sfence.sel $0x180000  }
0xa1f: {  	[bflag:$0x0] =	sbarrier.arrive $0xFFFF  }
0xa20: {  	_ =	strace $0x90000047  }
0xa21: {  	s0 =	stileid.u32;
	[bflag:$0x2] =	sbarrier.arrive $0xFFFF  }
0xa22: {  	p0 =	sne.s32 s0, $0x0;
	s0 =	rddreg [dreg:$0x5]  }
0xa23: {  	s0 =	sadd.s32 @!p0 $0x100000, s0  }
0xa24: {  	[sflag:s0] =	ssyncadd.tile.s32 @!p0 $0x1;
	_ =	shalt  }
.Lfunc_end2:
_tile_overlayer_lowered:
.L_overlay_start_2:
0xa25: {  	(tag) =	ssettag $0x2  }
0xa26: {  	s0 =	rddreg [dreg:$0x0];
	s2 =	stileid.u32  }
0xa27: {  	s1 =	rddreg [dreg:$0x1];
	p0 =	sne.s32 s2, $0x0  }
0xa28: {  	s3 =	rddreg [dreg:$0x2];
	[bflag:$0x3] =	sbarrier.arrive $0xFFFF;
	s2 =	simm.s32 @!p0 $0x1C03  }
0xa29: {  	[timem:s3], [sflag:s2] =	dma.local @!p0 [hbm:s0], s1  }
0xa2a: {  	s0 =	simm.s32 @!p0 $0x3  }
0xa2b: {  	_ =	swait.ge @!p0 [sflag:s0], s1  }
0xa2c: {  	s1 =	ssub.s32 @!p0 $0x0, s1;
	[sflag:s0] =	ssyncset.done @!p0 $0x0  }
0xa2d: {  	[sflag:s0] =	ssyncadd.s32 @!p0 s1  }
0xa2e: {  	[bflag:$0x3] =	sbarrier.arrive $0xFFFF  }
0xa2f: {  	_ =	shalt  }

</sc_bundles>
